<compile_context>
chip_gen: v7x
topology: tpu7x:2x2x1
jax: 0.10.2.dev20260603
libtpu: 0.0.44.dev20260713+nightly
codegen_flags: <defaults>
</compile_context>

<pallas_src>
import functools

import jax
import jax.numpy as jnp
from jax import lax
from jax.experimental import pallas as pl
from jax.experimental.pallas import tpu as pltpu
from jax.experimental.pallas import tpu_sc as plsc

N = 10000
E = 320000
H = 128
C = 10
G = 64

NC, NS, L = 2, 16, 16
NW = NC * NS
K = 128
NCH = 80
EPT = NCH * K
EPAD = NW * EPT
NPAD = NS * 632
ZR = NPAD // NS
DW = 16

_mesh = plsc.VectorSubcoreMesh(
    core_axis_name="c", subcore_axis_name="s", num_cores=NC, num_subcores=NS)



KM = 64
NB = 4
NCHM = EPT // KM
NCHM2 = NCHM // 2


@functools.partial(
    pl.kernel,
    out_type=jax.ShapeDtypeStruct((NC * NPAD, H), jnp.float32),
    mesh=_mesh,
    scratch_types=[
        pltpu.VMEM((EPT // 2,), jnp.int32),
        pltpu.VMEM((NCHM2, KM), jnp.int32),
        pltpu.VMEM((KM, H), jnp.float32),
        pltpu.VMEM((KM, H), jnp.float32),
        pltpu.VMEM((KM, H), jnp.float32),
        pltpu.VMEM((KM, H), jnp.float32),
        pltpu.VMEM_SHARED((NPAD, H), jnp.float32),
        pltpu.SemaphoreType.DMA,
        pltpu.SemaphoreType.DMA,
        pltpu.SemaphoreType.DMA,
        pltpu.SemaphoreType.DMA,
    ],
)
def _msg_kernel(h_hbm, src_hbm, dst_hbm, out_hbm, sidx_v, didx_v, rows0,
                rows1, rows2, rows3, acc_sh, sem0, sem1, sem2, sem3):
    c = lax.axis_index("c")
    s = lax.axis_index("s")
    w = c * NS + s
    rows = [rows0, rows1, rows2, rows3]
    sems = [sem0, sem1, sem2, sem3]

    def _fill_zero(i, carry):
        for u in range(H // L):
            rows0[i, pl.ds(u * L, L)] = jnp.zeros((L,), jnp.float32)
        return carry

    lax.fori_loop(0, KM, _fill_zero, 0)
    base = s * ZR
    off = 0
    while off < ZR:
        n = min(KM, ZR - off)
        pltpu.sync_copy(rows0.at[pl.ds(0, n)],
                        acc_sh.at[pl.ds(base + off, n)])
        off += n

    plsc.subcore_barrier()

    for half in range(2):
        pltpu.sync_copy(
            src_hbm.at[pl.ds(w * EPT + half * (EPT // 2), EPT // 2)], sidx_v)
        pltpu.sync_copy(dst_hbm.at[w, pl.ds(half * NCHM2, NCHM2)], didx_v)
        for b in range(NB - 1):
            pltpu.async_copy(
                h_hbm.at[sidx_v.at[pl.ds(b * KM, KM)]], rows[b], sems[b])

        def _ring(i, carry):
            j0 = NB * i
            for b in range(NB):
                j = j0 + b
                pltpu.make_async_copy(
                    h_hbm.at[sidx_v.at[pl.ds(j * KM, KM)]],
                    rows[b], sems[b]).wait()
                nxt = jnp.minimum(j + NB - 1, NCHM2 - 1) * KM
                bn = (b + NB - 1) % NB
                pltpu.async_copy(
                    h_hbm.at[sidx_v.at[pl.ds(nxt, KM)]], rows[bn], sems[bn])
                pltpu.sync_copy(rows[b], acc_sh.at[didx_v.at[j]], add=True)
            return carry

        lax.fori_loop(0, NCHM2 // NB, _ring, 0)
        for b in range(NB - 1):
            pltpu.make_async_copy(
                h_hbm.at[sidx_v.at[pl.ds(0, KM)]], rows[b], sems[b]).wait()
    plsc.subcore_barrier()
    pltpu.sync_copy(acc_sh.at[pl.ds(s * ZR, ZR)],
                    out_hbm.at[pl.ds(c * NPAD + s * ZR, ZR)])


@functools.partial(
    pl.kernel,
    out_type=jax.ShapeDtypeStruct((NC * NPAD, H), jnp.float32),
    mesh=_mesh,
    scratch_types=[
        pltpu.VMEM((NCH, K), jnp.int32),
        pltpu.VMEM((K, H), jnp.float32),
        pltpu.VMEM_SHARED((NPAD, H), jnp.float32),
        pltpu.SemaphoreType.DMA,
        pltpu.SemaphoreType.DMA,
    ],
)
def _deg_kernel(dst_hbm, out_hbm, didx_v, ones_v, acc_sh, sem0, sem1):
    c = lax.axis_index("c")
    s = lax.axis_index("s")
    w = c * NS + s

    def _fill(i, carry):
        for u in range(H // L):
            ones_v[i, pl.ds(u * L, L)] = jnp.zeros((L,), jnp.float32)
        return carry

    lax.fori_loop(0, K, _fill, 0)
    base = s * ZR
    off = 0
    while off < ZR:
        n = min(K, ZR - off)
        pltpu.sync_copy(ones_v.at[pl.ds(0, n)],
                        acc_sh.at[pl.ds(base + off, n)])
        off += n

    def _refill(i, carry):
        for u in range(H // L):
            ones_v[i, pl.ds(u * L, L)] = jnp.ones((L,), jnp.float32)
        return carry

    lax.fori_loop(0, K, _refill, 0)
    pltpu.sync_copy(dst_hbm.at[w], didx_v)
    plsc.subcore_barrier()

    def _chunk(i, carry):
        j0 = 2 * i
        pltpu.async_copy(ones_v, acc_sh.at[didx_v.at[j0]], sem0, add=True)
        pltpu.async_copy(ones_v, acc_sh.at[didx_v.at[j0 + 1]], sem1, add=True)
        pltpu.make_async_copy(
            ones_v, acc_sh.at[didx_v.at[j0]], sem0).wait()
        pltpu.make_async_copy(
            ones_v, acc_sh.at[didx_v.at[j0 + 1]], sem1).wait()
        return carry

    lax.fori_loop(0, NCH // 2, _chunk, 0)
    plsc.subcore_barrier()
    pltpu.sync_copy(acc_sh.at[pl.ds(s * ZR, ZR)],
                    out_hbm.at[pl.ds(c * NPAD + s * ZR, ZR)])



R = 2000
NBLK = N // R
_PREC = lax.Precision.HIGHEST


def _dinv_of(d0_ref, d1_ref):
    return lax.rsqrt(d0_ref[:, 0:1] + d1_ref[:, 0:1] + 1.0)


def _tc1_body(x_ref, w_ref, d0_ref, d1_ref, o_ref):
    dinv = _dinv_of(d0_ref, d1_ref)
    o_ref[...] = dinv * jnp.dot(x_ref[...], w_ref[...],
                                preferred_element_type=jnp.float32,
                                precision=_PREC)


def _tc1(x, w, d0, d1):
    return pl.pallas_call(
        _tc1_body,
        grid=(NBLK,),
        in_specs=[
            pl.BlockSpec((R, H), lambda i: (i, 0)),
            pl.BlockSpec((H, H), lambda i: (0, 0)),
            pl.BlockSpec((R, DW), lambda i: (i, 0)),
            pl.BlockSpec((R, DW), lambda i: (i, 0)),
        ],
        out_specs=pl.BlockSpec((R, H), lambda i: (i, 0)),
        out_shape=jax.ShapeDtypeStruct((N, H), jnp.float32),
    )(x, w, d0, d1)


def _tc_mid_body(a0_ref, a1_ref, hp_ref, b_ref, w_ref, d0_ref, d1_ref, o_ref):
    dinv = _dinv_of(d0_ref, d1_ref)
    xn = jnp.maximum(
        dinv * (a0_ref[...] + a1_ref[...] + hp_ref[...]) + b_ref[...], 0.0)
    o_ref[...] = dinv * jnp.dot(xn, w_ref[...],
                                preferred_element_type=jnp.float32,
                                precision=_PREC)


def _tc_mid(a0, a1, hp, b, w, d0, d1):
    return pl.pallas_call(
        _tc_mid_body,
        grid=(NBLK,),
        in_specs=[
            pl.BlockSpec((R, H), lambda i: (i, 0)),
            pl.BlockSpec((R, H), lambda i: (i, 0)),
            pl.BlockSpec((R, H), lambda i: (i, 0)),
            pl.BlockSpec((1, H), lambda i: (0, 0)),
            pl.BlockSpec((H, H), lambda i: (0, 0)),
            pl.BlockSpec((R, DW), lambda i: (i, 0)),
            pl.BlockSpec((R, DW), lambda i: (i, 0)),
        ],
        out_specs=pl.BlockSpec((R, H), lambda i: (i, 0)),
        out_shape=jax.ShapeDtypeStruct((N, H), jnp.float32),
    )(a0, a1, hp, b, w, d0, d1)


def _tc_fin_body(a0_ref, a1_ref, hp_ref, b_ref, d0_ref, d1_ref, bt_ref,
                 wc_ref, bc_ref, o_ref, pool_s, cnt_s):
    i = pl.program_id(0)
    dinv = _dinv_of(d0_ref, d1_ref)
    x3 = jnp.maximum(
        dinv * (a0_ref[...] + a1_ref[...] + hp_ref[...]) + b_ref[...], 0.0)
    gid = lax.broadcasted_iota(jnp.int32, (R, G), 1)
    m = (gid == bt_ref[...]).astype(jnp.float32)
    dn = (((0,), (0,)), ((), ()))
    pm = lax.dot_general(m, x3, dimension_numbers=dn,
                         preferred_element_type=jnp.float32, precision=_PREC)
    cm = lax.dot_general(m, jnp.ones((R, H), jnp.float32),
                         dimension_numbers=dn,
                         preferred_element_type=jnp.float32, precision=_PREC)

    @pl.when(i == 0)
    def _():
        pool_s[...] = pm
        cnt_s[...] = cm

    @pl.when(i > 0)
    def _():
        pool_s[...] += pm
        cnt_s[...] += cm

    @pl.when(i == NBLK - 1)
    def _():
        pooled = pool_s[...] / jnp.maximum(cnt_s[...], 1.0)
        logits = jnp.dot(pooled, wc_ref[...],
                         preferred_element_type=jnp.float32,
                         precision=_PREC) + bc_ref[...]
        mx = jnp.max(logits, axis=1, keepdims=True)
        ez = jnp.exp(logits - mx)
        o_ref[...] = logits - mx - jnp.log(jnp.sum(ez, axis=1, keepdims=True))


def _tc_fin(a0, a1, hp, b, d0, d1, bt, wc, bc):
    return pl.pallas_call(
        _tc_fin_body,
        grid=(NBLK,),
        in_specs=[
            pl.BlockSpec((R, H), lambda i: (i, 0)),
            pl.BlockSpec((R, H), lambda i: (i, 0)),
            pl.BlockSpec((R, H), lambda i: (i, 0)),
            pl.BlockSpec((1, H), lambda i: (0, 0)),
            pl.BlockSpec((R, DW), lambda i: (i, 0)),
            pl.BlockSpec((R, DW), lambda i: (i, 0)),
            pl.BlockSpec((R, 1), lambda i: (i, 0)),
            pl.BlockSpec((H, C), lambda i: (0, 0)),
            pl.BlockSpec((1, C), lambda i: (0, 0)),
        ],
        out_specs=pl.BlockSpec((G, C), lambda i: (0, 0)),
        out_shape=jax.ShapeDtypeStruct((G, C), jnp.float32),
        scratch_shapes=[
            pltpu.VMEM((G, H), jnp.float32),
            pltpu.VMEM((G, H), jnp.float32),
        ],
    )(a0, a1, hp, b, d0, d1, bt, wc, bc)



def _split(m):
    return m[:NPAD], m[NPAD:]


def kernel(x, edge_index, batch, W1, b1, W2, b2, W3, b3, Wc, bc):
    pad = EPAD - E
    cyc = jnp.arange(pad, dtype=jnp.int32) % (NPAD - N)
    srcp = jnp.concatenate([edge_index[0], cyc])
    dstp = jnp.concatenate([edge_index[1], N + cyc])
    dst_deg = dstp.reshape(NW, NCH, K)
    dst_msg = dstp.reshape(NW, NCHM, KM)

    mdeg = _deg_kernel(dst_deg)
    d0 = mdeg[:NPAD, :DW]
    d1 = mdeg[NPAD:, :DW]

    h1p = _tc1(x, W1, d0, d1)
    m1a, m1b = _split(_msg_kernel(h1p, srcp, dst_msg))
    h2p = _tc_mid(m1a, m1b, h1p, b1.reshape(1, H), W2, d0, d1)
    m2a, m2b = _split(_msg_kernel(h2p, srcp, dst_msg))
    h3p = _tc_mid(m2a, m2b, h2p, b2.reshape(1, H), W3, d0, d1)
    m3a, m3b = _split(_msg_kernel(h3p, srcp, dst_msg))
    return _tc_fin(m3a, m3b, h3p, b3.reshape(1, H), d0, d1,
                   batch.reshape(N, 1), Wc, bc.reshape(1, C))

# --- scband reference (transcript-rebuilt; emitter-appended) ---
"""Pipeline reference for scband-gcn-46626164965923 (READ-ONLY COPY).

The authoritative reference and input builder live on the scoring server;
editing this copy changes nothing except your own understanding.
"""

import jax, jax.numpy as jnp
import numpy as np

N = 10000
E = 320000
F_IN = 128
H = 128
C = 10
G = 64


def _glorot(key, fan_in, fan_out):
    scale = np.sqrt(6.0 / (fan_in + fan_out))
    return jax.random.uniform(key, (fan_in, fan_out), jnp.float32, -scale, scale)


def setup_inputs(seed: int = 0) -> dict:
    key = jax.random.key(seed)
    ks = jax.random.split(key, 12)
    x = jax.random.normal(ks[0], (N, F_IN), jnp.float32)
    edge_index = jax.random.randint(ks[1], (2, E), 0, N, dtype=jnp.int32)
    batch = jnp.sort(jax.random.randint(ks[2], (N,), 0, G, dtype=jnp.int32))
    W1 = _glorot(ks[3], F_IN, H)
    b1 = jnp.zeros((H,), jnp.float32)
    W2 = _glorot(ks[4], H, H)
    b2 = jnp.zeros((H,), jnp.float32)
    W3 = _glorot(ks[5], H, H)
    b3 = jnp.zeros((H,), jnp.float32)
    Wc = _glorot(ks[6], H, C)
    bc = jnp.zeros((C,), jnp.float32)
    return {"x": x, "edge_index": edge_index, "batch": batch,
            "W1": W1, "b1": b1, "W2": W2, "b2": b2, "W3": W3, "b3": b3,
            "Wc": Wc, "bc": bc}


def _gcn_conv(x, src, dst, norm, W, b, num_nodes):
    # GCNConv: x' = D^{-1/2} (A + I) D^{-1/2} X W + b
    h = x @ W
    msg = jnp.take(h, src, axis=0) * norm[:, None]
    out = jnp.zeros((num_nodes, W.shape[1]), jnp.float32).at[dst].add(msg)
    return out + b


def reference(x, edge_index, batch, W1, b1, W2, b2, W3, b3, Wc, bc):
    num_nodes = x.shape[0]
    loop = jnp.arange(num_nodes, dtype=edge_index.dtype)
    src = jnp.concatenate([edge_index[0], loop])
    dst = jnp.concatenate([edge_index[1], loop])
    deg = jnp.zeros((num_nodes,), jnp.float32).at[dst].add(1.0)
    dinv = jnp.where(deg > 0, jax.lax.rsqrt(jnp.maximum(deg, 1.0)), 0.0)
    norm = dinv[src] * dinv[dst]

    h = _gcn_conv(x, src, dst, norm, W1, b1, num_nodes)
    h = jax.nn.relu(h)  # dropout is identity in eval mode
    h = _gcn_conv(h, src, dst, norm, W2, b2, num_nodes)
    h = jax.nn.relu(h)
    h = _gcn_conv(h, src, dst, norm, W3, b3, num_nodes)
    h = jax.nn.relu(h)

    # global_mean_pool over batch assignment
    sums = jax.ops.segment_sum(h, batch, num_segments=G)
    cnts = jax.ops.segment_sum(jnp.ones((num_nodes,), jnp.float32), batch, num_segments=G)
    pooled = sums / jnp.maximum(cnts, 1.0)[:, None]

    logits = pooled @ Wc + bc
    return jax.nn.log_softmax(logits, axis=1)

if __name__ == "__main__":
    import jax
    _d = setup_inputs()
    print(jax.jit(kernel)(*tuple(_d.values())))

</pallas_src>

<mosaic_0001>
#map = affine_map<(d0, d1) -> (0, 0)>
#map1 = affine_map<(d0, d1) -> (0)>
#map2 = affine_map<(d0, d1) -> (0, 0, 0)>
module attributes {stable_mosaic.version = 14 : i64} {
  func.func @_msg_kernel(%arg0: i32, %arg1: i32, %arg2: memref<10000x128xf32, #tpu.memory_space<hbm>>, %arg3: memref<327680xi32, #tpu.memory_space<hbm>>, %arg4: memref<32x160x64xi32, #tpu.memory_space<hbm>>, %arg5: memref<20224x128xf32, #tpu.memory_space<hbm>>, %arg6: memref<5120xi32, #tpu.memory_space<vmem>>, %arg7: memref<80x64xi32, #tpu.memory_space<vmem>>, %arg8: memref<64x128xf32, #tpu.memory_space<vmem>>, %arg9: memref<64x128xf32, #tpu.memory_space<vmem>>, %arg10: memref<64x128xf32, #tpu.memory_space<vmem>>, %arg11: memref<64x128xf32, #tpu.memory_space<vmem>>, %arg12: memref<10112x128xf32, #tpu.memory_space<vmem_shared>>, %arg13: memref<!tpu.dma_semaphore, #tpu.memory_space<semaphore_mem>>, %arg14: memref<!tpu.dma_semaphore, #tpu.memory_space<semaphore_mem>>, %arg15: memref<!tpu.dma_semaphore, #tpu.memory_space<semaphore_mem>>, %arg16: memref<!tpu.dma_semaphore, #tpu.memory_space<semaphore_mem>>) attributes {dimension_semantics = [#tpu.dimension_semantics<core_parallel>, #tpu.dimension_semantics<subcore_parallel>], iteration_bounds = array<i64: 2, 16>, scalar_prefetch = 0 : i64, scratch_operands = 11 : i64, tpu.core_type = #tpu.core_type<sc_vector_subcore>, window_params = [{transform_indices = #map}, {transform_indices = #map1}, {transform_indices = #map2}, {transform_indices = #map}]} {
    %mul3A = arith.constant 16 : i32
    %mul3A_0 = arith.muli %arg0, %mul3A : i32
    %add3A = arith.addi %mul3A_0, %arg1 : i32
    %scan3A = arith.constant 0 : i32
    %scan3A_1 = arith.constant 0 : i32
    %scan3A_2 = arith.constant 64 : i32
    %scan3A_3 = arith.addi %scan3A_1, %scan3A_2 : i32
    %scan3A_4 = arith.constant 1 : i32
    scf.for %scan3A_114 = %scan3A_1 to %scan3A_3 step %scan3A_4  : i32 {
      %broadcast_in_dim3A = arith.constant 0.000000e+00 : f32
      %broadcast_in_dim3A_115 = vector.broadcast %broadcast_in_dim3A : f32 to vector<16xf32>
      %swap3A = arith.index_cast %scan3A_114 : i32 to index
      %swap3A_116 = arith.constant 0 : index
      %swap3A_117 = tpu.vector_load %arg8[%swap3A, %swap3A_116] {strides = array<i32>} : memref<64x128xf32, #tpu.memory_space<vmem>>, vector<1x16xf32>,
      %swap3A_118 = vector.shape_cast %swap3A_117 : vector<1x16xf32> to vector<16xf32>
      %swap3A_119 = vector.shape_cast %broadcast_in_dim3A_115 : vector<16xf32> to vector<1x16xf32>
      tpu.vector_store %arg8[%swap3A, %swap3A_116], %swap3A_119 {strides = array<i32>} : memref<64x128xf32, #tpu.memory_space<vmem>>, vector<1x16xf32>,
      %broadcast_in_dim3A_120 = arith.constant 0.000000e+00 : f32
      %broadcast_in_dim3A_121 = vector.broadcast %broadcast_in_dim3A_120 : f32 to vector<16xf32>
      %swap3A_122 = arith.index_cast %scan3A_114 : i32 to index
      %swap3A_123 = arith.constant 16 : index
      %swap3A_124 = tpu.vector_load %arg8[%swap3A_122, %swap3A_123] {strides = array<i32>} : memref<64x128xf32, #tpu.memory_space<vmem>>, vector<1x16xf32>,
      %swap3A_125 = vector.shape_cast %swap3A_124 : vector<1x16xf32> to vector<16xf32>
      %swap3A_126 = vector.shape_cast %broadcast_in_dim3A_121 : vector<16xf32> to vector<1x16xf32>
      tpu.vector_store %arg8[%swap3A_122, %swap3A_123], %swap3A_126 {strides = array<i32>} : memref<64x128xf32, #tpu.memory_space<vmem>>, vector<1x16xf32>,
      %broadcast_in_dim3A_127 = arith.constant 0.000000e+00 : f32
      %broadcast_in_dim3A_128 = vector.broadcast %broadcast_in_dim3A_127 : f32 to vector<16xf32>
      %swap3A_129 = arith.index_cast %scan3A_114 : i32 to index
      %swap3A_130 = arith.constant 32 : index
      %swap3A_131 = tpu.vector_load %arg8[%swap3A_129, %swap3A_130] {strides = array<i32>} : memref<64x128xf32, #tpu.memory_space<vmem>>, vector<1x16xf32>,
      %swap3A_132 = vector.shape_cast %swap3A_131 : vector<1x16xf32> to vector<16xf32>
      %swap3A_133 = vector.shape_cast %broadcast_in_dim3A_128 : vector<16xf32> to vector<1x16xf32>
      tpu.vector_store %arg8[%swap3A_129, %swap3A_130], %swap3A_133 {strides = array<i32>} : memref<64x128xf32, #tpu.memory_space<vmem>>, vector<1x16xf32>,
      %broadcast_in_dim3A_134 = arith.constant 0.000000e+00 : f32
      %broadcast_in_dim3A_135 = vector.broadcast %broadcast_in_dim3A_134 : f32 to vector<16xf32>
      %swap3A_136 = arith.index_cast %scan3A_114 : i32 to index
      %swap3A_137 = arith.constant 48 : index
      %swap3A_138 = tpu.vector_load %arg8[%swap3A_136, %swap3A_137] {strides = array<i32>} : memref<64x128xf32, #tpu.memory_space<vmem>>, vector<1x16xf32>,
      %swap3A_139 = vector.shape_cast %swap3A_138 : vector<1x16xf32> to vector<16xf32>
      %swap3A_140 = vector.shape_cast %broadcast_in_dim3A_135 : vector<16xf32> to vector<1x16xf32>
      tpu.vector_store %arg8[%swap3A_136, %swap3A_137], %swap3A_140 {strides = array<i32>} : memref<64x128xf32, #tpu.memory_space<vmem>>, vector<1x16xf32>,
      %broadcast_in_dim3A_141 = arith.constant 0.000000e+00 : f32
      %broadcast_in_dim3A_142 = vector.broadcast %broadcast_in_dim3A_141 : f32 to vector<16xf32>
      %swap3A_143 = arith.index_cast %scan3A_114 : i32 to index
      %swap3A_144 = arith.constant 64 : index
      %swap3A_145 = tpu.vector_load %arg8[%swap3A_143, %swap3A_144] {strides = array<i32>} : memref<64x128xf32, #tpu.memory_space<vmem>>, vector<1x16xf32>,
      %swap3A_146 = vector.shape_cast %swap3A_145 : vector<1x16xf32> to vector<16xf32>
      %swap3A_147 = vector.shape_cast %broadcast_in_dim3A_142 : vector<16xf32> to vector<1x16xf32>
      tpu.vector_store %arg8[%swap3A_143, %swap3A_144], %swap3A_147 {strides = array<i32>} : memref<64x128xf32, #tpu.memory_space<vmem>>, vector<1x16xf32>,
      %broadcast_in_dim3A_148 = arith.constant 0.000000e+00 : f32
      %broadcast_in_dim3A_149 = vector.broadcast %broadcast_in_dim3A_148 : f32 to vector<16xf32>
      %swap3A_150 = arith.index_cast %scan3A_114 : i32 to index
      %swap3A_151 = arith.constant 80 : index
      %swap3A_152 = tpu.vector_load %arg8[%swap3A_150, %swap3A_151] {strides = array<i32>} : memref<64x128xf32, #tpu.memory_space<vmem>>, vector<1x16xf32>,
      %swap3A_153 = vector.shape_cast %swap3A_152 : vector<1x16xf32> to vector<16xf32>
      %swap3A_154 = vector.shape_cast %broadcast_in_dim3A_149 : vector<16xf32> to vector<1x16xf32>
      tpu.vector_store %arg8[%swap3A_150, %swap3A_151], %swap3A_154 {strides = array<i32>} : memref<64x128xf32, #tpu.memory_space<vmem>>, vector<1x16xf32>,
      %broadcast_in_dim3A_155 = arith.constant 0.000000e+00 : f32
      %broadcast_in_dim3A_156 = vector.broadcast %broadcast_in_dim3A_155 : f32 to vector<16xf32>
      %swap3A_157 = arith.index_cast %scan3A_114 : i32 to index
      %swap3A_158 = arith.constant 96 : index
      %swap3A_159 = tpu.vector_load %arg8[%swap3A_157, %swap3A_158] {strides = array<i32>} : memref<64x128xf32, #tpu.memory_space<vmem>>, vector<1x16xf32>,
      %swap3A_160 = vector.shape_cast %swap3A_159 : vector<1x16xf32> to vector<16xf32>
      %swap3A_161 = vector.shape_cast %broadcast_in_dim3A_156 : vector<16xf32> to vector<1x16xf32>
      tpu.vector_store %arg8[%swap3A_157, %swap3A_158], %swap3A_161 {strides = array<i32>} : memref<64x128xf32, #tpu.memory_space<vmem>>, vector<1x16xf32>,
      %broadcast_in_dim3A_162 = arith.constant 0.000000e+00 : f32
      %broadcast_in_dim3A_163 = vector.broadcast %broadcast_in_dim3A_162 : f32 to vector<16xf32>
      %swap3A_164 = arith.index_cast %scan3A_114 : i32 to index
      %swap3A_165 = arith.constant 112 : index
      %swap3A_166 = tpu.vector_load %arg8[%swap3A_164, %swap3A_165] {strides = array<i32>} : memref<64x128xf32, #tpu.memory_space<vmem>>, vector<1x16xf32>,
      %swap3A_167 = vector.shape_cast %swap3A_166 : vector<1x16xf32> to vector<16xf32>
      %swap3A_168 = vector.shape_cast %broadcast_in_dim3A_163 : vector<16xf32> to vector<1x16xf32>
      tpu.vector_store %arg8[%swap3A_164, %swap3A_165], %swap3A_168 {strides = array<i32>} : memref<64x128xf32, #tpu.memory_space<vmem>>, vector<1x16xf32>,
    }
    %scan3A_5 = arith.constant 64 : i32
    %mul3A_6 = arith.constant 632 : i32
    %mul3A_7 = arith.muli %arg1, %mul3A_6 : i32
    %add3A_8 = arith.constant 0 : i32
    %add3A_9 = arith.addi %mul3A_7, %add3A_8 : i32
    "tpu.region"() ({
      %run_scoped3A = tpu.sem_alloc : memref<!tpu.dma_semaphore, #tpu.memory_space<semaphore_mem>>
      %dma_start3A_114 = arith.constant 0 : i32
      %dma_start3A_115 = arith.constant 0 : i32
      %dma_start3A_116 = tpu.memref_slice %arg8[%dma_start3A_114, %dma_start3A_115] : memref<64x128xf32, #tpu.memory_space<vmem>> -> memref<64x128xf32, #tpu.memory_space<vmem>>
      %dma_start3A_117 = arith.constant 0 : i32
      %dma_start3A_118 = tpu.memref_slice %arg12[%add3A_9, %dma_start3A_117] : memref<10112x128xf32, #tpu.memory_space<vmem_shared>> -> memref<64x128xf32, #tpu.memory_space<vmem_shared>>
      %dma_start3A_119 = arith.constant 0 : i32
      %dma_start3A_120 = tpu.memref_slice %arg12[%add3A_9, %dma_start3A_119] : memref<10112x128xf32, #tpu.memory_space<vmem_shared>> -> memref<64x128xf32, #tpu.memory_space<vmem_shared>>
      %dma_start3A_121 = arith.constant 0 : i32
      %dma_start3A_122 = arith.constant 0 : i32
      %dma_start3A_123 = tpu.memref_slice %arg8[%dma_start3A_121, %dma_start3A_122] : memref<64x128xf32, #tpu.memory_space<vmem>> -> memref<64x128xf32, #tpu.memory_space<vmem>>
      tpu.enqueue_dma source(%dma_start3A_123 : memref<64x128xf32, #tpu.memory_space<vmem>>) target(%dma_start3A_120 : memref<64x128xf32, #tpu.memory_space<vmem_shared>>) target_semaphore(%run_scoped3A : memref<!tpu.dma_semaphore, #tpu.memory_space<semaphore_mem>>)
      %dma_wait3A_124 = arith.constant 0 : i32
      %dma_wait3A_125 = arith.constant 0 : i32
      %dma_wait3A_126 = tpu.memref_slice %arg8[%dma_wait3A_124, %dma_wait3A_125] : memref<64x128xf32, #tpu.memory_space<vmem>> -> memref<64x128xf32, #tpu.memory_space<vmem>>
      %dma_wait3A_127 = arith.constant 0 : i32
      %dma_wait3A_128 = tpu.memref_slice %arg12[%add3A_9, %dma_wait3A_127] : memref<10112x128xf32, #tpu.memory_space<vmem_shared>> -> memref<64x128xf32, #tpu.memory_space<vmem_shared>>
      %dma_wait3A_129 = arith.constant 0 : i32
      %dma_wait3A_130 = tpu.memref_slice %arg12[%add3A_9, %dma_wait3A_129] : memref<10112x128xf32, #tpu.memory_space<vmem_shared>> -> memref<64x128xf32, #tpu.memory_space<vmem_shared>>
      %dma_wait3A_131 = arith.constant 0 : i32
      %dma_wait3A_132 = arith.constant 0 : i32
      %dma_wait3A_133 = tpu.memref_slice %arg8[%dma_wait3A_131, %dma_wait3A_132] : memref<64x128xf32, #tpu.memory_space<vmem>> -> memref<64x128xf32, #tpu.memory_space<vmem>>
      tpu.wait_dma2 semaphore(%run_scoped3A : memref<!tpu.dma_semaphore, #tpu.memory_space<semaphore_mem>>) src(%dma_wait3A_133 : memref<64x128xf32, #tpu.memory_space<vmem>>) dst(%dma_wait3A_130 : memref<64x128xf32, #tpu.memory_space<vmem_shared>>)
      tpu.yield
    }) : () -> ()
    %add3A_10 = arith.constant 64 : i32
    %add3A_11 = arith.addi %mul3A_7, %add3A_10 : i32
    "tpu.region"() ({
      %run_scoped3A = tpu.sem_alloc : memref<!tpu.dma_semaphore, #tpu.memory_space<semaphore_mem>>
      %dma_start3A_114 = arith.constant 0 : i32
      %dma_start3A_115 = arith.constant 0 : i32
      %dma_start3A_116 = tpu.memref_slice %arg8[%dma_start3A_114, %dma_start3A_115] : memref<64x128xf32, #tpu.memory_space<vmem>> -> memref<64x128xf32, #tpu.memory_space<vmem>>
      %dma_start3A_117 = arith.constant 0 : i32
      %dma_start3A_118 = tpu.memref_slice %arg12[%add3A_11, %dma_start3A_117] : memref<10112x128xf32, #tpu.memory_space<vmem_shared>> -> memref<64x128xf32, #tpu.memory_space<vmem_shared>>
      %dma_start3A_119 = arith.constant 0 : i32
      %dma_start3A_120 = tpu.memref_slice %arg12[%add3A_11, %dma_start3A_119] : memref<10112x128xf32, #tpu.memory_space<vmem_shared>> -> memref<64x128xf32, #tpu.memory_space<vmem_shared>>
      %dma_start3A_121 = arith.constant 0 : i32
      %dma_start3A_122 = arith.constant 0 : i32
      %dma_start3A_123 = tpu.memref_slice %arg8[%dma_start3A_121, %dma_start3A_122] : memref<64x128xf32, #tpu.memory_space<vmem>> -> memref<64x128xf32, #tpu.memory_space<vmem>>
      tpu.enqueue_dma source(%dma_start3A_123 : memref<64x128xf32, #tpu.memory_space<vmem>>) target(%dma_start3A_120 : memref<64x128xf32, #tpu.memory_space<vmem_shared>>) target_semaphore(%run_scoped3A : memref<!tpu.dma_semaphore, #tpu.memory_space<semaphore_mem>>)
      %dma_wait3A_124 = arith.constant 0 : i32
      %dma_wait3A_125 = arith.constant 0 : i32
      %dma_wait3A_126 = tpu.memref_slice %arg8[%dma_wait3A_124, %dma_wait3A_125] : memref<64x128xf32, #tpu.memory_space<vmem>> -> memref<64x128xf32, #tpu.memory_space<vmem>>
      %dma_wait3A_127 = arith.constant 0 : i32
      %dma_wait3A_128 = tpu.memref_slice %arg12[%add3A_11, %dma_wait3A_127] : memref<10112x128xf32, #tpu.memory_space<vmem_shared>> -> memref<64x128xf32, #tpu.memory_space<vmem_shared>>
      %dma_wait3A_129 = arith.constant 0 : i32
      %dma_wait3A_130 = tpu.memref_slice %arg12[%add3A_11, %dma_wait3A_129] : memref<10112x128xf32, #tpu.memory_space<vmem_shared>> -> memref<64x128xf32, #tpu.memory_space<vmem_shared>>
      %dma_wait3A_131 = arith.constant 0 : i32
      %dma_wait3A_132 = arith.constant 0 : i32
      %dma_wait3A_133 = tpu.memref_slice %arg8[%dma_wait3A_131, %dma_wait3A_132] : memref<64x128xf32, #tpu.memory_space<vmem>> -> memref<64x128xf32, #tpu.memory_space<vmem>>
      tpu.wait_dma2 semaphore(%run_scoped3A : memref<!tpu.dma_semaphore, #tpu.memory_space<semaphore_mem>>) src(%dma_wait3A_133 : memref<64x128xf32, #tpu.memory_space<vmem>>) dst(%dma_wait3A_130 : memref<64x128xf32, #tpu.memory_space<vmem_shared>>)
      tpu.yield
    }) : () -> ()
    %add3A_12 = arith.constant 128 : i32
    %add3A_13 = arith.addi %mul3A_7, %add3A_12 : i32
    "tpu.region"() ({
      %run_scoped3A = tpu.sem_alloc : memref<!tpu.dma_semaphore, #tpu.memory_space<semaphore_mem>>
      %dma_start3A_114 = arith.constant 0 : i32
      %dma_start3A_115 = arith.constant 0 : i32
      %dma_start3A_116 = tpu.memref_slice %arg8[%dma_start3A_114, %dma_start3A_115] : memref<64x128xf32, #tpu.memory_space<vmem>> -> memref<64x128xf32, #tpu.memory_space<vmem>>
      %dma_start3A_117 = arith.constant 0 : i32
      %dma_start3A_118 = tpu.memref_slice %arg12[%add3A_13, %dma_start3A_117] : memref<10112x128xf32, #tpu.memory_space<vmem_shared>> -> memref<64x128xf32, #tpu.memory_space<vmem_shared>>
      %dma_start3A_119 = arith.constant 0 : i32
      %dma_start3A_120 = tpu.memref_slice %arg12[%add3A_13, %dma_start3A_119] : memref<10112x128xf32, #tpu.memory_space<vmem_shared>> -> memref<64x128xf32, #tpu.memory_space<vmem_shared>>
      %dma_start3A_121 = arith.constant 0 : i32
      %dma_start3A_122 = arith.constant 0 : i32
      %dma_start3A_123 = tpu.memref_slice %arg8[%dma_start3A_121, %dma_start3A_122] : memref<64x128xf32, #tpu.memory_space<vmem>> -> memref<64x128xf32, #tpu.memory_space<vmem>>
      tpu.enqueue_dma source(%dma_start3A_123 : memref<64x128xf32, #tpu.memory_space<vmem>>) target(%dma_start3A_120 : memref<64x128xf32, #tpu.memory_space<vmem_shared>>) target_semaphore(%run_scoped3A : memref<!tpu.dma_semaphore, #tpu.memory_space<semaphore_mem>>)
      %dma_wait3A_124 = arith.constant 0 : i32
      %dma_wait3A_125 = arith.constant 0 : i32
      %dma_wait3A_126 = tpu.memref_slice %arg8[%dma_wait3A_124, %dma_wait3A_125] : memref<64x128xf32, #tpu.memory_space<vmem>> -> memref<64x128xf32, #tpu.memory_space<vmem>>
      %dma_wait3A_127 = arith.constant 0 : i32
      %dma_wait3A_128 = tpu.memref_slice %arg12[%add3A_13, %dma_wait3A_127] : memref<10112x128xf32, #tpu.memory_space<vmem_shared>> -> memref<64x128xf32, #tpu.memory_space<vmem_shared>>
      %dma_wait3A_129 = arith.constant 0 : i32
      %dma_wait3A_130 = tpu.memref_slice %arg12[%add3A_13, %dma_wait3A_129] : memref<10112x128xf32, #tpu.memory_space<vmem_shared>> -> memref<64x128xf32, #tpu.memory_space<vmem_shared>>
      %dma_wait3A_131 = arith.constant 0 : i32
      %dma_wait3A_132 = arith.constant 0 : i32
      %dma_wait3A_133 = tpu.memref_slice %arg8[%dma_wait3A_131, %dma_wait3A_132] : memref<64x128xf32, #tpu.memory_space<vmem>> -> memref<64x128xf32, #tpu.memory_space<vmem>>
      tpu.wait_dma2 semaphore(%run_scoped3A : memref<!tpu.dma_semaphore, #tpu.memory_space<semaphore_mem>>) src(%dma_wait3A_133 : memref<64x128xf32, #tpu.memory_space<vmem>>) dst(%dma_wait3A_130 : memref<64x128xf32, #tpu.memory_space<vmem_shared>>)
      tpu.yield
    }) : () -> ()
    %add3A_14 = arith.constant 192 : i32
    %add3A_15 = arith.addi %mul3A_7, %add3A_14 : i32
    "tpu.region"() ({
      %run_scoped3A = tpu.sem_alloc : memref<!tpu.dma_semaphore, #tpu.memory_space<semaphore_mem>>
      %dma_start3A_114 = arith.constant 0 : i32
      %dma_start3A_115 = arith.constant 0 : i32
      %dma_start3A_116 = tpu.memref_slice %arg8[%dma_start3A_114, %dma_start3A_115] : memref<64x128xf32, #tpu.memory_space<vmem>> -> memref<64x128xf32, #tpu.memory_space<vmem>>
      %dma_start3A_117 = arith.constant 0 : i32
      %dma_start3A_118 = tpu.memref_slice %arg12[%add3A_15, %dma_start3A_117] : memref<10112x128xf32, #tpu.memory_space<vmem_shared>> -> memref<64x128xf32, #tpu.memory_space<vmem_shared>>
      %dma_start3A_119 = arith.constant 0 : i32
      %dma_start3A_120 = tpu.memref_slice %arg12[%add3A_15, %dma_start3A_119] : memref<10112x128xf32, #tpu.memory_space<vmem_shared>> -> memref<64x128xf32, #tpu.memory_space<vmem_shared>>
      %dma_start3A_121 = arith.constant 0 : i32
      %dma_start3A_122 = arith.constant 0 : i32
      %dma_start3A_123 = tpu.memref_slice %arg8[%dma_start3A_121, %dma_start3A_122] : memref<64x128xf32, #tpu.memory_space<vmem>> -> memref<64x128xf32, #tpu.memory_space<vmem>>
      tpu.enqueue_dma source(%dma_start3A_123 : memref<64x128xf32, #tpu.memory_space<vmem>>) target(%dma_start3A_120 : memref<64x128xf32, #tpu.memory_space<vmem_shared>>) target_semaphore(%run_scoped3A : memref<!tpu.dma_semaphore, #tpu.memory_space<semaphore_mem>>)
      %dma_wait3A_124 = arith.constant 0 : i32
      %dma_wait3A_125 = arith.constant 0 : i32
      %dma_wait3A_126 = tpu.memref_slice %arg8[%dma_wait3A_124, %dma_wait3A_125] : memref<64x128xf32, #tpu.memory_space<vmem>> -> memref<64x128xf32, #tpu.memory_space<vmem>>
      %dma_wait3A_127 = arith.constant 0 : i32
      %dma_wait3A_128 = tpu.memref_slice %arg12[%add3A_15, %dma_wait3A_127] : memref<10112x128xf32, #tpu.memory_space<vmem_shared>> -> memref<64x128xf32, #tpu.memory_space<vmem_shared>>
      %dma_wait3A_129 = arith.constant 0 : i32
      %dma_wait3A_130 = tpu.memref_slice %arg12[%add3A_15, %dma_wait3A_129] : memref<10112x128xf32, #tpu.memory_space<vmem_shared>> -> memref<64x128xf32, #tpu.memory_space<vmem_shared>>
      %dma_wait3A_131 = arith.constant 0 : i32
      %dma_wait3A_132 = arith.constant 0 : i32
      %dma_wait3A_133 = tpu.memref_slice %arg8[%dma_wait3A_131, %dma_wait3A_132] : memref<64x128xf32, #tpu.memory_space<vmem>> -> memref<64x128xf32, #tpu.memory_space<vmem>>
      tpu.wait_dma2 semaphore(%run_scoped3A : memref<!tpu.dma_semaphore, #tpu.memory_space<semaphore_mem>>) src(%dma_wait3A_133 : memref<64x128xf32, #tpu.memory_space<vmem>>) dst(%dma_wait3A_130 : memref<64x128xf32, #tpu.memory_space<vmem_shared>>)
      tpu.yield
    }) : () -> ()
    %add3A_16 = arith.constant 256 : i32
    %add3A_17 = arith.addi %mul3A_7, %add3A_16 : i32
    "tpu.region"() ({
      %run_scoped3A = tpu.sem_alloc : memref<!tpu.dma_semaphore, #tpu.memory_space<semaphore_mem>>
      %dma_start3A_114 = arith.constant 0 : i32
      %dma_start3A_115 = arith.constant 0 : i32
      %dma_start3A_116 = tpu.memref_slice %arg8[%dma_start3A_114, %dma_start3A_115] : memref<64x128xf32, #tpu.memory_space<vmem>> -> memref<64x128xf32, #tpu.memory_space<vmem>>
      %dma_start3A_117 = arith.constant 0 : i32
      %dma_start3A_118 = tpu.memref_slice %arg12[%add3A_17, %dma_start3A_117] : memref<10112x128xf32, #tpu.memory_space<vmem_shared>> -> memref<64x128xf32, #tpu.memory_space<vmem_shared>>
      %dma_start3A_119 = arith.constant 0 : i32
      %dma_start3A_120 = tpu.memref_slice %arg12[%add3A_17, %dma_start3A_119] : memref<10112x128xf32, #tpu.memory_space<vmem_shared>> -> memref<64x128xf32, #tpu.memory_space<vmem_shared>>
      %dma_start3A_121 = arith.constant 0 : i32
      %dma_start3A_122 = arith.constant 0 : i32
      %dma_start3A_123 = tpu.memref_slice %arg8[%dma_start3A_121, %dma_start3A_122] : memref<64x128xf32, #tpu.memory_space<vmem>> -> memref<64x128xf32, #tpu.memory_space<vmem>>
      tpu.enqueue_dma source(%dma_start3A_123 : memref<64x128xf32, #tpu.memory_space<vmem>>) target(%dma_start3A_120 : memref<64x128xf32, #tpu.memory_space<vmem_shared>>) target_semaphore(%run_scoped3A : memref<!tpu.dma_semaphore, #tpu.memory_space<semaphore_mem>>)
      %dma_wait3A_124 = arith.constant 0 : i32
      %dma_wait3A_125 = arith.constant 0 : i32
      %dma_wait3A_126 = tpu.memref_slice %arg8[%dma_wait3A_124, %dma_wait3A_125] : memref<64x128xf32, #tpu.memory_space<vmem>> -> memref<64x128xf32, #tpu.memory_space<vmem>>
      %dma_wait3A_127 = arith.constant 0 : i32
      %dma_wait3A_128 = tpu.memref_slice %arg12[%add3A_17, %dma_wait3A_127] : memref<10112x128xf32, #tpu.memory_space<vmem_shared>> -> memref<64x128xf32, #tpu.memory_space<vmem_shared>>
      %dma_wait3A_129 = arith.constant 0 : i32
      %dma_wait3A_130 = tpu.memref_slice %arg12[%add3A_17, %dma_wait3A_129] : memref<10112x128xf32, #tpu.memory_space<vmem_shared>> -> memref<64x128xf32, #tpu.memory_space<vmem_shared>>
      %dma_wait3A_131 = arith.constant 0 : i32
      %dma_wait3A_132 = arith.constant 0 : i32
      %dma_wait3A_133 = tpu.memref_slice %arg8[%dma_wait3A_131, %dma_wait3A_132] : memref<64x128xf32, #tpu.memory_space<vmem>> -> memref<64x128xf32, #tpu.memory_space<vmem>>
      tpu.wait_dma2 semaphore(%run_scoped3A : memref<!tpu.dma_semaphore, #tpu.memory_space<semaphore_mem>>) src(%dma_wait3A_133 : memref<64x128xf32, #tpu.memory_space<vmem>>) dst(%dma_wait3A_130 : memref<64x128xf32, #tpu.memory_space<vmem_shared>>)
      tpu.yield
    }) : () -> ()
    %add3A_18 = arith.constant 320 : i32
    %add3A_19 = arith.addi %mul3A_7, %add3A_18 : i32
    "tpu.region"() ({
      %run_scoped3A = tpu.sem_alloc : memref<!tpu.dma_semaphore, #tpu.memory_space<semaphore_mem>>
      %dma_start3A_114 = arith.constant 0 : i32
      %dma_start3A_115 = arith.constant 0 : i32
      %dma_start3A_116 = tpu.memref_slice %arg8[%dma_start3A_114, %dma_start3A_115] : memref<64x128xf32, #tpu.memory_space<vmem>> -> memref<64x128xf32, #tpu.memory_space<vmem>>
      %dma_start3A_117 = arith.constant 0 : i32
      %dma_start3A_118 = tpu.memref_slice %arg12[%add3A_19, %dma_start3A_117] : memref<10112x128xf32, #tpu.memory_space<vmem_shared>> -> memref<64x128xf32, #tpu.memory_space<vmem_shared>>
      %dma_start3A_119 = arith.constant 0 : i32
      %dma_start3A_120 = tpu.memref_slice %arg12[%add3A_19, %dma_start3A_119] : memref<10112x128xf32, #tpu.memory_space<vmem_shared>> -> memref<64x128xf32, #tpu.memory_space<vmem_shared>>
      %dma_start3A_121 = arith.constant 0 : i32
      %dma_start3A_122 = arith.constant 0 : i32
      %dma_start3A_123 = tpu.memref_slice %arg8[%dma_start3A_121, %dma_start3A_122] : memref<64x128xf32, #tpu.memory_space<vmem>> -> memref<64x128xf32, #tpu.memory_space<vmem>>
      tpu.enqueue_dma source(%dma_start3A_123 : memref<64x128xf32, #tpu.memory_space<vmem>>) target(%dma_start3A_120 : memref<64x128xf32, #tpu.memory_space<vmem_shared>>) target_semaphore(%run_scoped3A : memref<!tpu.dma_semaphore, #tpu.memory_space<semaphore_mem>>)
      %dma_wait3A_124 = arith.constant 0 : i32
      %dma_wait3A_125 = arith.constant 0 : i32
      %dma_wait3A_126 = tpu.memref_slice %arg8[%dma_wait3A_124, %dma_wait3A_125] : memref<64x128xf32, #tpu.memory_space<vmem>> -> memref<64x128xf32, #tpu.memory_space<vmem>>
      %dma_wait3A_127 = arith.constant 0 : i32
      %dma_wait3A_128 = tpu.memref_slice %arg12[%add3A_19, %dma_wait3A_127] : memref<10112x128xf32, #tpu.memory_space<vmem_shared>> -> memref<64x128xf32, #tpu.memory_space<vmem_shared>>
      %dma_wait3A_129 = arith.constant 0 : i32
      %dma_wait3A_130 = tpu.memref_slice %arg12[%add3A_19, %dma_wait3A_129] : memref<10112x128xf32, #tpu.memory_space<vmem_shared>> -> memref<64x128xf32, #tpu.memory_space<vmem_shared>>
      %dma_wait3A_131 = arith.constant 0 : i32
      %dma_wait3A_132 = arith.constant 0 : i32
      %dma_wait3A_133 = tpu.memref_slice %arg8[%dma_wait3A_131, %dma_wait3A_132] : memref<64x128xf32, #tpu.memory_space<vmem>> -> memref<64x128xf32, #tpu.memory_space<vmem>>
      tpu.wait_dma2 semaphore(%run_scoped3A : memref<!tpu.dma_semaphore, #tpu.memory_space<semaphore_mem>>) src(%dma_wait3A_133 : memref<64x128xf32, #tpu.memory_space<vmem>>) dst(%dma_wait3A_130 : memref<64x128xf32, #tpu.memory_space<vmem_shared>>)
      tpu.yield
    }) : () -> ()
    %add3A_20 = arith.constant 384 : i32
    %add3A_21 = arith.addi %mul3A_7, %add3A_20 : i32
    "tpu.region"() ({
      %run_scoped3A = tpu.sem_alloc : memref<!tpu.dma_semaphore, #tpu.memory_space<semaphore_mem>>
      %dma_start3A_114 = arith.constant 0 : i32
      %dma_start3A_115 = arith.constant 0 : i32
      %dma_start3A_116 = tpu.memref_slice %arg8[%dma_start3A_114, %dma_start3A_115] : memref<64x128xf32, #tpu.memory_space<vmem>> -> memref<64x128xf32, #tpu.memory_space<vmem>>
      %dma_start3A_117 = arith.constant 0 : i32
      %dma_start3A_118 = tpu.memref_slice %arg12[%add3A_21, %dma_start3A_117] : memref<10112x128xf32, #tpu.memory_space<vmem_shared>> -> memref<64x128xf32, #tpu.memory_space<vmem_shared>>
      %dma_start3A_119 = arith.constant 0 : i32
      %dma_start3A_120 = tpu.memref_slice %arg12[%add3A_21, %dma_start3A_119] : memref<10112x128xf32, #tpu.memory_space<vmem_shared>> -> memref<64x128xf32, #tpu.memory_space<vmem_shared>>
      %dma_start3A_121 = arith.constant 0 : i32
      %dma_start3A_122 = arith.constant 0 : i32
      %dma_start3A_123 = tpu.memref_slice %arg8[%dma_start3A_121, %dma_start3A_122] : memref<64x128xf32, #tpu.memory_space<vmem>> -> memref<64x128xf32, #tpu.memory_space<vmem>>
      tpu.enqueue_dma source(%dma_start3A_123 : memref<64x128xf32, #tpu.memory_space<vmem>>) target(%dma_start3A_120 : memref<64x128xf32, #tpu.memory_space<vmem_shared>>) target_semaphore(%run_scoped3A : memref<!tpu.dma_semaphore, #tpu.memory_space<semaphore_mem>>)
      %dma_wait3A_124 = arith.constant 0 : i32
      %dma_wait3A_125 = arith.constant 0 : i32
      %dma_wait3A_126 = tpu.memref_slice %arg8[%dma_wait3A_124, %dma_wait3A_125] : memref<64x128xf32, #tpu.memory_space<vmem>> -> memref<64x128xf32, #tpu.memory_space<vmem>>
      %dma_wait3A_127 = arith.constant 0 : i32
      %dma_wait3A_128 = tpu.memref_slice %arg12[%add3A_21, %dma_wait3A_127] : memref<10112x128xf32, #tpu.memory_space<vmem_shared>> -> memref<64x128xf32, #tpu.memory_space<vmem_shared>>
      %dma_wait3A_129 = arith.constant 0 : i32
      %dma_wait3A_130 = tpu.memref_slice %arg12[%add3A_21, %dma_wait3A_129] : memref<10112x128xf32, #tpu.memory_space<vmem_shared>> -> memref<64x128xf32, #tpu.memory_space<vmem_shared>>
      %dma_wait3A_131 = arith.constant 0 : i32
      %dma_wait3A_132 = arith.constant 0 : i32
      %dma_wait3A_133 = tpu.memref_slice %arg8[%dma_wait3A_131, %dma_wait3A_132] : memref<64x128xf32, #tpu.memory_space<vmem>> -> memref<64x128xf32, #tpu.memory_space<vmem>>
      tpu.wait_dma2 semaphore(%run_scoped3A : memref<!tpu.dma_semaphore, #tpu.memory_space<semaphore_mem>>) src(%dma_wait3A_133 : memref<64x128xf32, #tpu.memory_space<vmem>>) dst(%dma_wait3A_130 : memref<64x128xf32, #tpu.memory_space<vmem_shared>>)
      tpu.yield
    }) : () -> ()
    %add3A_22 = arith.constant 448 : i32
    %add3A_23 = arith.addi %mul3A_7, %add3A_22 : i32
    "tpu.region"() ({
      %run_scoped3A = tpu.sem_alloc : memref<!tpu.dma_semaphore, #tpu.memory_space<semaphore_mem>>
      %dma_start3A_114 = arith.constant 0 : i32
      %dma_start3A_115 = arith.constant 0 : i32
      %dma_start3A_116 = tpu.memref_slice %arg8[%dma_start3A_114, %dma_start3A_115] : memref<64x128xf32, #tpu.memory_space<vmem>> -> memref<64x128xf32, #tpu.memory_space<vmem>>
      %dma_start3A_117 = arith.constant 0 : i32
      %dma_start3A_118 = tpu.memref_slice %arg12[%add3A_23, %dma_start3A_117] : memref<10112x128xf32, #tpu.memory_space<vmem_shared>> -> memref<64x128xf32, #tpu.memory_space<vmem_shared>>
      %dma_start3A_119 = arith.constant 0 : i32
      %dma_start3A_120 = tpu.memref_slice %arg12[%add3A_23, %dma_start3A_119] : memref<10112x128xf32, #tpu.memory_space<vmem_shared>> -> memref<64x128xf32, #tpu.memory_space<vmem_shared>>
      %dma_start3A_121 = arith.constant 0 : i32
      %dma_start3A_122 = arith.constant 0 : i32
      %dma_start3A_123 = tpu.memref_slice %arg8[%dma_start3A_121, %dma_start3A_122] : memref<64x128xf32, #tpu.memory_space<vmem>> -> memref<64x128xf32, #tpu.memory_space<vmem>>
      tpu.enqueue_dma source(%dma_start3A_123 : memref<64x128xf32, #tpu.memory_space<vmem>>) target(%dma_start3A_120 : memref<64x128xf32, #tpu.memory_space<vmem_shared>>) target_semaphore(%run_scoped3A : memref<!tpu.dma_semaphore, #tpu.memory_space<semaphore_mem>>)
      %dma_wait3A_124 = arith.constant 0 : i32
      %dma_wait3A_125 = arith.constant 0 : i32
      %dma_wait3A_126 = tpu.memref_slice %arg8[%dma_wait3A_124, %dma_wait3A_125] : memref<64x128xf32, #tpu.memory_space<vmem>> -> memref<64x128xf32, #tpu.memory_space<vmem>>
      %dma_wait3A_127 = arith.constant 0 : i32
      %dma_wait3A_128 = tpu.memref_slice %arg12[%add3A_23, %dma_wait3A_127] : memref<10112x128xf32, #tpu.memory_space<vmem_shared>> -> memref<64x128xf32, #tpu.memory_space<vmem_shared>>
      %dma_wait3A_129 = arith.constant 0 : i32
      %dma_wait3A_130 = tpu.memref_slice %arg12[%add3A_23, %dma_wait3A_129] : memref<10112x128xf32, #tpu.memory_space<vmem_shared>> -> memref<64x128xf32, #tpu.memory_space<vmem_shared>>
      %dma_wait3A_131 = arith.constant 0 : i32
      %dma_wait3A_132 = arith.constant 0 : i32
      %dma_wait3A_133 = tpu.memref_slice %arg8[%dma_wait3A_131, %dma_wait3A_132] : memref<64x128xf32, #tpu.memory_space<vmem>> -> memref<64x128xf32, #tpu.memory_space<vmem>>
      tpu.wait_dma2 semaphore(%run_scoped3A : memref<!tpu.dma_semaphore, #tpu.memory_space<semaphore_mem>>) src(%dma_wait3A_133 : memref<64x128xf32, #tpu.memory_space<vmem>>) dst(%dma_wait3A_130 : memref<64x128xf32, #tpu.memory_space<vmem_shared>>)
      tpu.yield
    }) : () -> ()
    %add3A_24 = arith.constant 512 : i32
    %add3A_25 = arith.addi %mul3A_7, %add3A_24 : i32
    "tpu.region"() ({
      %run_scoped3A = tpu.sem_alloc : memref<!tpu.dma_semaphore, #tpu.memory_space<semaphore_mem>>
      %dma_start3A_114 = arith.constant 0 : i32
      %dma_start3A_115 = arith.constant 0 : i32
      %dma_start3A_116 = tpu.memref_slice %arg8[%dma_start3A_114, %dma_start3A_115] : memref<64x128xf32, #tpu.memory_space<vmem>> -> memref<64x128xf32, #tpu.memory_space<vmem>>
      %dma_start3A_117 = arith.constant 0 : i32
      %dma_start3A_118 = tpu.memref_slice %arg12[%add3A_25, %dma_start3A_117] : memref<10112x128xf32, #tpu.memory_space<vmem_shared>> -> memref<64x128xf32, #tpu.memory_space<vmem_shared>>
      %dma_start3A_119 = arith.constant 0 : i32
      %dma_start3A_120 = tpu.memref_slice %arg12[%add3A_25, %dma_start3A_119] : memref<10112x128xf32, #tpu.memory_space<vmem_shared>> -> memref<64x128xf32, #tpu.memory_space<vmem_shared>>
      %dma_start3A_121 = arith.constant 0 : i32
      %dma_start3A_122 = arith.constant 0 : i32
      %dma_start3A_123 = tpu.memref_slice %arg8[%dma_start3A_121, %dma_start3A_122] : memref<64x128xf32, #tpu.memory_space<vmem>> -> memref<64x128xf32, #tpu.memory_space<vmem>>
      tpu.enqueue_dma source(%dma_start3A_123 : memref<64x128xf32, #tpu.memory_space<vmem>>) target(%dma_start3A_120 : memref<64x128xf32, #tpu.memory_space<vmem_shared>>) target_semaphore(%run_scoped3A : memref<!tpu.dma_semaphore, #tpu.memory_space<semaphore_mem>>)
      %dma_wait3A_124 = arith.constant 0 : i32
      %dma_wait3A_125 = arith.constant 0 : i32
      %dma_wait3A_126 = tpu.memref_slice %arg8[%dma_wait3A_124, %dma_wait3A_125] : memref<64x128xf32, #tpu.memory_space<vmem>> -> memref<64x128xf32, #tpu.memory_space<vmem>>
      %dma_wait3A_127 = arith.constant 0 : i32
      %dma_wait3A_128 = tpu.memref_slice %arg12[%add3A_25, %dma_wait3A_127] : memref<10112x128xf32, #tpu.memory_space<vmem_shared>> -> memref<64x128xf32, #tpu.memory_space<vmem_shared>>
      %dma_wait3A_129 = arith.constant 0 : i32
      %dma_wait3A_130 = tpu.memref_slice %arg12[%add3A_25, %dma_wait3A_129] : memref<10112x128xf32, #tpu.memory_space<vmem_shared>> -> memref<64x128xf32, #tpu.memory_space<vmem_shared>>
      %dma_wait3A_131 = arith.constant 0 : i32
      %dma_wait3A_132 = arith.constant 0 : i32
      %dma_wait3A_133 = tpu.memref_slice %arg8[%dma_wait3A_131, %dma_wait3A_132] : memref<64x128xf32, #tpu.memory_space<vmem>> -> memref<64x128xf32, #tpu.memory_space<vmem>>
      tpu.wait_dma2 semaphore(%run_scoped3A : memref<!tpu.dma_semaphore, #tpu.memory_space<semaphore_mem>>) src(%dma_wait3A_133 : memref<64x128xf32, #tpu.memory_space<vmem>>) dst(%dma_wait3A_130 : memref<64x128xf32, #tpu.memory_space<vmem_shared>>)
      tpu.yield
    }) : () -> ()
    %add3A_26 = arith.constant 576 : i32
    %add3A_27 = arith.addi %mul3A_7, %add3A_26 : i32
    "tpu.region"() ({
      %run_scoped3A = tpu.sem_alloc : memref<!tpu.dma_semaphore, #tpu.memory_space<semaphore_mem>>
      %dma_start3A_114 = arith.constant 0 : i32
      %dma_start3A_115 = arith.constant 0 : i32
      %dma_start3A_116 = tpu.memref_slice %arg8[%dma_start3A_114, %dma_start3A_115] : memref<64x128xf32, #tpu.memory_space<vmem>> -> memref<56x128xf32, #tpu.memory_space<vmem>>
      %dma_start3A_117 = arith.constant 0 : i32
      %dma_start3A_118 = tpu.memref_slice %arg12[%add3A_27, %dma_start3A_117] : memref<10112x128xf32, #tpu.memory_space<vmem_shared>> -> memref<56x128xf32, #tpu.memory_space<vmem_shared>>
      %dma_start3A_119 = arith.constant 0 : i32
      %dma_start3A_120 = tpu.memref_slice %arg12[%add3A_27, %dma_start3A_119] : memref<10112x128xf32, #tpu.memory_space<vmem_shared>> -> memref<56x128xf32, #tpu.memory_space<vmem_shared>>
      %dma_start3A_121 = arith.constant 0 : i32
      %dma_start3A_122 = arith.constant 0 : i32
      %dma_start3A_123 = tpu.memref_slice %arg8[%dma_start3A_121, %dma_start3A_122] : memref<64x128xf32, #tpu.memory_space<vmem>> -> memref<56x128xf32, #tpu.memory_space<vmem>>
      tpu.enqueue_dma source(%dma_start3A_123 : memref<56x128xf32, #tpu.memory_space<vmem>>) target(%dma_start3A_120 : memref<56x128xf32, #tpu.memory_space<vmem_shared>>) target_semaphore(%run_scoped3A : memref<!tpu.dma_semaphore, #tpu.memory_space<semaphore_mem>>)
      %dma_wait3A_124 = arith.constant 0 : i32
      %dma_wait3A_125 = arith.constant 0 : i32
      %dma_wait3A_126 = tpu.memref_slice %arg8[%dma_wait3A_124, %dma_wait3A_125] : memref<64x128xf32, #tpu.memory_space<vmem>> -> memref<56x128xf32, #tpu.memory_space<vmem>>
      %dma_wait3A_127 = arith.constant 0 : i32
      %dma_wait3A_128 = tpu.memref_slice %arg12[%add3A_27, %dma_wait3A_127] : memref<10112x128xf32, #tpu.memory_space<vmem_shared>> -> memref<56x128xf32, #tpu.memory_space<vmem_shared>>
      %dma_wait3A_129 = arith.constant 0 : i32
      %dma_wait3A_130 = tpu.memref_slice %arg12[%add3A_27, %dma_wait3A_129] : memref<10112x128xf32, #tpu.memory_space<vmem_shared>> -> memref<56x128xf32, #tpu.memory_space<vmem_shared>>
      %dma_wait3A_131 = arith.constant 0 : i32
      %dma_wait3A_132 = arith.constant 0 : i32
      %dma_wait3A_133 = tpu.memref_slice %arg8[%dma_wait3A_131, %dma_wait3A_132] : memref<64x128xf32, #tpu.memory_space<vmem>> -> memref<56x128xf32, #tpu.memory_space<vmem>>
      tpu.wait_dma2 semaphore(%run_scoped3A : memref<!tpu.dma_semaphore, #tpu.memory_space<semaphore_mem>>) src(%dma_wait3A_133 : memref<56x128xf32, #tpu.memory_space<vmem>>) dst(%dma_wait3A_130 : memref<56x128xf32, #tpu.memory_space<vmem_shared>>)
      tpu.yield
    }) : () -> ()
    %barrier3A = arith.constant 0 : index
    tpu.barrier barrier_id(%barrier3A)
    %mul3A_28 = arith.constant 10240 : i32
    %mul3A_29 = arith.muli %add3A, %mul3A_28 : i32
    %add3A_30 = arith.constant 0 : i32
    %add3A_31 = arith.addi %mul3A_29, %add3A_30 : i32
    "tpu.region"() ({
      %run_scoped3A = tpu.sem_alloc : memref<!tpu.dma_semaphore, #tpu.memory_space<semaphore_mem>>
      %dma_start3A_114 = tpu.memref_slice %arg3[%add3A_31] : memref<327680xi32, #tpu.memory_space<hbm>> -> memref<5120xi32, #tpu.memory_space<hbm>>
      %dma_start3A_115 = tpu.memref_slice %arg3[%add3A_31] : memref<327680xi32, #tpu.memory_space<hbm>> -> memref<5120xi32, #tpu.memory_space<hbm>>
      tpu.enqueue_dma source(%dma_start3A_115 : memref<5120xi32, #tpu.memory_space<hbm>>) target(%arg6 : memref<5120xi32, #tpu.memory_space<vmem>>) target_semaphore(%run_scoped3A : memref<!tpu.dma_semaphore, #tpu.memory_space<semaphore_mem>>)
      %dma_wait3A_116 = tpu.memref_slice %arg3[%add3A_31] : memref<327680xi32, #tpu.memory_space<hbm>> -> memref<5120xi32, #tpu.memory_space<hbm>>
      %dma_wait3A_117 = tpu.memref_slice %arg3[%add3A_31] : memref<327680xi32, #tpu.memory_space<hbm>> -> memref<5120xi32, #tpu.memory_space<hbm>>
      tpu.wait_dma2 semaphore(%run_scoped3A : memref<!tpu.dma_semaphore, #tpu.memory_space<semaphore_mem>>) src(%dma_wait3A_117 : memref<5120xi32, #tpu.memory_space<hbm>>) dst(%arg6 : memref<5120xi32, #tpu.memory_space<vmem>>)
      tpu.yield
    }) : () -> ()
    "tpu.region"() ({
      %run_scoped3A = tpu.sem_alloc : memref<!tpu.dma_semaphore, #tpu.memory_space<semaphore_mem>>
      %dma_start3A_114 = arith.constant 0 : i32
      %dma_start3A_115 = arith.constant 0 : i32
      %dma_start3A_116 = tpu.memref_slice %arg4[%add3A, %dma_start3A_114, %dma_start3A_115] : memref<32x160x64xi32, #tpu.memory_space<hbm>> -> memref<1x80x64xi32, #tpu.memory_space<hbm>>
      %dma_start3A_117 = tpu.memref_squeeze %dma_start3A_116 : memref<1x80x64xi32, #tpu.memory_space<hbm>> -> memref<80x64xi32, #tpu.memory_space<hbm>>
      %dma_start3A_118 = arith.constant 0 : i32
      %dma_start3A_119 = arith.constant 0 : i32
      %dma_start3A_120 = tpu.memref_slice %arg4[%add3A, %dma_start3A_118, %dma_start3A_119] : memref<32x160x64xi32, #tpu.memory_space<hbm>> -> memref<1x80x64xi32, #tpu.memory_space<hbm>>
      %dma_start3A_121 = tpu.memref_squeeze %dma_start3A_120 : memref<1x80x64xi32, #tpu.memory_space<hbm>> -> memref<80x64xi32, #tpu.memory_space<hbm>>
      tpu.enqueue_dma source(%dma_start3A_121 : memref<80x64xi32, #tpu.memory_space<hbm>>) target(%arg7 : memref<80x64xi32, #tpu.memory_space<vmem>>) target_semaphore(%run_scoped3A : memref<!tpu.dma_semaphore, #tpu.memory_space<semaphore_mem>>)
      %dma_wait3A_122 = arith.constant 0 : i32
      %dma_wait3A_123 = arith.constant 0 : i32
      %dma_wait3A_124 = tpu.memref_slice %arg4[%add3A, %dma_wait3A_122, %dma_wait3A_123] : memref<32x160x64xi32, #tpu.memory_space<hbm>> -> memref<1x80x64xi32, #tpu.memory_space<hbm>>
      %dma_wait3A_125 = tpu.memref_squeeze %dma_wait3A_124 : memref<1x80x64xi32, #tpu.memory_space<hbm>> -> memref<80x64xi32, #tpu.memory_space<hbm>>
      %dma_wait3A_126 = arith.constant 0 : i32
      %dma_wait3A_127 = arith.constant 0 : i32
      %dma_wait3A_128 = tpu.memref_slice %arg4[%add3A, %dma_wait3A_126, %dma_wait3A_127] : memref<32x160x64xi32, #tpu.memory_space<hbm>> -> memref<1x80x64xi32, #tpu.memory_space<hbm>>
      %dma_wait3A_129 = tpu.memref_squeeze %dma_wait3A_128 : memref<1x80x64xi32, #tpu.memory_space<hbm>> -> memref<80x64xi32, #tpu.memory_space<hbm>>
      tpu.wait_dma2 semaphore(%run_scoped3A : memref<!tpu.dma_semaphore, #tpu.memory_space<semaphore_mem>>) src(%dma_wait3A_129 : memref<80x64xi32, #tpu.memory_space<hbm>>) dst(%arg7 : memref<80x64xi32, #tpu.memory_space<vmem>>)
      tpu.yield
    }) : () -> ()
    %dma_start3A = arith.constant 0 : i32
    %dma_start3A_32 = tpu.memref_slice %arg6[%dma_start3A] : memref<5120xi32, #tpu.memory_space<vmem>> -> memref<64xi32, #tpu.memory_space<vmem>>
    %dma_start3A_33 = arith.constant 0 : i32
    %dma_start3A_34 = arith.constant 0 : i32
    %dma_start3A_35 = tpu.memref_slice %arg2[%dma_start3A_33, %dma_start3A_34] : memref<10000x128xf32, #tpu.memory_space<hbm>> -> memref<10000x128xf32, #tpu.memory_space<hbm>>
    tpu.enqueue_indirect_dma source(%dma_start3A_35 : memref<10000x128xf32, #tpu.memory_space<hbm>>) target(%arg8 : memref<64x128xf32, #tpu.memory_space<vmem>>) offsets(%dma_start3A_32 : memref<64xi32, #tpu.memory_space<vmem>>) semaphore(%arg13 : memref<!tpu.dma_semaphore, #tpu.memory_space<semaphore_mem>>)
    %dma_start3A_36 = arith.constant 64 : i32
    %dma_start3A_37 = tpu.memref_slice %arg6[%dma_start3A_36] : memref<5120xi32, #tpu.memory_space<vmem>> -> memref<64xi32, #tpu.memory_space<vmem>>
    %dma_start3A_38 = arith.constant 0 : i32
    %dma_start3A_39 = arith.constant 0 : i32
    %dma_start3A_40 = tpu.memref_slice %arg2[%dma_start3A_38, %dma_start3A_39] : memref<10000x128xf32, #tpu.memory_space<hbm>> -> memref<10000x128xf32, #tpu.memory_space<hbm>>
    tpu.enqueue_indirect_dma source(%dma_start3A_40 : memref<10000x128xf32, #tpu.memory_space<hbm>>) target(%arg9 : memref<64x128xf32, #tpu.memory_space<vmem>>) offsets(%dma_start3A_37 : memref<64xi32, #tpu.memory_space<vmem>>) semaphore(%arg14 : memref<!tpu.dma_semaphore, #tpu.memory_space<semaphore_mem>>)
    %dma_start3A_41 = arith.constant 128 : i32
    %dma_start3A_42 = tpu.memref_slice %arg6[%dma_start3A_41] : memref<5120xi32, #tpu.memory_space<vmem>> -> memref<64xi32, #tpu.memory_space<vmem>>
    %dma_start3A_43 = arith.constant 0 : i32
    %dma_start3A_44 = arith.constant 0 : i32
    %dma_start3A_45 = tpu.memref_slice %arg2[%dma_start3A_43, %dma_start3A_44] : memref<10000x128xf32, #tpu.memory_space<hbm>> -> memref<10000x128xf32, #tpu.memory_space<hbm>>
    tpu.enqueue_indirect_dma source(%dma_start3A_45 : memref<10000x128xf32, #tpu.memory_space<hbm>>) target(%arg10 : memref<64x128xf32, #tpu.memory_space<vmem>>) offsets(%dma_start3A_42 : memref<64xi32, #tpu.memory_space<vmem>>) semaphore(%arg15 : memref<!tpu.dma_semaphore, #tpu.memory_space<semaphore_mem>>)
    %scan3A_46 = arith.constant 0 : i32
    %scan3A_47 = arith.constant 0 : i32
    %scan3A_48 = arith.constant 20 : i32
    %scan3A_49 = arith.addi %scan3A_47, %scan3A_48 : i32
    %scan3A_50 = arith.constant 1 : i32
    scf.for %scan3A_114 = %scan3A_47 to %scan3A_49 step %scan3A_50  : i32 {
      %mul3A_115 = arith.constant 4 : i32
      %mul3A_116 = arith.muli %mul3A_115, %scan3A_114 : i32
      %add3A_117 = arith.constant 0 : i32
      %add3A_118 = arith.addi %mul3A_116, %add3A_117 : i32
      %mul3A_119 = arith.constant 64 : i32
      %mul3A_120 = arith.muli %add3A_118, %mul3A_119 : i32
      %dma_wait3A_121 = tpu.memref_slice %arg6[%mul3A_120] : memref<5120xi32, #tpu.memory_space<vmem>> -> memref<64xi32, #tpu.memory_space<vmem>>
      %dma_wait3A_122 = arith.constant 0 : i32
      %dma_wait3A_123 = arith.constant 0 : i32
      %dma_wait3A_124 = tpu.memref_slice %arg2[%dma_wait3A_122, %dma_wait3A_123] : memref<10000x128xf32, #tpu.memory_space<hbm>> -> memref<10000x128xf32, #tpu.memory_space<hbm>>
      tpu.wait_indirect_dma semaphore(%arg13 : memref<!tpu.dma_semaphore, #tpu.memory_space<semaphore_mem>>) src(%dma_wait3A_124 : memref<10000x128xf32, #tpu.memory_space<hbm>>) dst(%arg8 : memref<64x128xf32, #tpu.memory_space<vmem>>)
      %add3A_125 = arith.constant 4 : i32
      %add3A_126 = arith.addi %add3A_118, %add3A_125 : i32
      %sub3A = arith.constant 1 : i32
      %sub3A_127 = arith.subi %add3A_126, %sub3A : i32
      %min3A = arith.constant 79 : i32
      %min3A_128 = arith.minsi %sub3A_127, %min3A : i32
      %mul3A_129 = arith.constant 64 : i32
      %mul3A_130 = arith.muli %min3A_128, %mul3A_129 : i32
      %dma_start3A_131 = tpu.memref_slice %arg6[%mul3A_130] : memref<5120xi32, #tpu.memory_space<vmem>> -> memref<64xi32, #tpu.memory_space<vmem>>
      %dma_start3A_132 = arith.constant 0 : i32
      %dma_start3A_133 = arith.constant 0 : i32
      %dma_start3A_134 = tpu.memref_slice %arg2[%dma_start3A_132, %dma_start3A_133] : memref<10000x128xf32, #tpu.memory_space<hbm>> -> memref<10000x128xf32, #tpu.memory_space<hbm>>
      tpu.enqueue_indirect_dma source(%dma_start3A_134 : memref<10000x128xf32, #tpu.memory_space<hbm>>) target(%arg11 : memref<64x128xf32, #tpu.memory_space<vmem>>) offsets(%dma_start3A_131 : memref<64xi32, #tpu.memory_space<vmem>>) semaphore(%arg16 : memref<!tpu.dma_semaphore, #tpu.memory_space<semaphore_mem>>)
      "tpu.region"() ({
        %run_scoped3A = tpu.sem_alloc : memref<!tpu.dma_semaphore, #tpu.memory_space<semaphore_mem>>
        %dma_start3A_195 = arith.constant 0 : i32
        %dma_start3A_196 = tpu.memref_slice %arg7[%add3A_118, %dma_start3A_195] : memref<80x64xi32, #tpu.memory_space<vmem>> -> memref<1x64xi32, #tpu.memory_space<vmem>>
        %dma_start3A_197 = tpu.memref_squeeze %dma_start3A_196 : memref<1x64xi32, #tpu.memory_space<vmem>> -> memref<64xi32, #tpu.memory_space<vmem>>
        %dma_start3A_198 = arith.constant 0 : i32
        %dma_start3A_199 = arith.constant 0 : i32
        %dma_start3A_200 = tpu.memref_slice %arg12[%dma_start3A_198, %dma_start3A_199] : memref<10112x128xf32, #tpu.memory_space<vmem_shared>> -> memref<10112x128xf32, #tpu.memory_space<vmem_shared>>
        tpu.enqueue_indirect_dma source(%arg8 : memref<64x128xf32, #tpu.memory_space<vmem>>) target(%dma_start3A_200 : memref<10112x128xf32, #tpu.memory_space<vmem_shared>>) offsets(%dma_start3A_197 : memref<64xi32, #tpu.memory_space<vmem>>) semaphore(%run_scoped3A : memref<!tpu.dma_semaphore, #tpu.memory_space<semaphore_mem>>) {add = true}
        %dma_wait3A_201 = arith.constant 0 : i32
        %dma_wait3A_202 = tpu.memref_slice %arg7[%add3A_118, %dma_wait3A_201] : memref<80x64xi32, #tpu.memory_space<vmem>> -> memref<1x64xi32, #tpu.memory_space<vmem>>
        %dma_wait3A_203 = tpu.memref_squeeze %dma_wait3A_202 : memref<1x64xi32, #tpu.memory_space<vmem>> -> memref<64xi32, #tpu.memory_space<vmem>>
        %dma_wait3A_204 = arith.constant 0 : i32
        %dma_wait3A_205 = arith.constant 0 : i32
        %dma_wait3A_206 = tpu.memref_slice %arg12[%dma_wait3A_204, %dma_wait3A_205] : memref<10112x128xf32, #tpu.memory_space<vmem_shared>> -> memref<10112x128xf32, #tpu.memory_space<vmem_shared>>
        tpu.wait_indirect_dma semaphore(%run_scoped3A : memref<!tpu.dma_semaphore, #tpu.memory_space<semaphore_mem>>) src(%arg8 : memref<64x128xf32, #tpu.memory_space<vmem>>) dst(%dma_wait3A_206 : memref<10112x128xf32, #tpu.memory_space<vmem_shared>>)
        tpu.yield
      }) : () -> ()
      %add3A_135 = arith.constant 1 : i32
      %add3A_136 = arith.addi %mul3A_116, %add3A_135 : i32
      %mul3A_137 = arith.constant 64 : i32
      %mul3A_138 = arith.muli %add3A_136, %mul3A_137 : i32
      %dma_wait3A_139 = tpu.memref_slice %arg6[%mul3A_138] : memref<5120xi32, #tpu.memory_space<vmem>> -> memref<64xi32, #tpu.memory_space<vmem>>
      %dma_wait3A_140 = arith.constant 0 : i32
      %dma_wait3A_141 = arith.constant 0 : i32
      %dma_wait3A_142 = tpu.memref_slice %arg2[%dma_wait3A_140, %dma_wait3A_141] : memref<10000x128xf32, #tpu.memory_space<hbm>> -> memref<10000x128xf32, #tpu.memory_space<hbm>>
      tpu.wait_indirect_dma semaphore(%arg14 : memref<!tpu.dma_semaphore, #tpu.memory_space<semaphore_mem>>) src(%dma_wait3A_142 : memref<10000x128xf32, #tpu.memory_space<hbm>>) dst(%arg9 : memref<64x128xf32, #tpu.memory_space<vmem>>)
      %add3A_143 = arith.constant 4 : i32
      %add3A_144 = arith.addi %add3A_136, %add3A_143 : i32
      %sub3A_145 = arith.constant 1 : i32
      %sub3A_146 = arith.subi %add3A_144, %sub3A_145 : i32
      %min3A_147 = arith.constant 79 : i32
      %min3A_148 = arith.minsi %sub3A_146, %min3A_147 : i32
      %mul3A_149 = arith.constant 64 : i32
      %mul3A_150 = arith.muli %min3A_148, %mul3A_149 : i32
      %dma_start3A_151 = tpu.memref_slice %arg6[%mul3A_150] : memref<5120xi32, #tpu.memory_space<vmem>> -> memref<64xi32, #tpu.memory_space<vmem>>
      %dma_start3A_152 = arith.constant 0 : i32
      %dma_start3A_153 = arith.constant 0 : i32
      %dma_start3A_154 = tpu.memref_slice %arg2[%dma_start3A_152, %dma_start3A_153] : memref<10000x128xf32, #tpu.memory_space<hbm>> -> memref<10000x128xf32, #tpu.memory_space<hbm>>
      tpu.enqueue_indirect_dma source(%dma_start3A_154 : memref<10000x128xf32, #tpu.memory_space<hbm>>) target(%arg8 : memref<64x128xf32, #tpu.memory_space<vmem>>) offsets(%dma_start3A_151 : memref<64xi32, #tpu.memory_space<vmem>>) semaphore(%arg13 : memref<!tpu.dma_semaphore, #tpu.memory_space<semaphore_mem>>)
      "tpu.region"() ({
        %run_scoped3A = tpu.sem_alloc : memref<!tpu.dma_semaphore, #tpu.memory_space<semaphore_mem>>
        %dma_start3A_195 = arith.constant 0 : i32
        %dma_start3A_196 = tpu.memref_slice %arg7[%add3A_136, %dma_start3A_195] : memref<80x64xi32, #tpu.memory_space<vmem>> -> memref<1x64xi32, #tpu.memory_space<vmem>>
        %dma_start3A_197 = tpu.memref_squeeze %dma_start3A_196 : memref<1x64xi32, #tpu.memory_space<vmem>> -> memref<64xi32, #tpu.memory_space<vmem>>
        %dma_start3A_198 = arith.constant 0 : i32
        %dma_start3A_199 = arith.constant 0 : i32
        %dma_start3A_200 = tpu.memref_slice %arg12[%dma_start3A_198, %dma_start3A_199] : memref<10112x128xf32, #tpu.memory_space<vmem_shared>> -> memref<10112x128xf32, #tpu.memory_space<vmem_shared>>
        tpu.enqueue_indirect_dma source(%arg9 : memref<64x128xf32, #tpu.memory_space<vmem>>) target(%dma_start3A_200 : memref<10112x128xf32, #tpu.memory_space<vmem_shared>>) offsets(%dma_start3A_197 : memref<64xi32, #tpu.memory_space<vmem>>) semaphore(%run_scoped3A : memref<!tpu.dma_semaphore, #tpu.memory_space<semaphore_mem>>) {add = true}
        %dma_wait3A_201 = arith.constant 0 : i32
        %dma_wait3A_202 = tpu.memref_slice %arg7[%add3A_136, %dma_wait3A_201] : memref<80x64xi32, #tpu.memory_space<vmem>> -> memref<1x64xi32, #tpu.memory_space<vmem>>
        %dma_wait3A_203 = tpu.memref_squeeze %dma_wait3A_202 : memref<1x64xi32, #tpu.memory_space<vmem>> -> memref<64xi32, #tpu.memory_space<vmem>>
        %dma_wait3A_204 = arith.constant 0 : i32
        %dma_wait3A_205 = arith.constant 0 : i32
        %dma_wait3A_206 = tpu.memref_slice %arg12[%dma_wait3A_204, %dma_wait3A_205] : memref<10112x128xf32, #tpu.memory_space<vmem_shared>> -> memref<10112x128xf32, #tpu.memory_space<vmem_shared>>
        tpu.wait_indirect_dma semaphore(%run_scoped3A : memref<!tpu.dma_semaphore, #tpu.memory_space<semaphore_mem>>) src(%arg9 : memref<64x128xf32, #tpu.memory_space<vmem>>) dst(%dma_wait3A_206 : memref<10112x128xf32, #tpu.memory_space<vmem_shared>>)
        tpu.yield
      }) : () -> ()
      %add3A_155 = arith.constant 2 : i32
      %add3A_156 = arith.addi %mul3A_116, %add3A_155 : i32
      %mul3A_157 = arith.constant 64 : i32
      %mul3A_158 = arith.muli %add3A_156, %mul3A_157 : i32
      %dma_wait3A_159 = tpu.memref_slice %arg6[%mul3A_158] : memref<5120xi32, #tpu.memory_space<vmem>> -> memref<64xi32, #tpu.memory_space<vmem>>
      %dma_wait3A_160 = arith.constant 0 : i32
      %dma_wait3A_161 = arith.constant 0 : i32
      %dma_wait3A_162 = tpu.memref_slice %arg2[%dma_wait3A_160, %dma_wait3A_161] : memref<10000x128xf32, #tpu.memory_space<hbm>> -> memref<10000x128xf32, #tpu.memory_space<hbm>>
      tpu.wait_indirect_dma semaphore(%arg15 : memref<!tpu.dma_semaphore, #tpu.memory_space<semaphore_mem>>) src(%dma_wait3A_162 : memref<10000x128xf32, #tpu.memory_space<hbm>>) dst(%arg10 : memref<64x128xf32, #tpu.memory_space<vmem>>)
      %add3A_163 = arith.constant 4 : i32
      %add3A_164 = arith.addi %add3A_156, %add3A_163 : i32
      %sub3A_165 = arith.constant 1 : i32
      %sub3A_166 = arith.subi %add3A_164, %sub3A_165 : i32
      %min3A_167 = arith.constant 79 : i32
      %min3A_168 = arith.minsi %sub3A_166, %min3A_167 : i32
      %mul3A_169 = arith.constant 64 : i32
      %mul3A_170 = arith.muli %min3A_168, %mul3A_169 : i32
      %dma_start3A_171 = tpu.memref_slice %arg6[%mul3A_170] : memref<5120xi32, #tpu.memory_space<vmem>> -> memref<64xi32, #tpu.memory_space<vmem>>
      %dma_start3A_172 = arith.constant 0 : i32
      %dma_start3A_173 = arith.constant 0 : i32
      %dma_start3A_174 = tpu.memref_slice %arg2[%dma_start3A_172, %dma_start3A_173] : memref<10000x128xf32, #tpu.memory_space<hbm>> -> memref<10000x128xf32, #tpu.memory_space<hbm>>
      tpu.enqueue_indirect_dma source(%dma_start3A_174 : memref<10000x128xf32, #tpu.memory_space<hbm>>) target(%arg9 : memref<64x128xf32, #tpu.memory_space<vmem>>) offsets(%dma_start3A_171 : memref<64xi32, #tpu.memory_space<vmem>>) semaphore(%arg14 : memref<!tpu.dma_semaphore, #tpu.memory_space<semaphore_mem>>)
      "tpu.region"() ({
        %run_scoped3A = tpu.sem_alloc : memref<!tpu.dma_semaphore, #tpu.memory_space<semaphore_mem>>
        %dma_start3A_195 = arith.constant 0 : i32
        %dma_start3A_196 = tpu.memref_slice %arg7[%add3A_156, %dma_start3A_195] : memref<80x64xi32, #tpu.memory_space<vmem>> -> memref<1x64xi32, #tpu.memory_space<vmem>>
        %dma_start3A_197 = tpu.memref_squeeze %dma_start3A_196 : memref<1x64xi32, #tpu.memory_space<vmem>> -> memref<64xi32, #tpu.memory_space<vmem>>
        %dma_start3A_198 = arith.constant 0 : i32
        %dma_start3A_199 = arith.constant 0 : i32
        %dma_start3A_200 = tpu.memref_slice %arg12[%dma_start3A_198, %dma_start3A_199] : memref<10112x128xf32, #tpu.memory_space<vmem_shared>> -> memref<10112x128xf32, #tpu.memory_space<vmem_shared>>
        tpu.enqueue_indirect_dma source(%arg10 : memref<64x128xf32, #tpu.memory_space<vmem>>) target(%dma_start3A_200 : memref<10112x128xf32, #tpu.memory_space<vmem_shared>>) offsets(%dma_start3A_197 : memref<64xi32, #tpu.memory_space<vmem>>) semaphore(%run_scoped3A : memref<!tpu.dma_semaphore, #tpu.memory_space<semaphore_mem>>) {add = true}
        %dma_wait3A_201 = arith.constant 0 : i32
        %dma_wait3A_202 = tpu.memref_slice %arg7[%add3A_156, %dma_wait3A_201] : memref<80x64xi32, #tpu.memory_space<vmem>> -> memref<1x64xi32, #tpu.memory_space<vmem>>
        %dma_wait3A_203 = tpu.memref_squeeze %dma_wait3A_202 : memref<1x64xi32, #tpu.memory_space<vmem>> -> memref<64xi32, #tpu.memory_space<vmem>>
        %dma_wait3A_204 = arith.constant 0 : i32
        %dma_wait3A_205 = arith.constant 0 : i32
        %dma_wait3A_206 = tpu.memref_slice %arg12[%dma_wait3A_204, %dma_wait3A_205] : memref<10112x128xf32, #tpu.memory_space<vmem_shared>> -> memref<10112x128xf32, #tpu.memory_space<vmem_shared>>
        tpu.wait_indirect_dma semaphore(%run_scoped3A : memref<!tpu.dma_semaphore, #tpu.memory_space<semaphore_mem>>) src(%arg10 : memref<64x128xf32, #tpu.memory_space<vmem>>) dst(%dma_wait3A_206 : memref<10112x128xf32, #tpu.memory_space<vmem_shared>>)
        tpu.yield
      }) : () -> ()
      %add3A_175 = arith.constant 3 : i32
      %add3A_176 = arith.addi %mul3A_116, %add3A_175 : i32
      %mul3A_177 = arith.constant 64 : i32
      %mul3A_178 = arith.muli %add3A_176, %mul3A_177 : i32
      %dma_wait3A_179 = tpu.memref_slice %arg6[%mul3A_178] : memref<5120xi32, #tpu.memory_space<vmem>> -> memref<64xi32, #tpu.memory_space<vmem>>
      %dma_wait3A_180 = arith.constant 0 : i32
      %dma_wait3A_181 = arith.constant 0 : i32
      %dma_wait3A_182 = tpu.memref_slice %arg2[%dma_wait3A_180, %dma_wait3A_181] : memref<10000x128xf32, #tpu.memory_space<hbm>> -> memref<10000x128xf32, #tpu.memory_space<hbm>>
      tpu.wait_indirect_dma semaphore(%arg16 : memref<!tpu.dma_semaphore, #tpu.memory_space<semaphore_mem>>) src(%dma_wait3A_182 : memref<10000x128xf32, #tpu.memory_space<hbm>>) dst(%arg11 : memref<64x128xf32, #tpu.memory_space<vmem>>)
      %add3A_183 = arith.constant 4 : i32
      %add3A_184 = arith.addi %add3A_176, %add3A_183 : i32
      %sub3A_185 = arith.constant 1 : i32
      %sub3A_186 = arith.subi %add3A_184, %sub3A_185 : i32
      %min3A_187 = arith.constant 79 : i32
      %min3A_188 = arith.minsi %sub3A_186, %min3A_187 : i32
      %mul3A_189 = arith.constant 64 : i32
      %mul3A_190 = arith.muli %min3A_188, %mul3A_189 : i32
      %dma_start3A_191 = tpu.memref_slice %arg6[%mul3A_190] : memref<5120xi32, #tpu.memory_space<vmem>> -> memref<64xi32, #tpu.memory_space<vmem>>
      %dma_start3A_192 = arith.constant 0 : i32
      %dma_start3A_193 = arith.constant 0 : i32
      %dma_start3A_194 = tpu.memref_slice %arg2[%dma_start3A_192, %dma_start3A_193] : memref<10000x128xf32, #tpu.memory_space<hbm>> -> memref<10000x128xf32, #tpu.memory_space<hbm>>
      tpu.enqueue_indirect_dma source(%dma_start3A_194 : memref<10000x128xf32, #tpu.memory_space<hbm>>) target(%arg10 : memref<64x128xf32, #tpu.memory_space<vmem>>) offsets(%dma_start3A_191 : memref<64xi32, #tpu.memory_space<vmem>>) semaphore(%arg15 : memref<!tpu.dma_semaphore, #tpu.memory_space<semaphore_mem>>)
      "tpu.region"() ({
        %run_scoped3A = tpu.sem_alloc : memref<!tpu.dma_semaphore, #tpu.memory_space<semaphore_mem>>
        %dma_start3A_195 = arith.constant 0 : i32
        %dma_start3A_196 = tpu.memref_slice %arg7[%add3A_176, %dma_start3A_195] : memref<80x64xi32, #tpu.memory_space<vmem>> -> memref<1x64xi32, #tpu.memory_space<vmem>>
        %dma_start3A_197 = tpu.memref_squeeze %dma_start3A_196 : memref<1x64xi32, #tpu.memory_space<vmem>> -> memref<64xi32, #tpu.memory_space<vmem>>
        %dma_start3A_198 = arith.constant 0 : i32
        %dma_start3A_199 = arith.constant 0 : i32
        %dma_start3A_200 = tpu.memref_slice %arg12[%dma_start3A_198, %dma_start3A_199] : memref<10112x128xf32, #tpu.memory_space<vmem_shared>> -> memref<10112x128xf32, #tpu.memory_space<vmem_shared>>
        tpu.enqueue_indirect_dma source(%arg11 : memref<64x128xf32, #tpu.memory_space<vmem>>) target(%dma_start3A_200 : memref<10112x128xf32, #tpu.memory_space<vmem_shared>>) offsets(%dma_start3A_197 : memref<64xi32, #tpu.memory_space<vmem>>) semaphore(%run_scoped3A : memref<!tpu.dma_semaphore, #tpu.memory_space<semaphore_mem>>) {add = true}
        %dma_wait3A_201 = arith.constant 0 : i32
        %dma_wait3A_202 = tpu.memref_slice %arg7[%add3A_176, %dma_wait3A_201] : memref<80x64xi32, #tpu.memory_space<vmem>> -> memref<1x64xi32, #tpu.memory_space<vmem>>
        %dma_wait3A_203 = tpu.memref_squeeze %dma_wait3A_202 : memref<1x64xi32, #tpu.memory_space<vmem>> -> memref<64xi32, #tpu.memory_space<vmem>>
        %dma_wait3A_204 = arith.constant 0 : i32
        %dma_wait3A_205 = arith.constant 0 : i32
        %dma_wait3A_206 = tpu.memref_slice %arg12[%dma_wait3A_204, %dma_wait3A_205] : memref<10112x128xf32, #tpu.memory_space<vmem_shared>> -> memref<10112x128xf32, #tpu.memory_space<vmem_shared>>
        tpu.wait_indirect_dma semaphore(%run_scoped3A : memref<!tpu.dma_semaphore, #tpu.memory_space<semaphore_mem>>) src(%arg11 : memref<64x128xf32, #tpu.memory_space<vmem>>) dst(%dma_wait3A_206 : memref<10112x128xf32, #tpu.memory_space<vmem_shared>>)
        tpu.yield
      }) : () -> ()
    }
    %scan3A_51 = arith.constant 20 : i32
    %dma_wait3A = arith.constant 0 : i32
    %dma_wait3A_52 = tpu.memref_slice %arg6[%dma_wait3A] : memref<5120xi32, #tpu.memory_space<vmem>> -> memref<64xi32, #tpu.memory_space<vmem>>
    %dma_wait3A_53 = arith.constant 0 : i32
    %dma_wait3A_54 = arith.constant 0 : i32
    %dma_wait3A_55 = tpu.memref_slice %arg2[%dma_wait3A_53, %dma_wait3A_54] : memref<10000x128xf32, #tpu.memory_space<hbm>> -> memref<10000x128xf32, #tpu.memory_space<hbm>>
    tpu.wait_indirect_dma semaphore(%arg13 : memref<!tpu.dma_semaphore, #tpu.memory_space<semaphore_mem>>) src(%dma_wait3A_55 : memref<10000x128xf32, #tpu.memory_space<hbm>>) dst(%arg8 : memref<64x128xf32, #tpu.memory_space<vmem>>)
    %dma_wait3A_56 = arith.constant 0 : i32
    %dma_wait3A_57 = tpu.memref_slice %arg6[%dma_wait3A_56] : memref<5120xi32, #tpu.memory_space<vmem>> -> memref<64xi32, #tpu.memory_space<vmem>>
    %dma_wait3A_58 = arith.constant 0 : i32
    %dma_wait3A_59 = arith.constant 0 : i32
    %dma_wait3A_60 = tpu.memref_slice %arg2[%dma_wait3A_58, %dma_wait3A_59] : memref<10000x128xf32, #tpu.memory_space<hbm>> -> memref<10000x128xf32, #tpu.memory_space<hbm>>
    tpu.wait_indirect_dma semaphore(%arg14 : memref<!tpu.dma_semaphore, #tpu.memory_space<semaphore_mem>>) src(%dma_wait3A_60 : memref<10000x128xf32, #tpu.memory_space<hbm>>) dst(%arg9 : memref<64x128xf32, #tpu.memory_space<vmem>>)
    %dma_wait3A_61 = arith.constant 0 : i32
    %dma_wait3A_62 = tpu.memref_slice %arg6[%dma_wait3A_61] : memref<5120xi32, #tpu.memory_space<vmem>> -> memref<64xi32, #tpu.memory_space<vmem>>
    %dma_wait3A_63 = arith.constant 0 : i32
    %dma_wait3A_64 = arith.constant 0 : i32
    %dma_wait3A_65 = tpu.memref_slice %arg2[%dma_wait3A_63, %dma_wait3A_64] : memref<10000x128xf32, #tpu.memory_space<hbm>> -> memref<10000x128xf32, #tpu.memory_space<hbm>>
    tpu.wait_indirect_dma semaphore(%arg15 : memref<!tpu.dma_semaphore, #tpu.memory_space<semaphore_mem>>) src(%dma_wait3A_65 : memref<10000x128xf32, #tpu.memory_space<hbm>>) dst(%arg10 : memref<64x128xf32, #tpu.memory_space<vmem>>)
    %mul3A_66 = arith.constant 10240 : i32
    %mul3A_67 = arith.muli %add3A, %mul3A_66 : i32
    %add3A_68 = arith.constant 5120 : i32
    %add3A_69 = arith.addi %mul3A_67, %add3A_68 : i32
    "tpu.region"() ({
      %run_scoped3A = tpu.sem_alloc : memref<!tpu.dma_semaphore, #tpu.memory_space<semaphore_mem>>
      %dma_start3A_114 = tpu.memref_slice %arg3[%add3A_69] : memref<327680xi32, #tpu.memory_space<hbm>> -> memref<5120xi32, #tpu.memory_space<hbm>>
      %dma_start3A_115 = tpu.memref_slice %arg3[%add3A_69] : memref<327680xi32, #tpu.memory_space<hbm>> -> memref<5120xi32, #tpu.memory_space<hbm>>
      tpu.enqueue_dma source(%dma_start3A_115 : memref<5120xi32, #tpu.memory_space<hbm>>) target(%arg6 : memref<5120xi32, #tpu.memory_space<vmem>>) target_semaphore(%run_scoped3A : memref<!tpu.dma_semaphore, #tpu.memory_space<semaphore_mem>>)
      %dma_wait3A_116 = tpu.memref_slice %arg3[%add3A_69] : memref<327680xi32, #tpu.memory_space<hbm>> -> memref<5120xi32, #tpu.memory_space<hbm>>
      %dma_wait3A_117 = tpu.memref_slice %arg3[%add3A_69] : memref<327680xi32, #tpu.memory_space<hbm>> -> memref<5120xi32, #tpu.memory_space<hbm>>
      tpu.wait_dma2 semaphore(%run_scoped3A : memref<!tpu.dma_semaphore, #tpu.memory_space<semaphore_mem>>) src(%dma_wait3A_117 : memref<5120xi32, #tpu.memory_space<hbm>>) dst(%arg6 : memref<5120xi32, #tpu.memory_space<vmem>>)
      tpu.yield
    }) : () -> ()
    "tpu.region"() ({
      %run_scoped3A = tpu.sem_alloc : memref<!tpu.dma_semaphore, #tpu.memory_space<semaphore_mem>>
      %dma_start3A_114 = arith.constant 80 : i32
      %dma_start3A_115 = arith.constant 0 : i32
      %dma_start3A_116 = tpu.memref_slice %arg4[%add3A, %dma_start3A_114, %dma_start3A_115] : memref<32x160x64xi32, #tpu.memory_space<hbm>> -> memref<1x80x64xi32, #tpu.memory_space<hbm>>
      %dma_start3A_117 = tpu.memref_squeeze %dma_start3A_116 : memref<1x80x64xi32, #tpu.memory_space<hbm>> -> memref<80x64xi32, #tpu.memory_space<hbm>>
      %dma_start3A_118 = arith.constant 80 : i32
      %dma_start3A_119 = arith.constant 0 : i32
      %dma_start3A_120 = tpu.memref_slice %arg4[%add3A, %dma_start3A_118, %dma_start3A_119] : memref<32x160x64xi32, #tpu.memory_space<hbm>> -> memref<1x80x64xi32, #tpu.memory_space<hbm>>
      %dma_start3A_121 = tpu.memref_squeeze %dma_start3A_120 : memref<1x80x64xi32, #tpu.memory_space<hbm>> -> memref<80x64xi32, #tpu.memory_space<hbm>>
      tpu.enqueue_dma source(%dma_start3A_121 : memref<80x64xi32, #tpu.memory_space<hbm>>) target(%arg7 : memref<80x64xi32, #tpu.memory_space<vmem>>) target_semaphore(%run_scoped3A : memref<!tpu.dma_semaphore, #tpu.memory_space<semaphore_mem>>)
      %dma_wait3A_122 = arith.constant 80 : i32
      %dma_wait3A_123 = arith.constant 0 : i32
      %dma_wait3A_124 = tpu.memref_slice %arg4[%add3A, %dma_wait3A_122, %dma_wait3A_123] : memref<32x160x64xi32, #tpu.memory_space<hbm>> -> memref<1x80x64xi32, #tpu.memory_space<hbm>>
      %dma_wait3A_125 = tpu.memref_squeeze %dma_wait3A_124 : memref<1x80x64xi32, #tpu.memory_space<hbm>> -> memref<80x64xi32, #tpu.memory_space<hbm>>
      %dma_wait3A_126 = arith.constant 80 : i32
      %dma_wait3A_127 = arith.constant 0 : i32
      %dma_wait3A_128 = tpu.memref_slice %arg4[%add3A, %dma_wait3A_126, %dma_wait3A_127] : memref<32x160x64xi32, #tpu.memory_space<hbm>> -> memref<1x80x64xi32, #tpu.memory_space<hbm>>
      %dma_wait3A_129 = tpu.memref_squeeze %dma_wait3A_128 : memref<1x80x64xi32, #tpu.memory_space<hbm>> -> memref<80x64xi32, #tpu.memory_space<hbm>>
      tpu.wait_dma2 semaphore(%run_scoped3A : memref<!tpu.dma_semaphore, #tpu.memory_space<semaphore_mem>>) src(%dma_wait3A_129 : memref<80x64xi32, #tpu.memory_space<hbm>>) dst(%arg7 : memref<80x64xi32, #tpu.memory_space<vmem>>)
      tpu.yield
    }) : () -> ()
    %dma_start3A_70 = arith.constant 0 : i32
    %dma_start3A_71 = tpu.memref_slice %arg6[%dma_start3A_70] : memref<5120xi32, #tpu.memory_space<vmem>> -> memref<64xi32, #tpu.memory_space<vmem>>
    %dma_start3A_72 = arith.constant 0 : i32
    %dma_start3A_73 = arith.constant 0 : i32
    %dma_start3A_74 = tpu.memref_slice %arg2[%dma_start3A_72, %dma_start3A_73] : memref<10000x128xf32, #tpu.memory_space<hbm>> -> memref<10000x128xf32, #tpu.memory_space<hbm>>
    tpu.enqueue_indirect_dma source(%dma_start3A_74 : memref<10000x128xf32, #tpu.memory_space<hbm>>) target(%arg8 : memref<64x128xf32, #tpu.memory_space<vmem>>) offsets(%dma_start3A_71 : memref<64xi32, #tpu.memory_space<vmem>>) semaphore(%arg13 : memref<!tpu.dma_semaphore, #tpu.memory_space<semaphore_mem>>)
    %dma_start3A_75 = arith.constant 64 : i32
    %dma_start3A_76 = tpu.memref_slice %arg6[%dma_start3A_75] : memref<5120xi32, #tpu.memory_space<vmem>> -> memref<64xi32, #tpu.memory_space<vmem>>
    %dma_start3A_77 = arith.constant 0 : i32
    %dma_start3A_78 = arith.constant 0 : i32
    %dma_start3A_79 = tpu.memref_slice %arg2[%dma_start3A_77, %dma_start3A_78] : memref<10000x128xf32, #tpu.memory_space<hbm>> -> memref<10000x128xf32, #tpu.memory_space<hbm>>
    tpu.enqueue_indirect_dma source(%dma_start3A_79 : memref<10000x128xf32, #tpu.memory_space<hbm>>) target(%arg9 : memref<64x128xf32, #tpu.memory_space<vmem>>) offsets(%dma_start3A_76 : memref<64xi32, #tpu.memory_space<vmem>>) semaphore(%arg14 : memref<!tpu.dma_semaphore, #tpu.memory_space<semaphore_mem>>)
    %dma_start3A_80 = arith.constant 128 : i32
    %dma_start3A_81 = tpu.memref_slice %arg6[%dma_start3A_80] : memref<5120xi32, #tpu.memory_space<vmem>> -> memref<64xi32, #tpu.memory_space<vmem>>
    %dma_start3A_82 = arith.constant 0 : i32
    %dma_start3A_83 = arith.constant 0 : i32
    %dma_start3A_84 = tpu.memref_slice %arg2[%dma_start3A_82, %dma_start3A_83] : memref<10000x128xf32, #tpu.memory_space<hbm>> -> memref<10000x128xf32, #tpu.memory_space<hbm>>
    tpu.enqueue_indirect_dma source(%dma_start3A_84 : memref<10000x128xf32, #tpu.memory_space<hbm>>) target(%arg10 : memref<64x128xf32, #tpu.memory_space<vmem>>) offsets(%dma_start3A_81 : memref<64xi32, #tpu.memory_space<vmem>>) semaphore(%arg15 : memref<!tpu.dma_semaphore, #tpu.memory_space<semaphore_mem>>)
    %scan3A_85 = arith.constant 0 : i32
    %scan3A_86 = arith.constant 0 : i32
    %scan3A_87 = arith.constant 20 : i32
    %scan3A_88 = arith.addi %scan3A_86, %scan3A_87 : i32
    %scan3A_89 = arith.constant 1 : i32
    scf.for %scan3A_114 = %scan3A_86 to %scan3A_88 step %scan3A_89  : i32 {
      %mul3A_115 = arith.constant 4 : i32
      %mul3A_116 = arith.muli %mul3A_115, %scan3A_114 : i32
      %add3A_117 = arith.constant 0 : i32
      %add3A_118 = arith.addi %mul3A_116, %add3A_117 : i32
      %mul3A_119 = arith.constant 64 : i32
      %mul3A_120 = arith.muli %add3A_118, %mul3A_119 : i32
      %dma_wait3A_121 = tpu.memref_slice %arg6[%mul3A_120] : memref<5120xi32, #tpu.memory_space<vmem>> -> memref<64xi32, #tpu.memory_space<vmem>>
      %dma_wait3A_122 = arith.constant 0 : i32
      %dma_wait3A_123 = arith.constant 0 : i32
      %dma_wait3A_124 = tpu.memref_slice %arg2[%dma_wait3A_122, %dma_wait3A_123] : memref<10000x128xf32, #tpu.memory_space<hbm>> -> memref<10000x128xf32, #tpu.memory_space<hbm>>
      tpu.wait_indirect_dma semaphore(%arg13 : memref<!tpu.dma_semaphore, #tpu.memory_space<semaphore_mem>>) src(%dma_wait3A_124 : memref<10000x128xf32, #tpu.memory_space<hbm>>) dst(%arg8 : memref<64x128xf32, #tpu.memory_space<vmem>>)
      %add3A_125 = arith.constant 4 : i32
      %add3A_126 = arith.addi %add3A_118, %add3A_125 : i32
      %sub3A = arith.constant 1 : i32
      %sub3A_127 = arith.subi %add3A_126, %sub3A : i32
      %min3A = arith.constant 79 : i32
      %min3A_128 = arith.minsi %sub3A_127, %min3A : i32
      %mul3A_129 = arith.constant 64 : i32
      %mul3A_130 = arith.muli %min3A_128, %mul3A_129 : i32
      %dma_start3A_131 = tpu.memref_slice %arg6[%mul3A_130] : memref<5120xi32, #tpu.memory_space<vmem>> -> memref<64xi32, #tpu.memory_space<vmem>>
      %dma_start3A_132 = arith.constant 0 : i32
      %dma_start3A_133 = arith.constant 0 : i32
      %dma_start3A_134 = tpu.memref_slice %arg2[%dma_start3A_132, %dma_start3A_133] : memref<10000x128xf32, #tpu.memory_space<hbm>> -> memref<10000x128xf32, #tpu.memory_space<hbm>>
      tpu.enqueue_indirect_dma source(%dma_start3A_134 : memref<10000x128xf32, #tpu.memory_space<hbm>>) target(%arg11 : memref<64x128xf32, #tpu.memory_space<vmem>>) offsets(%dma_start3A_131 : memref<64xi32, #tpu.memory_space<vmem>>) semaphore(%arg16 : memref<!tpu.dma_semaphore, #tpu.memory_space<semaphore_mem>>)
      "tpu.region"() ({
        %run_scoped3A = tpu.sem_alloc : memref<!tpu.dma_semaphore, #tpu.memory_space<semaphore_mem>>
        %dma_start3A_195 = arith.constant 0 : i32
        %dma_start3A_196 = tpu.memref_slice %arg7[%add3A_118, %dma_start3A_195] : memref<80x64xi32, #tpu.memory_space<vmem>> -> memref<1x64xi32, #tpu.memory_space<vmem>>
        %dma_start3A_197 = tpu.memref_squeeze %dma_start3A_196 : memref<1x64xi32, #tpu.memory_space<vmem>> -> memref<64xi32, #tpu.memory_space<vmem>>
        %dma_start3A_198 = arith.constant 0 : i32
        %dma_start3A_199 = arith.constant 0 : i32
        %dma_start3A_200 = tpu.memref_slice %arg12[%dma_start3A_198, %dma_start3A_199] : memref<10112x128xf32, #tpu.memory_space<vmem_shared>> -> memref<10112x128xf32, #tpu.memory_space<vmem_shared>>
        tpu.enqueue_indirect_dma source(%arg8 : memref<64x128xf32, #tpu.memory_space<vmem>>) target(%dma_start3A_200 : memref<10112x128xf32, #tpu.memory_space<vmem_shared>>) offsets(%dma_start3A_197 : memref<64xi32, #tpu.memory_space<vmem>>) semaphore(%run_scoped3A : memref<!tpu.dma_semaphore, #tpu.memory_space<semaphore_mem>>) {add = true}
        %dma_wait3A_201 = arith.constant 0 : i32
        %dma_wait3A_202 = tpu.memref_slice %arg7[%add3A_118, %dma_wait3A_201] : memref<80x64xi32, #tpu.memory_space<vmem>> -> memref<1x64xi32, #tpu.memory_space<vmem>>
        %dma_wait3A_203 = tpu.memref_squeeze %dma_wait3A_202 : memref<1x64xi32, #tpu.memory_space<vmem>> -> memref<64xi32, #tpu.memory_space<vmem>>
        %dma_wait3A_204 = arith.constant 0 : i32
        %dma_wait3A_205 = arith.constant 0 : i32
        %dma_wait3A_206 = tpu.memref_slice %arg12[%dma_wait3A_204, %dma_wait3A_205] : memref<10112x128xf32, #tpu.memory_space<vmem_shared>> -> memref<10112x128xf32, #tpu.memory_space<vmem_shared>>
        tpu.wait_indirect_dma semaphore(%run_scoped3A : memref<!tpu.dma_semaphore, #tpu.memory_space<semaphore_mem>>) src(%arg8 : memref<64x128xf32, #tpu.memory_space<vmem>>) dst(%dma_wait3A_206 : memref<10112x128xf32, #tpu.memory_space<vmem_shared>>)
        tpu.yield
      }) : () -> ()
      %add3A_135 = arith.constant 1 : i32
      %add3A_136 = arith.addi %mul3A_116, %add3A_135 : i32
      %mul3A_137 = arith.constant 64 : i32
      %mul3A_138 = arith.muli %add3A_136, %mul3A_137 : i32
      %dma_wait3A_139 = tpu.memref_slice %arg6[%mul3A_138] : memref<5120xi32, #tpu.memory_space<vmem>> -> memref<64xi32, #tpu.memory_space<vmem>>
      %dma_wait3A_140 = arith.constant 0 : i32
      %dma_wait3A_141 = arith.constant 0 : i32
      %dma_wait3A_142 = tpu.memref_slice %arg2[%dma_wait3A_140, %dma_wait3A_141] : memref<10000x128xf32, #tpu.memory_space<hbm>> -> memref<10000x128xf32, #tpu.memory_space<hbm>>
      tpu.wait_indirect_dma semaphore(%arg14 : memref<!tpu.dma_semaphore, #tpu.memory_space<semaphore_mem>>) src(%dma_wait3A_142 : memref<10000x128xf32, #tpu.memory_space<hbm>>) dst(%arg9 : memref<64x128xf32, #tpu.memory_space<vmem>>)
      %add3A_143 = arith.constant 4 : i32
      %add3A_144 = arith.addi %add3A_136, %add3A_143 : i32
      %sub3A_145 = arith.constant 1 : i32
      %sub3A_146 = arith.subi %add3A_144, %sub3A_145 : i32
      %min3A_147 = arith.constant 79 : i32
      %min3A_148 = arith.minsi %sub3A_146, %min3A_147 : i32
      %mul3A_149 = arith.constant 64 : i32
      %mul3A_150 = arith.muli %min3A_148, %mul3A_149 : i32
      %dma_start3A_151 = tpu.memref_slice %arg6[%mul3A_150] : memref<5120xi32, #tpu.memory_space<vmem>> -> memref<64xi32, #tpu.memory_space<vmem>>
      %dma_start3A_152 = arith.constant 0 : i32
      %dma_start3A_153 = arith.constant 0 : i32
      %dma_start3A_154 = tpu.memref_slice %arg2[%dma_start3A_152, %dma_start3A_153] : memref<10000x128xf32, #tpu.memory_space<hbm>> -> memref<10000x128xf32, #tpu.memory_space<hbm>>
      tpu.enqueue_indirect_dma source(%dma_start3A_154 : memref<10000x128xf32, #tpu.memory_space<hbm>>) target(%arg8 : memref<64x128xf32, #tpu.memory_space<vmem>>) offsets(%dma_start3A_151 : memref<64xi32, #tpu.memory_space<vmem>>) semaphore(%arg13 : memref<!tpu.dma_semaphore, #tpu.memory_space<semaphore_mem>>)
      "tpu.region"() ({
        %run_scoped3A = tpu.sem_alloc : memref<!tpu.dma_semaphore, #tpu.memory_space<semaphore_mem>>
        %dma_start3A_195 = arith.constant 0 : i32
        %dma_start3A_196 = tpu.memref_slice %arg7[%add3A_136, %dma_start3A_195] : memref<80x64xi32, #tpu.memory_space<vmem>> -> memref<1x64xi32, #tpu.memory_space<vmem>>
        %dma_start3A_197 = tpu.memref_squeeze %dma_start3A_196 : memref<1x64xi32, #tpu.memory_space<vmem>> -> memref<64xi32, #tpu.memory_space<vmem>>
        %dma_start3A_198 = arith.constant 0 : i32
        %dma_start3A_199 = arith.constant 0 : i32
        %dma_start3A_200 = tpu.memref_slice %arg12[%dma_start3A_198, %dma_start3A_199] : memref<10112x128xf32, #tpu.memory_space<vmem_shared>> -> memref<10112x128xf32, #tpu.memory_space<vmem_shared>>
        tpu.enqueue_indirect_dma source(%arg9 : memref<64x128xf32, #tpu.memory_space<vmem>>) target(%dma_start3A_200 : memref<10112x128xf32, #tpu.memory_space<vmem_shared>>) offsets(%dma_start3A_197 : memref<64xi32, #tpu.memory_space<vmem>>) semaphore(%run_scoped3A : memref<!tpu.dma_semaphore, #tpu.memory_space<semaphore_mem>>) {add = true}
        %dma_wait3A_201 = arith.constant 0 : i32
        %dma_wait3A_202 = tpu.memref_slice %arg7[%add3A_136, %dma_wait3A_201] : memref<80x64xi32, #tpu.memory_space<vmem>> -> memref<1x64xi32, #tpu.memory_space<vmem>>
        %dma_wait3A_203 = tpu.memref_squeeze %dma_wait3A_202 : memref<1x64xi32, #tpu.memory_space<vmem>> -> memref<64xi32, #tpu.memory_space<vmem>>
        %dma_wait3A_204 = arith.constant 0 : i32
        %dma_wait3A_205 = arith.constant 0 : i32
        %dma_wait3A_206 = tpu.memref_slice %arg12[%dma_wait3A_204, %dma_wait3A_205] : memref<10112x128xf32, #tpu.memory_space<vmem_shared>> -> memref<10112x128xf32, #tpu.memory_space<vmem_shared>>
        tpu.wait_indirect_dma semaphore(%run_scoped3A : memref<!tpu.dma_semaphore, #tpu.memory_space<semaphore_mem>>) src(%arg9 : memref<64x128xf32, #tpu.memory_space<vmem>>) dst(%dma_wait3A_206 : memref<10112x128xf32, #tpu.memory_space<vmem_shared>>)
        tpu.yield
      }) : () -> ()
      %add3A_155 = arith.constant 2 : i32
      %add3A_156 = arith.addi %mul3A_116, %add3A_155 : i32
      %mul3A_157 = arith.constant 64 : i32
      %mul3A_158 = arith.muli %add3A_156, %mul3A_157 : i32
      %dma_wait3A_159 = tpu.memref_slice %arg6[%mul3A_158] : memref<5120xi32, #tpu.memory_space<vmem>> -> memref<64xi32, #tpu.memory_space<vmem>>
      %dma_wait3A_160 = arith.constant 0 : i32
      %dma_wait3A_161 = arith.constant 0 : i32
      %dma_wait3A_162 = tpu.memref_slice %arg2[%dma_wait3A_160, %dma_wait3A_161] : memref<10000x128xf32, #tpu.memory_space<hbm>> -> memref<10000x128xf32, #tpu.memory_space<hbm>>
      tpu.wait_indirect_dma semaphore(%arg15 : memref<!tpu.dma_semaphore, #tpu.memory_space<semaphore_mem>>) src(%dma_wait3A_162 : memref<10000x128xf32, #tpu.memory_space<hbm>>) dst(%arg10 : memref<64x128xf32, #tpu.memory_space<vmem>>)
      %add3A_163 = arith.constant 4 : i32
      %add3A_164 = arith.addi %add3A_156, %add3A_163 : i32
      %sub3A_165 = arith.constant 1 : i32
      %sub3A_166 = arith.subi %add3A_164, %sub3A_165 : i32
      %min3A_167 = arith.constant 79 : i32
      %min3A_168 = arith.minsi %sub3A_166, %min3A_167 : i32
      %mul3A_169 = arith.constant 64 : i32
      %mul3A_170 = arith.muli %min3A_168, %mul3A_169 : i32
      %dma_start3A_171 = tpu.memref_slice %arg6[%mul3A_170] : memref<5120xi32, #tpu.memory_space<vmem>> -> memref<64xi32, #tpu.memory_space<vmem>>
      %dma_start3A_172 = arith.constant 0 : i32
      %dma_start3A_173 = arith.constant 0 : i32
      %dma_start3A_174 = tpu.memref_slice %arg2[%dma_start3A_172, %dma_start3A_173] : memref<10000x128xf32, #tpu.memory_space<hbm>> -> memref<10000x128xf32, #tpu.memory_space<hbm>>
      tpu.enqueue_indirect_dma source(%dma_start3A_174 : memref<10000x128xf32, #tpu.memory_space<hbm>>) target(%arg9 : memref<64x128xf32, #tpu.memory_space<vmem>>) offsets(%dma_start3A_171 : memref<64xi32, #tpu.memory_space<vmem>>) semaphore(%arg14 : memref<!tpu.dma_semaphore, #tpu.memory_space<semaphore_mem>>)
      "tpu.region"() ({
        %run_scoped3A = tpu.sem_alloc : memref<!tpu.dma_semaphore, #tpu.memory_space<semaphore_mem>>
        %dma_start3A_195 = arith.constant 0 : i32
        %dma_start3A_196 = tpu.memref_slice %arg7[%add3A_156, %dma_start3A_195] : memref<80x64xi32, #tpu.memory_space<vmem>> -> memref<1x64xi32, #tpu.memory_space<vmem>>
        %dma_start3A_197 = tpu.memref_squeeze %dma_start3A_196 : memref<1x64xi32, #tpu.memory_space<vmem>> -> memref<64xi32, #tpu.memory_space<vmem>>
        %dma_start3A_198 = arith.constant 0 : i32
        %dma_start3A_199 = arith.constant 0 : i32
        %dma_start3A_200 = tpu.memref_slice %arg12[%dma_start3A_198, %dma_start3A_199] : memref<10112x128xf32, #tpu.memory_space<vmem_shared>> -> memref<10112x128xf32, #tpu.memory_space<vmem_shared>>
        tpu.enqueue_indirect_dma source(%arg10 : memref<64x128xf32, #tpu.memory_space<vmem>>) target(%dma_start3A_200 : memref<10112x128xf32, #tpu.memory_space<vmem_shared>>) offsets(%dma_start3A_197 : memref<64xi32, #tpu.memory_space<vmem>>) semaphore(%run_scoped3A : memref<!tpu.dma_semaphore, #tpu.memory_space<semaphore_mem>>) {add = true}
        %dma_wait3A_201 = arith.constant 0 : i32
        %dma_wait3A_202 = tpu.memref_slice %arg7[%add3A_156, %dma_wait3A_201] : memref<80x64xi32, #tpu.memory_space<vmem>> -> memref<1x64xi32, #tpu.memory_space<vmem>>
        %dma_wait3A_203 = tpu.memref_squeeze %dma_wait3A_202 : memref<1x64xi32, #tpu.memory_space<vmem>> -> memref<64xi32, #tpu.memory_space<vmem>>
        %dma_wait3A_204 = arith.constant 0 : i32
        %dma_wait3A_205 = arith.constant 0 : i32
        %dma_wait3A_206 = tpu.memref_slice %arg12[%dma_wait3A_204, %dma_wait3A_205] : memref<10112x128xf32, #tpu.memory_space<vmem_shared>> -> memref<10112x128xf32, #tpu.memory_space<vmem_shared>>
        tpu.wait_indirect_dma semaphore(%run_scoped3A : memref<!tpu.dma_semaphore, #tpu.memory_space<semaphore_mem>>) src(%arg10 : memref<64x128xf32, #tpu.memory_space<vmem>>) dst(%dma_wait3A_206 : memref<10112x128xf32, #tpu.memory_space<vmem_shared>>)
        tpu.yield
      }) : () -> ()
      %add3A_175 = arith.constant 3 : i32
      %add3A_176 = arith.addi %mul3A_116, %add3A_175 : i32
      %mul3A_177 = arith.constant 64 : i32
      %mul3A_178 = arith.muli %add3A_176, %mul3A_177 : i32
      %dma_wait3A_179 = tpu.memref_slice %arg6[%mul3A_178] : memref<5120xi32, #tpu.memory_space<vmem>> -> memref<64xi32, #tpu.memory_space<vmem>>
      %dma_wait3A_180 = arith.constant 0 : i32
      %dma_wait3A_181 = arith.constant 0 : i32
      %dma_wait3A_182 = tpu.memref_slice %arg2[%dma_wait3A_180, %dma_wait3A_181] : memref<10000x128xf32, #tpu.memory_space<hbm>> -> memref<10000x128xf32, #tpu.memory_space<hbm>>
      tpu.wait_indirect_dma semaphore(%arg16 : memref<!tpu.dma_semaphore, #tpu.memory_space<semaphore_mem>>) src(%dma_wait3A_182 : memref<10000x128xf32, #tpu.memory_space<hbm>>) dst(%arg11 : memref<64x128xf32, #tpu.memory_space<vmem>>)
      %add3A_183 = arith.constant 4 : i32
      %add3A_184 = arith.addi %add3A_176, %add3A_183 : i32
      %sub3A_185 = arith.constant 1 : i32
      %sub3A_186 = arith.subi %add3A_184, %sub3A_185 : i32
      %min3A_187 = arith.constant 79 : i32
      %min3A_188 = arith.minsi %sub3A_186, %min3A_187 : i32
      %mul3A_189 = arith.constant 64 : i32
      %mul3A_190 = arith.muli %min3A_188, %mul3A_189 : i32
      %dma_start3A_191 = tpu.memref_slice %arg6[%mul3A_190] : memref<5120xi32, #tpu.memory_space<vmem>> -> memref<64xi32, #tpu.memory_space<vmem>>
      %dma_start3A_192 = arith.constant 0 : i32
      %dma_start3A_193 = arith.constant 0 : i32
      %dma_start3A_194 = tpu.memref_slice %arg2[%dma_start3A_192, %dma_start3A_193] : memref<10000x128xf32, #tpu.memory_space<hbm>> -> memref<10000x128xf32, #tpu.memory_space<hbm>>
      tpu.enqueue_indirect_dma source(%dma_start3A_194 : memref<10000x128xf32, #tpu.memory_space<hbm>>) target(%arg10 : memref<64x128xf32, #tpu.memory_space<vmem>>) offsets(%dma_start3A_191 : memref<64xi32, #tpu.memory_space<vmem>>) semaphore(%arg15 : memref<!tpu.dma_semaphore, #tpu.memory_space<semaphore_mem>>)
      "tpu.region"() ({
        %run_scoped3A = tpu.sem_alloc : memref<!tpu.dma_semaphore, #tpu.memory_space<semaphore_mem>>
        %dma_start3A_195 = arith.constant 0 : i32
        %dma_start3A_196 = tpu.memref_slice %arg7[%add3A_176, %dma_start3A_195] : memref<80x64xi32, #tpu.memory_space<vmem>> -> memref<1x64xi32, #tpu.memory_space<vmem>>
        %dma_start3A_197 = tpu.memref_squeeze %dma_start3A_196 : memref<1x64xi32, #tpu.memory_space<vmem>> -> memref<64xi32, #tpu.memory_space<vmem>>
        %dma_start3A_198 = arith.constant 0 : i32
        %dma_start3A_199 = arith.constant 0 : i32
        %dma_start3A_200 = tpu.memref_slice %arg12[%dma_start3A_198, %dma_start3A_199] : memref<10112x128xf32, #tpu.memory_space<vmem_shared>> -> memref<10112x128xf32, #tpu.memory_space<vmem_shared>>
        tpu.enqueue_indirect_dma source(%arg11 : memref<64x128xf32, #tpu.memory_space<vmem>>) target(%dma_start3A_200 : memref<10112x128xf32, #tpu.memory_space<vmem_shared>>) offsets(%dma_start3A_197 : memref<64xi32, #tpu.memory_space<vmem>>) semaphore(%run_scoped3A : memref<!tpu.dma_semaphore, #tpu.memory_space<semaphore_mem>>) {add = true}
        %dma_wait3A_201 = arith.constant 0 : i32
        %dma_wait3A_202 = tpu.memref_slice %arg7[%add3A_176, %dma_wait3A_201] : memref<80x64xi32, #tpu.memory_space<vmem>> -> memref<1x64xi32, #tpu.memory_space<vmem>>
        %dma_wait3A_203 = tpu.memref_squeeze %dma_wait3A_202 : memref<1x64xi32, #tpu.memory_space<vmem>> -> memref<64xi32, #tpu.memory_space<vmem>>
        %dma_wait3A_204 = arith.constant 0 : i32
        %dma_wait3A_205 = arith.constant 0 : i32
        %dma_wait3A_206 = tpu.memref_slice %arg12[%dma_wait3A_204, %dma_wait3A_205] : memref<10112x128xf32, #tpu.memory_space<vmem_shared>> -> memref<10112x128xf32, #tpu.memory_space<vmem_shared>>
        tpu.wait_indirect_dma semaphore(%run_scoped3A : memref<!tpu.dma_semaphore, #tpu.memory_space<semaphore_mem>>) src(%arg11 : memref<64x128xf32, #tpu.memory_space<vmem>>) dst(%dma_wait3A_206 : memref<10112x128xf32, #tpu.memory_space<vmem_shared>>)
        tpu.yield
      }) : () -> ()
    }
    %scan3A_90 = arith.constant 20 : i32
    %dma_wait3A_91 = arith.constant 0 : i32
    %dma_wait3A_92 = tpu.memref_slice %arg6[%dma_wait3A_91] : memref<5120xi32, #tpu.memory_space<vmem>> -> memref<64xi32, #tpu.memory_space<vmem>>
    %dma_wait3A_93 = arith.constant 0 : i32
    %dma_wait3A_94 = arith.constant 0 : i32
    %dma_wait3A_95 = tpu.memref_slice %arg2[%dma_wait3A_93, %dma_wait3A_94] : memref<10000x128xf32, #tpu.memory_space<hbm>> -> memref<10000x128xf32, #tpu.memory_space<hbm>>
    tpu.wait_indirect_dma semaphore(%arg13 : memref<!tpu.dma_semaphore, #tpu.memory_space<semaphore_mem>>) src(%dma_wait3A_95 : memref<10000x128xf32, #tpu.memory_space<hbm>>) dst(%arg8 : memref<64x128xf32, #tpu.memory_space<vmem>>)
    %dma_wait3A_96 = arith.constant 0 : i32
    %dma_wait3A_97 = tpu.memref_slice %arg6[%dma_wait3A_96] : memref<5120xi32, #tpu.memory_space<vmem>> -> memref<64xi32, #tpu.memory_space<vmem>>
    %dma_wait3A_98 = arith.constant 0 : i32
    %dma_wait3A_99 = arith.constant 0 : i32
    %dma_wait3A_100 = tpu.memref_slice %arg2[%dma_wait3A_98, %dma_wait3A_99] : memref<10000x128xf32, #tpu.memory_space<hbm>> -> memref<10000x128xf32, #tpu.memory_space<hbm>>
    tpu.wait_indirect_dma semaphore(%arg14 : memref<!tpu.dma_semaphore, #tpu.memory_space<semaphore_mem>>) src(%dma_wait3A_100 : memref<10000x128xf32, #tpu.memory_space<hbm>>) dst(%arg9 : memref<64x128xf32, #tpu.memory_space<vmem>>)
    %dma_wait3A_101 = arith.constant 0 : i32
    %dma_wait3A_102 = tpu.memref_slice %arg6[%dma_wait3A_101] : memref<5120xi32, #tpu.memory_space<vmem>> -> memref<64xi32, #tpu.memory_space<vmem>>
    %dma_wait3A_103 = arith.constant 0 : i32
    %dma_wait3A_104 = arith.constant 0 : i32
    %dma_wait3A_105 = tpu.memref_slice %arg2[%dma_wait3A_103, %dma_wait3A_104] : memref<10000x128xf32, #tpu.memory_space<hbm>> -> memref<10000x128xf32, #tpu.memory_space<hbm>>
    tpu.wait_indirect_dma semaphore(%arg15 : memref<!tpu.dma_semaphore, #tpu.memory_space<semaphore_mem>>) src(%dma_wait3A_105 : memref<10000x128xf32, #tpu.memory_space<hbm>>) dst(%arg10 : memref<64x128xf32, #tpu.memory_space<vmem>>)
    %barrier3A_106 = arith.constant 0 : index
    tpu.barrier barrier_id(%barrier3A_106)
    %mul3A_107 = arith.constant 632 : i32
    %mul3A_108 = arith.muli %arg1, %mul3A_107 : i32
    %mul3A_109 = arith.constant 10112 : i32
    %mul3A_110 = arith.muli %arg0, %mul3A_109 : i32
    %mul3A_111 = arith.constant 632 : i32
    %mul3A_112 = arith.muli %arg1, %mul3A_111 : i32
    %add3A_113 = arith.addi %mul3A_110, %mul3A_112 : i32
    "tpu.region"() ({
      %run_scoped3A = tpu.sem_alloc : memref<!tpu.dma_semaphore, #tpu.memory_space<semaphore_mem>>
      %dma_start3A_114 = arith.constant 0 : i32
      %dma_start3A_115 = tpu.memref_slice %arg5[%add3A_113, %dma_start3A_114] : memref<20224x128xf32, #tpu.memory_space<hbm>> -> memref<632x128xf32, #tpu.memory_space<hbm>>
      %dma_start3A_116 = arith.constant 0 : i32
      %dma_start3A_117 = tpu.memref_slice %arg12[%mul3A_108, %dma_start3A_116] : memref<10112x128xf32, #tpu.memory_space<vmem_shared>> -> memref<632x128xf32, #tpu.memory_space<vmem_shared>>
      tpu.enqueue_dma source(%dma_start3A_117 : memref<632x128xf32, #tpu.memory_space<vmem_shared>>) target(%dma_start3A_115 : memref<632x128xf32, #tpu.memory_space<hbm>>) target_semaphore(%run_scoped3A : memref<!tpu.dma_semaphore, #tpu.memory_space<semaphore_mem>>)
      %dma_wait3A_118 = arith.constant 0 : i32
      %dma_wait3A_119 = tpu.memref_slice %arg5[%add3A_113, %dma_wait3A_118] : memref<20224x128xf32, #tpu.memory_space<hbm>> -> memref<632x128xf32, #tpu.memory_space<hbm>>
      %dma_wait3A_120 = arith.constant 0 : i32
      %dma_wait3A_121 = tpu.memref_slice %arg12[%mul3A_108, %dma_wait3A_120] : memref<10112x128xf32, #tpu.memory_space<vmem_shared>> -> memref<632x128xf32, #tpu.memory_space<vmem_shared>>
      tpu.wait_dma2 semaphore(%run_scoped3A : memref<!tpu.dma_semaphore, #tpu.memory_space<semaphore_mem>>) src(%dma_wait3A_121 : memref<632x128xf32, #tpu.memory_space<vmem_shared>>) dst(%dma_wait3A_119 : memref<632x128xf32, #tpu.memory_space<hbm>>)
      tpu.yield
    }) : () -> ()
    return
  }
}

#map = affine_map<(d0, d1) -> (0, 0, 0)>
#map1 = affine_map<(d0, d1) -> (0, 0)>
module attributes {stable_mosaic.version = 14 : i64} {
  func.func @_deg_kernel(%arg0: i32, %arg1: i32, %arg2: memref<32x80x128xi32, #tpu.memory_space<hbm>>, %arg3: memref<20224x128xf32, #tpu.memory_space<hbm>>, %arg4: memref<80x128xi32, #tpu.memory_space<vmem>>, %arg5: memref<128x128xf32, #tpu.memory_space<vmem>>, %arg6: memref<10112x128xf32, #tpu.memory_space<vmem_shared>>, %arg7: memref<!tpu.dma_semaphore, #tpu.memory_space<semaphore_mem>>, %arg8: memref<!tpu.dma_semaphore, #tpu.memory_space<semaphore_mem>>) attributes {dimension_semantics = [#tpu.dimension_semantics<core_parallel>, #tpu.dimension_semantics<subcore_parallel>], iteration_bounds = array<i64: 2, 16>, scalar_prefetch = 0 : i64, scratch_operands = 5 : i64, tpu.core_type = #tpu.core_type<sc_vector_subcore>, window_params = [{transform_indices = #map}, {transform_indices = #map1}]} {
    %mul3A = arith.constant 16 : i32
    %mul3A_0 = arith.muli %arg0, %mul3A : i32
    %add3A = arith.addi %mul3A_0, %arg1 : i32
    %scan3A = arith.constant 0 : i32
    %scan3A_1 = arith.constant 0 : i32
    %scan3A_2 = arith.constant 128 : i32
    %scan3A_3 = arith.addi %scan3A_1, %scan3A_2 : i32
    %scan3A_4 = arith.constant 1 : i32
    scf.for %scan3A_38 = %scan3A_1 to %scan3A_3 step %scan3A_4  : i32 {
      %broadcast_in_dim3A = arith.constant 0.000000e+00 : f32
      %broadcast_in_dim3A_39 = vector.broadcast %broadcast_in_dim3A : f32 to vector<16xf32>
      %swap3A = arith.index_cast %scan3A_38 : i32 to index
      %swap3A_40 = arith.constant 0 : index
      %swap3A_41 = tpu.vector_load %arg5[%swap3A, %swap3A_40] {strides = array<i32>} : memref<128x128xf32, #tpu.memory_space<vmem>>, vector<1x16xf32>,
      %swap3A_42 = vector.shape_cast %swap3A_41 : vector<1x16xf32> to vector<16xf32>
      %swap3A_43 = vector.shape_cast %broadcast_in_dim3A_39 : vector<16xf32> to vector<1x16xf32>
      tpu.vector_store %arg5[%swap3A, %swap3A_40], %swap3A_43 {strides = array<i32>} : memref<128x128xf32, #tpu.memory_space<vmem>>, vector<1x16xf32>,
      %broadcast_in_dim3A_44 = arith.constant 0.000000e+00 : f32
      %broadcast_in_dim3A_45 = vector.broadcast %broadcast_in_dim3A_44 : f32 to vector<16xf32>
      %swap3A_46 = arith.index_cast %scan3A_38 : i32 to index
      %swap3A_47 = arith.constant 16 : index
      %swap3A_48 = tpu.vector_load %arg5[%swap3A_46, %swap3A_47] {strides = array<i32>} : memref<128x128xf32, #tpu.memory_space<vmem>>, vector<1x16xf32>,
      %swap3A_49 = vector.shape_cast %swap3A_48 : vector<1x16xf32> to vector<16xf32>
      %swap3A_50 = vector.shape_cast %broadcast_in_dim3A_45 : vector<16xf32> to vector<1x16xf32>
      tpu.vector_store %arg5[%swap3A_46, %swap3A_47], %swap3A_50 {strides = array<i32>} : memref<128x128xf32, #tpu.memory_space<vmem>>, vector<1x16xf32>,
      %broadcast_in_dim3A_51 = arith.constant 0.000000e+00 : f32
      %broadcast_in_dim3A_52 = vector.broadcast %broadcast_in_dim3A_51 : f32 to vector<16xf32>
      %swap3A_53 = arith.index_cast %scan3A_38 : i32 to index
      %swap3A_54 = arith.constant 32 : index
      %swap3A_55 = tpu.vector_load %arg5[%swap3A_53, %swap3A_54] {strides = array<i32>} : memref<128x128xf32, #tpu.memory_space<vmem>>, vector<1x16xf32>,
      %swap3A_56 = vector.shape_cast %swap3A_55 : vector<1x16xf32> to vector<16xf32>
      %swap3A_57 = vector.shape_cast %broadcast_in_dim3A_52 : vector<16xf32> to vector<1x16xf32>
      tpu.vector_store %arg5[%swap3A_53, %swap3A_54], %swap3A_57 {strides = array<i32>} : memref<128x128xf32, #tpu.memory_space<vmem>>, vector<1x16xf32>,
      %broadcast_in_dim3A_58 = arith.constant 0.000000e+00 : f32
      %broadcast_in_dim3A_59 = vector.broadcast %broadcast_in_dim3A_58 : f32 to vector<16xf32>
      %swap3A_60 = arith.index_cast %scan3A_38 : i32 to index
      %swap3A_61 = arith.constant 48 : index
      %swap3A_62 = tpu.vector_load %arg5[%swap3A_60, %swap3A_61] {strides = array<i32>} : memref<128x128xf32, #tpu.memory_space<vmem>>, vector<1x16xf32>,
      %swap3A_63 = vector.shape_cast %swap3A_62 : vector<1x16xf32> to vector<16xf32>
      %swap3A_64 = vector.shape_cast %broadcast_in_dim3A_59 : vector<16xf32> to vector<1x16xf32>
      tpu.vector_store %arg5[%swap3A_60, %swap3A_61], %swap3A_64 {strides = array<i32>} : memref<128x128xf32, #tpu.memory_space<vmem>>, vector<1x16xf32>,
      %broadcast_in_dim3A_65 = arith.constant 0.000000e+00 : f32
      %broadcast_in_dim3A_66 = vector.broadcast %broadcast_in_dim3A_65 : f32 to vector<16xf32>
      %swap3A_67 = arith.index_cast %scan3A_38 : i32 to index
      %swap3A_68 = arith.constant 64 : index
      %swap3A_69 = tpu.vector_load %arg5[%swap3A_67, %swap3A_68] {strides = array<i32>} : memref<128x128xf32, #tpu.memory_space<vmem>>, vector<1x16xf32>,
      %swap3A_70 = vector.shape_cast %swap3A_69 : vector<1x16xf32> to vector<16xf32>
      %swap3A_71 = vector.shape_cast %broadcast_in_dim3A_66 : vector<16xf32> to vector<1x16xf32>
      tpu.vector_store %arg5[%swap3A_67, %swap3A_68], %swap3A_71 {strides = array<i32>} : memref<128x128xf32, #tpu.memory_space<vmem>>, vector<1x16xf32>,
      %broadcast_in_dim3A_72 = arith.constant 0.000000e+00 : f32
      %broadcast_in_dim3A_73 = vector.broadcast %broadcast_in_dim3A_72 : f32 to vector<16xf32>
      %swap3A_74 = arith.index_cast %scan3A_38 : i32 to index
      %swap3A_75 = arith.constant 80 : index
      %swap3A_76 = tpu.vector_load %arg5[%swap3A_74, %swap3A_75] {strides = array<i32>} : memref<128x128xf32, #tpu.memory_space<vmem>>, vector<1x16xf32>,
      %swap3A_77 = vector.shape_cast %swap3A_76 : vector<1x16xf32> to vector<16xf32>
      %swap3A_78 = vector.shape_cast %broadcast_in_dim3A_73 : vector<16xf32> to vector<1x16xf32>
      tpu.vector_store %arg5[%swap3A_74, %swap3A_75], %swap3A_78 {strides = array<i32>} : memref<128x128xf32, #tpu.memory_space<vmem>>, vector<1x16xf32>,
      %broadcast_in_dim3A_79 = arith.constant 0.000000e+00 : f32
      %broadcast_in_dim3A_80 = vector.broadcast %broadcast_in_dim3A_79 : f32 to vector<16xf32>
      %swap3A_81 = arith.index_cast %scan3A_38 : i32 to index
      %swap3A_82 = arith.constant 96 : index
      %swap3A_83 = tpu.vector_load %arg5[%swap3A_81, %swap3A_82] {strides = array<i32>} : memref<128x128xf32, #tpu.memory_space<vmem>>, vector<1x16xf32>,
      %swap3A_84 = vector.shape_cast %swap3A_83 : vector<1x16xf32> to vector<16xf32>
      %swap3A_85 = vector.shape_cast %broadcast_in_dim3A_80 : vector<16xf32> to vector<1x16xf32>
      tpu.vector_store %arg5[%swap3A_81, %swap3A_82], %swap3A_85 {strides = array<i32>} : memref<128x128xf32, #tpu.memory_space<vmem>>, vector<1x16xf32>,
      %broadcast_in_dim3A_86 = arith.constant 0.000000e+00 : f32
      %broadcast_in_dim3A_87 = vector.broadcast %broadcast_in_dim3A_86 : f32 to vector<16xf32>
      %swap3A_88 = arith.index_cast %scan3A_38 : i32 to index
      %swap3A_89 = arith.constant 112 : index
      %swap3A_90 = tpu.vector_load %arg5[%swap3A_88, %swap3A_89] {strides = array<i32>} : memref<128x128xf32, #tpu.memory_space<vmem>>, vector<1x16xf32>,
      %swap3A_91 = vector.shape_cast %swap3A_90 : vector<1x16xf32> to vector<16xf32>
      %swap3A_92 = vector.shape_cast %broadcast_in_dim3A_87 : vector<16xf32> to vector<1x16xf32>
      tpu.vector_store %arg5[%swap3A_88, %swap3A_89], %swap3A_92 {strides = array<i32>} : memref<128x128xf32, #tpu.memory_space<vmem>>, vector<1x16xf32>,
    }
    %scan3A_5 = arith.constant 128 : i32
    %mul3A_6 = arith.constant 632 : i32
    %mul3A_7 = arith.muli %arg1, %mul3A_6 : i32
    %add3A_8 = arith.constant 0 : i32
    %add3A_9 = arith.addi %mul3A_7, %add3A_8 : i32
    "tpu.region"() ({
      %run_scoped3A = tpu.sem_alloc : memref<!tpu.dma_semaphore, #tpu.memory_space<semaphore_mem>>
      %dma_start3A = arith.constant 0 : i32
      %dma_start3A_38 = arith.constant 0 : i32
      %dma_start3A_39 = tpu.memref_slice %arg5[%dma_start3A, %dma_start3A_38] : memref<128x128xf32, #tpu.memory_space<vmem>> -> memref<128x128xf32, #tpu.memory_space<vmem>>
      %dma_start3A_40 = arith.constant 0 : i32
      %dma_start3A_41 = tpu.memref_slice %arg6[%add3A_9, %dma_start3A_40] : memref<10112x128xf32, #tpu.memory_space<vmem_shared>> -> memref<128x128xf32, #tpu.memory_space<vmem_shared>>
      %dma_start3A_42 = arith.constant 0 : i32
      %dma_start3A_43 = tpu.memref_slice %arg6[%add3A_9, %dma_start3A_42] : memref<10112x128xf32, #tpu.memory_space<vmem_shared>> -> memref<128x128xf32, #tpu.memory_space<vmem_shared>>
      %dma_start3A_44 = arith.constant 0 : i32
      %dma_start3A_45 = arith.constant 0 : i32
      %dma_start3A_46 = tpu.memref_slice %arg5[%dma_start3A_44, %dma_start3A_45] : memref<128x128xf32, #tpu.memory_space<vmem>> -> memref<128x128xf32, #tpu.memory_space<vmem>>
      tpu.enqueue_dma source(%dma_start3A_46 : memref<128x128xf32, #tpu.memory_space<vmem>>) target(%dma_start3A_43 : memref<128x128xf32, #tpu.memory_space<vmem_shared>>) target_semaphore(%run_scoped3A : memref<!tpu.dma_semaphore, #tpu.memory_space<semaphore_mem>>)
      %dma_wait3A = arith.constant 0 : i32
      %dma_wait3A_47 = arith.constant 0 : i32
      %dma_wait3A_48 = tpu.memref_slice %arg5[%dma_wait3A, %dma_wait3A_47] : memref<128x128xf32, #tpu.memory_space<vmem>> -> memref<128x128xf32, #tpu.memory_space<vmem>>
      %dma_wait3A_49 = arith.constant 0 : i32
      %dma_wait3A_50 = tpu.memref_slice %arg6[%add3A_9, %dma_wait3A_49] : memref<10112x128xf32, #tpu.memory_space<vmem_shared>> -> memref<128x128xf32, #tpu.memory_space<vmem_shared>>
      %dma_wait3A_51 = arith.constant 0 : i32
      %dma_wait3A_52 = tpu.memref_slice %arg6[%add3A_9, %dma_wait3A_51] : memref<10112x128xf32, #tpu.memory_space<vmem_shared>> -> memref<128x128xf32, #tpu.memory_space<vmem_shared>>
      %dma_wait3A_53 = arith.constant 0 : i32
      %dma_wait3A_54 = arith.constant 0 : i32
      %dma_wait3A_55 = tpu.memref_slice %arg5[%dma_wait3A_53, %dma_wait3A_54] : memref<128x128xf32, #tpu.memory_space<vmem>> -> memref<128x128xf32, #tpu.memory_space<vmem>>
      tpu.wait_dma2 semaphore(%run_scoped3A : memref<!tpu.dma_semaphore, #tpu.memory_space<semaphore_mem>>) src(%dma_wait3A_55 : memref<128x128xf32, #tpu.memory_space<vmem>>) dst(%dma_wait3A_52 : memref<128x128xf32, #tpu.memory_space<vmem_shared>>)
      tpu.yield
    }) : () -> ()
    %add3A_10 = arith.constant 128 : i32
    %add3A_11 = arith.addi %mul3A_7, %add3A_10 : i32
    "tpu.region"() ({
      %run_scoped3A = tpu.sem_alloc : memref<!tpu.dma_semaphore, #tpu.memory_space<semaphore_mem>>
      %dma_start3A = arith.constant 0 : i32
      %dma_start3A_38 = arith.constant 0 : i32
      %dma_start3A_39 = tpu.memref_slice %arg5[%dma_start3A, %dma_start3A_38] : memref<128x128xf32, #tpu.memory_space<vmem>> -> memref<128x128xf32, #tpu.memory_space<vmem>>
      %dma_start3A_40 = arith.constant 0 : i32
      %dma_start3A_41 = tpu.memref_slice %arg6[%add3A_11, %dma_start3A_40] : memref<10112x128xf32, #tpu.memory_space<vmem_shared>> -> memref<128x128xf32, #tpu.memory_space<vmem_shared>>
      %dma_start3A_42 = arith.constant 0 : i32
      %dma_start3A_43 = tpu.memref_slice %arg6[%add3A_11, %dma_start3A_42] : memref<10112x128xf32, #tpu.memory_space<vmem_shared>> -> memref<128x128xf32, #tpu.memory_space<vmem_shared>>
      %dma_start3A_44 = arith.constant 0 : i32
      %dma_start3A_45 = arith.constant 0 : i32
      %dma_start3A_46 = tpu.memref_slice %arg5[%dma_start3A_44, %dma_start3A_45] : memref<128x128xf32, #tpu.memory_space<vmem>> -> memref<128x128xf32, #tpu.memory_space<vmem>>
      tpu.enqueue_dma source(%dma_start3A_46 : memref<128x128xf32, #tpu.memory_space<vmem>>) target(%dma_start3A_43 : memref<128x128xf32, #tpu.memory_space<vmem_shared>>) target_semaphore(%run_scoped3A : memref<!tpu.dma_semaphore, #tpu.memory_space<semaphore_mem>>)
      %dma_wait3A = arith.constant 0 : i32
      %dma_wait3A_47 = arith.constant 0 : i32
      %dma_wait3A_48 = tpu.memref_slice %arg5[%dma_wait3A, %dma_wait3A_47] : memref<128x128xf32, #tpu.memory_space<vmem>> -> memref<128x128xf32, #tpu.memory_space<vmem>>
      %dma_wait3A_49 = arith.constant 0 : i32
      %dma_wait3A_50 = tpu.memref_slice %arg6[%add3A_11, %dma_wait3A_49] : memref<10112x128xf32, #tpu.memory_space<vmem_shared>> -> memref<128x128xf32, #tpu.memory_space<vmem_shared>>
      %dma_wait3A_51 = arith.constant 0 : i32
      %dma_wait3A_52 = tpu.memref_slice %arg6[%add3A_11, %dma_wait3A_51] : memref<10112x128xf32, #tpu.memory_space<vmem_shared>> -> memref<128x128xf32, #tpu.memory_space<vmem_shared>>
      %dma_wait3A_53 = arith.constant 0 : i32
      %dma_wait3A_54 = arith.constant 0 : i32
      %dma_wait3A_55 = tpu.memref_slice %arg5[%dma_wait3A_53, %dma_wait3A_54] : memref<128x128xf32, #tpu.memory_space<vmem>> -> memref<128x128xf32, #tpu.memory_space<vmem>>
      tpu.wait_dma2 semaphore(%run_scoped3A : memref<!tpu.dma_semaphore, #tpu.memory_space<semaphore_mem>>) src(%dma_wait3A_55 : memref<128x128xf32, #tpu.memory_space<vmem>>) dst(%dma_wait3A_52 : memref<128x128xf32, #tpu.memory_space<vmem_shared>>)
      tpu.yield
    }) : () -> ()
    %add3A_12 = arith.constant 256 : i32
    %add3A_13 = arith.addi %mul3A_7, %add3A_12 : i32
    "tpu.region"() ({
      %run_scoped3A = tpu.sem_alloc : memref<!tpu.dma_semaphore, #tpu.memory_space<semaphore_mem>>
      %dma_start3A = arith.constant 0 : i32
      %dma_start3A_38 = arith.constant 0 : i32
      %dma_start3A_39 = tpu.memref_slice %arg5[%dma_start3A, %dma_start3A_38] : memref<128x128xf32, #tpu.memory_space<vmem>> -> memref<128x128xf32, #tpu.memory_space<vmem>>
      %dma_start3A_40 = arith.constant 0 : i32
      %dma_start3A_41 = tpu.memref_slice %arg6[%add3A_13, %dma_start3A_40] : memref<10112x128xf32, #tpu.memory_space<vmem_shared>> -> memref<128x128xf32, #tpu.memory_space<vmem_shared>>
      %dma_start3A_42 = arith.constant 0 : i32
      %dma_start3A_43 = tpu.memref_slice %arg6[%add3A_13, %dma_start3A_42] : memref<10112x128xf32, #tpu.memory_space<vmem_shared>> -> memref<128x128xf32, #tpu.memory_space<vmem_shared>>
      %dma_start3A_44 = arith.constant 0 : i32
      %dma_start3A_45 = arith.constant 0 : i32
      %dma_start3A_46 = tpu.memref_slice %arg5[%dma_start3A_44, %dma_start3A_45] : memref<128x128xf32, #tpu.memory_space<vmem>> -> memref<128x128xf32, #tpu.memory_space<vmem>>
      tpu.enqueue_dma source(%dma_start3A_46 : memref<128x128xf32, #tpu.memory_space<vmem>>) target(%dma_start3A_43 : memref<128x128xf32, #tpu.memory_space<vmem_shared>>) target_semaphore(%run_scoped3A : memref<!tpu.dma_semaphore, #tpu.memory_space<semaphore_mem>>)
      %dma_wait3A = arith.constant 0 : i32
      %dma_wait3A_47 = arith.constant 0 : i32
      %dma_wait3A_48 = tpu.memref_slice %arg5[%dma_wait3A, %dma_wait3A_47] : memref<128x128xf32, #tpu.memory_space<vmem>> -> memref<128x128xf32, #tpu.memory_space<vmem>>
      %dma_wait3A_49 = arith.constant 0 : i32
      %dma_wait3A_50 = tpu.memref_slice %arg6[%add3A_13, %dma_wait3A_49] : memref<10112x128xf32, #tpu.memory_space<vmem_shared>> -> memref<128x128xf32, #tpu.memory_space<vmem_shared>>
      %dma_wait3A_51 = arith.constant 0 : i32
      %dma_wait3A_52 = tpu.memref_slice %arg6[%add3A_13, %dma_wait3A_51] : memref<10112x128xf32, #tpu.memory_space<vmem_shared>> -> memref<128x128xf32, #tpu.memory_space<vmem_shared>>
      %dma_wait3A_53 = arith.constant 0 : i32
      %dma_wait3A_54 = arith.constant 0 : i32
      %dma_wait3A_55 = tpu.memref_slice %arg5[%dma_wait3A_53, %dma_wait3A_54] : memref<128x128xf32, #tpu.memory_space<vmem>> -> memref<128x128xf32, #tpu.memory_space<vmem>>
      tpu.wait_dma2 semaphore(%run_scoped3A : memref<!tpu.dma_semaphore, #tpu.memory_space<semaphore_mem>>) src(%dma_wait3A_55 : memref<128x128xf32, #tpu.memory_space<vmem>>) dst(%dma_wait3A_52 : memref<128x128xf32, #tpu.memory_space<vmem_shared>>)
      tpu.yield
    }) : () -> ()
    %add3A_14 = arith.constant 384 : i32
    %add3A_15 = arith.addi %mul3A_7, %add3A_14 : i32
    "tpu.region"() ({
      %run_scoped3A = tpu.sem_alloc : memref<!tpu.dma_semaphore, #tpu.memory_space<semaphore_mem>>
      %dma_start3A = arith.constant 0 : i32
      %dma_start3A_38 = arith.constant 0 : i32
      %dma_start3A_39 = tpu.memref_slice %arg5[%dma_start3A, %dma_start3A_38] : memref<128x128xf32, #tpu.memory_space<vmem>> -> memref<128x128xf32, #tpu.memory_space<vmem>>
      %dma_start3A_40 = arith.constant 0 : i32
      %dma_start3A_41 = tpu.memref_slice %arg6[%add3A_15, %dma_start3A_40] : memref<10112x128xf32, #tpu.memory_space<vmem_shared>> -> memref<128x128xf32, #tpu.memory_space<vmem_shared>>
      %dma_start3A_42 = arith.constant 0 : i32
      %dma_start3A_43 = tpu.memref_slice %arg6[%add3A_15, %dma_start3A_42] : memref<10112x128xf32, #tpu.memory_space<vmem_shared>> -> memref<128x128xf32, #tpu.memory_space<vmem_shared>>
      %dma_start3A_44 = arith.constant 0 : i32
      %dma_start3A_45 = arith.constant 0 : i32
      %dma_start3A_46 = tpu.memref_slice %arg5[%dma_start3A_44, %dma_start3A_45] : memref<128x128xf32, #tpu.memory_space<vmem>> -> memref<128x128xf32, #tpu.memory_space<vmem>>
      tpu.enqueue_dma source(%dma_start3A_46 : memref<128x128xf32, #tpu.memory_space<vmem>>) target(%dma_start3A_43 : memref<128x128xf32, #tpu.memory_space<vmem_shared>>) target_semaphore(%run_scoped3A : memref<!tpu.dma_semaphore, #tpu.memory_space<semaphore_mem>>)
      %dma_wait3A = arith.constant 0 : i32
      %dma_wait3A_47 = arith.constant 0 : i32
      %dma_wait3A_48 = tpu.memref_slice %arg5[%dma_wait3A, %dma_wait3A_47] : memref<128x128xf32, #tpu.memory_space<vmem>> -> memref<128x128xf32, #tpu.memory_space<vmem>>
      %dma_wait3A_49 = arith.constant 0 : i32
      %dma_wait3A_50 = tpu.memref_slice %arg6[%add3A_15, %dma_wait3A_49] : memref<10112x128xf32, #tpu.memory_space<vmem_shared>> -> memref<128x128xf32, #tpu.memory_space<vmem_shared>>
      %dma_wait3A_51 = arith.constant 0 : i32
      %dma_wait3A_52 = tpu.memref_slice %arg6[%add3A_15, %dma_wait3A_51] : memref<10112x128xf32, #tpu.memory_space<vmem_shared>> -> memref<128x128xf32, #tpu.memory_space<vmem_shared>>
      %dma_wait3A_53 = arith.constant 0 : i32
      %dma_wait3A_54 = arith.constant 0 : i32
      %dma_wait3A_55 = tpu.memref_slice %arg5[%dma_wait3A_53, %dma_wait3A_54] : memref<128x128xf32, #tpu.memory_space<vmem>> -> memref<128x128xf32, #tpu.memory_space<vmem>>
      tpu.wait_dma2 semaphore(%run_scoped3A : memref<!tpu.dma_semaphore, #tpu.memory_space<semaphore_mem>>) src(%dma_wait3A_55 : memref<128x128xf32, #tpu.memory_space<vmem>>) dst(%dma_wait3A_52 : memref<128x128xf32, #tpu.memory_space<vmem_shared>>)
      tpu.yield
    }) : () -> ()
    %add3A_16 = arith.constant 512 : i32
    %add3A_17 = arith.addi %mul3A_7, %add3A_16 : i32
    "tpu.region"() ({
      %run_scoped3A = tpu.sem_alloc : memref<!tpu.dma_semaphore, #tpu.memory_space<semaphore_mem>>
      %dma_start3A = arith.constant 0 : i32
      %dma_start3A_38 = arith.constant 0 : i32
      %dma_start3A_39 = tpu.memref_slice %arg5[%dma_start3A, %dma_start3A_38] : memref<128x128xf32, #tpu.memory_space<vmem>> -> memref<120x128xf32, #tpu.memory_space<vmem>>
      %dma_start3A_40 = arith.constant 0 : i32
      %dma_start3A_41 = tpu.memref_slice %arg6[%add3A_17, %dma_start3A_40] : memref<10112x128xf32, #tpu.memory_space<vmem_shared>> -> memref<120x128xf32, #tpu.memory_space<vmem_shared>>
      %dma_start3A_42 = arith.constant 0 : i32
      %dma_start3A_43 = tpu.memref_slice %arg6[%add3A_17, %dma_start3A_42] : memref<10112x128xf32, #tpu.memory_space<vmem_shared>> -> memref<120x128xf32, #tpu.memory_space<vmem_shared>>
      %dma_start3A_44 = arith.constant 0 : i32
      %dma_start3A_45 = arith.constant 0 : i32
      %dma_start3A_46 = tpu.memref_slice %arg5[%dma_start3A_44, %dma_start3A_45] : memref<128x128xf32, #tpu.memory_space<vmem>> -> memref<120x128xf32, #tpu.memory_space<vmem>>
      tpu.enqueue_dma source(%dma_start3A_46 : memref<120x128xf32, #tpu.memory_space<vmem>>) target(%dma_start3A_43 : memref<120x128xf32, #tpu.memory_space<vmem_shared>>) target_semaphore(%run_scoped3A : memref<!tpu.dma_semaphore, #tpu.memory_space<semaphore_mem>>)
      %dma_wait3A = arith.constant 0 : i32
      %dma_wait3A_47 = arith.constant 0 : i32
      %dma_wait3A_48 = tpu.memref_slice %arg5[%dma_wait3A, %dma_wait3A_47] : memref<128x128xf32, #tpu.memory_space<vmem>> -> memref<120x128xf32, #tpu.memory_space<vmem>>
      %dma_wait3A_49 = arith.constant 0 : i32
      %dma_wait3A_50 = tpu.memref_slice %arg6[%add3A_17, %dma_wait3A_49] : memref<10112x128xf32, #tpu.memory_space<vmem_shared>> -> memref<120x128xf32, #tpu.memory_space<vmem_shared>>
      %dma_wait3A_51 = arith.constant 0 : i32
      %dma_wait3A_52 = tpu.memref_slice %arg6[%add3A_17, %dma_wait3A_51] : memref<10112x128xf32, #tpu.memory_space<vmem_shared>> -> memref<120x128xf32, #tpu.memory_space<vmem_shared>>
      %dma_wait3A_53 = arith.constant 0 : i32
      %dma_wait3A_54 = arith.constant 0 : i32
      %dma_wait3A_55 = tpu.memref_slice %arg5[%dma_wait3A_53, %dma_wait3A_54] : memref<128x128xf32, #tpu.memory_space<vmem>> -> memref<120x128xf32, #tpu.memory_space<vmem>>
      tpu.wait_dma2 semaphore(%run_scoped3A : memref<!tpu.dma_semaphore, #tpu.memory_space<semaphore_mem>>) src(%dma_wait3A_55 : memref<120x128xf32, #tpu.memory_space<vmem>>) dst(%dma_wait3A_52 : memref<120x128xf32, #tpu.memory_space<vmem_shared>>)
      tpu.yield
    }) : () -> ()
    %scan3A_18 = arith.constant 0 : i32
    %scan3A_19 = arith.constant 0 : i32
    %scan3A_20 = arith.constant 128 : i32
    %scan3A_21 = arith.addi %scan3A_19, %scan3A_20 : i32
    %scan3A_22 = arith.constant 1 : i32
    scf.for %scan3A_38 = %scan3A_19 to %scan3A_21 step %scan3A_22  : i32 {
      %broadcast_in_dim3A = arith.constant 1.000000e+00 : f32
      %broadcast_in_dim3A_39 = vector.broadcast %broadcast_in_dim3A : f32 to vector<16xf32>
      %swap3A = arith.index_cast %scan3A_38 : i32 to index
      %swap3A_40 = arith.constant 0 : index
      %swap3A_41 = tpu.vector_load %arg5[%swap3A, %swap3A_40] {strides = array<i32>} : memref<128x128xf32, #tpu.memory_space<vmem>>, vector<1x16xf32>,
      %swap3A_42 = vector.shape_cast %swap3A_41 : vector<1x16xf32> to vector<16xf32>
      %swap3A_43 = vector.shape_cast %broadcast_in_dim3A_39 : vector<16xf32> to vector<1x16xf32>
      tpu.vector_store %arg5[%swap3A, %swap3A_40], %swap3A_43 {strides = array<i32>} : memref<128x128xf32, #tpu.memory_space<vmem>>, vector<1x16xf32>,
      %broadcast_in_dim3A_44 = arith.constant 1.000000e+00 : f32
      %broadcast_in_dim3A_45 = vector.broadcast %broadcast_in_dim3A_44 : f32 to vector<16xf32>
      %swap3A_46 = arith.index_cast %scan3A_38 : i32 to index
      %swap3A_47 = arith.constant 16 : index
      %swap3A_48 = tpu.vector_load %arg5[%swap3A_46, %swap3A_47] {strides = array<i32>} : memref<128x128xf32, #tpu.memory_space<vmem>>, vector<1x16xf32>,
      %swap3A_49 = vector.shape_cast %swap3A_48 : vector<1x16xf32> to vector<16xf32>
      %swap3A_50 = vector.shape_cast %broadcast_in_dim3A_45 : vector<16xf32> to vector<1x16xf32>
      tpu.vector_store %arg5[%swap3A_46, %swap3A_47], %swap3A_50 {strides = array<i32>} : memref<128x128xf32, #tpu.memory_space<vmem>>, vector<1x16xf32>,
      %broadcast_in_dim3A_51 = arith.constant 1.000000e+00 : f32
      %broadcast_in_dim3A_52 = vector.broadcast %broadcast_in_dim3A_51 : f32 to vector<16xf32>
      %swap3A_53 = arith.index_cast %scan3A_38 : i32 to index
      %swap3A_54 = arith.constant 32 : index
      %swap3A_55 = tpu.vector_load %arg5[%swap3A_53, %swap3A_54] {strides = array<i32>} : memref<128x128xf32, #tpu.memory_space<vmem>>, vector<1x16xf32>,
      %swap3A_56 = vector.shape_cast %swap3A_55 : vector<1x16xf32> to vector<16xf32>
      %swap3A_57 = vector.shape_cast %broadcast_in_dim3A_52 : vector<16xf32> to vector<1x16xf32>
      tpu.vector_store %arg5[%swap3A_53, %swap3A_54], %swap3A_57 {strides = array<i32>} : memref<128x128xf32, #tpu.memory_space<vmem>>, vector<1x16xf32>,
      %broadcast_in_dim3A_58 = arith.constant 1.000000e+00 : f32
      %broadcast_in_dim3A_59 = vector.broadcast %broadcast_in_dim3A_58 : f32 to vector<16xf32>
      %swap3A_60 = arith.index_cast %scan3A_38 : i32 to index
      %swap3A_61 = arith.constant 48 : index
      %swap3A_62 = tpu.vector_load %arg5[%swap3A_60, %swap3A_61] {strides = array<i32>} : memref<128x128xf32, #tpu.memory_space<vmem>>, vector<1x16xf32>,
      %swap3A_63 = vector.shape_cast %swap3A_62 : vector<1x16xf32> to vector<16xf32>
      %swap3A_64 = vector.shape_cast %broadcast_in_dim3A_59 : vector<16xf32> to vector<1x16xf32>
      tpu.vector_store %arg5[%swap3A_60, %swap3A_61], %swap3A_64 {strides = array<i32>} : memref<128x128xf32, #tpu.memory_space<vmem>>, vector<1x16xf32>,
      %broadcast_in_dim3A_65 = arith.constant 1.000000e+00 : f32
      %broadcast_in_dim3A_66 = vector.broadcast %broadcast_in_dim3A_65 : f32 to vector<16xf32>
      %swap3A_67 = arith.index_cast %scan3A_38 : i32 to index
      %swap3A_68 = arith.constant 64 : index
      %swap3A_69 = tpu.vector_load %arg5[%swap3A_67, %swap3A_68] {strides = array<i32>} : memref<128x128xf32, #tpu.memory_space<vmem>>, vector<1x16xf32>,
      %swap3A_70 = vector.shape_cast %swap3A_69 : vector<1x16xf32> to vector<16xf32>
      %swap3A_71 = vector.shape_cast %broadcast_in_dim3A_66 : vector<16xf32> to vector<1x16xf32>
      tpu.vector_store %arg5[%swap3A_67, %swap3A_68], %swap3A_71 {strides = array<i32>} : memref<128x128xf32, #tpu.memory_space<vmem>>, vector<1x16xf32>,
      %broadcast_in_dim3A_72 = arith.constant 1.000000e+00 : f32
      %broadcast_in_dim3A_73 = vector.broadcast %broadcast_in_dim3A_72 : f32 to vector<16xf32>
      %swap3A_74 = arith.index_cast %scan3A_38 : i32 to index
      %swap3A_75 = arith.constant 80 : index
      %swap3A_76 = tpu.vector_load %arg5[%swap3A_74, %swap3A_75] {strides = array<i32>} : memref<128x128xf32, #tpu.memory_space<vmem>>, vector<1x16xf32>,
      %swap3A_77 = vector.shape_cast %swap3A_76 : vector<1x16xf32> to vector<16xf32>
      %swap3A_78 = vector.shape_cast %broadcast_in_dim3A_73 : vector<16xf32> to vector<1x16xf32>
      tpu.vector_store %arg5[%swap3A_74, %swap3A_75], %swap3A_78 {strides = array<i32>} : memref<128x128xf32, #tpu.memory_space<vmem>>, vector<1x16xf32>,
      %broadcast_in_dim3A_79 = arith.constant 1.000000e+00 : f32
      %broadcast_in_dim3A_80 = vector.broadcast %broadcast_in_dim3A_79 : f32 to vector<16xf32>
      %swap3A_81 = arith.index_cast %scan3A_38 : i32 to index
      %swap3A_82 = arith.constant 96 : index
      %swap3A_83 = tpu.vector_load %arg5[%swap3A_81, %swap3A_82] {strides = array<i32>} : memref<128x128xf32, #tpu.memory_space<vmem>>, vector<1x16xf32>,
      %swap3A_84 = vector.shape_cast %swap3A_83 : vector<1x16xf32> to vector<16xf32>
      %swap3A_85 = vector.shape_cast %broadcast_in_dim3A_80 : vector<16xf32> to vector<1x16xf32>
      tpu.vector_store %arg5[%swap3A_81, %swap3A_82], %swap3A_85 {strides = array<i32>} : memref<128x128xf32, #tpu.memory_space<vmem>>, vector<1x16xf32>,
      %broadcast_in_dim3A_86 = arith.constant 1.000000e+00 : f32
      %broadcast_in_dim3A_87 = vector.broadcast %broadcast_in_dim3A_86 : f32 to vector<16xf32>
      %swap3A_88 = arith.index_cast %scan3A_38 : i32 to index
      %swap3A_89 = arith.constant 112 : index
      %swap3A_90 = tpu.vector_load %arg5[%swap3A_88, %swap3A_89] {strides = array<i32>} : memref<128x128xf32, #tpu.memory_space<vmem>>, vector<1x16xf32>,
      %swap3A_91 = vector.shape_cast %swap3A_90 : vector<1x16xf32> to vector<16xf32>
      %swap3A_92 = vector.shape_cast %broadcast_in_dim3A_87 : vector<16xf32> to vector<1x16xf32>
      tpu.vector_store %arg5[%swap3A_88, %swap3A_89], %swap3A_92 {strides = array<i32>} : memref<128x128xf32, #tpu.memory_space<vmem>>, vector<1x16xf32>,
    }
    %scan3A_23 = arith.constant 128 : i32
    "tpu.region"() ({
      %run_scoped3A = tpu.sem_alloc : memref<!tpu.dma_semaphore, #tpu.memory_space<semaphore_mem>>
      %dma_start3A = arith.constant 0 : i32
      %dma_start3A_38 = arith.constant 0 : i32
      %dma_start3A_39 = tpu.memref_slice %arg2[%add3A, %dma_start3A, %dma_start3A_38] : memref<32x80x128xi32, #tpu.memory_space<hbm>> -> memref<1x80x128xi32, #tpu.memory_space<hbm>>
      %dma_start3A_40 = tpu.memref_squeeze %dma_start3A_39 : memref<1x80x128xi32, #tpu.memory_space<hbm>> -> memref<80x128xi32, #tpu.memory_space<hbm>>
      %dma_start3A_41 = arith.constant 0 : i32
      %dma_start3A_42 = arith.constant 0 : i32
      %dma_start3A_43 = tpu.memref_slice %arg2[%add3A, %dma_start3A_41, %dma_start3A_42] : memref<32x80x128xi32, #tpu.memory_space<hbm>> -> memref<1x80x128xi32, #tpu.memory_space<hbm>>
      %dma_start3A_44 = tpu.memref_squeeze %dma_start3A_43 : memref<1x80x128xi32, #tpu.memory_space<hbm>> -> memref<80x128xi32, #tpu.memory_space<hbm>>
      tpu.enqueue_dma source(%dma_start3A_44 : memref<80x128xi32, #tpu.memory_space<hbm>>) target(%arg4 : memref<80x128xi32, #tpu.memory_space<vmem>>) target_semaphore(%run_scoped3A : memref<!tpu.dma_semaphore, #tpu.memory_space<semaphore_mem>>)
      %dma_wait3A = arith.constant 0 : i32
      %dma_wait3A_45 = arith.constant 0 : i32
      %dma_wait3A_46 = tpu.memref_slice %arg2[%add3A, %dma_wait3A, %dma_wait3A_45] : memref<32x80x128xi32, #tpu.memory_space<hbm>> -> memref<1x80x128xi32, #tpu.memory_space<hbm>>
      %dma_wait3A_47 = tpu.memref_squeeze %dma_wait3A_46 : memref<1x80x128xi32, #tpu.memory_space<hbm>> -> memref<80x128xi32, #tpu.memory_space<hbm>>
      %dma_wait3A_48 = arith.constant 0 : i32
      %dma_wait3A_49 = arith.constant 0 : i32
      %dma_wait3A_50 = tpu.memref_slice %arg2[%add3A, %dma_wait3A_48, %dma_wait3A_49] : memref<32x80x128xi32, #tpu.memory_space<hbm>> -> memref<1x80x128xi32, #tpu.memory_space<hbm>>
      %dma_wait3A_51 = tpu.memref_squeeze %dma_wait3A_50 : memref<1x80x128xi32, #tpu.memory_space<hbm>> -> memref<80x128xi32, #tpu.memory_space<hbm>>
      tpu.wait_dma2 semaphore(%run_scoped3A : memref<!tpu.dma_semaphore, #tpu.memory_space<semaphore_mem>>) src(%dma_wait3A_51 : memref<80x128xi32, #tpu.memory_space<hbm>>) dst(%arg4 : memref<80x128xi32, #tpu.memory_space<vmem>>)
      tpu.yield
    }) : () -> ()
    %barrier3A = arith.constant 0 : index
    tpu.barrier barrier_id(%barrier3A)
    %scan3A_24 = arith.constant 0 : i32
    %scan3A_25 = arith.constant 0 : i32
    %scan3A_26 = arith.constant 40 : i32
    %scan3A_27 = arith.addi %scan3A_25, %scan3A_26 : i32
    %scan3A_28 = arith.constant 1 : i32
    scf.for %scan3A_38 = %scan3A_25 to %scan3A_27 step %scan3A_28  : i32 {
      %mul3A_39 = arith.constant 2 : i32
      %mul3A_40 = arith.muli %mul3A_39, %scan3A_38 : i32
      %dma_start3A = arith.constant 0 : i32
      %dma_start3A_41 = tpu.memref_slice %arg4[%mul3A_40, %dma_start3A] : memref<80x128xi32, #tpu.memory_space<vmem>> -> memref<1x128xi32, #tpu.memory_space<vmem>>
      %dma_start3A_42 = tpu.memref_squeeze %dma_start3A_41 : memref<1x128xi32, #tpu.memory_space<vmem>> -> memref<128xi32, #tpu.memory_space<vmem>>
      %dma_start3A_43 = arith.constant 0 : i32
      %dma_start3A_44 = arith.constant 0 : i32
      %dma_start3A_45 = tpu.memref_slice %arg6[%dma_start3A_43, %dma_start3A_44] : memref<10112x128xf32, #tpu.memory_space<vmem_shared>> -> memref<10112x128xf32, #tpu.memory_space<vmem_shared>>
      tpu.enqueue_indirect_dma source(%arg5 : memref<128x128xf32, #tpu.memory_space<vmem>>) target(%dma_start3A_45 : memref<10112x128xf32, #tpu.memory_space<vmem_shared>>) offsets(%dma_start3A_42 : memref<128xi32, #tpu.memory_space<vmem>>) semaphore(%arg7 : memref<!tpu.dma_semaphore, #tpu.memory_space<semaphore_mem>>) {add = true}
      %add3A_46 = arith.constant 1 : i32
      %add3A_47 = arith.addi %mul3A_40, %add3A_46 : i32
      %dma_start3A_48 = arith.constant 0 : i32
      %dma_start3A_49 = tpu.memref_slice %arg4[%add3A_47, %dma_start3A_48] : memref<80x128xi32, #tpu.memory_space<vmem>> -> memref<1x128xi32, #tpu.memory_space<vmem>>
      %dma_start3A_50 = tpu.memref_squeeze %dma_start3A_49 : memref<1x128xi32, #tpu.memory_space<vmem>> -> memref<128xi32, #tpu.memory_space<vmem>>
      %dma_start3A_51 = arith.constant 0 : i32
      %dma_start3A_52 = arith.constant 0 : i32
      %dma_start3A_53 = tpu.memref_slice %arg6[%dma_start3A_51, %dma_start3A_52] : memref<10112x128xf32, #tpu.memory_space<vmem_shared>> -> memref<10112x128xf32, #tpu.memory_space<vmem_shared>>
      tpu.enqueue_indirect_dma source(%arg5 : memref<128x128xf32, #tpu.memory_space<vmem>>) target(%dma_start3A_53 : memref<10112x128xf32, #tpu.memory_space<vmem_shared>>) offsets(%dma_start3A_50 : memref<128xi32, #tpu.memory_space<vmem>>) semaphore(%arg8 : memref<!tpu.dma_semaphore, #tpu.memory_space<semaphore_mem>>) {add = true}
      %dma_wait3A = arith.constant 0 : i32
      %dma_wait3A_54 = tpu.memref_slice %arg4[%mul3A_40, %dma_wait3A] : memref<80x128xi32, #tpu.memory_space<vmem>> -> memref<1x128xi32, #tpu.memory_space<vmem>>
      %dma_wait3A_55 = tpu.memref_squeeze %dma_wait3A_54 : memref<1x128xi32, #tpu.memory_space<vmem>> -> memref<128xi32, #tpu.memory_space<vmem>>
      %dma_wait3A_56 = arith.constant 0 : i32
      %dma_wait3A_57 = arith.constant 0 : i32
      %dma_wait3A_58 = tpu.memref_slice %arg6[%dma_wait3A_56, %dma_wait3A_57] : memref<10112x128xf32, #tpu.memory_space<vmem_shared>> -> memref<10112x128xf32, #tpu.memory_space<vmem_shared>>
      tpu.wait_indirect_dma semaphore(%arg7 : memref<!tpu.dma_semaphore, #tpu.memory_space<semaphore_mem>>) src(%arg5 : memref<128x128xf32, #tpu.memory_space<vmem>>) dst(%dma_wait3A_58 : memref<10112x128xf32, #tpu.memory_space<vmem_shared>>)
      %add3A_59 = arith.constant 1 : i32
      %add3A_60 = arith.addi %mul3A_40, %add3A_59 : i32
      %dma_wait3A_61 = arith.constant 0 : i32
      %dma_wait3A_62 = tpu.memref_slice %arg4[%add3A_60, %dma_wait3A_61] : memref<80x128xi32, #tpu.memory_space<vmem>> -> memref<1x128xi32, #tpu.memory_space<vmem>>
      %dma_wait3A_63 = tpu.memref_squeeze %dma_wait3A_62 : memref<1x128xi32, #tpu.memory_space<vmem>> -> memref<128xi32, #tpu.memory_space<vmem>>
      %dma_wait3A_64 = arith.constant 0 : i32
      %dma_wait3A_65 = arith.constant 0 : i32
      %dma_wait3A_66 = tpu.memref_slice %arg6[%dma_wait3A_64, %dma_wait3A_65] : memref<10112x128xf32, #tpu.memory_space<vmem_shared>> -> memref<10112x128xf32, #tpu.memory_space<vmem_shared>>
      tpu.wait_indirect_dma semaphore(%arg8 : memref<!tpu.dma_semaphore, #tpu.memory_space<semaphore_mem>>) src(%arg5 : memref<128x128xf32, #tpu.memory_space<vmem>>) dst(%dma_wait3A_66 : memref<10112x128xf32, #tpu.memory_space<vmem_shared>>)
    }
    %scan3A_29 = arith.constant 40 : i32
    %barrier3A_30 = arith.constant 0 : index
    tpu.barrier barrier_id(%barrier3A_30)
    %mul3A_31 = arith.constant 632 : i32
    %mul3A_32 = arith.muli %arg1, %mul3A_31 : i32
    %mul3A_33 = arith.constant 10112 : i32
    %mul3A_34 = arith.muli %arg0, %mul3A_33 : i32
    %mul3A_35 = arith.constant 632 : i32
    %mul3A_36 = arith.muli %arg1, %mul3A_35 : i32
    %add3A_37 = arith.addi %mul3A_34, %mul3A_36 : i32
    "tpu.region"() ({
      %run_scoped3A = tpu.sem_alloc : memref<!tpu.dma_semaphore, #tpu.memory_space<semaphore_mem>>
      %dma_start3A = arith.constant 0 : i32
      %dma_start3A_38 = tpu.memref_slice %arg3[%add3A_37, %dma_start3A] : memref<20224x128xf32, #tpu.memory_space<hbm>> -> memref<632x128xf32, #tpu.memory_space<hbm>>
      %dma_start3A_39 = arith.constant 0 : i32
      %dma_start3A_40 = tpu.memref_slice %arg6[%mul3A_32, %dma_start3A_39] : memref<10112x128xf32, #tpu.memory_space<vmem_shared>> -> memref<632x128xf32, #tpu.memory_space<vmem_shared>>
      tpu.enqueue_dma source(%dma_start3A_40 : memref<632x128xf32, #tpu.memory_space<vmem_shared>>) target(%dma_start3A_38 : memref<632x128xf32, #tpu.memory_space<hbm>>) target_semaphore(%run_scoped3A : memref<!tpu.dma_semaphore, #tpu.memory_space<semaphore_mem>>)
      %dma_wait3A = arith.constant 0 : i32
      %dma_wait3A_41 = tpu.memref_slice %arg3[%add3A_37, %dma_wait3A] : memref<20224x128xf32, #tpu.memory_space<hbm>> -> memref<632x128xf32, #tpu.memory_space<hbm>>
      %dma_wait3A_42 = arith.constant 0 : i32
      %dma_wait3A_43 = tpu.memref_slice %arg6[%mul3A_32, %dma_wait3A_42] : memref<10112x128xf32, #tpu.memory_space<vmem_shared>> -> memref<632x128xf32, #tpu.memory_space<vmem_shared>>
      tpu.wait_dma2 semaphore(%run_scoped3A : memref<!tpu.dma_semaphore, #tpu.memory_space<semaphore_mem>>) src(%dma_wait3A_43 : memref<632x128xf32, #tpu.memory_space<vmem_shared>>) dst(%dma_wait3A_41 : memref<632x128xf32, #tpu.memory_space<hbm>>)
      tpu.yield
    }) : () -> ()
    return
  }
}

#map = affine_map<(d0, d1) -> (0, 0)>
#map1 = affine_map<(d0, d1) -> (0)>
#map2 = affine_map<(d0, d1) -> (0, 0, 0)>
module attributes {stable_mosaic.version = 14 : i64} {
  func.func @_msg_kernel(%arg0: i32, %arg1: i32, %arg2: memref<10000x128xf32, #tpu.memory_space<hbm>>, %arg3: memref<327680xi32, #tpu.memory_space<hbm>>, %arg4: memref<32x160x64xi32, #tpu.memory_space<hbm>>, %arg5: memref<20224x128xf32, #tpu.memory_space<hbm>>, %arg6: memref<5120xi32, #tpu.memory_space<vmem>>, %arg7: memref<80x64xi32, #tpu.memory_space<vmem>>, %arg8: memref<64x128xf32, #tpu.memory_space<vmem>>, %arg9: memref<64x128xf32, #tpu.memory_space<vmem>>, %arg10: memref<64x128xf32, #tpu.memory_space<vmem>>, %arg11: memref<64x128xf32, #tpu.memory_space<vmem>>, %arg12: memref<10112x128xf32, #tpu.memory_space<vmem_shared>>, %arg13: memref<!tpu.dma_semaphore, #tpu.memory_space<semaphore_mem>>, %arg14: memref<!tpu.dma_semaphore, #tpu.memory_space<semaphore_mem>>, %arg15: memref<!tpu.dma_semaphore, #tpu.memory_space<semaphore_mem>>, %arg16: memref<!tpu.dma_semaphore, #tpu.memory_space<semaphore_mem>>) attributes {dimension_semantics = [#tpu.dimension_semantics<core_parallel>, #tpu.dimension_semantics<subcore_parallel>], iteration_bounds = array<i64: 2, 16>, scalar_prefetch = 0 : i64, scratch_operands = 11 : i64, tpu.core_type = #tpu.core_type<sc_vector_subcore>, window_params = [{transform_indices = #map}, {transform_indices = #map1}, {transform_indices = #map2}, {transform_indices = #map}]} {
    %mul3A = arith.constant 16 : i32
    %mul3A_0 = arith.muli %arg0, %mul3A : i32
    %add3A = arith.addi %mul3A_0, %arg1 : i32
    %scan3A = arith.constant 0 : i32
    %scan3A_1 = arith.constant 0 : i32
    %scan3A_2 = arith.constant 64 : i32
    %scan3A_3 = arith.addi %scan3A_1, %scan3A_2 : i32
    %scan3A_4 = arith.constant 1 : i32
    scf.for %scan3A_114 = %scan3A_1 to %scan3A_3 step %scan3A_4  : i32 {
      %broadcast_in_dim3A = arith.constant 0.000000e+00 : f32
      %broadcast_in_dim3A_115 = vector.broadcast %broadcast_in_dim3A : f32 to vector<16xf32>
      %swap3A = arith.index_cast %scan3A_114 : i32 to index
      %swap3A_116 = arith.constant 0 : index
      %swap3A_117 = tpu.vector_load %arg8[%swap3A, %swap3A_116] {strides = array<i32>} : memref<64x128xf32, #tpu.memory_space<vmem>>, vector<1x16xf32>,
      %swap3A_118 = vector.shape_cast %swap3A_117 : vector<1x16xf32> to vector<16xf32>
      %swap3A_119 = vector.shape_cast %broadcast_in_dim3A_115 : vector<16xf32> to vector<1x16xf32>
      tpu.vector_store %arg8[%swap3A, %swap3A_116], %swap3A_119 {strides = array<i32>} : memref<64x128xf32, #tpu.memory_space<vmem>>, vector<1x16xf32>,
      %broadcast_in_dim3A_120 = arith.constant 0.000000e+00 : f32
      %broadcast_in_dim3A_121 = vector.broadcast %broadcast_in_dim3A_120 : f32 to vector<16xf32>
      %swap3A_122 = arith.index_cast %scan3A_114 : i32 to index
      %swap3A_123 = arith.constant 16 : index
      %swap3A_124 = tpu.vector_load %arg8[%swap3A_122, %swap3A_123] {strides = array<i32>} : memref<64x128xf32, #tpu.memory_space<vmem>>, vector<1x16xf32>,
      %swap3A_125 = vector.shape_cast %swap3A_124 : vector<1x16xf32> to vector<16xf32>
      %swap3A_126 = vector.shape_cast %broadcast_in_dim3A_121 : vector<16xf32> to vector<1x16xf32>
      tpu.vector_store %arg8[%swap3A_122, %swap3A_123], %swap3A_126 {strides = array<i32>} : memref<64x128xf32, #tpu.memory_space<vmem>>, vector<1x16xf32>,
      %broadcast_in_dim3A_127 = arith.constant 0.000000e+00 : f32
      %broadcast_in_dim3A_128 = vector.broadcast %broadcast_in_dim3A_127 : f32 to vector<16xf32>
      %swap3A_129 = arith.index_cast %scan3A_114 : i32 to index
      %swap3A_130 = arith.constant 32 : index
      %swap3A_131 = tpu.vector_load %arg8[%swap3A_129, %swap3A_130] {strides = array<i32>} : memref<64x128xf32, #tpu.memory_space<vmem>>, vector<1x16xf32>,
      %swap3A_132 = vector.shape_cast %swap3A_131 : vector<1x16xf32> to vector<16xf32>
      %swap3A_133 = vector.shape_cast %broadcast_in_dim3A_128 : vector<16xf32> to vector<1x16xf32>
      tpu.vector_store %arg8[%swap3A_129, %swap3A_130], %swap3A_133 {strides = array<i32>} : memref<64x128xf32, #tpu.memory_space<vmem>>, vector<1x16xf32>,
      %broadcast_in_dim3A_134 = arith.constant 0.000000e+00 : f32
      %broadcast_in_dim3A_135 = vector.broadcast %broadcast_in_dim3A_134 : f32 to vector<16xf32>
      %swap3A_136 = arith.index_cast %scan3A_114 : i32 to index
      %swap3A_137 = arith.constant 48 : index
      %swap3A_138 = tpu.vector_load %arg8[%swap3A_136, %swap3A_137] {strides = array<i32>} : memref<64x128xf32, #tpu.memory_space<vmem>>, vector<1x16xf32>,
      %swap3A_139 = vector.shape_cast %swap3A_138 : vector<1x16xf32> to vector<16xf32>
      %swap3A_140 = vector.shape_cast %broadcast_in_dim3A_135 : vector<16xf32> to vector<1x16xf32>
      tpu.vector_store %arg8[%swap3A_136, %swap3A_137], %swap3A_140 {strides = array<i32>} : memref<64x128xf32, #tpu.memory_space<vmem>>, vector<1x16xf32>,
      %broadcast_in_dim3A_141 = arith.constant 0.000000e+00 : f32
      %broadcast_in_dim3A_142 = vector.broadcast %broadcast_in_dim3A_141 : f32 to vector<16xf32>
      %swap3A_143 = arith.index_cast %scan3A_114 : i32 to index
      %swap3A_144 = arith.constant 64 : index
      %swap3A_145 = tpu.vector_load %arg8[%swap3A_143, %swap3A_144] {strides = array<i32>} : memref<64x128xf32, #tpu.memory_space<vmem>>, vector<1x16xf32>,
      %swap3A_146 = vector.shape_cast %swap3A_145 : vector<1x16xf32> to vector<16xf32>
      %swap3A_147 = vector.shape_cast %broadcast_in_dim3A_142 : vector<16xf32> to vector<1x16xf32>
      tpu.vector_store %arg8[%swap3A_143, %swap3A_144], %swap3A_147 {strides = array<i32>} : memref<64x128xf32, #tpu.memory_space<vmem>>, vector<1x16xf32>,
      %broadcast_in_dim3A_148 = arith.constant 0.000000e+00 : f32
      %broadcast_in_dim3A_149 = vector.broadcast %broadcast_in_dim3A_148 : f32 to vector<16xf32>
      %swap3A_150 = arith.index_cast %scan3A_114 : i32 to index
      %swap3A_151 = arith.constant 80 : index
      %swap3A_152 = tpu.vector_load %arg8[%swap3A_150, %swap3A_151] {strides = array<i32>} : memref<64x128xf32, #tpu.memory_space<vmem>>, vector<1x16xf32>,
      %swap3A_153 = vector.shape_cast %swap3A_152 : vector<1x16xf32> to vector<16xf32>
      %swap3A_154 = vector.shape_cast %broadcast_in_dim3A_149 : vector<16xf32> to vector<1x16xf32>
      tpu.vector_store %arg8[%swap3A_150, %swap3A_151], %swap3A_154 {strides = array<i32>} : memref<64x128xf32, #tpu.memory_space<vmem>>, vector<1x16xf32>,
      %broadcast_in_dim3A_155 = arith.constant 0.000000e+00 : f32
      %broadcast_in_dim3A_156 = vector.broadcast %broadcast_in_dim3A_155 : f32 to vector<16xf32>
      %swap3A_157 = arith.index_cast %scan3A_114 : i32 to index
      %swap3A_158 = arith.constant 96 : index
      %swap3A_159 = tpu.vector_load %arg8[%swap3A_157, %swap3A_158] {strides = array<i32>} : memref<64x128xf32, #tpu.memory_space<vmem>>, vector<1x16xf32>,
      %swap3A_160 = vector.shape_cast %swap3A_159 : vector<1x16xf32> to vector<16xf32>
      %swap3A_161 = vector.shape_cast %broadcast_in_dim3A_156 : vector<16xf32> to vector<1x16xf32>
      tpu.vector_store %arg8[%swap3A_157, %swap3A_158], %swap3A_161 {strides = array<i32>} : memref<64x128xf32, #tpu.memory_space<vmem>>, vector<1x16xf32>,
      %broadcast_in_dim3A_162 = arith.constant 0.000000e+00 : f32
      %broadcast_in_dim3A_163 = vector.broadcast %broadcast_in_dim3A_162 : f32 to vector<16xf32>
      %swap3A_164 = arith.index_cast %scan3A_114 : i32 to index
      %swap3A_165 = arith.constant 112 : index
      %swap3A_166 = tpu.vector_load %arg8[%swap3A_164, %swap3A_165] {strides = array<i32>} : memref<64x128xf32, #tpu.memory_space<vmem>>, vector<1x16xf32>,
      %swap3A_167 = vector.shape_cast %swap3A_166 : vector<1x16xf32> to vector<16xf32>
      %swap3A_168 = vector.shape_cast %broadcast_in_dim3A_163 : vector<16xf32> to vector<1x16xf32>
      tpu.vector_store %arg8[%swap3A_164, %swap3A_165], %swap3A_168 {strides = array<i32>} : memref<64x128xf32, #tpu.memory_space<vmem>>, vector<1x16xf32>,
    }
    %scan3A_5 = arith.constant 64 : i32
    %mul3A_6 = arith.constant 632 : i32
    %mul3A_7 = arith.muli %arg1, %mul3A_6 : i32
    %add3A_8 = arith.constant 0 : i32
    %add3A_9 = arith.addi %mul3A_7, %add3A_8 : i32
    "tpu.region"() ({
      %run_scoped3A = tpu.sem_alloc : memref<!tpu.dma_semaphore, #tpu.memory_space<semaphore_mem>>
      %dma_start3A_114 = arith.constant 0 : i32
      %dma_start3A_115 = arith.constant 0 : i32
      %dma_start3A_116 = tpu.memref_slice %arg8[%dma_start3A_114, %dma_start3A_115] : memref<64x128xf32, #tpu.memory_space<vmem>> -> memref<64x128xf32, #tpu.memory_space<vmem>>
      %dma_start3A_117 = arith.constant 0 : i32
      %dma_start3A_118 = tpu.memref_slice %arg12[%add3A_9, %dma_start3A_117] : memref<10112x128xf32, #tpu.memory_space<vmem_shared>> -> memref<64x128xf32, #tpu.memory_space<vmem_shared>>
      %dma_start3A_119 = arith.constant 0 : i32
      %dma_start3A_120 = tpu.memref_slice %arg12[%add3A_9, %dma_start3A_119] : memref<10112x128xf32, #tpu.memory_space<vmem_shared>> -> memref<64x128xf32, #tpu.memory_space<vmem_shared>>
      %dma_start3A_121 = arith.constant 0 : i32
      %dma_start3A_122 = arith.constant 0 : i32
      %dma_start3A_123 = tpu.memref_slice %arg8[%dma_start3A_121, %dma_start3A_122] : memref<64x128xf32, #tpu.memory_space<vmem>> -> memref<64x128xf32, #tpu.memory_space<vmem>>
      tpu.enqueue_dma source(%dma_start3A_123 : memref<64x128xf32, #tpu.memory_space<vmem>>) target(%dma_start3A_120 : memref<64x128xf32, #tpu.memory_space<vmem_shared>>) target_semaphore(%run_scoped3A : memref<!tpu.dma_semaphore, #tpu.memory_space<semaphore_mem>>)
      %dma_wait3A_124 = arith.constant 0 : i32
      %dma_wait3A_125 = arith.constant 0 : i32
      %dma_wait3A_126 = tpu.memref_slice %arg8[%dma_wait3A_124, %dma_wait3A_125] : memref<64x128xf32, #tpu.memory_space<vmem>> -> memref<64x128xf32, #tpu.memory_space<vmem>>
      %dma_wait3A_127 = arith.constant 0 : i32
      %dma_wait3A_128 = tpu.memref_slice %arg12[%add3A_9, %dma_wait3A_127] : memref<10112x128xf32, #tpu.memory_space<vmem_shared>> -> memref<64x128xf32, #tpu.memory_space<vmem_shared>>
      %dma_wait3A_129 = arith.constant 0 : i32
      %dma_wait3A_130 = tpu.memref_slice %arg12[%add3A_9, %dma_wait3A_129] : memref<10112x128xf32, #tpu.memory_space<vmem_shared>> -> memref<64x128xf32, #tpu.memory_space<vmem_shared>>
      %dma_wait3A_131 = arith.constant 0 : i32
      %dma_wait3A_132 = arith.constant 0 : i32
      %dma_wait3A_133 = tpu.memref_slice %arg8[%dma_wait3A_131, %dma_wait3A_132] : memref<64x128xf32, #tpu.memory_space<vmem>> -> memref<64x128xf32, #tpu.memory_space<vmem>>
      tpu.wait_dma2 semaphore(%run_scoped3A : memref<!tpu.dma_semaphore, #tpu.memory_space<semaphore_mem>>) src(%dma_wait3A_133 : memref<64x128xf32, #tpu.memory_space<vmem>>) dst(%dma_wait3A_130 : memref<64x128xf32, #tpu.memory_space<vmem_shared>>)
      tpu.yield
    }) : () -> ()
    %add3A_10 = arith.constant 64 : i32
    %add3A_11 = arith.addi %mul3A_7, %add3A_10 : i32
    "tpu.region"() ({
      %run_scoped3A = tpu.sem_alloc : memref<!tpu.dma_semaphore, #tpu.memory_space<semaphore_mem>>
      %dma_start3A_114 = arith.constant 0 : i32
      %dma_start3A_115 = arith.constant 0 : i32
      %dma_start3A_116 = tpu.memref_slice %arg8[%dma_start3A_114, %dma_start3A_115] : memref<64x128xf32, #tpu.memory_space<vmem>> -> memref<64x128xf32, #tpu.memory_space<vmem>>
      %dma_start3A_117 = arith.constant 0 : i32
      %dma_start3A_118 = tpu.memref_slice %arg12[%add3A_11, %dma_start3A_117] : memref<10112x128xf32, #tpu.memory_space<vmem_shared>> -> memref<64x128xf32, #tpu.memory_space<vmem_shared>>
      %dma_start3A_119 = arith.constant 0 : i32
      %dma_start3A_120 = tpu.memref_slice %arg12[%add3A_11, %dma_start3A_119] : memref<10112x128xf32, #tpu.memory_space<vmem_shared>> -> memref<64x128xf32, #tpu.memory_space<vmem_shared>>
      %dma_start3A_121 = arith.constant 0 : i32
      %dma_start3A_122 = arith.constant 0 : i32
      %dma_start3A_123 = tpu.memref_slice %arg8[%dma_start3A_121, %dma_start3A_122] : memref<64x128xf32, #tpu.memory_space<vmem>> -> memref<64x128xf32, #tpu.memory_space<vmem>>
      tpu.enqueue_dma source(%dma_start3A_123 : memref<64x128xf32, #tpu.memory_space<vmem>>) target(%dma_start3A_120 : memref<64x128xf32, #tpu.memory_space<vmem_shared>>) target_semaphore(%run_scoped3A : memref<!tpu.dma_semaphore, #tpu.memory_space<semaphore_mem>>)
      %dma_wait3A_124 = arith.constant 0 : i32
      %dma_wait3A_125 = arith.constant 0 : i32
      %dma_wait3A_126 = tpu.memref_slice %arg8[%dma_wait3A_124, %dma_wait3A_125] : memref<64x128xf32, #tpu.memory_space<vmem>> -> memref<64x128xf32, #tpu.memory_space<vmem>>
      %dma_wait3A_127 = arith.constant 0 : i32
      %dma_wait3A_128 = tpu.memref_slice %arg12[%add3A_11, %dma_wait3A_127] : memref<10112x128xf32, #tpu.memory_space<vmem_shared>> -> memref<64x128xf32, #tpu.memory_space<vmem_shared>>
      %dma_wait3A_129 = arith.constant 0 : i32
      %dma_wait3A_130 = tpu.memref_slice %arg12[%add3A_11, %dma_wait3A_129] : memref<10112x128xf32, #tpu.memory_space<vmem_shared>> -> memref<64x128xf32, #tpu.memory_space<vmem_shared>>
      %dma_wait3A_131 = arith.constant 0 : i32
      %dma_wait3A_132 = arith.constant 0 : i32
      %dma_wait3A_133 = tpu.memref_slice %arg8[%dma_wait3A_131, %dma_wait3A_132] : memref<64x128xf32, #tpu.memory_space<vmem>> -> memref<64x128xf32, #tpu.memory_space<vmem>>
      tpu.wait_dma2 semaphore(%run_scoped3A : memref<!tpu.dma_semaphore, #tpu.memory_space<semaphore_mem>>) src(%dma_wait3A_133 : memref<64x128xf32, #tpu.memory_space<vmem>>) dst(%dma_wait3A_130 : memref<64x128xf32, #tpu.memory_space<vmem_shared>>)
      tpu.yield
    }) : () -> ()
    %add3A_12 = arith.constant 128 : i32
    %add3A_13 = arith.addi %mul3A_7, %add3A_12 : i32
    "tpu.region"() ({
      %run_scoped3A = tpu.sem_alloc : memref<!tpu.dma_semaphore, #tpu.memory_space<semaphore_mem>>
      %dma_start3A_114 = arith.constant 0 : i32
      %dma_start3A_115 = arith.constant 0 : i32
      %dma_start3A_116 = tpu.memref_slice %arg8[%dma_start3A_114, %dma_start3A_115] : memref<64x128xf32, #tpu.memory_space<vmem>> -> memref<64x128xf32, #tpu.memory_space<vmem>>
      %dma_start3A_117 = arith.constant 0 : i32
      %dma_start3A_118 = tpu.memref_slice %arg12[%add3A_13, %dma_start3A_117] : memref<10112x128xf32, #tpu.memory_space<vmem_shared>> -> memref<64x128xf32, #tpu.memory_space<vmem_shared>>
      %dma_start3A_119 = arith.constant 0 : i32
      %dma_start3A_120 = tpu.memref_slice %arg12[%add3A_13, %dma_start3A_119] : memref<10112x128xf32, #tpu.memory_space<vmem_shared>> -> memref<64x128xf32, #tpu.memory_space<vmem_shared>>
      %dma_start3A_121 = arith.constant 0 : i32
      %dma_start3A_122 = arith.constant 0 : i32
      %dma_start3A_123 = tpu.memref_slice %arg8[%dma_start3A_121, %dma_start3A_122] : memref<64x128xf32, #tpu.memory_space<vmem>> -> memref<64x128xf32, #tpu.memory_space<vmem>>
      tpu.enqueue_dma source(%dma_start3A_123 : memref<64x128xf32, #tpu.memory_space<vmem>>) target(%dma_start3A_120 : memref<64x128xf32, #tpu.memory_space<vmem_shared>>) target_semaphore(%run_scoped3A : memref<!tpu.dma_semaphore, #tpu.memory_space<semaphore_mem>>)
      %dma_wait3A_124 = arith.constant 0 : i32
      %dma_wait3A_125 = arith.constant 0 : i32
      %dma_wait3A_126 = tpu.memref_slice %arg8[%dma_wait3A_124, %dma_wait3A_125] : memref<64x128xf32, #tpu.memory_space<vmem>> -> memref<64x128xf32, #tpu.memory_space<vmem>>
      %dma_wait3A_127 = arith.constant 0 : i32
      %dma_wait3A_128 = tpu.memref_slice %arg12[%add3A_13, %dma_wait3A_127] : memref<10112x128xf32, #tpu.memory_space<vmem_shared>> -> memref<64x128xf32, #tpu.memory_space<vmem_shared>>
      %dma_wait3A_129 = arith.constant 0 : i32
      %dma_wait3A_130 = tpu.memref_slice %arg12[%add3A_13, %dma_wait3A_129] : memref<10112x128xf32, #tpu.memory_space<vmem_shared>> -> memref<64x128xf32, #tpu.memory_space<vmem_shared>>
      %dma_wait3A_131 = arith.constant 0 : i32
      %dma_wait3A_132 = arith.constant 0 : i32
      %dma_wait3A_133 = tpu.memref_slice %arg8[%dma_wait3A_131, %dma_wait3A_132] : memref<64x128xf32, #tpu.memory_space<vmem>> -> memref<64x128xf32, #tpu.memory_space<vmem>>
      tpu.wait_dma2 semaphore(%run_scoped3A : memref<!tpu.dma_semaphore, #tpu.memory_space<semaphore_mem>>) src(%dma_wait3A_133 : memref<64x128xf32, #tpu.memory_space<vmem>>) dst(%dma_wait3A_130 : memref<64x128xf32, #tpu.memory_space<vmem_shared>>)
      tpu.yield
    }) : () -> ()
    %add3A_14 = arith.constant 192 : i32
    %add3A_15 = arith.addi %mul3A_7, %add3A_14 : i32
    "tpu.region"() ({
      %run_scoped3A = tpu.sem_alloc : memref<!tpu.dma_semaphore, #tpu.memory_space<semaphore_mem>>
      %dma_start3A_114 = arith.constant 0 : i32
      %dma_start3A_115 = arith.constant 0 : i32
      %dma_start3A_116 = tpu.memref_slice %arg8[%dma_start3A_114, %dma_start3A_115] : memref<64x128xf32, #tpu.memory_space<vmem>> -> memref<64x128xf32, #tpu.memory_space<vmem>>
      %dma_start3A_117 = arith.constant 0 : i32
      %dma_start3A_118 = tpu.memref_slice %arg12[%add3A_15, %dma_start3A_117] : memref<10112x128xf32, #tpu.memory_space<vmem_shared>> -> memref<64x128xf32, #tpu.memory_space<vmem_shared>>
      %dma_start3A_119 = arith.constant 0 : i32
      %dma_start3A_120 = tpu.memref_slice %arg12[%add3A_15, %dma_start3A_119] : memref<10112x128xf32, #tpu.memory_space<vmem_shared>> -> memref<64x128xf32, #tpu.memory_space<vmem_shared>>
      %dma_start3A_121 = arith.constant 0 : i32
      %dma_start3A_122 = arith.constant 0 : i32
      %dma_start3A_123 = tpu.memref_slice %arg8[%dma_start3A_121, %dma_start3A_122] : memref<64x128xf32, #tpu.memory_space<vmem>> -> memref<64x128xf32, #tpu.memory_space<vmem>>
      tpu.enqueue_dma source(%dma_start3A_123 : memref<64x128xf32, #tpu.memory_space<vmem>>) target(%dma_start3A_120 : memref<64x128xf32, #tpu.memory_space<vmem_shared>>) target_semaphore(%run_scoped3A : memref<!tpu.dma_semaphore, #tpu.memory_space<semaphore_mem>>)
      %dma_wait3A_124 = arith.constant 0 : i32
      %dma_wait3A_125 = arith.constant 0 : i32
      %dma_wait3A_126 = tpu.memref_slice %arg8[%dma_wait3A_124, %dma_wait3A_125] : memref<64x128xf32, #tpu.memory_space<vmem>> -> memref<64x128xf32, #tpu.memory_space<vmem>>
      %dma_wait3A_127 = arith.constant 0 : i32
      %dma_wait3A_128 = tpu.memref_slice %arg12[%add3A_15, %dma_wait3A_127] : memref<10112x128xf32, #tpu.memory_space<vmem_shared>> -> memref<64x128xf32, #tpu.memory_space<vmem_shared>>
      %dma_wait3A_129 = arith.constant 0 : i32
      %dma_wait3A_130 = tpu.memref_slice %arg12[%add3A_15, %dma_wait3A_129] : memref<10112x128xf32, #tpu.memory_space<vmem_shared>> -> memref<64x128xf32, #tpu.memory_space<vmem_shared>>
      %dma_wait3A_131 = arith.constant 0 : i32
      %dma_wait3A_132 = arith.constant 0 : i32
      %dma_wait3A_133 = tpu.memref_slice %arg8[%dma_wait3A_131, %dma_wait3A_132] : memref<64x128xf32, #tpu.memory_space<vmem>> -> memref<64x128xf32, #tpu.memory_space<vmem>>
      tpu.wait_dma2 semaphore(%run_scoped3A : memref<!tpu.dma_semaphore, #tpu.memory_space<semaphore_mem>>) src(%dma_wait3A_133 : memref<64x128xf32, #tpu.memory_space<vmem>>) dst(%dma_wait3A_130 : memref<64x128xf32, #tpu.memory_space<vmem_shared>>)
      tpu.yield
    }) : () -> ()
    %add3A_16 = arith.constant 256 : i32
    %add3A_17 = arith.addi %mul3A_7, %add3A_16 : i32
    "tpu.region"() ({
      %run_scoped3A = tpu.sem_alloc : memref<!tpu.dma_semaphore, #tpu.memory_space<semaphore_mem>>
      %dma_start3A_114 = arith.constant 0 : i32
      %dma_start3A_115 = arith.constant 0 : i32
      %dma_start3A_116 = tpu.memref_slice %arg8[%dma_start3A_114, %dma_start3A_115] : memref<64x128xf32, #tpu.memory_space<vmem>> -> memref<64x128xf32, #tpu.memory_space<vmem>>
      %dma_start3A_117 = arith.constant 0 : i32
      %dma_start3A_118 = tpu.memref_slice %arg12[%add3A_17, %dma_start3A_117] : memref<10112x128xf32, #tpu.memory_space<vmem_shared>> -> memref<64x128xf32, #tpu.memory_space<vmem_shared>>
      %dma_start3A_119 = arith.constant 0 : i32
      %dma_start3A_120 = tpu.memref_slice %arg12[%add3A_17, %dma_start3A_119] : memref<10112x128xf32, #tpu.memory_space<vmem_shared>> -> memref<64x128xf32, #tpu.memory_space<vmem_shared>>
      %dma_start3A_121 = arith.constant 0 : i32
      %dma_start3A_122 = arith.constant 0 : i32
      %dma_start3A_123 = tpu.memref_slice %arg8[%dma_start3A_121, %dma_start3A_122] : memref<64x128xf32, #tpu.memory_space<vmem>> -> memref<64x128xf32, #tpu.memory_space<vmem>>
      tpu.enqueue_dma source(%dma_start3A_123 : memref<64x128xf32, #tpu.memory_space<vmem>>) target(%dma_start3A_120 : memref<64x128xf32, #tpu.memory_space<vmem_shared>>) target_semaphore(%run_scoped3A : memref<!tpu.dma_semaphore, #tpu.memory_space<semaphore_mem>>)
      %dma_wait3A_124 = arith.constant 0 : i32
      %dma_wait3A_125 = arith.constant 0 : i32
      %dma_wait3A_126 = tpu.memref_slice %arg8[%dma_wait3A_124, %dma_wait3A_125] : memref<64x128xf32, #tpu.memory_space<vmem>> -> memref<64x128xf32, #tpu.memory_space<vmem>>
      %dma_wait3A_127 = arith.constant 0 : i32
      %dma_wait3A_128 = tpu.memref_slice %arg12[%add3A_17, %dma_wait3A_127] : memref<10112x128xf32, #tpu.memory_space<vmem_shared>> -> memref<64x128xf32, #tpu.memory_space<vmem_shared>>
      %dma_wait3A_129 = arith.constant 0 : i32
      %dma_wait3A_130 = tpu.memref_slice %arg12[%add3A_17, %dma_wait3A_129] : memref<10112x128xf32, #tpu.memory_space<vmem_shared>> -> memref<64x128xf32, #tpu.memory_space<vmem_shared>>
      %dma_wait3A_131 = arith.constant 0 : i32
      %dma_wait3A_132 = arith.constant 0 : i32
      %dma_wait3A_133 = tpu.memref_slice %arg8[%dma_wait3A_131, %dma_wait3A_132] : memref<64x128xf32, #tpu.memory_space<vmem>> -> memref<64x128xf32, #tpu.memory_space<vmem>>
      tpu.wait_dma2 semaphore(%run_scoped3A : memref<!tpu.dma_semaphore, #tpu.memory_space<semaphore_mem>>) src(%dma_wait3A_133 : memref<64x128xf32, #tpu.memory_space<vmem>>) dst(%dma_wait3A_130 : memref<64x128xf32, #tpu.memory_space<vmem_shared>>)
      tpu.yield
    }) : () -> ()
    %add3A_18 = arith.constant 320 : i32
    %add3A_19 = arith.addi %mul3A_7, %add3A_18 : i32
    "tpu.region"() ({
      %run_scoped3A = tpu.sem_alloc : memref<!tpu.dma_semaphore, #tpu.memory_space<semaphore_mem>>
      %dma_start3A_114 = arith.constant 0 : i32
      %dma_start3A_115 = arith.constant 0 : i32
      %dma_start3A_116 = tpu.memref_slice %arg8[%dma_start3A_114, %dma_start3A_115] : memref<64x128xf32, #tpu.memory_space<vmem>> -> memref<64x128xf32, #tpu.memory_space<vmem>>
      %dma_start3A_117 = arith.constant 0 : i32
      %dma_start3A_118 = tpu.memref_slice %arg12[%add3A_19, %dma_start3A_117] : memref<10112x128xf32, #tpu.memory_space<vmem_shared>> -> memref<64x128xf32, #tpu.memory_space<vmem_shared>>
      %dma_start3A_119 = arith.constant 0 : i32
      %dma_start3A_120 = tpu.memref_slice %arg12[%add3A_19, %dma_start3A_119] : memref<10112x128xf32, #tpu.memory_space<vmem_shared>> -> memref<64x128xf32, #tpu.memory_space<vmem_shared>>
      %dma_start3A_121 = arith.constant 0 : i32
      %dma_start3A_122 = arith.constant 0 : i32
      %dma_start3A_123 = tpu.memref_slice %arg8[%dma_start3A_121, %dma_start3A_122] : memref<64x128xf32, #tpu.memory_space<vmem>> -> memref<64x128xf32, #tpu.memory_space<vmem>>
      tpu.enqueue_dma source(%dma_start3A_123 : memref<64x128xf32, #tpu.memory_space<vmem>>) target(%dma_start3A_120 : memref<64x128xf32, #tpu.memory_space<vmem_shared>>) target_semaphore(%run_scoped3A : memref<!tpu.dma_semaphore, #tpu.memory_space<semaphore_mem>>)
      %dma_wait3A_124 = arith.constant 0 : i32
      %dma_wait3A_125 = arith.constant 0 : i32
      %dma_wait3A_126 = tpu.memref_slice %arg8[%dma_wait3A_124, %dma_wait3A_125] : memref<64x128xf32, #tpu.memory_space<vmem>> -> memref<64x128xf32, #tpu.memory_space<vmem>>
      %dma_wait3A_127 = arith.constant 0 : i32
      %dma_wait3A_128 = tpu.memref_slice %arg12[%add3A_19, %dma_wait3A_127] : memref<10112x128xf32, #tpu.memory_space<vmem_shared>> -> memref<64x128xf32, #tpu.memory_space<vmem_shared>>
      %dma_wait3A_129 = arith.constant 0 : i32
      %dma_wait3A_130 = tpu.memref_slice %arg12[%add3A_19, %dma_wait3A_129] : memref<10112x128xf32, #tpu.memory_space<vmem_shared>> -> memref<64x128xf32, #tpu.memory_space<vmem_shared>>
      %dma_wait3A_131 = arith.constant 0 : i32
      %dma_wait3A_132 = arith.constant 0 : i32
      %dma_wait3A_133 = tpu.memref_slice %arg8[%dma_wait3A_131, %dma_wait3A_132] : memref<64x128xf32, #tpu.memory_space<vmem>> -> memref<64x128xf32, #tpu.memory_space<vmem>>
      tpu.wait_dma2 semaphore(%run_scoped3A : memref<!tpu.dma_semaphore, #tpu.memory_space<semaphore_mem>>) src(%dma_wait3A_133 : memref<64x128xf32, #tpu.memory_space<vmem>>) dst(%dma_wait3A_130 : memref<64x128xf32, #tpu.memory_space<vmem_shared>>)
      tpu.yield
    }) : () -> ()
    %add3A_20 = arith.constant 384 : i32
    %add3A_21 = arith.addi %mul3A_7, %add3A_20 : i32
    "tpu.region"() ({
      %run_scoped3A = tpu.sem_alloc : memref<!tpu.dma_semaphore, #tpu.memory_space<semaphore_mem>>
      %dma_start3A_114 = arith.constant 0 : i32
      %dma_start3A_115 = arith.constant 0 : i32
      %dma_start3A_116 = tpu.memref_slice %arg8[%dma_start3A_114, %dma_start3A_115] : memref<64x128xf32, #tpu.memory_space<vmem>> -> memref<64x128xf32, #tpu.memory_space<vmem>>
      %dma_start3A_117 = arith.constant 0 : i32
      %dma_start3A_118 = tpu.memref_slice %arg12[%add3A_21, %dma_start3A_117] : memref<10112x128xf32, #tpu.memory_space<vmem_shared>> -> memref<64x128xf32, #tpu.memory_space<vmem_shared>>
      %dma_start3A_119 = arith.constant 0 : i32
      %dma_start3A_120 = tpu.memref_slice %arg12[%add3A_21, %dma_start3A_119] : memref<10112x128xf32, #tpu.memory_space<vmem_shared>> -> memref<64x128xf32, #tpu.memory_space<vmem_shared>>
      %dma_start3A_121 = arith.constant 0 : i32
      %dma_start3A_122 = arith.constant 0 : i32
      %dma_start3A_123 = tpu.memref_slice %arg8[%dma_start3A_121, %dma_start3A_122] : memref<64x128xf32, #tpu.memory_space<vmem>> -> memref<64x128xf32, #tpu.memory_space<vmem>>
      tpu.enqueue_dma source(%dma_start3A_123 : memref<64x128xf32, #tpu.memory_space<vmem>>) target(%dma_start3A_120 : memref<64x128xf32, #tpu.memory_space<vmem_shared>>) target_semaphore(%run_scoped3A : memref<!tpu.dma_semaphore, #tpu.memory_space<semaphore_mem>>)
      %dma_wait3A_124 = arith.constant 0 : i32
      %dma_wait3A_125 = arith.constant 0 : i32
      %dma_wait3A_126 = tpu.memref_slice %arg8[%dma_wait3A_124, %dma_wait3A_125] : memref<64x128xf32, #tpu.memory_space<vmem>> -> memref<64x128xf32, #tpu.memory_space<vmem>>
      %dma_wait3A_127 = arith.constant 0 : i32
      %dma_wait3A_128 = tpu.memref_slice %arg12[%add3A_21, %dma_wait3A_127] : memref<10112x128xf32, #tpu.memory_space<vmem_shared>> -> memref<64x128xf32, #tpu.memory_space<vmem_shared>>
      %dma_wait3A_129 = arith.constant 0 : i32
      %dma_wait3A_130 = tpu.memref_slice %arg12[%add3A_21, %dma_wait3A_129] : memref<10112x128xf32, #tpu.memory_space<vmem_shared>> -> memref<64x128xf32, #tpu.memory_space<vmem_shared>>
      %dma_wait3A_131 = arith.constant 0 : i32
      %dma_wait3A_132 = arith.constant 0 : i32
      %dma_wait3A_133 = tpu.memref_slice %arg8[%dma_wait3A_131, %dma_wait3A_132] : memref<64x128xf32, #tpu.memory_space<vmem>> -> memref<64x128xf32, #tpu.memory_space<vmem>>
      tpu.wait_dma2 semaphore(%run_scoped3A : memref<!tpu.dma_semaphore, #tpu.memory_space<semaphore_mem>>) src(%dma_wait3A_133 : memref<64x128xf32, #tpu.memory_space<vmem>>) dst(%dma_wait3A_130 : memref<64x128xf32, #tpu.memory_space<vmem_shared>>)
      tpu.yield
    }) : () -> ()
    %add3A_22 = arith.constant 448 : i32
    %add3A_23 = arith.addi %mul3A_7, %add3A_22 : i32
    "tpu.region"() ({
      %run_scoped3A = tpu.sem_alloc : memref<!tpu.dma_semaphore, #tpu.memory_space<semaphore_mem>>
      %dma_start3A_114 = arith.constant 0 : i32
      %dma_start3A_115 = arith.constant 0 : i32
      %dma_start3A_116 = tpu.memref_slice %arg8[%dma_start3A_114, %dma_start3A_115] : memref<64x128xf32, #tpu.memory_space<vmem>> -> memref<64x128xf32, #tpu.memory_space<vmem>>
      %dma_start3A_117 = arith.constant 0 : i32
      %dma_start3A_118 = tpu.memref_slice %arg12[%add3A_23, %dma_start3A_117] : memref<10112x128xf32, #tpu.memory_space<vmem_shared>> -> memref<64x128xf32, #tpu.memory_space<vmem_shared>>
      %dma_start3A_119 = arith.constant 0 : i32
      %dma_start3A_120 = tpu.memref_slice %arg12[%add3A_23, %dma_start3A_119] : memref<10112x128xf32, #tpu.memory_space<vmem_shared>> -> memref<64x128xf32, #tpu.memory_space<vmem_shared>>
      %dma_start3A_121 = arith.constant 0 : i32
      %dma_start3A_122 = arith.constant 0 : i32
      %dma_start3A_123 = tpu.memref_slice %arg8[%dma_start3A_121, %dma_start3A_122] : memref<64x128xf32, #tpu.memory_space<vmem>> -> memref<64x128xf32, #tpu.memory_space<vmem>>
      tpu.enqueue_dma source(%dma_start3A_123 : memref<64x128xf32, #tpu.memory_space<vmem>>) target(%dma_start3A_120 : memref<64x128xf32, #tpu.memory_space<vmem_shared>>) target_semaphore(%run_scoped3A : memref<!tpu.dma_semaphore, #tpu.memory_space<semaphore_mem>>)
      %dma_wait3A_124 = arith.constant 0 : i32
      %dma_wait3A_125 = arith.constant 0 : i32
      %dma_wait3A_126 = tpu.memref_slice %arg8[%dma_wait3A_124, %dma_wait3A_125] : memref<64x128xf32, #tpu.memory_space<vmem>> -> memref<64x128xf32, #tpu.memory_space<vmem>>
      %dma_wait3A_127 = arith.constant 0 : i32
      %dma_wait3A_128 = tpu.memref_slice %arg12[%add3A_23, %dma_wait3A_127] : memref<10112x128xf32, #tpu.memory_space<vmem_shared>> -> memref<64x128xf32, #tpu.memory_space<vmem_shared>>
      %dma_wait3A_129 = arith.constant 0 : i32
      %dma_wait3A_130 = tpu.memref_slice %arg12[%add3A_23, %dma_wait3A_129] : memref<10112x128xf32, #tpu.memory_space<vmem_shared>> -> memref<64x128xf32, #tpu.memory_space<vmem_shared>>
      %dma_wait3A_131 = arith.constant 0 : i32
      %dma_wait3A_132 = arith.constant 0 : i32
      %dma_wait3A_133 = tpu.memref_slice %arg8[%dma_wait3A_131, %dma_wait3A_132] : memref<64x128xf32, #tpu.memory_space<vmem>> -> memref<64x128xf32, #tpu.memory_space<vmem>>
      tpu.wait_dma2 semaphore(%run_scoped3A : memref<!tpu.dma_semaphore, #tpu.memory_space<semaphore_mem>>) src(%dma_wait3A_133 : memref<64x128xf32, #tpu.memory_space<vmem>>) dst(%dma_wait3A_130 : memref<64x128xf32, #tpu.memory_space<vmem_shared>>)
      tpu.yield
    }) : () -> ()
    %add3A_24 = arith.constant 512 : i32
    %add3A_25 = arith.addi %mul3A_7, %add3A_24 : i32
    "tpu.region"() ({
      %run_scoped3A = tpu.sem_alloc : memref<!tpu.dma_semaphore, #tpu.memory_space<semaphore_mem>>
      %dma_start3A_114 = arith.constant 0 : i32
      %dma_start3A_115 = arith.constant 0 : i32
      %dma_start3A_116 = tpu.memref_slice %arg8[%dma_start3A_114, %dma_start3A_115] : memref<64x128xf32, #tpu.memory_space<vmem>> -> memref<64x128xf32, #tpu.memory_space<vmem>>
      %dma_start3A_117 = arith.constant 0 : i32
      %dma_start3A_118 = tpu.memref_slice %arg12[%add3A_25, %dma_start3A_117] : memref<10112x128xf32, #tpu.memory_space<vmem_shared>> -> memref<64x128xf32, #tpu.memory_space<vmem_shared>>
      %dma_start3A_119 = arith.constant 0 : i32
      %dma_start3A_120 = tpu.memref_slice %arg12[%add3A_25, %dma_start3A_119] : memref<10112x128xf32, #tpu.memory_space<vmem_shared>> -> memref<64x128xf32, #tpu.memory_space<vmem_shared>>
      %dma_start3A_121 = arith.constant 0 : i32
      %dma_start3A_122 = arith.constant 0 : i32
      %dma_start3A_123 = tpu.memref_slice %arg8[%dma_start3A_121, %dma_start3A_122] : memref<64x128xf32, #tpu.memory_space<vmem>> -> memref<64x128xf32, #tpu.memory_space<vmem>>
      tpu.enqueue_dma source(%dma_start3A_123 : memref<64x128xf32, #tpu.memory_space<vmem>>) target(%dma_start3A_120 : memref<64x128xf32, #tpu.memory_space<vmem_shared>>) target_semaphore(%run_scoped3A : memref<!tpu.dma_semaphore, #tpu.memory_space<semaphore_mem>>)
      %dma_wait3A_124 = arith.constant 0 : i32
      %dma_wait3A_125 = arith.constant 0 : i32
      %dma_wait3A_126 = tpu.memref_slice %arg8[%dma_wait3A_124, %dma_wait3A_125] : memref<64x128xf32, #tpu.memory_space<vmem>> -> memref<64x128xf32, #tpu.memory_space<vmem>>
      %dma_wait3A_127 = arith.constant 0 : i32
      %dma_wait3A_128 = tpu.memref_slice %arg12[%add3A_25, %dma_wait3A_127] : memref<10112x128xf32, #tpu.memory_space<vmem_shared>> -> memref<64x128xf32, #tpu.memory_space<vmem_shared>>
      %dma_wait3A_129 = arith.constant 0 : i32
      %dma_wait3A_130 = tpu.memref_slice %arg12[%add3A_25, %dma_wait3A_129] : memref<10112x128xf32, #tpu.memory_space<vmem_shared>> -> memref<64x128xf32, #tpu.memory_space<vmem_shared>>
      %dma_wait3A_131 = arith.constant 0 : i32
      %dma_wait3A_132 = arith.constant 0 : i32
      %dma_wait3A_133 = tpu.memref_slice %arg8[%dma_wait3A_131, %dma_wait3A_132] : memref<64x128xf32, #tpu.memory_space<vmem>> -> memref<64x128xf32, #tpu.memory_space<vmem>>
      tpu.wait_dma2 semaphore(%run_scoped3A : memref<!tpu.dma_semaphore, #tpu.memory_space<semaphore_mem>>) src(%dma_wait3A_133 : memref<64x128xf32, #tpu.memory_space<vmem>>) dst(%dma_wait3A_130 : memref<64x128xf32, #tpu.memory_space<vmem_shared>>)
      tpu.yield
    }) : () -> ()
    %add3A_26 = arith.constant 576 : i32
    %add3A_27 = arith.addi %mul3A_7, %add3A_26 : i32
    "tpu.region"() ({
      %run_scoped3A = tpu.sem_alloc : memref<!tpu.dma_semaphore, #tpu.memory_space<semaphore_mem>>
      %dma_start3A_114 = arith.constant 0 : i32
      %dma_start3A_115 = arith.constant 0 : i32
      %dma_start3A_116 = tpu.memref_slice %arg8[%dma_start3A_114, %dma_start3A_115] : memref<64x128xf32, #tpu.memory_space<vmem>> -> memref<56x128xf32, #tpu.memory_space<vmem>>
      %dma_start3A_117 = arith.constant 0 : i32
      %dma_start3A_118 = tpu.memref_slice %arg12[%add3A_27, %dma_start3A_117] : memref<10112x128xf32, #tpu.memory_space<vmem_shared>> -> memref<56x128xf32, #tpu.memory_space<vmem_shared>>
      %dma_start3A_119 = arith.constant 0 : i32
      %dma_start3A_120 = tpu.memref_slice %arg12[%add3A_27, %dma_start3A_119] : memref<10112x128xf32, #tpu.memory_space<vmem_shared>> -> memref<56x128xf32, #tpu.memory_space<vmem_shared>>
      %dma_start3A_121 = arith.constant 0 : i32
      %dma_start3A_122 = arith.constant 0 : i32
      %dma_start3A_123 = tpu.memref_slice %arg8[%dma_start3A_121, %dma_start3A_122] : memref<64x128xf32, #tpu.memory_space<vmem>> -> memref<56x128xf32, #tpu.memory_space<vmem>>
      tpu.enqueue_dma source(%dma_start3A_123 : memref<56x128xf32, #tpu.memory_space<vmem>>) target(%dma_start3A_120 : memref<56x128xf32, #tpu.memory_space<vmem_shared>>) target_semaphore(%run_scoped3A : memref<!tpu.dma_semaphore, #tpu.memory_space<semaphore_mem>>)
      %dma_wait3A_124 = arith.constant 0 : i32
      %dma_wait3A_125 = arith.constant 0 : i32
      %dma_wait3A_126 = tpu.memref_slice %arg8[%dma_wait3A_124, %dma_wait3A_125] : memref<64x128xf32, #tpu.memory_space<vmem>> -> memref<56x128xf32, #tpu.memory_space<vmem>>
      %dma_wait3A_127 = arith.constant 0 : i32
      %dma_wait3A_128 = tpu.memref_slice %arg12[%add3A_27, %dma_wait3A_127] : memref<10112x128xf32, #tpu.memory_space<vmem_shared>> -> memref<56x128xf32, #tpu.memory_space<vmem_shared>>
      %dma_wait3A_129 = arith.constant 0 : i32
      %dma_wait3A_130 = tpu.memref_slice %arg12[%add3A_27, %dma_wait3A_129] : memref<10112x128xf32, #tpu.memory_space<vmem_shared>> -> memref<56x128xf32, #tpu.memory_space<vmem_shared>>
      %dma_wait3A_131 = arith.constant 0 : i32
      %dma_wait3A_132 = arith.constant 0 : i32
      %dma_wait3A_133 = tpu.memref_slice %arg8[%dma_wait3A_131, %dma_wait3A_132] : memref<64x128xf32, #tpu.memory_space<vmem>> -> memref<56x128xf32, #tpu.memory_space<vmem>>
      tpu.wait_dma2 semaphore(%run_scoped3A : memref<!tpu.dma_semaphore, #tpu.memory_space<semaphore_mem>>) src(%dma_wait3A_133 : memref<56x128xf32, #tpu.memory_space<vmem>>) dst(%dma_wait3A_130 : memref<56x128xf32, #tpu.memory_space<vmem_shared>>)
      tpu.yield
    }) : () -> ()
    %barrier3A = arith.constant 0 : index
    tpu.barrier barrier_id(%barrier3A)
    %mul3A_28 = arith.constant 10240 : i32
    %mul3A_29 = arith.muli %add3A, %mul3A_28 : i32
    %add3A_30 = arith.constant 0 : i32
    %add3A_31 = arith.addi %mul3A_29, %add3A_30 : i32
    "tpu.region"() ({
      %run_scoped3A = tpu.sem_alloc : memref<!tpu.dma_semaphore, #tpu.memory_space<semaphore_mem>>
      %dma_start3A_114 = tpu.memref_slice %arg3[%add3A_31] : memref<327680xi32, #tpu.memory_space<hbm>> -> memref<5120xi32, #tpu.memory_space<hbm>>
      %dma_start3A_115 = tpu.memref_slice %arg3[%add3A_31] : memref<327680xi32, #tpu.memory_space<hbm>> -> memref<5120xi32, #tpu.memory_space<hbm>>
      tpu.enqueue_dma source(%dma_start3A_115 : memref<5120xi32, #tpu.memory_space<hbm>>) target(%arg6 : memref<5120xi32, #tpu.memory_space<vmem>>) target_semaphore(%run_scoped3A : memref<!tpu.dma_semaphore, #tpu.memory_space<semaphore_mem>>)
      %dma_wait3A_116 = tpu.memref_slice %arg3[%add3A_31] : memref<327680xi32, #tpu.memory_space<hbm>> -> memref<5120xi32, #tpu.memory_space<hbm>>
      %dma_wait3A_117 = tpu.memref_slice %arg3[%add3A_31] : memref<327680xi32, #tpu.memory_space<hbm>> -> memref<5120xi32, #tpu.memory_space<hbm>>
      tpu.wait_dma2 semaphore(%run_scoped3A : memref<!tpu.dma_semaphore, #tpu.memory_space<semaphore_mem>>) src(%dma_wait3A_117 : memref<5120xi32, #tpu.memory_space<hbm>>) dst(%arg6 : memref<5120xi32, #tpu.memory_space<vmem>>)
      tpu.yield
    }) : () -> ()
    "tpu.region"() ({
      %run_scoped3A = tpu.sem_alloc : memref<!tpu.dma_semaphore, #tpu.memory_space<semaphore_mem>>
      %dma_start3A_114 = arith.constant 0 : i32
      %dma_start3A_115 = arith.constant 0 : i32
      %dma_start3A_116 = tpu.memref_slice %arg4[%add3A, %dma_start3A_114, %dma_start3A_115] : memref<32x160x64xi32, #tpu.memory_space<hbm>> -> memref<1x80x64xi32, #tpu.memory_space<hbm>>
      %dma_start3A_117 = tpu.memref_squeeze %dma_start3A_116 : memref<1x80x64xi32, #tpu.memory_space<hbm>> -> memref<80x64xi32, #tpu.memory_space<hbm>>
      %dma_start3A_118 = arith.constant 0 : i32
      %dma_start3A_119 = arith.constant 0 : i32
      %dma_start3A_120 = tpu.memref_slice %arg4[%add3A, %dma_start3A_118, %dma_start3A_119] : memref<32x160x64xi32, #tpu.memory_space<hbm>> -> memref<1x80x64xi32, #tpu.memory_space<hbm>>
      %dma_start3A_121 = tpu.memref_squeeze %dma_start3A_120 : memref<1x80x64xi32, #tpu.memory_space<hbm>> -> memref<80x64xi32, #tpu.memory_space<hbm>>
      tpu.enqueue_dma source(%dma_start3A_121 : memref<80x64xi32, #tpu.memory_space<hbm>>) target(%arg7 : memref<80x64xi32, #tpu.memory_space<vmem>>) target_semaphore(%run_scoped3A : memref<!tpu.dma_semaphore, #tpu.memory_space<semaphore_mem>>)
      %dma_wait3A_122 = arith.constant 0 : i32
      %dma_wait3A_123 = arith.constant 0 : i32
      %dma_wait3A_124 = tpu.memref_slice %arg4[%add3A, %dma_wait3A_122, %dma_wait3A_123] : memref<32x160x64xi32, #tpu.memory_space<hbm>> -> memref<1x80x64xi32, #tpu.memory_space<hbm>>
      %dma_wait3A_125 = tpu.memref_squeeze %dma_wait3A_124 : memref<1x80x64xi32, #tpu.memory_space<hbm>> -> memref<80x64xi32, #tpu.memory_space<hbm>>
      %dma_wait3A_126 = arith.constant 0 : i32
      %dma_wait3A_127 = arith.constant 0 : i32
      %dma_wait3A_128 = tpu.memref_slice %arg4[%add3A, %dma_wait3A_126, %dma_wait3A_127] : memref<32x160x64xi32, #tpu.memory_space<hbm>> -> memref<1x80x64xi32, #tpu.memory_space<hbm>>
      %dma_wait3A_129 = tpu.memref_squeeze %dma_wait3A_128 : memref<1x80x64xi32, #tpu.memory_space<hbm>> -> memref<80x64xi32, #tpu.memory_space<hbm>>
      tpu.wait_dma2 semaphore(%run_scoped3A : memref<!tpu.dma_semaphore, #tpu.memory_space<semaphore_mem>>) src(%dma_wait3A_129 : memref<80x64xi32, #tpu.memory_space<hbm>>) dst(%arg7 : memref<80x64xi32, #tpu.memory_space<vmem>>)
      tpu.yield
    }) : () -> ()
    %dma_start3A = arith.constant 0 : i32
    %dma_start3A_32 = tpu.memref_slice %arg6[%dma_start3A] : memref<5120xi32, #tpu.memory_space<vmem>> -> memref<64xi32, #tpu.memory_space<vmem>>
    %dma_start3A_33 = arith.constant 0 : i32
    %dma_start3A_34 = arith.constant 0 : i32
    %dma_start3A_35 = tpu.memref_slice %arg2[%dma_start3A_33, %dma_start3A_34] : memref<10000x128xf32, #tpu.memory_space<hbm>> -> memref<10000x128xf32, #tpu.memory_space<hbm>>
    tpu.enqueue_indirect_dma source(%dma_start3A_35 : memref<10000x128xf32, #tpu.memory_space<hbm>>) target(%arg8 : memref<64x128xf32, #tpu.memory_space<vmem>>) offsets(%dma_start3A_32 : memref<64xi32, #tpu.memory_space<vmem>>) semaphore(%arg13 : memref<!tpu.dma_semaphore, #tpu.memory_space<semaphore_mem>>)
    %dma_start3A_36 = arith.constant 64 : i32
    %dma_start3A_37 = tpu.memref_slice %arg6[%dma_start3A_36] : memref<5120xi32, #tpu.memory_space<vmem>> -> memref<64xi32, #tpu.memory_space<vmem>>
    %dma_start3A_38 = arith.constant 0 : i32
    %dma_start3A_39 = arith.constant 0 : i32
    %dma_start3A_40 = tpu.memref_slice %arg2[%dma_start3A_38, %dma_start3A_39] : memref<10000x128xf32, #tpu.memory_space<hbm>> -> memref<10000x128xf32, #tpu.memory_space<hbm>>
    tpu.enqueue_indirect_dma source(%dma_start3A_40 : memref<10000x128xf32, #tpu.memory_space<hbm>>) target(%arg9 : memref<64x128xf32, #tpu.memory_space<vmem>>) offsets(%dma_start3A_37 : memref<64xi32, #tpu.memory_space<vmem>>) semaphore(%arg14 : memref<!tpu.dma_semaphore, #tpu.memory_space<semaphore_mem>>)
    %dma_start3A_41 = arith.constant 128 : i32
    %dma_start3A_42 = tpu.memref_slice %arg6[%dma_start3A_41] : memref<5120xi32, #tpu.memory_space<vmem>> -> memref<64xi32, #tpu.memory_space<vmem>>
    %dma_start3A_43 = arith.constant 0 : i32
    %dma_start3A_44 = arith.constant 0 : i32
    %dma_start3A_45 = tpu.memref_slice %arg2[%dma_start3A_43, %dma_start3A_44] : memref<10000x128xf32, #tpu.memory_space<hbm>> -> memref<10000x128xf32, #tpu.memory_space<hbm>>
    tpu.enqueue_indirect_dma source(%dma_start3A_45 : memref<10000x128xf32, #tpu.memory_space<hbm>>) target(%arg10 : memref<64x128xf32, #tpu.memory_space<vmem>>) offsets(%dma_start3A_42 : memref<64xi32, #tpu.memory_space<vmem>>) semaphore(%arg15 : memref<!tpu.dma_semaphore, #tpu.memory_space<semaphore_mem>>)
    %scan3A_46 = arith.constant 0 : i32
    %scan3A_47 = arith.constant 0 : i32
    %scan3A_48 = arith.constant 20 : i32
    %scan3A_49 = arith.addi %scan3A_47, %scan3A_48 : i32
    %scan3A_50 = arith.constant 1 : i32
    scf.for %scan3A_114 = %scan3A_47 to %scan3A_49 step %scan3A_50  : i32 {
      %mul3A_115 = arith.constant 4 : i32
      %mul3A_116 = arith.muli %mul3A_115, %scan3A_114 : i32
      %add3A_117 = arith.constant 0 : i32
      %add3A_118 = arith.addi %mul3A_116, %add3A_117 : i32
      %mul3A_119 = arith.constant 64 : i32
      %mul3A_120 = arith.muli %add3A_118, %mul3A_119 : i32
      %dma_wait3A_121 = tpu.memref_slice %arg6[%mul3A_120] : memref<5120xi32, #tpu.memory_space<vmem>> -> memref<64xi32, #tpu.memory_space<vmem>>
      %dma_wait3A_122 = arith.constant 0 : i32
      %dma_wait3A_123 = arith.constant 0 : i32
      %dma_wait3A_124 = tpu.memref_slice %arg2[%dma_wait3A_122, %dma_wait3A_123] : memref<10000x128xf32, #tpu.memory_space<hbm>> -> memref<10000x128xf32, #tpu.memory_space<hbm>>
      tpu.wait_indirect_dma semaphore(%arg13 : memref<!tpu.dma_semaphore, #tpu.memory_space<semaphore_mem>>) src(%dma_wait3A_124 : memref<10000x128xf32, #tpu.memory_space<hbm>>) dst(%arg8 : memref<64x128xf32, #tpu.memory_space<vmem>>)
      %add3A_125 = arith.constant 4 : i32
      %add3A_126 = arith.addi %add3A_118, %add3A_125 : i32
      %sub3A = arith.constant 1 : i32
      %sub3A_127 = arith.subi %add3A_126, %sub3A : i32
      %min3A = arith.constant 79 : i32
      %min3A_128 = arith.minsi %sub3A_127, %min3A : i32
      %mul3A_129 = arith.constant 64 : i32
      %mul3A_130 = arith.muli %min3A_128, %mul3A_129 : i32
      %dma_start3A_131 = tpu.memref_slice %arg6[%mul3A_130] : memref<5120xi32, #tpu.memory_space<vmem>> -> memref<64xi32, #tpu.memory_space<vmem>>
      %dma_start3A_132 = arith.constant 0 : i32
      %dma_start3A_133 = arith.constant 0 : i32
      %dma_start3A_134 = tpu.memref_slice %arg2[%dma_start3A_132, %dma_start3A_133] : memref<10000x128xf32, #tpu.memory_space<hbm>> -> memref<10000x128xf32, #tpu.memory_space<hbm>>
      tpu.enqueue_indirect_dma source(%dma_start3A_134 : memref<10000x128xf32, #tpu.memory_space<hbm>>) target(%arg11 : memref<64x128xf32, #tpu.memory_space<vmem>>) offsets(%dma_start3A_131 : memref<64xi32, #tpu.memory_space<vmem>>) semaphore(%arg16 : memref<!tpu.dma_semaphore, #tpu.memory_space<semaphore_mem>>)
      "tpu.region"() ({
        %run_scoped3A = tpu.sem_alloc : memref<!tpu.dma_semaphore, #tpu.memory_space<semaphore_mem>>
        %dma_start3A_195 = arith.constant 0 : i32
        %dma_start3A_196 = tpu.memref_slice %arg7[%add3A_118, %dma_start3A_195] : memref<80x64xi32, #tpu.memory_space<vmem>> -> memref<1x64xi32, #tpu.memory_space<vmem>>
        %dma_start3A_197 = tpu.memref_squeeze %dma_start3A_196 : memref<1x64xi32, #tpu.memory_space<vmem>> -> memref<64xi32, #tpu.memory_space<vmem>>
        %dma_start3A_198 = arith.constant 0 : i32
        %dma_start3A_199 = arith.constant 0 : i32
        %dma_start3A_200 = tpu.memref_slice %arg12[%dma_start3A_198, %dma_start3A_199] : memref<10112x128xf32, #tpu.memory_space<vmem_shared>> -> memref<10112x128xf32, #tpu.memory_space<vmem_shared>>
        tpu.enqueue_indirect_dma source(%arg8 : memref<64x128xf32, #tpu.memory_space<vmem>>) target(%dma_start3A_200 : memref<10112x128xf32, #tpu.memory_space<vmem_shared>>) offsets(%dma_start3A_197 : memref<64xi32, #tpu.memory_space<vmem>>) semaphore(%run_scoped3A : memref<!tpu.dma_semaphore, #tpu.memory_space<semaphore_mem>>) {add = true}
        %dma_wait3A_201 = arith.constant 0 : i32
        %dma_wait3A_202 = tpu.memref_slice %arg7[%add3A_118, %dma_wait3A_201] : memref<80x64xi32, #tpu.memory_space<vmem>> -> memref<1x64xi32, #tpu.memory_space<vmem>>
        %dma_wait3A_203 = tpu.memref_squeeze %dma_wait3A_202 : memref<1x64xi32, #tpu.memory_space<vmem>> -> memref<64xi32, #tpu.memory_space<vmem>>
        %dma_wait3A_204 = arith.constant 0 : i32
        %dma_wait3A_205 = arith.constant 0 : i32
        %dma_wait3A_206 = tpu.memref_slice %arg12[%dma_wait3A_204, %dma_wait3A_205] : memref<10112x128xf32, #tpu.memory_space<vmem_shared>> -> memref<10112x128xf32, #tpu.memory_space<vmem_shared>>
        tpu.wait_indirect_dma semaphore(%run_scoped3A : memref<!tpu.dma_semaphore, #tpu.memory_space<semaphore_mem>>) src(%arg8 : memref<64x128xf32, #tpu.memory_space<vmem>>) dst(%dma_wait3A_206 : memref<10112x128xf32, #tpu.memory_space<vmem_shared>>)
        tpu.yield
      }) : () -> ()
      %add3A_135 = arith.constant 1 : i32
      %add3A_136 = arith.addi %mul3A_116, %add3A_135 : i32
      %mul3A_137 = arith.constant 64 : i32
      %mul3A_138 = arith.muli %add3A_136, %mul3A_137 : i32
      %dma_wait3A_139 = tpu.memref_slice %arg6[%mul3A_138] : memref<5120xi32, #tpu.memory_space<vmem>> -> memref<64xi32, #tpu.memory_space<vmem>>
      %dma_wait3A_140 = arith.constant 0 : i32
      %dma_wait3A_141 = arith.constant 0 : i32
      %dma_wait3A_142 = tpu.memref_slice %arg2[%dma_wait3A_140, %dma_wait3A_141] : memref<10000x128xf32, #tpu.memory_space<hbm>> -> memref<10000x128xf32, #tpu.memory_space<hbm>>
      tpu.wait_indirect_dma semaphore(%arg14 : memref<!tpu.dma_semaphore, #tpu.memory_space<semaphore_mem>>) src(%dma_wait3A_142 : memref<10000x128xf32, #tpu.memory_space<hbm>>) dst(%arg9 : memref<64x128xf32, #tpu.memory_space<vmem>>)
      %add3A_143 = arith.constant 4 : i32
      %add3A_144 = arith.addi %add3A_136, %add3A_143 : i32
      %sub3A_145 = arith.constant 1 : i32
      %sub3A_146 = arith.subi %add3A_144, %sub3A_145 : i32
      %min3A_147 = arith.constant 79 : i32
      %min3A_148 = arith.minsi %sub3A_146, %min3A_147 : i32
      %mul3A_149 = arith.constant 64 : i32
      %mul3A_150 = arith.muli %min3A_148, %mul3A_149 : i32
      %dma_start3A_151 = tpu.memref_slice %arg6[%mul3A_150] : memref<5120xi32, #tpu.memory_space<vmem>> -> memref<64xi32, #tpu.memory_space<vmem>>
      %dma_start3A_152 = arith.constant 0 : i32
      %dma_start3A_153 = arith.constant 0 : i32
      %dma_start3A_154 = tpu.memref_slice %arg2[%dma_start3A_152, %dma_start3A_153] : memref<10000x128xf32, #tpu.memory_space<hbm>> -> memref<10000x128xf32, #tpu.memory_space<hbm>>
      tpu.enqueue_indirect_dma source(%dma_start3A_154 : memref<10000x128xf32, #tpu.memory_space<hbm>>) target(%arg8 : memref<64x128xf32, #tpu.memory_space<vmem>>) offsets(%dma_start3A_151 : memref<64xi32, #tpu.memory_space<vmem>>) semaphore(%arg13 : memref<!tpu.dma_semaphore, #tpu.memory_space<semaphore_mem>>)
      "tpu.region"() ({
        %run_scoped3A = tpu.sem_alloc : memref<!tpu.dma_semaphore, #tpu.memory_space<semaphore_mem>>
        %dma_start3A_195 = arith.constant 0 : i32
        %dma_start3A_196 = tpu.memref_slice %arg7[%add3A_136, %dma_start3A_195] : memref<80x64xi32, #tpu.memory_space<vmem>> -> memref<1x64xi32, #tpu.memory_space<vmem>>
        %dma_start3A_197 = tpu.memref_squeeze %dma_start3A_196 : memref<1x64xi32, #tpu.memory_space<vmem>> -> memref<64xi32, #tpu.memory_space<vmem>>
        %dma_start3A_198 = arith.constant 0 : i32
        %dma_start3A_199 = arith.constant 0 : i32
        %dma_start3A_200 = tpu.memref_slice %arg12[%dma_start3A_198, %dma_start3A_199] : memref<10112x128xf32, #tpu.memory_space<vmem_shared>> -> memref<10112x128xf32, #tpu.memory_space<vmem_shared>>
        tpu.enqueue_indirect_dma source(%arg9 : memref<64x128xf32, #tpu.memory_space<vmem>>) target(%dma_start3A_200 : memref<10112x128xf32, #tpu.memory_space<vmem_shared>>) offsets(%dma_start3A_197 : memref<64xi32, #tpu.memory_space<vmem>>) semaphore(%run_scoped3A : memref<!tpu.dma_semaphore, #tpu.memory_space<semaphore_mem>>) {add = true}
        %dma_wait3A_201 = arith.constant 0 : i32
        %dma_wait3A_202 = tpu.memref_slice %arg7[%add3A_136, %dma_wait3A_201] : memref<80x64xi32, #tpu.memory_space<vmem>> -> memref<1x64xi32, #tpu.memory_space<vmem>>
        %dma_wait3A_203 = tpu.memref_squeeze %dma_wait3A_202 : memref<1x64xi32, #tpu.memory_space<vmem>> -> memref<64xi32, #tpu.memory_space<vmem>>
        %dma_wait3A_204 = arith.constant 0 : i32
        %dma_wait3A_205 = arith.constant 0 : i32
        %dma_wait3A_206 = tpu.memref_slice %arg12[%dma_wait3A_204, %dma_wait3A_205] : memref<10112x128xf32, #tpu.memory_space<vmem_shared>> -> memref<10112x128xf32, #tpu.memory_space<vmem_shared>>
        tpu.wait_indirect_dma semaphore(%run_scoped3A : memref<!tpu.dma_semaphore, #tpu.memory_space<semaphore_mem>>) src(%arg9 : memref<64x128xf32, #tpu.memory_space<vmem>>) dst(%dma_wait3A_206 : memref<10112x128xf32, #tpu.memory_space<vmem_shared>>)
        tpu.yield
      }) : () -> ()
      %add3A_155 = arith.constant 2 : i32
      %add3A_156 = arith.addi %mul3A_116, %add3A_155 : i32
      %mul3A_157 = arith.constant 64 : i32
      %mul3A_158 = arith.muli %add3A_156, %mul3A_157 : i32
      %dma_wait3A_159 = tpu.memref_slice %arg6[%mul3A_158] : memref<5120xi32, #tpu.memory_space<vmem>> -> memref<64xi32, #tpu.memory_space<vmem>>
      %dma_wait3A_160 = arith.constant 0 : i32
      %dma_wait3A_161 = arith.constant 0 : i32
      %dma_wait3A_162 = tpu.memref_slice %arg2[%dma_wait3A_160, %dma_wait3A_161] : memref<10000x128xf32, #tpu.memory_space<hbm>> -> memref<10000x128xf32, #tpu.memory_space<hbm>>
      tpu.wait_indirect_dma semaphore(%arg15 : memref<!tpu.dma_semaphore, #tpu.memory_space<semaphore_mem>>) src(%dma_wait3A_162 : memref<10000x128xf32, #tpu.memory_space<hbm>>) dst(%arg10 : memref<64x128xf32, #tpu.memory_space<vmem>>)
      %add3A_163 = arith.constant 4 : i32
      %add3A_164 = arith.addi %add3A_156, %add3A_163 : i32
      %sub3A_165 = arith.constant 1 : i32
      %sub3A_166 = arith.subi %add3A_164, %sub3A_165 : i32
      %min3A_167 = arith.constant 79 : i32
      %min3A_168 = arith.minsi %sub3A_166, %min3A_167 : i32
      %mul3A_169 = arith.constant 64 : i32
      %mul3A_170 = arith.muli %min3A_168, %mul3A_169 : i32
      %dma_start3A_171 = tpu.memref_slice %arg6[%mul3A_170] : memref<5120xi32, #tpu.memory_space<vmem>> -> memref<64xi32, #tpu.memory_space<vmem>>
      %dma_start3A_172 = arith.constant 0 : i32
      %dma_start3A_173 = arith.constant 0 : i32
      %dma_start3A_174 = tpu.memref_slice %arg2[%dma_start3A_172, %dma_start3A_173] : memref<10000x128xf32, #tpu.memory_space<hbm>> -> memref<10000x128xf32, #tpu.memory_space<hbm>>
      tpu.enqueue_indirect_dma source(%dma_start3A_174 : memref<10000x128xf32, #tpu.memory_space<hbm>>) target(%arg9 : memref<64x128xf32, #tpu.memory_space<vmem>>) offsets(%dma_start3A_171 : memref<64xi32, #tpu.memory_space<vmem>>) semaphore(%arg14 : memref<!tpu.dma_semaphore, #tpu.memory_space<semaphore_mem>>)
      "tpu.region"() ({
        %run_scoped3A = tpu.sem_alloc : memref<!tpu.dma_semaphore, #tpu.memory_space<semaphore_mem>>
        %dma_start3A_195 = arith.constant 0 : i32
        %dma_start3A_196 = tpu.memref_slice %arg7[%add3A_156, %dma_start3A_195] : memref<80x64xi32, #tpu.memory_space<vmem>> -> memref<1x64xi32, #tpu.memory_space<vmem>>
        %dma_start3A_197 = tpu.memref_squeeze %dma_start3A_196 : memref<1x64xi32, #tpu.memory_space<vmem>> -> memref<64xi32, #tpu.memory_space<vmem>>
        %dma_start3A_198 = arith.constant 0 : i32
        %dma_start3A_199 = arith.constant 0 : i32
        %dma_start3A_200 = tpu.memref_slice %arg12[%dma_start3A_198, %dma_start3A_199] : memref<10112x128xf32, #tpu.memory_space<vmem_shared>> -> memref<10112x128xf32, #tpu.memory_space<vmem_shared>>
        tpu.enqueue_indirect_dma source(%arg10 : memref<64x128xf32, #tpu.memory_space<vmem>>) target(%dma_start3A_200 : memref<10112x128xf32, #tpu.memory_space<vmem_shared>>) offsets(%dma_start3A_197 : memref<64xi32, #tpu.memory_space<vmem>>) semaphore(%run_scoped3A : memref<!tpu.dma_semaphore, #tpu.memory_space<semaphore_mem>>) {add = true}
        %dma_wait3A_201 = arith.constant 0 : i32
        %dma_wait3A_202 = tpu.memref_slice %arg7[%add3A_156, %dma_wait3A_201] : memref<80x64xi32, #tpu.memory_space<vmem>> -> memref<1x64xi32, #tpu.memory_space<vmem>>
        %dma_wait3A_203 = tpu.memref_squeeze %dma_wait3A_202 : memref<1x64xi32, #tpu.memory_space<vmem>> -> memref<64xi32, #tpu.memory_space<vmem>>
        %dma_wait3A_204 = arith.constant 0 : i32
        %dma_wait3A_205 = arith.constant 0 : i32
        %dma_wait3A_206 = tpu.memref_slice %arg12[%dma_wait3A_204, %dma_wait3A_205] : memref<10112x128xf32, #tpu.memory_space<vmem_shared>> -> memref<10112x128xf32, #tpu.memory_space<vmem_shared>>
        tpu.wait_indirect_dma semaphore(%run_scoped3A : memref<!tpu.dma_semaphore, #tpu.memory_space<semaphore_mem>>) src(%arg10 : memref<64x128xf32, #tpu.memory_space<vmem>>) dst(%dma_wait3A_206 : memref<10112x128xf32, #tpu.memory_space<vmem_shared>>)
        tpu.yield
      }) : () -> ()
      %add3A_175 = arith.constant 3 : i32
      %add3A_176 = arith.addi %mul3A_116, %add3A_175 : i32
      %mul3A_177 = arith.constant 64 : i32
      %mul3A_178 = arith.muli %add3A_176, %mul3A_177 : i32
      %dma_wait3A_179 = tpu.memref_slice %arg6[%mul3A_178] : memref<5120xi32, #tpu.memory_space<vmem>> -> memref<64xi32, #tpu.memory_space<vmem>>
      %dma_wait3A_180 = arith.constant 0 : i32
      %dma_wait3A_181 = arith.constant 0 : i32
      %dma_wait3A_182 = tpu.memref_slice %arg2[%dma_wait3A_180, %dma_wait3A_181] : memref<10000x128xf32, #tpu.memory_space<hbm>> -> memref<10000x128xf32, #tpu.memory_space<hbm>>
      tpu.wait_indirect_dma semaphore(%arg16 : memref<!tpu.dma_semaphore, #tpu.memory_space<semaphore_mem>>) src(%dma_wait3A_182 : memref<10000x128xf32, #tpu.memory_space<hbm>>) dst(%arg11 : memref<64x128xf32, #tpu.memory_space<vmem>>)
      %add3A_183 = arith.constant 4 : i32
      %add3A_184 = arith.addi %add3A_176, %add3A_183 : i32
      %sub3A_185 = arith.constant 1 : i32
      %sub3A_186 = arith.subi %add3A_184, %sub3A_185 : i32
      %min3A_187 = arith.constant 79 : i32
      %min3A_188 = arith.minsi %sub3A_186, %min3A_187 : i32
      %mul3A_189 = arith.constant 64 : i32
      %mul3A_190 = arith.muli %min3A_188, %mul3A_189 : i32
      %dma_start3A_191 = tpu.memref_slice %arg6[%mul3A_190] : memref<5120xi32, #tpu.memory_space<vmem>> -> memref<64xi32, #tpu.memory_space<vmem>>
      %dma_start3A_192 = arith.constant 0 : i32
      %dma_start3A_193 = arith.constant 0 : i32
      %dma_start3A_194 = tpu.memref_slice %arg2[%dma_start3A_192, %dma_start3A_193] : memref<10000x128xf32, #tpu.memory_space<hbm>> -> memref<10000x128xf32, #tpu.memory_space<hbm>>
      tpu.enqueue_indirect_dma source(%dma_start3A_194 : memref<10000x128xf32, #tpu.memory_space<hbm>>) target(%arg10 : memref<64x128xf32, #tpu.memory_space<vmem>>) offsets(%dma_start3A_191 : memref<64xi32, #tpu.memory_space<vmem>>) semaphore(%arg15 : memref<!tpu.dma_semaphore, #tpu.memory_space<semaphore_mem>>)
      "tpu.region"() ({
        %run_scoped3A = tpu.sem_alloc : memref<!tpu.dma_semaphore, #tpu.memory_space<semaphore_mem>>
        %dma_start3A_195 = arith.constant 0 : i32
        %dma_start3A_196 = tpu.memref_slice %arg7[%add3A_176, %dma_start3A_195] : memref<80x64xi32, #tpu.memory_space<vmem>> -> memref<1x64xi32, #tpu.memory_space<vmem>>
        %dma_start3A_197 = tpu.memref_squeeze %dma_start3A_196 : memref<1x64xi32, #tpu.memory_space<vmem>> -> memref<64xi32, #tpu.memory_space<vmem>>
        %dma_start3A_198 = arith.constant 0 : i32
        %dma_start3A_199 = arith.constant 0 : i32
        %dma_start3A_200 = tpu.memref_slice %arg12[%dma_start3A_198, %dma_start3A_199] : memref<10112x128xf32, #tpu.memory_space<vmem_shared>> -> memref<10112x128xf32, #tpu.memory_space<vmem_shared>>
        tpu.enqueue_indirect_dma source(%arg11 : memref<64x128xf32, #tpu.memory_space<vmem>>) target(%dma_start3A_200 : memref<10112x128xf32, #tpu.memory_space<vmem_shared>>) offsets(%dma_start3A_197 : memref<64xi32, #tpu.memory_space<vmem>>) semaphore(%run_scoped3A : memref<!tpu.dma_semaphore, #tpu.memory_space<semaphore_mem>>) {add = true}
        %dma_wait3A_201 = arith.constant 0 : i32
        %dma_wait3A_202 = tpu.memref_slice %arg7[%add3A_176, %dma_wait3A_201] : memref<80x64xi32, #tpu.memory_space<vmem>> -> memref<1x64xi32, #tpu.memory_space<vmem>>
        %dma_wait3A_203 = tpu.memref_squeeze %dma_wait3A_202 : memref<1x64xi32, #tpu.memory_space<vmem>> -> memref<64xi32, #tpu.memory_space<vmem>>
        %dma_wait3A_204 = arith.constant 0 : i32
        %dma_wait3A_205 = arith.constant 0 : i32
        %dma_wait3A_206 = tpu.memref_slice %arg12[%dma_wait3A_204, %dma_wait3A_205] : memref<10112x128xf32, #tpu.memory_space<vmem_shared>> -> memref<10112x128xf32, #tpu.memory_space<vmem_shared>>
        tpu.wait_indirect_dma semaphore(%run_scoped3A : memref<!tpu.dma_semaphore, #tpu.memory_space<semaphore_mem>>) src(%arg11 : memref<64x128xf32, #tpu.memory_space<vmem>>) dst(%dma_wait3A_206 : memref<10112x128xf32, #tpu.memory_space<vmem_shared>>)
        tpu.yield
      }) : () -> ()
    }
    %scan3A_51 = arith.constant 20 : i32
    %dma_wait3A = arith.constant 0 : i32
    %dma_wait3A_52 = tpu.memref_slice %arg6[%dma_wait3A] : memref<5120xi32, #tpu.memory_space<vmem>> -> memref<64xi32, #tpu.memory_space<vmem>>
    %dma_wait3A_53 = arith.constant 0 : i32
    %dma_wait3A_54 = arith.constant 0 : i32
    %dma_wait3A_55 = tpu.memref_slice %arg2[%dma_wait3A_53, %dma_wait3A_54] : memref<10000x128xf32, #tpu.memory_space<hbm>> -> memref<10000x128xf32, #tpu.memory_space<hbm>>
    tpu.wait_indirect_dma semaphore(%arg13 : memref<!tpu.dma_semaphore, #tpu.memory_space<semaphore_mem>>) src(%dma_wait3A_55 : memref<10000x128xf32, #tpu.memory_space<hbm>>) dst(%arg8 : memref<64x128xf32, #tpu.memory_space<vmem>>)
    %dma_wait3A_56 = arith.constant 0 : i32
    %dma_wait3A_57 = tpu.memref_slice %arg6[%dma_wait3A_56] : memref<5120xi32, #tpu.memory_space<vmem>> -> memref<64xi32, #tpu.memory_space<vmem>>
    %dma_wait3A_58 = arith.constant 0 : i32
    %dma_wait3A_59 = arith.constant 0 : i32
    %dma_wait3A_60 = tpu.memref_slice %arg2[%dma_wait3A_58, %dma_wait3A_59] : memref<10000x128xf32, #tpu.memory_space<hbm>> -> memref<10000x128xf32, #tpu.memory_space<hbm>>
    tpu.wait_indirect_dma semaphore(%arg14 : memref<!tpu.dma_semaphore, #tpu.memory_space<semaphore_mem>>) src(%dma_wait3A_60 : memref<10000x128xf32, #tpu.memory_space<hbm>>) dst(%arg9 : memref<64x128xf32, #tpu.memory_space<vmem>>)
    %dma_wait3A_61 = arith.constant 0 : i32
    %dma_wait3A_62 = tpu.memref_slice %arg6[%dma_wait3A_61] : memref<5120xi32, #tpu.memory_space<vmem>> -> memref<64xi32, #tpu.memory_space<vmem>>
    %dma_wait3A_63 = arith.constant 0 : i32
    %dma_wait3A_64 = arith.constant 0 : i32
    %dma_wait3A_65 = tpu.memref_slice %arg2[%dma_wait3A_63, %dma_wait3A_64] : memref<10000x128xf32, #tpu.memory_space<hbm>> -> memref<10000x128xf32, #tpu.memory_space<hbm>>
    tpu.wait_indirect_dma semaphore(%arg15 : memref<!tpu.dma_semaphore, #tpu.memory_space<semaphore_mem>>) src(%dma_wait3A_65 : memref<10000x128xf32, #tpu.memory_space<hbm>>) dst(%arg10 : memref<64x128xf32, #tpu.memory_space<vmem>>)
    %mul3A_66 = arith.constant 10240 : i32
    %mul3A_67 = arith.muli %add3A, %mul3A_66 : i32
    %add3A_68 = arith.constant 5120 : i32
    %add3A_69 = arith.addi %mul3A_67, %add3A_68 : i32
    "tpu.region"() ({
      %run_scoped3A = tpu.sem_alloc : memref<!tpu.dma_semaphore, #tpu.memory_space<semaphore_mem>>
      %dma_start3A_114 = tpu.memref_slice %arg3[%add3A_69] : memref<327680xi32, #tpu.memory_space<hbm>> -> memref<5120xi32, #tpu.memory_space<hbm>>
      %dma_start3A_115 = tpu.memref_slice %arg3[%add3A_69] : memref<327680xi32, #tpu.memory_space<hbm>> -> memref<5120xi32, #tpu.memory_space<hbm>>
      tpu.enqueue_dma source(%dma_start3A_115 : memref<5120xi32, #tpu.memory_space<hbm>>) target(%arg6 : memref<5120xi32, #tpu.memory_space<vmem>>) target_semaphore(%run_scoped3A : memref<!tpu.dma_semaphore, #tpu.memory_space<semaphore_mem>>)
      %dma_wait3A_116 = tpu.memref_slice %arg3[%add3A_69] : memref<327680xi32, #tpu.memory_space<hbm>> -> memref<5120xi32, #tpu.memory_space<hbm>>
      %dma_wait3A_117 = tpu.memref_slice %arg3[%add3A_69] : memref<327680xi32, #tpu.memory_space<hbm>> -> memref<5120xi32, #tpu.memory_space<hbm>>
      tpu.wait_dma2 semaphore(%run_scoped3A : memref<!tpu.dma_semaphore, #tpu.memory_space<semaphore_mem>>) src(%dma_wait3A_117 : memref<5120xi32, #tpu.memory_space<hbm>>) dst(%arg6 : memref<5120xi32, #tpu.memory_space<vmem>>)
      tpu.yield
    }) : () -> ()
    "tpu.region"() ({
      %run_scoped3A = tpu.sem_alloc : memref<!tpu.dma_semaphore, #tpu.memory_space<semaphore_mem>>
      %dma_start3A_114 = arith.constant 80 : i32
      %dma_start3A_115 = arith.constant 0 : i32
      %dma_start3A_116 = tpu.memref_slice %arg4[%add3A, %dma_start3A_114, %dma_start3A_115] : memref<32x160x64xi32, #tpu.memory_space<hbm>> -> memref<1x80x64xi32, #tpu.memory_space<hbm>>
      %dma_start3A_117 = tpu.memref_squeeze %dma_start3A_116 : memref<1x80x64xi32, #tpu.memory_space<hbm>> -> memref<80x64xi32, #tpu.memory_space<hbm>>
      %dma_start3A_118 = arith.constant 80 : i32
      %dma_start3A_119 = arith.constant 0 : i32
      %dma_start3A_120 = tpu.memref_slice %arg4[%add3A, %dma_start3A_118, %dma_start3A_119] : memref<32x160x64xi32, #tpu.memory_space<hbm>> -> memref<1x80x64xi32, #tpu.memory_space<hbm>>
      %dma_start3A_121 = tpu.memref_squeeze %dma_start3A_120 : memref<1x80x64xi32, #tpu.memory_space<hbm>> -> memref<80x64xi32, #tpu.memory_space<hbm>>
      tpu.enqueue_dma source(%dma_start3A_121 : memref<80x64xi32, #tpu.memory_space<hbm>>) target(%arg7 : memref<80x64xi32, #tpu.memory_space<vmem>>) target_semaphore(%run_scoped3A : memref<!tpu.dma_semaphore, #tpu.memory_space<semaphore_mem>>)
      %dma_wait3A_122 = arith.constant 80 : i32
      %dma_wait3A_123 = arith.constant 0 : i32
      %dma_wait3A_124 = tpu.memref_slice %arg4[%add3A, %dma_wait3A_122, %dma_wait3A_123] : memref<32x160x64xi32, #tpu.memory_space<hbm>> -> memref<1x80x64xi32, #tpu.memory_space<hbm>>
      %dma_wait3A_125 = tpu.memref_squeeze %dma_wait3A_124 : memref<1x80x64xi32, #tpu.memory_space<hbm>> -> memref<80x64xi32, #tpu.memory_space<hbm>>
      %dma_wait3A_126 = arith.constant 80 : i32
      %dma_wait3A_127 = arith.constant 0 : i32
      %dma_wait3A_128 = tpu.memref_slice %arg4[%add3A, %dma_wait3A_126, %dma_wait3A_127] : memref<32x160x64xi32, #tpu.memory_space<hbm>> -> memref<1x80x64xi32, #tpu.memory_space<hbm>>
      %dma_wait3A_129 = tpu.memref_squeeze %dma_wait3A_128 : memref<1x80x64xi32, #tpu.memory_space<hbm>> -> memref<80x64xi32, #tpu.memory_space<hbm>>
      tpu.wait_dma2 semaphore(%run_scoped3A : memref<!tpu.dma_semaphore, #tpu.memory_space<semaphore_mem>>) src(%dma_wait3A_129 : memref<80x64xi32, #tpu.memory_space<hbm>>) dst(%arg7 : memref<80x64xi32, #tpu.memory_space<vmem>>)
      tpu.yield
    }) : () -> ()
    %dma_start3A_70 = arith.constant 0 : i32
    %dma_start3A_71 = tpu.memref_slice %arg6[%dma_start3A_70] : memref<5120xi32, #tpu.memory_space<vmem>> -> memref<64xi32, #tpu.memory_space<vmem>>
    %dma_start3A_72 = arith.constant 0 : i32
    %dma_start3A_73 = arith.constant 0 : i32
    %dma_start3A_74 = tpu.memref_slice %arg2[%dma_start3A_72, %dma_start3A_73] : memref<10000x128xf32, #tpu.memory_space<hbm>> -> memref<10000x128xf32, #tpu.memory_space<hbm>>
    tpu.enqueue_indirect_dma source(%dma_start3A_74 : memref<10000x128xf32, #tpu.memory_space<hbm>>) target(%arg8 : memref<64x128xf32, #tpu.memory_space<vmem>>) offsets(%dma_start3A_71 : memref<64xi32, #tpu.memory_space<vmem>>) semaphore(%arg13 : memref<!tpu.dma_semaphore, #tpu.memory_space<semaphore_mem>>)
    %dma_start3A_75 = arith.constant 64 : i32
    %dma_start3A_76 = tpu.memref_slice %arg6[%dma_start3A_75] : memref<5120xi32, #tpu.memory_space<vmem>> -> memref<64xi32, #tpu.memory_space<vmem>>
    %dma_start3A_77 = arith.constant 0 : i32
    %dma_start3A_78 = arith.constant 0 : i32
    %dma_start3A_79 = tpu.memref_slice %arg2[%dma_start3A_77, %dma_start3A_78] : memref<10000x128xf32, #tpu.memory_space<hbm>> -> memref<10000x128xf32, #tpu.memory_space<hbm>>
    tpu.enqueue_indirect_dma source(%dma_start3A_79 : memref<10000x128xf32, #tpu.memory_space<hbm>>) target(%arg9 : memref<64x128xf32, #tpu.memory_space<vmem>>) offsets(%dma_start3A_76 : memref<64xi32, #tpu.memory_space<vmem>>) semaphore(%arg14 : memref<!tpu.dma_semaphore, #tpu.memory_space<semaphore_mem>>)
    %dma_start3A_80 = arith.constant 128 : i32
    %dma_start3A_81 = tpu.memref_slice %arg6[%dma_start3A_80] : memref<5120xi32, #tpu.memory_space<vmem>> -> memref<64xi32, #tpu.memory_space<vmem>>
    %dma_start3A_82 = arith.constant 0 : i32
    %dma_start3A_83 = arith.constant 0 : i32
    %dma_start3A_84 = tpu.memref_slice %arg2[%dma_start3A_82, %dma_start3A_83] : memref<10000x128xf32, #tpu.memory_space<hbm>> -> memref<10000x128xf32, #tpu.memory_space<hbm>>
    tpu.enqueue_indirect_dma source(%dma_start3A_84 : memref<10000x128xf32, #tpu.memory_space<hbm>>) target(%arg10 : memref<64x128xf32, #tpu.memory_space<vmem>>) offsets(%dma_start3A_81 : memref<64xi32, #tpu.memory_space<vmem>>) semaphore(%arg15 : memref<!tpu.dma_semaphore, #tpu.memory_space<semaphore_mem>>)
    %scan3A_85 = arith.constant 0 : i32
    %scan3A_86 = arith.constant 0 : i32
    %scan3A_87 = arith.constant 20 : i32
    %scan3A_88 = arith.addi %scan3A_86, %scan3A_87 : i32
    %scan3A_89 = arith.constant 1 : i32
    scf.for %scan3A_114 = %scan3A_86 to %scan3A_88 step %scan3A_89  : i32 {
      %mul3A_115 = arith.constant 4 : i32
      %mul3A_116 = arith.muli %mul3A_115, %scan3A_114 : i32
      %add3A_117 = arith.constant 0 : i32
      %add3A_118 = arith.addi %mul3A_116, %add3A_117 : i32
      %mul3A_119 = arith.constant 64 : i32
      %mul3A_120 = arith.muli %add3A_118, %mul3A_119 : i32
      %dma_wait3A_121 = tpu.memref_slice %arg6[%mul3A_120] : memref<5120xi32, #tpu.memory_space<vmem>> -> memref<64xi32, #tpu.memory_space<vmem>>
      %dma_wait3A_122 = arith.constant 0 : i32
      %dma_wait3A_123 = arith.constant 0 : i32
      %dma_wait3A_124 = tpu.memref_slice %arg2[%dma_wait3A_122, %dma_wait3A_123] : memref<10000x128xf32, #tpu.memory_space<hbm>> -> memref<10000x128xf32, #tpu.memory_space<hbm>>
      tpu.wait_indirect_dma semaphore(%arg13 : memref<!tpu.dma_semaphore, #tpu.memory_space<semaphore_mem>>) src(%dma_wait3A_124 : memref<10000x128xf32, #tpu.memory_space<hbm>>) dst(%arg8 : memref<64x128xf32, #tpu.memory_space<vmem>>)
      %add3A_125 = arith.constant 4 : i32
      %add3A_126 = arith.addi %add3A_118, %add3A_125 : i32
      %sub3A = arith.constant 1 : i32
      %sub3A_127 = arith.subi %add3A_126, %sub3A : i32
      %min3A = arith.constant 79 : i32
      %min3A_128 = arith.minsi %sub3A_127, %min3A : i32
      %mul3A_129 = arith.constant 64 : i32
      %mul3A_130 = arith.muli %min3A_128, %mul3A_129 : i32
      %dma_start3A_131 = tpu.memref_slice %arg6[%mul3A_130] : memref<5120xi32, #tpu.memory_space<vmem>> -> memref<64xi32, #tpu.memory_space<vmem>>
      %dma_start3A_132 = arith.constant 0 : i32
      %dma_start3A_133 = arith.constant 0 : i32
      %dma_start3A_134 = tpu.memref_slice %arg2[%dma_start3A_132, %dma_start3A_133] : memref<10000x128xf32, #tpu.memory_space<hbm>> -> memref<10000x128xf32, #tpu.memory_space<hbm>>
      tpu.enqueue_indirect_dma source(%dma_start3A_134 : memref<10000x128xf32, #tpu.memory_space<hbm>>) target(%arg11 : memref<64x128xf32, #tpu.memory_space<vmem>>) offsets(%dma_start3A_131 : memref<64xi32, #tpu.memory_space<vmem>>) semaphore(%arg16 : memref<!tpu.dma_semaphore, #tpu.memory_space<semaphore_mem>>)
      "tpu.region"() ({
        %run_scoped3A = tpu.sem_alloc : memref<!tpu.dma_semaphore, #tpu.memory_space<semaphore_mem>>
        %dma_start3A_195 = arith.constant 0 : i32
        %dma_start3A_196 = tpu.memref_slice %arg7[%add3A_118, %dma_start3A_195] : memref<80x64xi32, #tpu.memory_space<vmem>> -> memref<1x64xi32, #tpu.memory_space<vmem>>
        %dma_start3A_197 = tpu.memref_squeeze %dma_start3A_196 : memref<1x64xi32, #tpu.memory_space<vmem>> -> memref<64xi32, #tpu.memory_space<vmem>>
        %dma_start3A_198 = arith.constant 0 : i32
        %dma_start3A_199 = arith.constant 0 : i32
        %dma_start3A_200 = tpu.memref_slice %arg12[%dma_start3A_198, %dma_start3A_199] : memref<10112x128xf32, #tpu.memory_space<vmem_shared>> -> memref<10112x128xf32, #tpu.memory_space<vmem_shared>>
        tpu.enqueue_indirect_dma source(%arg8 : memref<64x128xf32, #tpu.memory_space<vmem>>) target(%dma_start3A_200 : memref<10112x128xf32, #tpu.memory_space<vmem_shared>>) offsets(%dma_start3A_197 : memref<64xi32, #tpu.memory_space<vmem>>) semaphore(%run_scoped3A : memref<!tpu.dma_semaphore, #tpu.memory_space<semaphore_mem>>) {add = true}
        %dma_wait3A_201 = arith.constant 0 : i32
        %dma_wait3A_202 = tpu.memref_slice %arg7[%add3A_118, %dma_wait3A_201] : memref<80x64xi32, #tpu.memory_space<vmem>> -> memref<1x64xi32, #tpu.memory_space<vmem>>
        %dma_wait3A_203 = tpu.memref_squeeze %dma_wait3A_202 : memref<1x64xi32, #tpu.memory_space<vmem>> -> memref<64xi32, #tpu.memory_space<vmem>>
        %dma_wait3A_204 = arith.constant 0 : i32
        %dma_wait3A_205 = arith.constant 0 : i32
        %dma_wait3A_206 = tpu.memref_slice %arg12[%dma_wait3A_204, %dma_wait3A_205] : memref<10112x128xf32, #tpu.memory_space<vmem_shared>> -> memref<10112x128xf32, #tpu.memory_space<vmem_shared>>
        tpu.wait_indirect_dma semaphore(%run_scoped3A : memref<!tpu.dma_semaphore, #tpu.memory_space<semaphore_mem>>) src(%arg8 : memref<64x128xf32, #tpu.memory_space<vmem>>) dst(%dma_wait3A_206 : memref<10112x128xf32, #tpu.memory_space<vmem_shared>>)
        tpu.yield
      }) : () -> ()
      %add3A_135 = arith.constant 1 : i32
      %add3A_136 = arith.addi %mul3A_116, %add3A_135 : i32
      %mul3A_137 = arith.constant 64 : i32
      %mul3A_138 = arith.muli %add3A_136, %mul3A_137 : i32
      %dma_wait3A_139 = tpu.memref_slice %arg6[%mul3A_138] : memref<5120xi32, #tpu.memory_space<vmem>> -> memref<64xi32, #tpu.memory_space<vmem>>
      %dma_wait3A_140 = arith.constant 0 : i32
      %dma_wait3A_141 = arith.constant 0 : i32
      %dma_wait3A_142 = tpu.memref_slice %arg2[%dma_wait3A_140, %dma_wait3A_141] : memref<10000x128xf32, #tpu.memory_space<hbm>> -> memref<10000x128xf32, #tpu.memory_space<hbm>>
      tpu.wait_indirect_dma semaphore(%arg14 : memref<!tpu.dma_semaphore, #tpu.memory_space<semaphore_mem>>) src(%dma_wait3A_142 : memref<10000x128xf32, #tpu.memory_space<hbm>>) dst(%arg9 : memref<64x128xf32, #tpu.memory_space<vmem>>)
      %add3A_143 = arith.constant 4 : i32
      %add3A_144 = arith.addi %add3A_136, %add3A_143 : i32
      %sub3A_145 = arith.constant 1 : i32
      %sub3A_146 = arith.subi %add3A_144, %sub3A_145 : i32
      %min3A_147 = arith.constant 79 : i32
      %min3A_148 = arith.minsi %sub3A_146, %min3A_147 : i32
      %mul3A_149 = arith.constant 64 : i32
      %mul3A_150 = arith.muli %min3A_148, %mul3A_149 : i32
      %dma_start3A_151 = tpu.memref_slice %arg6[%mul3A_150] : memref<5120xi32, #tpu.memory_space<vmem>> -> memref<64xi32, #tpu.memory_space<vmem>>
      %dma_start3A_152 = arith.constant 0 : i32
      %dma_start3A_153 = arith.constant 0 : i32
      %dma_start3A_154 = tpu.memref_slice %arg2[%dma_start3A_152, %dma_start3A_153] : memref<10000x128xf32, #tpu.memory_space<hbm>> -> memref<10000x128xf32, #tpu.memory_space<hbm>>
      tpu.enqueue_indirect_dma source(%dma_start3A_154 : memref<10000x128xf32, #tpu.memory_space<hbm>>) target(%arg8 : memref<64x128xf32, #tpu.memory_space<vmem>>) offsets(%dma_start3A_151 : memref<64xi32, #tpu.memory_space<vmem>>) semaphore(%arg13 : memref<!tpu.dma_semaphore, #tpu.memory_space<semaphore_mem>>)
      "tpu.region"() ({
        %run_scoped3A = tpu.sem_alloc : memref<!tpu.dma_semaphore, #tpu.memory_space<semaphore_mem>>
        %dma_start3A_195 = arith.constant 0 : i32
        %dma_start3A_196 = tpu.memref_slice %arg7[%add3A_136, %dma_start3A_195] : memref<80x64xi32, #tpu.memory_space<vmem>> -> memref<1x64xi32, #tpu.memory_space<vmem>>
        %dma_start3A_197 = tpu.memref_squeeze %dma_start3A_196 : memref<1x64xi32, #tpu.memory_space<vmem>> -> memref<64xi32, #tpu.memory_space<vmem>>
        %dma_start3A_198 = arith.constant 0 : i32
        %dma_start3A_199 = arith.constant 0 : i32
        %dma_start3A_200 = tpu.memref_slice %arg12[%dma_start3A_198, %dma_start3A_199] : memref<10112x128xf32, #tpu.memory_space<vmem_shared>> -> memref<10112x128xf32, #tpu.memory_space<vmem_shared>>
        tpu.enqueue_indirect_dma source(%arg9 : memref<64x128xf32, #tpu.memory_space<vmem>>) target(%dma_start3A_200 : memref<10112x128xf32, #tpu.memory_space<vmem_shared>>) offsets(%dma_start3A_197 : memref<64xi32, #tpu.memory_space<vmem>>) semaphore(%run_scoped3A : memref<!tpu.dma_semaphore, #tpu.memory_space<semaphore_mem>>) {add = true}
        %dma_wait3A_201 = arith.constant 0 : i32
        %dma_wait3A_202 = tpu.memref_slice %arg7[%add3A_136, %dma_wait3A_201] : memref<80x64xi32, #tpu.memory_space<vmem>> -> memref<1x64xi32, #tpu.memory_space<vmem>>
        %dma_wait3A_203 = tpu.memref_squeeze %dma_wait3A_202 : memref<1x64xi32, #tpu.memory_space<vmem>> -> memref<64xi32, #tpu.memory_space<vmem>>
        %dma_wait3A_204 = arith.constant 0 : i32
        %dma_wait3A_205 = arith.constant 0 : i32
        %dma_wait3A_206 = tpu.memref_slice %arg12[%dma_wait3A_204, %dma_wait3A_205] : memref<10112x128xf32, #tpu.memory_space<vmem_shared>> -> memref<10112x128xf32, #tpu.memory_space<vmem_shared>>
        tpu.wait_indirect_dma semaphore(%run_scoped3A : memref<!tpu.dma_semaphore, #tpu.memory_space<semaphore_mem>>) src(%arg9 : memref<64x128xf32, #tpu.memory_space<vmem>>) dst(%dma_wait3A_206 : memref<10112x128xf32, #tpu.memory_space<vmem_shared>>)
        tpu.yield
      }) : () -> ()
      %add3A_155 = arith.constant 2 : i32
      %add3A_156 = arith.addi %mul3A_116, %add3A_155 : i32
      %mul3A_157 = arith.constant 64 : i32
      %mul3A_158 = arith.muli %add3A_156, %mul3A_157 : i32
      %dma_wait3A_159 = tpu.memref_slice %arg6[%mul3A_158] : memref<5120xi32, #tpu.memory_space<vmem>> -> memref<64xi32, #tpu.memory_space<vmem>>
      %dma_wait3A_160 = arith.constant 0 : i32
      %dma_wait3A_161 = arith.constant 0 : i32
      %dma_wait3A_162 = tpu.memref_slice %arg2[%dma_wait3A_160, %dma_wait3A_161] : memref<10000x128xf32, #tpu.memory_space<hbm>> -> memref<10000x128xf32, #tpu.memory_space<hbm>>
      tpu.wait_indirect_dma semaphore(%arg15 : memref<!tpu.dma_semaphore, #tpu.memory_space<semaphore_mem>>) src(%dma_wait3A_162 : memref<10000x128xf32, #tpu.memory_space<hbm>>) dst(%arg10 : memref<64x128xf32, #tpu.memory_space<vmem>>)
      %add3A_163 = arith.constant 4 : i32
      %add3A_164 = arith.addi %add3A_156, %add3A_163 : i32
      %sub3A_165 = arith.constant 1 : i32
      %sub3A_166 = arith.subi %add3A_164, %sub3A_165 : i32
      %min3A_167 = arith.constant 79 : i32
      %min3A_168 = arith.minsi %sub3A_166, %min3A_167 : i32
      %mul3A_169 = arith.constant 64 : i32
      %mul3A_170 = arith.muli %min3A_168, %mul3A_169 : i32
      %dma_start3A_171 = tpu.memref_slice %arg6[%mul3A_170] : memref<5120xi32, #tpu.memory_space<vmem>> -> memref<64xi32, #tpu.memory_space<vmem>>
      %dma_start3A_172 = arith.constant 0 : i32
      %dma_start3A_173 = arith.constant 0 : i32
      %dma_start3A_174 = tpu.memref_slice %arg2[%dma_start3A_172, %dma_start3A_173] : memref<10000x128xf32, #tpu.memory_space<hbm>> -> memref<10000x128xf32, #tpu.memory_space<hbm>>
      tpu.enqueue_indirect_dma source(%dma_start3A_174 : memref<10000x128xf32, #tpu.memory_space<hbm>>) target(%arg9 : memref<64x128xf32, #tpu.memory_space<vmem>>) offsets(%dma_start3A_171 : memref<64xi32, #tpu.memory_space<vmem>>) semaphore(%arg14 : memref<!tpu.dma_semaphore, #tpu.memory_space<semaphore_mem>>)
      "tpu.region"() ({
        %run_scoped3A = tpu.sem_alloc : memref<!tpu.dma_semaphore, #tpu.memory_space<semaphore_mem>>
        %dma_start3A_195 = arith.constant 0 : i32
        %dma_start3A_196 = tpu.memref_slice %arg7[%add3A_156, %dma_start3A_195] : memref<80x64xi32, #tpu.memory_space<vmem>> -> memref<1x64xi32, #tpu.memory_space<vmem>>
        %dma_start3A_197 = tpu.memref_squeeze %dma_start3A_196 : memref<1x64xi32, #tpu.memory_space<vmem>> -> memref<64xi32, #tpu.memory_space<vmem>>
        %dma_start3A_198 = arith.constant 0 : i32
        %dma_start3A_199 = arith.constant 0 : i32
        %dma_start3A_200 = tpu.memref_slice %arg12[%dma_start3A_198, %dma_start3A_199] : memref<10112x128xf32, #tpu.memory_space<vmem_shared>> -> memref<10112x128xf32, #tpu.memory_space<vmem_shared>>
        tpu.enqueue_indirect_dma source(%arg10 : memref<64x128xf32, #tpu.memory_space<vmem>>) target(%dma_start3A_200 : memref<10112x128xf32, #tpu.memory_space<vmem_shared>>) offsets(%dma_start3A_197 : memref<64xi32, #tpu.memory_space<vmem>>) semaphore(%run_scoped3A : memref<!tpu.dma_semaphore, #tpu.memory_space<semaphore_mem>>) {add = true}
        %dma_wait3A_201 = arith.constant 0 : i32
        %dma_wait3A_202 = tpu.memref_slice %arg7[%add3A_156, %dma_wait3A_201] : memref<80x64xi32, #tpu.memory_space<vmem>> -> memref<1x64xi32, #tpu.memory_space<vmem>>
        %dma_wait3A_203 = tpu.memref_squeeze %dma_wait3A_202 : memref<1x64xi32, #tpu.memory_space<vmem>> -> memref<64xi32, #tpu.memory_space<vmem>>
        %dma_wait3A_204 = arith.constant 0 : i32
        %dma_wait3A_205 = arith.constant 0 : i32
        %dma_wait3A_206 = tpu.memref_slice %arg12[%dma_wait3A_204, %dma_wait3A_205] : memref<10112x128xf32, #tpu.memory_space<vmem_shared>> -> memref<10112x128xf32, #tpu.memory_space<vmem_shared>>
        tpu.wait_indirect_dma semaphore(%run_scoped3A : memref<!tpu.dma_semaphore, #tpu.memory_space<semaphore_mem>>) src(%arg10 : memref<64x128xf32, #tpu.memory_space<vmem>>) dst(%dma_wait3A_206 : memref<10112x128xf32, #tpu.memory_space<vmem_shared>>)
        tpu.yield
      }) : () -> ()
      %add3A_175 = arith.constant 3 : i32
      %add3A_176 = arith.addi %mul3A_116, %add3A_175 : i32
      %mul3A_177 = arith.constant 64 : i32
      %mul3A_178 = arith.muli %add3A_176, %mul3A_177 : i32
      %dma_wait3A_179 = tpu.memref_slice %arg6[%mul3A_178] : memref<5120xi32, #tpu.memory_space<vmem>> -> memref<64xi32, #tpu.memory_space<vmem>>
      %dma_wait3A_180 = arith.constant 0 : i32
      %dma_wait3A_181 = arith.constant 0 : i32
      %dma_wait3A_182 = tpu.memref_slice %arg2[%dma_wait3A_180, %dma_wait3A_181] : memref<10000x128xf32, #tpu.memory_space<hbm>> -> memref<10000x128xf32, #tpu.memory_space<hbm>>
      tpu.wait_indirect_dma semaphore(%arg16 : memref<!tpu.dma_semaphore, #tpu.memory_space<semaphore_mem>>) src(%dma_wait3A_182 : memref<10000x128xf32, #tpu.memory_space<hbm>>) dst(%arg11 : memref<64x128xf32, #tpu.memory_space<vmem>>)
      %add3A_183 = arith.constant 4 : i32
      %add3A_184 = arith.addi %add3A_176, %add3A_183 : i32
      %sub3A_185 = arith.constant 1 : i32
      %sub3A_186 = arith.subi %add3A_184, %sub3A_185 : i32
      %min3A_187 = arith.constant 79 : i32
      %min3A_188 = arith.minsi %sub3A_186, %min3A_187 : i32
      %mul3A_189 = arith.constant 64 : i32
      %mul3A_190 = arith.muli %min3A_188, %mul3A_189 : i32
      %dma_start3A_191 = tpu.memref_slice %arg6[%mul3A_190] : memref<5120xi32, #tpu.memory_space<vmem>> -> memref<64xi32, #tpu.memory_space<vmem>>
      %dma_start3A_192 = arith.constant 0 : i32
      %dma_start3A_193 = arith.constant 0 : i32
      %dma_start3A_194 = tpu.memref_slice %arg2[%dma_start3A_192, %dma_start3A_193] : memref<10000x128xf32, #tpu.memory_space<hbm>> -> memref<10000x128xf32, #tpu.memory_space<hbm>>
      tpu.enqueue_indirect_dma source(%dma_start3A_194 : memref<10000x128xf32, #tpu.memory_space<hbm>>) target(%arg10 : memref<64x128xf32, #tpu.memory_space<vmem>>) offsets(%dma_start3A_191 : memref<64xi32, #tpu.memory_space<vmem>>) semaphore(%arg15 : memref<!tpu.dma_semaphore, #tpu.memory_space<semaphore_mem>>)
      "tpu.region"() ({
        %run_scoped3A = tpu.sem_alloc : memref<!tpu.dma_semaphore, #tpu.memory_space<semaphore_mem>>
        %dma_start3A_195 = arith.constant 0 : i32
        %dma_start3A_196 = tpu.memref_slice %arg7[%add3A_176, %dma_start3A_195] : memref<80x64xi32, #tpu.memory_space<vmem>> -> memref<1x64xi32, #tpu.memory_space<vmem>>
        %dma_start3A_197 = tpu.memref_squeeze %dma_start3A_196 : memref<1x64xi32, #tpu.memory_space<vmem>> -> memref<64xi32, #tpu.memory_space<vmem>>
        %dma_start3A_198 = arith.constant 0 : i32
        %dma_start3A_199 = arith.constant 0 : i32
        %dma_start3A_200 = tpu.memref_slice %arg12[%dma_start3A_198, %dma_start3A_199] : memref<10112x128xf32, #tpu.memory_space<vmem_shared>> -> memref<10112x128xf32, #tpu.memory_space<vmem_shared>>
        tpu.enqueue_indirect_dma source(%arg11 : memref<64x128xf32, #tpu.memory_space<vmem>>) target(%dma_start3A_200 : memref<10112x128xf32, #tpu.memory_space<vmem_shared>>) offsets(%dma_start3A_197 : memref<64xi32, #tpu.memory_space<vmem>>) semaphore(%run_scoped3A : memref<!tpu.dma_semaphore, #tpu.memory_space<semaphore_mem>>) {add = true}
        %dma_wait3A_201 = arith.constant 0 : i32
        %dma_wait3A_202 = tpu.memref_slice %arg7[%add3A_176, %dma_wait3A_201] : memref<80x64xi32, #tpu.memory_space<vmem>> -> memref<1x64xi32, #tpu.memory_space<vmem>>
        %dma_wait3A_203 = tpu.memref_squeeze %dma_wait3A_202 : memref<1x64xi32, #tpu.memory_space<vmem>> -> memref<64xi32, #tpu.memory_space<vmem>>
        %dma_wait3A_204 = arith.constant 0 : i32
        %dma_wait3A_205 = arith.constant 0 : i32
        %dma_wait3A_206 = tpu.memref_slice %arg12[%dma_wait3A_204, %dma_wait3A_205] : memref<10112x128xf32, #tpu.memory_space<vmem_shared>> -> memref<10112x128xf32, #tpu.memory_space<vmem_shared>>
        tpu.wait_indirect_dma semaphore(%run_scoped3A : memref<!tpu.dma_semaphore, #tpu.memory_space<semaphore_mem>>) src(%arg11 : memref<64x128xf32, #tpu.memory_space<vmem>>) dst(%dma_wait3A_206 : memref<10112x128xf32, #tpu.memory_space<vmem_shared>>)
        tpu.yield
      }) : () -> ()
    }
    %scan3A_90 = arith.constant 20 : i32
    %dma_wait3A_91 = arith.constant 0 : i32
    %dma_wait3A_92 = tpu.memref_slice %arg6[%dma_wait3A_91] : memref<5120xi32, #tpu.memory_space<vmem>> -> memref<64xi32, #tpu.memory_space<vmem>>
    %dma_wait3A_93 = arith.constant 0 : i32
    %dma_wait3A_94 = arith.constant 0 : i32
    %dma_wait3A_95 = tpu.memref_slice %arg2[%dma_wait3A_93, %dma_wait3A_94] : memref<10000x128xf32, #tpu.memory_space<hbm>> -> memref<10000x128xf32, #tpu.memory_space<hbm>>
    tpu.wait_indirect_dma semaphore(%arg13 : memref<!tpu.dma_semaphore, #tpu.memory_space<semaphore_mem>>) src(%dma_wait3A_95 : memref<10000x128xf32, #tpu.memory_space<hbm>>) dst(%arg8 : memref<64x128xf32, #tpu.memory_space<vmem>>)
    %dma_wait3A_96 = arith.constant 0 : i32
    %dma_wait3A_97 = tpu.memref_slice %arg6[%dma_wait3A_96] : memref<5120xi32, #tpu.memory_space<vmem>> -> memref<64xi32, #tpu.memory_space<vmem>>
    %dma_wait3A_98 = arith.constant 0 : i32
    %dma_wait3A_99 = arith.constant 0 : i32
    %dma_wait3A_100 = tpu.memref_slice %arg2[%dma_wait3A_98, %dma_wait3A_99] : memref<10000x128xf32, #tpu.memory_space<hbm>> -> memref<10000x128xf32, #tpu.memory_space<hbm>>
    tpu.wait_indirect_dma semaphore(%arg14 : memref<!tpu.dma_semaphore, #tpu.memory_space<semaphore_mem>>) src(%dma_wait3A_100 : memref<10000x128xf32, #tpu.memory_space<hbm>>) dst(%arg9 : memref<64x128xf32, #tpu.memory_space<vmem>>)
    %dma_wait3A_101 = arith.constant 0 : i32
    %dma_wait3A_102 = tpu.memref_slice %arg6[%dma_wait3A_101] : memref<5120xi32, #tpu.memory_space<vmem>> -> memref<64xi32, #tpu.memory_space<vmem>>
    %dma_wait3A_103 = arith.constant 0 : i32
    %dma_wait3A_104 = arith.constant 0 : i32
    %dma_wait3A_105 = tpu.memref_slice %arg2[%dma_wait3A_103, %dma_wait3A_104] : memref<10000x128xf32, #tpu.memory_space<hbm>> -> memref<10000x128xf32, #tpu.memory_space<hbm>>
    tpu.wait_indirect_dma semaphore(%arg15 : memref<!tpu.dma_semaphore, #tpu.memory_space<semaphore_mem>>) src(%dma_wait3A_105 : memref<10000x128xf32, #tpu.memory_space<hbm>>) dst(%arg10 : memref<64x128xf32, #tpu.memory_space<vmem>>)
    %barrier3A_106 = arith.constant 0 : index
    tpu.barrier barrier_id(%barrier3A_106)
    %mul3A_107 = arith.constant 632 : i32
    %mul3A_108 = arith.muli %arg1, %mul3A_107 : i32
    %mul3A_109 = arith.constant 10112 : i32
    %mul3A_110 = arith.muli %arg0, %mul3A_109 : i32
    %mul3A_111 = arith.constant 632 : i32
    %mul3A_112 = arith.muli %arg1, %mul3A_111 : i32
    %add3A_113 = arith.addi %mul3A_110, %mul3A_112 : i32
    "tpu.region"() ({
      %run_scoped3A = tpu.sem_alloc : memref<!tpu.dma_semaphore, #tpu.memory_space<semaphore_mem>>
      %dma_start3A_114 = arith.constant 0 : i32
      %dma_start3A_115 = tpu.memref_slice %arg5[%add3A_113, %dma_start3A_114] : memref<20224x128xf32, #tpu.memory_space<hbm>> -> memref<632x128xf32, #tpu.memory_space<hbm>>
      %dma_start3A_116 = arith.constant 0 : i32
      %dma_start3A_117 = tpu.memref_slice %arg12[%mul3A_108, %dma_start3A_116] : memref<10112x128xf32, #tpu.memory_space<vmem_shared>> -> memref<632x128xf32, #tpu.memory_space<vmem_shared>>
      tpu.enqueue_dma source(%dma_start3A_117 : memref<632x128xf32, #tpu.memory_space<vmem_shared>>) target(%dma_start3A_115 : memref<632x128xf32, #tpu.memory_space<hbm>>) target_semaphore(%run_scoped3A : memref<!tpu.dma_semaphore, #tpu.memory_space<semaphore_mem>>)
      %dma_wait3A_118 = arith.constant 0 : i32
      %dma_wait3A_119 = tpu.memref_slice %arg5[%add3A_113, %dma_wait3A_118] : memref<20224x128xf32, #tpu.memory_space<hbm>> -> memref<632x128xf32, #tpu.memory_space<hbm>>
      %dma_wait3A_120 = arith.constant 0 : i32
      %dma_wait3A_121 = tpu.memref_slice %arg12[%mul3A_108, %dma_wait3A_120] : memref<10112x128xf32, #tpu.memory_space<vmem_shared>> -> memref<632x128xf32, #tpu.memory_space<vmem_shared>>
      tpu.wait_dma2 semaphore(%run_scoped3A : memref<!tpu.dma_semaphore, #tpu.memory_space<semaphore_mem>>) src(%dma_wait3A_121 : memref<632x128xf32, #tpu.memory_space<vmem_shared>>) dst(%dma_wait3A_119 : memref<632x128xf32, #tpu.memory_space<hbm>>)
      tpu.yield
    }) : () -> ()
    return
  }
}

#map = affine_map<(d0, d1) -> (0, 0)>
#map1 = affine_map<(d0, d1) -> (0)>
#map2 = affine_map<(d0, d1) -> (0, 0, 0)>
module attributes {stable_mosaic.version = 14 : i64} {
  func.func @_msg_kernel(%arg0: i32, %arg1: i32, %arg2: memref<10000x128xf32, #tpu.memory_space<hbm>>, %arg3: memref<327680xi32, #tpu.memory_space<hbm>>, %arg4: memref<32x160x64xi32, #tpu.memory_space<hbm>>, %arg5: memref<20224x128xf32, #tpu.memory_space<hbm>>, %arg6: memref<5120xi32, #tpu.memory_space<vmem>>, %arg7: memref<80x64xi32, #tpu.memory_space<vmem>>, %arg8: memref<64x128xf32, #tpu.memory_space<vmem>>, %arg9: memref<64x128xf32, #tpu.memory_space<vmem>>, %arg10: memref<64x128xf32, #tpu.memory_space<vmem>>, %arg11: memref<64x128xf32, #tpu.memory_space<vmem>>, %arg12: memref<10112x128xf32, #tpu.memory_space<vmem_shared>>, %arg13: memref<!tpu.dma_semaphore, #tpu.memory_space<semaphore_mem>>, %arg14: memref<!tpu.dma_semaphore, #tpu.memory_space<semaphore_mem>>, %arg15: memref<!tpu.dma_semaphore, #tpu.memory_space<semaphore_mem>>, %arg16: memref<!tpu.dma_semaphore, #tpu.memory_space<semaphore_mem>>) attributes {dimension_semantics = [#tpu.dimension_semantics<core_parallel>, #tpu.dimension_semantics<subcore_parallel>], iteration_bounds = array<i64: 2, 16>, scalar_prefetch = 0 : i64, scratch_operands = 11 : i64, tpu.core_type = #tpu.core_type<sc_vector_subcore>, window_params = [{transform_indices = #map}, {transform_indices = #map1}, {transform_indices = #map2}, {transform_indices = #map}]} {
    %mul3A = arith.constant 16 : i32
    %mul3A_0 = arith.muli %arg0, %mul3A : i32
    %add3A = arith.addi %mul3A_0, %arg1 : i32
    %scan3A = arith.constant 0 : i32
    %scan3A_1 = arith.constant 0 : i32
    %scan3A_2 = arith.constant 64 : i32
    %scan3A_3 = arith.addi %scan3A_1, %scan3A_2 : i32
    %scan3A_4 = arith.constant 1 : i32
    scf.for %scan3A_114 = %scan3A_1 to %scan3A_3 step %scan3A_4  : i32 {
      %broadcast_in_dim3A = arith.constant 0.000000e+00 : f32
      %broadcast_in_dim3A_115 = vector.broadcast %broadcast_in_dim3A : f32 to vector<16xf32>
      %swap3A = arith.index_cast %scan3A_114 : i32 to index
      %swap3A_116 = arith.constant 0 : index
      %swap3A_117 = tpu.vector_load %arg8[%swap3A, %swap3A_116] {strides = array<i32>} : memref<64x128xf32, #tpu.memory_space<vmem>>, vector<1x16xf32>,
      %swap3A_118 = vector.shape_cast %swap3A_117 : vector<1x16xf32> to vector<16xf32>
      %swap3A_119 = vector.shape_cast %broadcast_in_dim3A_115 : vector<16xf32> to vector<1x16xf32>
      tpu.vector_store %arg8[%swap3A, %swap3A_116], %swap3A_119 {strides = array<i32>} : memref<64x128xf32, #tpu.memory_space<vmem>>, vector<1x16xf32>,
      %broadcast_in_dim3A_120 = arith.constant 0.000000e+00 : f32
      %broadcast_in_dim3A_121 = vector.broadcast %broadcast_in_dim3A_120 : f32 to vector<16xf32>
      %swap3A_122 = arith.index_cast %scan3A_114 : i32 to index
      %swap3A_123 = arith.constant 16 : index
      %swap3A_124 = tpu.vector_load %arg8[%swap3A_122, %swap3A_123] {strides = array<i32>} : memref<64x128xf32, #tpu.memory_space<vmem>>, vector<1x16xf32>,
      %swap3A_125 = vector.shape_cast %swap3A_124 : vector<1x16xf32> to vector<16xf32>
      %swap3A_126 = vector.shape_cast %broadcast_in_dim3A_121 : vector<16xf32> to vector<1x16xf32>
      tpu.vector_store %arg8[%swap3A_122, %swap3A_123], %swap3A_126 {strides = array<i32>} : memref<64x128xf32, #tpu.memory_space<vmem>>, vector<1x16xf32>,
      %broadcast_in_dim3A_127 = arith.constant 0.000000e+00 : f32
      %broadcast_in_dim3A_128 = vector.broadcast %broadcast_in_dim3A_127 : f32 to vector<16xf32>
      %swap3A_129 = arith.index_cast %scan3A_114 : i32 to index
      %swap3A_130 = arith.constant 32 : index
      %swap3A_131 = tpu.vector_load %arg8[%swap3A_129, %swap3A_130] {strides = array<i32>} : memref<64x128xf32, #tpu.memory_space<vmem>>, vector<1x16xf32>,
      %swap3A_132 = vector.shape_cast %swap3A_131 : vector<1x16xf32> to vector<16xf32>
      %swap3A_133 = vector.shape_cast %broadcast_in_dim3A_128 : vector<16xf32> to vector<1x16xf32>
      tpu.vector_store %arg8[%swap3A_129, %swap3A_130], %swap3A_133 {strides = array<i32>} : memref<64x128xf32, #tpu.memory_space<vmem>>, vector<1x16xf32>,
      %broadcast_in_dim3A_134 = arith.constant 0.000000e+00 : f32
      %broadcast_in_dim3A_135 = vector.broadcast %broadcast_in_dim3A_134 : f32 to vector<16xf32>
      %swap3A_136 = arith.index_cast %scan3A_114 : i32 to index
      %swap3A_137 = arith.constant 48 : index
      %swap3A_138 = tpu.vector_load %arg8[%swap3A_136, %swap3A_137] {strides = array<i32>} : memref<64x128xf32, #tpu.memory_space<vmem>>, vector<1x16xf32>,
      %swap3A_139 = vector.shape_cast %swap3A_138 : vector<1x16xf32> to vector<16xf32>
      %swap3A_140 = vector.shape_cast %broadcast_in_dim3A_135 : vector<16xf32> to vector<1x16xf32>
      tpu.vector_store %arg8[%swap3A_136, %swap3A_137], %swap3A_140 {strides = array<i32>} : memref<64x128xf32, #tpu.memory_space<vmem>>, vector<1x16xf32>,
      %broadcast_in_dim3A_141 = arith.constant 0.000000e+00 : f32
      %broadcast_in_dim3A_142 = vector.broadcast %broadcast_in_dim3A_141 : f32 to vector<16xf32>
      %swap3A_143 = arith.index_cast %scan3A_114 : i32 to index
      %swap3A_144 = arith.constant 64 : index
      %swap3A_145 = tpu.vector_load %arg8[%swap3A_143, %swap3A_144] {strides = array<i32>} : memref<64x128xf32, #tpu.memory_space<vmem>>, vector<1x16xf32>,
      %swap3A_146 = vector.shape_cast %swap3A_145 : vector<1x16xf32> to vector<16xf32>
      %swap3A_147 = vector.shape_cast %broadcast_in_dim3A_142 : vector<16xf32> to vector<1x16xf32>
      tpu.vector_store %arg8[%swap3A_143, %swap3A_144], %swap3A_147 {strides = array<i32>} : memref<64x128xf32, #tpu.memory_space<vmem>>, vector<1x16xf32>,
      %broadcast_in_dim3A_148 = arith.constant 0.000000e+00 : f32
      %broadcast_in_dim3A_149 = vector.broadcast %broadcast_in_dim3A_148 : f32 to vector<16xf32>
      %swap3A_150 = arith.index_cast %scan3A_114 : i32 to index
      %swap3A_151 = arith.constant 80 : index
      %swap3A_152 = tpu.vector_load %arg8[%swap3A_150, %swap3A_151] {strides = array<i32>} : memref<64x128xf32, #tpu.memory_space<vmem>>, vector<1x16xf32>,
      %swap3A_153 = vector.shape_cast %swap3A_152 : vector<1x16xf32> to vector<16xf32>
      %swap3A_154 = vector.shape_cast %broadcast_in_dim3A_149 : vector<16xf32> to vector<1x16xf32>
      tpu.vector_store %arg8[%swap3A_150, %swap3A_151], %swap3A_154 {strides = array<i32>} : memref<64x128xf32, #tpu.memory_space<vmem>>, vector<1x16xf32>,
      %broadcast_in_dim3A_155 = arith.constant 0.000000e+00 : f32
      %broadcast_in_dim3A_156 = vector.broadcast %broadcast_in_dim3A_155 : f32 to vector<16xf32>
      %swap3A_157 = arith.index_cast %scan3A_114 : i32 to index
      %swap3A_158 = arith.constant 96 : index
      %swap3A_159 = tpu.vector_load %arg8[%swap3A_157, %swap3A_158] {strides = array<i32>} : memref<64x128xf32, #tpu.memory_space<vmem>>, vector<1x16xf32>,
      %swap3A_160 = vector.shape_cast %swap3A_159 : vector<1x16xf32> to vector<16xf32>
      %swap3A_161 = vector.shape_cast %broadcast_in_dim3A_156 : vector<16xf32> to vector<1x16xf32>
      tpu.vector_store %arg8[%swap3A_157, %swap3A_158], %swap3A_161 {strides = array<i32>} : memref<64x128xf32, #tpu.memory_space<vmem>>, vector<1x16xf32>,
      %broadcast_in_dim3A_162 = arith.constant 0.000000e+00 : f32
      %broadcast_in_dim3A_163 = vector.broadcast %broadcast_in_dim3A_162 : f32 to vector<16xf32>
      %swap3A_164 = arith.index_cast %scan3A_114 : i32 to index
      %swap3A_165 = arith.constant 112 : index
      %swap3A_166 = tpu.vector_load %arg8[%swap3A_164, %swap3A_165] {strides = array<i32>} : memref<64x128xf32, #tpu.memory_space<vmem>>, vector<1x16xf32>,
      %swap3A_167 = vector.shape_cast %swap3A_166 : vector<1x16xf32> to vector<16xf32>
      %swap3A_168 = vector.shape_cast %broadcast_in_dim3A_163 : vector<16xf32> to vector<1x16xf32>
      tpu.vector_store %arg8[%swap3A_164, %swap3A_165], %swap3A_168 {strides = array<i32>} : memref<64x128xf32, #tpu.memory_space<vmem>>, vector<1x16xf32>,
    }
    %scan3A_5 = arith.constant 64 : i32
    %mul3A_6 = arith.constant 632 : i32
    %mul3A_7 = arith.muli %arg1, %mul3A_6 : i32
    %add3A_8 = arith.constant 0 : i32
    %add3A_9 = arith.addi %mul3A_7, %add3A_8 : i32
    "tpu.region"() ({
      %run_scoped3A = tpu.sem_alloc : memref<!tpu.dma_semaphore, #tpu.memory_space<semaphore_mem>>
      %dma_start3A_114 = arith.constant 0 : i32
      %dma_start3A_115 = arith.constant 0 : i32
      %dma_start3A_116 = tpu.memref_slice %arg8[%dma_start3A_114, %dma_start3A_115] : memref<64x128xf32, #tpu.memory_space<vmem>> -> memref<64x128xf32, #tpu.memory_space<vmem>>
      %dma_start3A_117 = arith.constant 0 : i32
      %dma_start3A_118 = tpu.memref_slice %arg12[%add3A_9, %dma_start3A_117] : memref<10112x128xf32, #tpu.memory_space<vmem_shared>> -> memref<64x128xf32, #tpu.memory_space<vmem_shared>>
      %dma_start3A_119 = arith.constant 0 : i32
      %dma_start3A_120 = tpu.memref_slice %arg12[%add3A_9, %dma_start3A_119] : memref<10112x128xf32, #tpu.memory_space<vmem_shared>> -> memref<64x128xf32, #tpu.memory_space<vmem_shared>>
      %dma_start3A_121 = arith.constant 0 : i32
      %dma_start3A_122 = arith.constant 0 : i32
      %dma_start3A_123 = tpu.memref_slice %arg8[%dma_start3A_121, %dma_start3A_122] : memref<64x128xf32, #tpu.memory_space<vmem>> -> memref<64x128xf32, #tpu.memory_space<vmem>>
      tpu.enqueue_dma source(%dma_start3A_123 : memref<64x128xf32, #tpu.memory_space<vmem>>) target(%dma_start3A_120 : memref<64x128xf32, #tpu.memory_space<vmem_shared>>) target_semaphore(%run_scoped3A : memref<!tpu.dma_semaphore, #tpu.memory_space<semaphore_mem>>)
      %dma_wait3A_124 = arith.constant 0 : i32
      %dma_wait3A_125 = arith.constant 0 : i32
      %dma_wait3A_126 = tpu.memref_slice %arg8[%dma_wait3A_124, %dma_wait3A_125] : memref<64x128xf32, #tpu.memory_space<vmem>> -> memref<64x128xf32, #tpu.memory_space<vmem>>
      %dma_wait3A_127 = arith.constant 0 : i32
      %dma_wait3A_128 = tpu.memref_slice %arg12[%add3A_9, %dma_wait3A_127] : memref<10112x128xf32, #tpu.memory_space<vmem_shared>> -> memref<64x128xf32, #tpu.memory_space<vmem_shared>>
      %dma_wait3A_129 = arith.constant 0 : i32
      %dma_wait3A_130 = tpu.memref_slice %arg12[%add3A_9, %dma_wait3A_129] : memref<10112x128xf32, #tpu.memory_space<vmem_shared>> -> memref<64x128xf32, #tpu.memory_space<vmem_shared>>
      %dma_wait3A_131 = arith.constant 0 : i32
      %dma_wait3A_132 = arith.constant 0 : i32
      %dma_wait3A_133 = tpu.memref_slice %arg8[%dma_wait3A_131, %dma_wait3A_132] : memref<64x128xf32, #tpu.memory_space<vmem>> -> memref<64x128xf32, #tpu.memory_space<vmem>>
      tpu.wait_dma2 semaphore(%run_scoped3A : memref<!tpu.dma_semaphore, #tpu.memory_space<semaphore_mem>>) src(%dma_wait3A_133 : memref<64x128xf32, #tpu.memory_space<vmem>>) dst(%dma_wait3A_130 : memref<64x128xf32, #tpu.memory_space<vmem_shared>>)
      tpu.yield
    }) : () -> ()
    %add3A_10 = arith.constant 64 : i32
    %add3A_11 = arith.addi %mul3A_7, %add3A_10 : i32
    "tpu.region"() ({
      %run_scoped3A = tpu.sem_alloc : memref<!tpu.dma_semaphore, #tpu.memory_space<semaphore_mem>>
      %dma_start3A_114 = arith.constant 0 : i32
      %dma_start3A_115 = arith.constant 0 : i32
      %dma_start3A_116 = tpu.memref_slice %arg8[%dma_start3A_114, %dma_start3A_115] : memref<64x128xf32, #tpu.memory_space<vmem>> -> memref<64x128xf32, #tpu.memory_space<vmem>>
      %dma_start3A_117 = arith.constant 0 : i32
      %dma_start3A_118 = tpu.memref_slice %arg12[%add3A_11, %dma_start3A_117] : memref<10112x128xf32, #tpu.memory_space<vmem_shared>> -> memref<64x128xf32, #tpu.memory_space<vmem_shared>>
      %dma_start3A_119 = arith.constant 0 : i32
      %dma_start3A_120 = tpu.memref_slice %arg12[%add3A_11, %dma_start3A_119] : memref<10112x128xf32, #tpu.memory_space<vmem_shared>> -> memref<64x128xf32, #tpu.memory_space<vmem_shared>>
      %dma_start3A_121 = arith.constant 0 : i32
      %dma_start3A_122 = arith.constant 0 : i32
      %dma_start3A_123 = tpu.memref_slice %arg8[%dma_start3A_121, %dma_start3A_122] : memref<64x128xf32, #tpu.memory_space<vmem>> -> memref<64x128xf32, #tpu.memory_space<vmem>>
      tpu.enqueue_dma source(%dma_start3A_123 : memref<64x128xf32, #tpu.memory_space<vmem>>) target(%dma_start3A_120 : memref<64x128xf32, #tpu.memory_space<vmem_shared>>) target_semaphore(%run_scoped3A : memref<!tpu.dma_semaphore, #tpu.memory_space<semaphore_mem>>)
      %dma_wait3A_124 = arith.constant 0 : i32
      %dma_wait3A_125 = arith.constant 0 : i32
      %dma_wait3A_126 = tpu.memref_slice %arg8[%dma_wait3A_124, %dma_wait3A_125] : memref<64x128xf32, #tpu.memory_space<vmem>> -> memref<64x128xf32, #tpu.memory_space<vmem>>
      %dma_wait3A_127 = arith.constant 0 : i32
      %dma_wait3A_128 = tpu.memref_slice %arg12[%add3A_11, %dma_wait3A_127] : memref<10112x128xf32, #tpu.memory_space<vmem_shared>> -> memref<64x128xf32, #tpu.memory_space<vmem_shared>>
      %dma_wait3A_129 = arith.constant 0 : i32
      %dma_wait3A_130 = tpu.memref_slice %arg12[%add3A_11, %dma_wait3A_129] : memref<10112x128xf32, #tpu.memory_space<vmem_shared>> -> memref<64x128xf32, #tpu.memory_space<vmem_shared>>
      %dma_wait3A_131 = arith.constant 0 : i32
      %dma_wait3A_132 = arith.constant 0 : i32
      %dma_wait3A_133 = tpu.memref_slice %arg8[%dma_wait3A_131, %dma_wait3A_132] : memref<64x128xf32, #tpu.memory_space<vmem>> -> memref<64x128xf32, #tpu.memory_space<vmem>>
      tpu.wait_dma2 semaphore(%run_scoped3A : memref<!tpu.dma_semaphore, #tpu.memory_space<semaphore_mem>>) src(%dma_wait3A_133 : memref<64x128xf32, #tpu.memory_space<vmem>>) dst(%dma_wait3A_130 : memref<64x128xf32, #tpu.memory_space<vmem_shared>>)
      tpu.yield
    }) : () -> ()
    %add3A_12 = arith.constant 128 : i32
    %add3A_13 = arith.addi %mul3A_7, %add3A_12 : i32
    "tpu.region"() ({
      %run_scoped3A = tpu.sem_alloc : memref<!tpu.dma_semaphore, #tpu.memory_space<semaphore_mem>>
      %dma_start3A_114 = arith.constant 0 : i32
      %dma_start3A_115 = arith.constant 0 : i32
      %dma_start3A_116 = tpu.memref_slice %arg8[%dma_start3A_114, %dma_start3A_115] : memref<64x128xf32, #tpu.memory_space<vmem>> -> memref<64x128xf32, #tpu.memory_space<vmem>>
      %dma_start3A_117 = arith.constant 0 : i32
      %dma_start3A_118 = tpu.memref_slice %arg12[%add3A_13, %dma_start3A_117] : memref<10112x128xf32, #tpu.memory_space<vmem_shared>> -> memref<64x128xf32, #tpu.memory_space<vmem_shared>>
      %dma_start3A_119 = arith.constant 0 : i32
      %dma_start3A_120 = tpu.memref_slice %arg12[%add3A_13, %dma_start3A_119] : memref<10112x128xf32, #tpu.memory_space<vmem_shared>> -> memref<64x128xf32, #tpu.memory_space<vmem_shared>>
      %dma_start3A_121 = arith.constant 0 : i32
      %dma_start3A_122 = arith.constant 0 : i32
      %dma_start3A_123 = tpu.memref_slice %arg8[%dma_start3A_121, %dma_start3A_122] : memref<64x128xf32, #tpu.memory_space<vmem>> -> memref<64x128xf32, #tpu.memory_space<vmem>>
      tpu.enqueue_dma source(%dma_start3A_123 : memref<64x128xf32, #tpu.memory_space<vmem>>) target(%dma_start3A_120 : memref<64x128xf32, #tpu.memory_space<vmem_shared>>) target_semaphore(%run_scoped3A : memref<!tpu.dma_semaphore, #tpu.memory_space<semaphore_mem>>)
      %dma_wait3A_124 = arith.constant 0 : i32
      %dma_wait3A_125 = arith.constant 0 : i32
      %dma_wait3A_126 = tpu.memref_slice %arg8[%dma_wait3A_124, %dma_wait3A_125] : memref<64x128xf32, #tpu.memory_space<vmem>> -> memref<64x128xf32, #tpu.memory_space<vmem>>
      %dma_wait3A_127 = arith.constant 0 : i32
      %dma_wait3A_128 = tpu.memref_slice %arg12[%add3A_13, %dma_wait3A_127] : memref<10112x128xf32, #tpu.memory_space<vmem_shared>> -> memref<64x128xf32, #tpu.memory_space<vmem_shared>>
      %dma_wait3A_129 = arith.constant 0 : i32
      %dma_wait3A_130 = tpu.memref_slice %arg12[%add3A_13, %dma_wait3A_129] : memref<10112x128xf32, #tpu.memory_space<vmem_shared>> -> memref<64x128xf32, #tpu.memory_space<vmem_shared>>
      %dma_wait3A_131 = arith.constant 0 : i32
      %dma_wait3A_132 = arith.constant 0 : i32
      %dma_wait3A_133 = tpu.memref_slice %arg8[%dma_wait3A_131, %dma_wait3A_132] : memref<64x128xf32, #tpu.memory_space<vmem>> -> memref<64x128xf32, #tpu.memory_space<vmem>>
      tpu.wait_dma2 semaphore(%run_scoped3A : memref<!tpu.dma_semaphore, #tpu.memory_space<semaphore_mem>>) src(%dma_wait3A_133 : memref<64x128xf32, #tpu.memory_space<vmem>>) dst(%dma_wait3A_130 : memref<64x128xf32, #tpu.memory_space<vmem_shared>>)
      tpu.yield
    }) : () -> ()
    %add3A_14 = arith.constant 192 : i32
    %add3A_15 = arith.addi %mul3A_7, %add3A_14 : i32
    "tpu.region"() ({
      %run_scoped3A = tpu.sem_alloc : memref<!tpu.dma_semaphore, #tpu.memory_space<semaphore_mem>>
      %dma_start3A_114 = arith.constant 0 : i32
      %dma_start3A_115 = arith.constant 0 : i32
      %dma_start3A_116 = tpu.memref_slice %arg8[%dma_start3A_114, %dma_start3A_115] : memref<64x128xf32, #tpu.memory_space<vmem>> -> memref<64x128xf32, #tpu.memory_space<vmem>>
      %dma_start3A_117 = arith.constant 0 : i32
      %dma_start3A_118 = tpu.memref_slice %arg12[%add3A_15, %dma_start3A_117] : memref<10112x128xf32, #tpu.memory_space<vmem_shared>> -> memref<64x128xf32, #tpu.memory_space<vmem_shared>>
      %dma_start3A_119 = arith.constant 0 : i32
      %dma_start3A_120 = tpu.memref_slice %arg12[%add3A_15, %dma_start3A_119] : memref<10112x128xf32, #tpu.memory_space<vmem_shared>> -> memref<64x128xf32, #tpu.memory_space<vmem_shared>>
      %dma_start3A_121 = arith.constant 0 : i32
      %dma_start3A_122 = arith.constant 0 : i32
      %dma_start3A_123 = tpu.memref_slice %arg8[%dma_start3A_121, %dma_start3A_122] : memref<64x128xf32, #tpu.memory_space<vmem>> -> memref<64x128xf32, #tpu.memory_space<vmem>>
      tpu.enqueue_dma source(%dma_start3A_123 : memref<64x128xf32, #tpu.memory_space<vmem>>) target(%dma_start3A_120 : memref<64x128xf32, #tpu.memory_space<vmem_shared>>) target_semaphore(%run_scoped3A : memref<!tpu.dma_semaphore, #tpu.memory_space<semaphore_mem>>)
      %dma_wait3A_124 = arith.constant 0 : i32
      %dma_wait3A_125 = arith.constant 0 : i32
      %dma_wait3A_126 = tpu.memref_slice %arg8[%dma_wait3A_124, %dma_wait3A_125] : memref<64x128xf32, #tpu.memory_space<vmem>> -> memref<64x128xf32, #tpu.memory_space<vmem>>
      %dma_wait3A_127 = arith.constant 0 : i32
      %dma_wait3A_128 = tpu.memref_slice %arg12[%add3A_15, %dma_wait3A_127] : memref<10112x128xf32, #tpu.memory_space<vmem_shared>> -> memref<64x128xf32, #tpu.memory_space<vmem_shared>>
      %dma_wait3A_129 = arith.constant 0 : i32
      %dma_wait3A_130 = tpu.memref_slice %arg12[%add3A_15, %dma_wait3A_129] : memref<10112x128xf32, #tpu.memory_space<vmem_shared>> -> memref<64x128xf32, #tpu.memory_space<vmem_shared>>
      %dma_wait3A_131 = arith.constant 0 : i32
      %dma_wait3A_132 = arith.constant 0 : i32
      %dma_wait3A_133 = tpu.memref_slice %arg8[%dma_wait3A_131, %dma_wait3A_132] : memref<64x128xf32, #tpu.memory_space<vmem>> -> memref<64x128xf32, #tpu.memory_space<vmem>>
      tpu.wait_dma2 semaphore(%run_scoped3A : memref<!tpu.dma_semaphore, #tpu.memory_space<semaphore_mem>>) src(%dma_wait3A_133 : memref<64x128xf32, #tpu.memory_space<vmem>>) dst(%dma_wait3A_130 : memref<64x128xf32, #tpu.memory_space<vmem_shared>>)
      tpu.yield
    }) : () -> ()
    %add3A_16 = arith.constant 256 : i32
    %add3A_17 = arith.addi %mul3A_7, %add3A_16 : i32
    "tpu.region"() ({
      %run_scoped3A = tpu.sem_alloc : memref<!tpu.dma_semaphore, #tpu.memory_space<semaphore_mem>>
      %dma_start3A_114 = arith.constant 0 : i32
      %dma_start3A_115 = arith.constant 0 : i32
      %dma_start3A_116 = tpu.memref_slice %arg8[%dma_start3A_114, %dma_start3A_115] : memref<64x128xf32, #tpu.memory_space<vmem>> -> memref<64x128xf32, #tpu.memory_space<vmem>>
      %dma_start3A_117 = arith.constant 0 : i32
      %dma_start3A_118 = tpu.memref_slice %arg12[%add3A_17, %dma_start3A_117] : memref<10112x128xf32, #tpu.memory_space<vmem_shared>> -> memref<64x128xf32, #tpu.memory_space<vmem_shared>>
      %dma_start3A_119 = arith.constant 0 : i32
      %dma_start3A_120 = tpu.memref_slice %arg12[%add3A_17, %dma_start3A_119] : memref<10112x128xf32, #tpu.memory_space<vmem_shared>> -> memref<64x128xf32, #tpu.memory_space<vmem_shared>>
      %dma_start3A_121 = arith.constant 0 : i32
      %dma_start3A_122 = arith.constant 0 : i32
      %dma_start3A_123 = tpu.memref_slice %arg8[%dma_start3A_121, %dma_start3A_122] : memref<64x128xf32, #tpu.memory_space<vmem>> -> memref<64x128xf32, #tpu.memory_space<vmem>>
      tpu.enqueue_dma source(%dma_start3A_123 : memref<64x128xf32, #tpu.memory_space<vmem>>) target(%dma_start3A_120 : memref<64x128xf32, #tpu.memory_space<vmem_shared>>) target_semaphore(%run_scoped3A : memref<!tpu.dma_semaphore, #tpu.memory_space<semaphore_mem>>)
      %dma_wait3A_124 = arith.constant 0 : i32
      %dma_wait3A_125 = arith.constant 0 : i32
      %dma_wait3A_126 = tpu.memref_slice %arg8[%dma_wait3A_124, %dma_wait3A_125] : memref<64x128xf32, #tpu.memory_space<vmem>> -> memref<64x128xf32, #tpu.memory_space<vmem>>
      %dma_wait3A_127 = arith.constant 0 : i32
      %dma_wait3A_128 = tpu.memref_slice %arg12[%add3A_17, %dma_wait3A_127] : memref<10112x128xf32, #tpu.memory_space<vmem_shared>> -> memref<64x128xf32, #tpu.memory_space<vmem_shared>>
      %dma_wait3A_129 = arith.constant 0 : i32
      %dma_wait3A_130 = tpu.memref_slice %arg12[%add3A_17, %dma_wait3A_129] : memref<10112x128xf32, #tpu.memory_space<vmem_shared>> -> memref<64x128xf32, #tpu.memory_space<vmem_shared>>
      %dma_wait3A_131 = arith.constant 0 : i32
      %dma_wait3A_132 = arith.constant 0 : i32
      %dma_wait3A_133 = tpu.memref_slice %arg8[%dma_wait3A_131, %dma_wait3A_132] : memref<64x128xf32, #tpu.memory_space<vmem>> -> memref<64x128xf32, #tpu.memory_space<vmem>>
      tpu.wait_dma2 semaphore(%run_scoped3A : memref<!tpu.dma_semaphore, #tpu.memory_space<semaphore_mem>>) src(%dma_wait3A_133 : memref<64x128xf32, #tpu.memory_space<vmem>>) dst(%dma_wait3A_130 : memref<64x128xf32, #tpu.memory_space<vmem_shared>>)
      tpu.yield
    }) : () -> ()
    %add3A_18 = arith.constant 320 : i32
    %add3A_19 = arith.addi %mul3A_7, %add3A_18 : i32
    "tpu.region"() ({
      %run_scoped3A = tpu.sem_alloc : memref<!tpu.dma_semaphore, #tpu.memory_space<semaphore_mem>>
      %dma_start3A_114 = arith.constant 0 : i32
      %dma_start3A_115 = arith.constant 0 : i32
      %dma_start3A_116 = tpu.memref_slice %arg8[%dma_start3A_114, %dma_start3A_115] : memref<64x128xf32, #tpu.memory_space<vmem>> -> memref<64x128xf32, #tpu.memory_space<vmem>>
      %dma_start3A_117 = arith.constant 0 : i32
      %dma_start3A_118 = tpu.memref_slice %arg12[%add3A_19, %dma_start3A_117] : memref<10112x128xf32, #tpu.memory_space<vmem_shared>> -> memref<64x128xf32, #tpu.memory_space<vmem_shared>>
      %dma_start3A_119 = arith.constant 0 : i32
      %dma_start3A_120 = tpu.memref_slice %arg12[%add3A_19, %dma_start3A_119] : memref<10112x128xf32, #tpu.memory_space<vmem_shared>> -> memref<64x128xf32, #tpu.memory_space<vmem_shared>>
      %dma_start3A_121 = arith.constant 0 : i32
      %dma_start3A_122 = arith.constant 0 : i32
      %dma_start3A_123 = tpu.memref_slice %arg8[%dma_start3A_121, %dma_start3A_122] : memref<64x128xf32, #tpu.memory_space<vmem>> -> memref<64x128xf32, #tpu.memory_space<vmem>>
      tpu.enqueue_dma source(%dma_start3A_123 : memref<64x128xf32, #tpu.memory_space<vmem>>) target(%dma_start3A_120 : memref<64x128xf32, #tpu.memory_space<vmem_shared>>) target_semaphore(%run_scoped3A : memref<!tpu.dma_semaphore, #tpu.memory_space<semaphore_mem>>)
      %dma_wait3A_124 = arith.constant 0 : i32
      %dma_wait3A_125 = arith.constant 0 : i32
      %dma_wait3A_126 = tpu.memref_slice %arg8[%dma_wait3A_124, %dma_wait3A_125] : memref<64x128xf32, #tpu.memory_space<vmem>> -> memref<64x128xf32, #tpu.memory_space<vmem>>
      %dma_wait3A_127 = arith.constant 0 : i32
      %dma_wait3A_128 = tpu.memref_slice %arg12[%add3A_19, %dma_wait3A_127] : memref<10112x128xf32, #tpu.memory_space<vmem_shared>> -> memref<64x128xf32, #tpu.memory_space<vmem_shared>>
      %dma_wait3A_129 = arith.constant 0 : i32
      %dma_wait3A_130 = tpu.memref_slice %arg12[%add3A_19, %dma_wait3A_129] : memref<10112x128xf32, #tpu.memory_space<vmem_shared>> -> memref<64x128xf32, #tpu.memory_space<vmem_shared>>
      %dma_wait3A_131 = arith.constant 0 : i32
      %dma_wait3A_132 = arith.constant 0 : i32
      %dma_wait3A_133 = tpu.memref_slice %arg8[%dma_wait3A_131, %dma_wait3A_132] : memref<64x128xf32, #tpu.memory_space<vmem>> -> memref<64x128xf32, #tpu.memory_space<vmem>>
      tpu.wait_dma2 semaphore(%run_scoped3A : memref<!tpu.dma_semaphore, #tpu.memory_space<semaphore_mem>>) src(%dma_wait3A_133 : memref<64x128xf32, #tpu.memory_space<vmem>>) dst(%dma_wait3A_130 : memref<64x128xf32, #tpu.memory_space<vmem_shared>>)
      tpu.yield
    }) : () -> ()
    %add3A_20 = arith.constant 384 : i32
    %add3A_21 = arith.addi %mul3A_7, %add3A_20 : i32
    "tpu.region"() ({
      %run_scoped3A = tpu.sem_alloc : memref<!tpu.dma_semaphore, #tpu.memory_space<semaphore_mem>>
      %dma_start3A_114 = arith.constant 0 : i32
      %dma_start3A_115 = arith.constant 0 : i32
      %dma_start3A_116 = tpu.memref_slice %arg8[%dma_start3A_114, %dma_start3A_115] : memref<64x128xf32, #tpu.memory_space<vmem>> -> memref<64x128xf32, #tpu.memory_space<vmem>>
      %dma_start3A_117 = arith.constant 0 : i32
      %dma_start3A_118 = tpu.memref_slice %arg12[%add3A_21, %dma_start3A_117] : memref<10112x128xf32, #tpu.memory_space<vmem_shared>> -> memref<64x128xf32, #tpu.memory_space<vmem_shared>>
      %dma_start3A_119 = arith.constant 0 : i32
      %dma_start3A_120 = tpu.memref_slice %arg12[%add3A_21, %dma_start3A_119] : memref<10112x128xf32, #tpu.memory_space<vmem_shared>> -> memref<64x128xf32, #tpu.memory_space<vmem_shared>>
      %dma_start3A_121 = arith.constant 0 : i32
      %dma_start3A_122 = arith.constant 0 : i32
      %dma_start3A_123 = tpu.memref_slice %arg8[%dma_start3A_121, %dma_start3A_122] : memref<64x128xf32, #tpu.memory_space<vmem>> -> memref<64x128xf32, #tpu.memory_space<vmem>>
      tpu.enqueue_dma source(%dma_start3A_123 : memref<64x128xf32, #tpu.memory_space<vmem>>) target(%dma_start3A_120 : memref<64x128xf32, #tpu.memory_space<vmem_shared>>) target_semaphore(%run_scoped3A : memref<!tpu.dma_semaphore, #tpu.memory_space<semaphore_mem>>)
      %dma_wait3A_124 = arith.constant 0 : i32
      %dma_wait3A_125 = arith.constant 0 : i32
      %dma_wait3A_126 = tpu.memref_slice %arg8[%dma_wait3A_124, %dma_wait3A_125] : memref<64x128xf32, #tpu.memory_space<vmem>> -> memref<64x128xf32, #tpu.memory_space<vmem>>
      %dma_wait3A_127 = arith.constant 0 : i32
      %dma_wait3A_128 = tpu.memref_slice %arg12[%add3A_21, %dma_wait3A_127] : memref<10112x128xf32, #tpu.memory_space<vmem_shared>> -> memref<64x128xf32, #tpu.memory_space<vmem_shared>>
      %dma_wait3A_129 = arith.constant 0 : i32
      %dma_wait3A_130 = tpu.memref_slice %arg12[%add3A_21, %dma_wait3A_129] : memref<10112x128xf32, #tpu.memory_space<vmem_shared>> -> memref<64x128xf32, #tpu.memory_space<vmem_shared>>
      %dma_wait3A_131 = arith.constant 0 : i32
      %dma_wait3A_132 = arith.constant 0 : i32
      %dma_wait3A_133 = tpu.memref_slice %arg8[%dma_wait3A_131, %dma_wait3A_132] : memref<64x128xf32, #tpu.memory_space<vmem>> -> memref<64x128xf32, #tpu.memory_space<vmem>>
      tpu.wait_dma2 semaphore(%run_scoped3A : memref<!tpu.dma_semaphore, #tpu.memory_space<semaphore_mem>>) src(%dma_wait3A_133 : memref<64x128xf32, #tpu.memory_space<vmem>>) dst(%dma_wait3A_130 : memref<64x128xf32, #tpu.memory_space<vmem_shared>>)
      tpu.yield
    }) : () -> ()
    %add3A_22 = arith.constant 448 : i32
    %add3A_23 = arith.addi %mul3A_7, %add3A_22 : i32
    "tpu.region"() ({
      %run_scoped3A = tpu.sem_alloc : memref<!tpu.dma_semaphore, #tpu.memory_space<semaphore_mem>>
      %dma_start3A_114 = arith.constant 0 : i32
      %dma_start3A_115 = arith.constant 0 : i32
      %dma_start3A_116 = tpu.memref_slice %arg8[%dma_start3A_114, %dma_start3A_115] : memref<64x128xf32, #tpu.memory_space<vmem>> -> memref<64x128xf32, #tpu.memory_space<vmem>>
      %dma_start3A_117 = arith.constant 0 : i32
      %dma_start3A_118 = tpu.memref_slice %arg12[%add3A_23, %dma_start3A_117] : memref<10112x128xf32, #tpu.memory_space<vmem_shared>> -> memref<64x128xf32, #tpu.memory_space<vmem_shared>>
      %dma_start3A_119 = arith.constant 0 : i32
      %dma_start3A_120 = tpu.memref_slice %arg12[%add3A_23, %dma_start3A_119] : memref<10112x128xf32, #tpu.memory_space<vmem_shared>> -> memref<64x128xf32, #tpu.memory_space<vmem_shared>>
      %dma_start3A_121 = arith.constant 0 : i32
      %dma_start3A_122 = arith.constant 0 : i32
      %dma_start3A_123 = tpu.memref_slice %arg8[%dma_start3A_121, %dma_start3A_122] : memref<64x128xf32, #tpu.memory_space<vmem>> -> memref<64x128xf32, #tpu.memory_space<vmem>>
      tpu.enqueue_dma source(%dma_start3A_123 : memref<64x128xf32, #tpu.memory_space<vmem>>) target(%dma_start3A_120 : memref<64x128xf32, #tpu.memory_space<vmem_shared>>) target_semaphore(%run_scoped3A : memref<!tpu.dma_semaphore, #tpu.memory_space<semaphore_mem>>)
      %dma_wait3A_124 = arith.constant 0 : i32
      %dma_wait3A_125 = arith.constant 0 : i32
      %dma_wait3A_126 = tpu.memref_slice %arg8[%dma_wait3A_124, %dma_wait3A_125] : memref<64x128xf32, #tpu.memory_space<vmem>> -> memref<64x128xf32, #tpu.memory_space<vmem>>
      %dma_wait3A_127 = arith.constant 0 : i32
      %dma_wait3A_128 = tpu.memref_slice %arg12[%add3A_23, %dma_wait3A_127] : memref<10112x128xf32, #tpu.memory_space<vmem_shared>> -> memref<64x128xf32, #tpu.memory_space<vmem_shared>>
      %dma_wait3A_129 = arith.constant 0 : i32
      %dma_wait3A_130 = tpu.memref_slice %arg12[%add3A_23, %dma_wait3A_129] : memref<10112x128xf32, #tpu.memory_space<vmem_shared>> -> memref<64x128xf32, #tpu.memory_space<vmem_shared>>
      %dma_wait3A_131 = arith.constant 0 : i32
      %dma_wait3A_132 = arith.constant 0 : i32
      %dma_wait3A_133 = tpu.memref_slice %arg8[%dma_wait3A_131, %dma_wait3A_132] : memref<64x128xf32, #tpu.memory_space<vmem>> -> memref<64x128xf32, #tpu.memory_space<vmem>>
      tpu.wait_dma2 semaphore(%run_scoped3A : memref<!tpu.dma_semaphore, #tpu.memory_space<semaphore_mem>>) src(%dma_wait3A_133 : memref<64x128xf32, #tpu.memory_space<vmem>>) dst(%dma_wait3A_130 : memref<64x128xf32, #tpu.memory_space<vmem_shared>>)
      tpu.yield
    }) : () -> ()
    %add3A_24 = arith.constant 512 : i32
    %add3A_25 = arith.addi %mul3A_7, %add3A_24 : i32
    "tpu.region"() ({
      %run_scoped3A = tpu.sem_alloc : memref<!tpu.dma_semaphore, #tpu.memory_space<semaphore_mem>>
      %dma_start3A_114 = arith.constant 0 : i32
      %dma_start3A_115 = arith.constant 0 : i32
      %dma_start3A_116 = tpu.memref_slice %arg8[%dma_start3A_114, %dma_start3A_115] : memref<64x128xf32, #tpu.memory_space<vmem>> -> memref<64x128xf32, #tpu.memory_space<vmem>>
      %dma_start3A_117 = arith.constant 0 : i32
      %dma_start3A_118 = tpu.memref_slice %arg12[%add3A_25, %dma_start3A_117] : memref<10112x128xf32, #tpu.memory_space<vmem_shared>> -> memref<64x128xf32, #tpu.memory_space<vmem_shared>>
      %dma_start3A_119 = arith.constant 0 : i32
      %dma_start3A_120 = tpu.memref_slice %arg12[%add3A_25, %dma_start3A_119] : memref<10112x128xf32, #tpu.memory_space<vmem_shared>> -> memref<64x128xf32, #tpu.memory_space<vmem_shared>>
      %dma_start3A_121 = arith.constant 0 : i32
      %dma_start3A_122 = arith.constant 0 : i32
      %dma_start3A_123 = tpu.memref_slice %arg8[%dma_start3A_121, %dma_start3A_122] : memref<64x128xf32, #tpu.memory_space<vmem>> -> memref<64x128xf32, #tpu.memory_space<vmem>>
      tpu.enqueue_dma source(%dma_start3A_123 : memref<64x128xf32, #tpu.memory_space<vmem>>) target(%dma_start3A_120 : memref<64x128xf32, #tpu.memory_space<vmem_shared>>) target_semaphore(%run_scoped3A : memref<!tpu.dma_semaphore, #tpu.memory_space<semaphore_mem>>)
      %dma_wait3A_124 = arith.constant 0 : i32
      %dma_wait3A_125 = arith.constant 0 : i32
      %dma_wait3A_126 = tpu.memref_slice %arg8[%dma_wait3A_124, %dma_wait3A_125] : memref<64x128xf32, #tpu.memory_space<vmem>> -> memref<64x128xf32, #tpu.memory_space<vmem>>
      %dma_wait3A_127 = arith.constant 0 : i32
      %dma_wait3A_128 = tpu.memref_slice %arg12[%add3A_25, %dma_wait3A_127] : memref<10112x128xf32, #tpu.memory_space<vmem_shared>> -> memref<64x128xf32, #tpu.memory_space<vmem_shared>>
      %dma_wait3A_129 = arith.constant 0 : i32
      %dma_wait3A_130 = tpu.memref_slice %arg12[%add3A_25, %dma_wait3A_129] : memref<10112x128xf32, #tpu.memory_space<vmem_shared>> -> memref<64x128xf32, #tpu.memory_space<vmem_shared>>
      %dma_wait3A_131 = arith.constant 0 : i32
      %dma_wait3A_132 = arith.constant 0 : i32
      %dma_wait3A_133 = tpu.memref_slice %arg8[%dma_wait3A_131, %dma_wait3A_132] : memref<64x128xf32, #tpu.memory_space<vmem>> -> memref<64x128xf32, #tpu.memory_space<vmem>>
      tpu.wait_dma2 semaphore(%run_scoped3A : memref<!tpu.dma_semaphore, #tpu.memory_space<semaphore_mem>>) src(%dma_wait3A_133 : memref<64x128xf32, #tpu.memory_space<vmem>>) dst(%dma_wait3A_130 : memref<64x128xf32, #tpu.memory_space<vmem_shared>>)
      tpu.yield
    }) : () -> ()
    %add3A_26 = arith.constant 576 : i32
    %add3A_27 = arith.addi %mul3A_7, %add3A_26 : i32
    "tpu.region"() ({
      %run_scoped3A = tpu.sem_alloc : memref<!tpu.dma_semaphore, #tpu.memory_space<semaphore_mem>>
      %dma_start3A_114 = arith.constant 0 : i32
      %dma_start3A_115 = arith.constant 0 : i32
      %dma_start3A_116 = tpu.memref_slice %arg8[%dma_start3A_114, %dma_start3A_115] : memref<64x128xf32, #tpu.memory_space<vmem>> -> memref<56x128xf32, #tpu.memory_space<vmem>>
      %dma_start3A_117 = arith.constant 0 : i32
      %dma_start3A_118 = tpu.memref_slice %arg12[%add3A_27, %dma_start3A_117] : memref<10112x128xf32, #tpu.memory_space<vmem_shared>> -> memref<56x128xf32, #tpu.memory_space<vmem_shared>>
      %dma_start3A_119 = arith.constant 0 : i32
      %dma_start3A_120 = tpu.memref_slice %arg12[%add3A_27, %dma_start3A_119] : memref<10112x128xf32, #tpu.memory_space<vmem_shared>> -> memref<56x128xf32, #tpu.memory_space<vmem_shared>>
      %dma_start3A_121 = arith.constant 0 : i32
      %dma_start3A_122 = arith.constant 0 : i32
      %dma_start3A_123 = tpu.memref_slice %arg8[%dma_start3A_121, %dma_start3A_122] : memref<64x128xf32, #tpu.memory_space<vmem>> -> memref<56x128xf32, #tpu.memory_space<vmem>>
      tpu.enqueue_dma source(%dma_start3A_123 : memref<56x128xf32, #tpu.memory_space<vmem>>) target(%dma_start3A_120 : memref<56x128xf32, #tpu.memory_space<vmem_shared>>) target_semaphore(%run_scoped3A : memref<!tpu.dma_semaphore, #tpu.memory_space<semaphore_mem>>)
      %dma_wait3A_124 = arith.constant 0 : i32
      %dma_wait3A_125 = arith.constant 0 : i32
      %dma_wait3A_126 = tpu.memref_slice %arg8[%dma_wait3A_124, %dma_wait3A_125] : memref<64x128xf32, #tpu.memory_space<vmem>> -> memref<56x128xf32, #tpu.memory_space<vmem>>
      %dma_wait3A_127 = arith.constant 0 : i32
      %dma_wait3A_128 = tpu.memref_slice %arg12[%add3A_27, %dma_wait3A_127] : memref<10112x128xf32, #tpu.memory_space<vmem_shared>> -> memref<56x128xf32, #tpu.memory_space<vmem_shared>>
      %dma_wait3A_129 = arith.constant 0 : i32
      %dma_wait3A_130 = tpu.memref_slice %arg12[%add3A_27, %dma_wait3A_129] : memref<10112x128xf32, #tpu.memory_space<vmem_shared>> -> memref<56x128xf32, #tpu.memory_space<vmem_shared>>
      %dma_wait3A_131 = arith.constant 0 : i32
      %dma_wait3A_132 = arith.constant 0 : i32
      %dma_wait3A_133 = tpu.memref_slice %arg8[%dma_wait3A_131, %dma_wait3A_132] : memref<64x128xf32, #tpu.memory_space<vmem>> -> memref<56x128xf32, #tpu.memory_space<vmem>>
      tpu.wait_dma2 semaphore(%run_scoped3A : memref<!tpu.dma_semaphore, #tpu.memory_space<semaphore_mem>>) src(%dma_wait3A_133 : memref<56x128xf32, #tpu.memory_space<vmem>>) dst(%dma_wait3A_130 : memref<56x128xf32, #tpu.memory_space<vmem_shared>>)
      tpu.yield
    }) : () -> ()
    %barrier3A = arith.constant 0 : index
    tpu.barrier barrier_id(%barrier3A)
    %mul3A_28 = arith.constant 10240 : i32
    %mul3A_29 = arith.muli %add3A, %mul3A_28 : i32
    %add3A_30 = arith.constant 0 : i32
    %add3A_31 = arith.addi %mul3A_29, %add3A_30 : i32
    "tpu.region"() ({
      %run_scoped3A = tpu.sem_alloc : memref<!tpu.dma_semaphore, #tpu.memory_space<semaphore_mem>>
      %dma_start3A_114 = tpu.memref_slice %arg3[%add3A_31] : memref<327680xi32, #tpu.memory_space<hbm>> -> memref<5120xi32, #tpu.memory_space<hbm>>
      %dma_start3A_115 = tpu.memref_slice %arg3[%add3A_31] : memref<327680xi32, #tpu.memory_space<hbm>> -> memref<5120xi32, #tpu.memory_space<hbm>>
      tpu.enqueue_dma source(%dma_start3A_115 : memref<5120xi32, #tpu.memory_space<hbm>>) target(%arg6 : memref<5120xi32, #tpu.memory_space<vmem>>) target_semaphore(%run_scoped3A : memref<!tpu.dma_semaphore, #tpu.memory_space<semaphore_mem>>)
      %dma_wait3A_116 = tpu.memref_slice %arg3[%add3A_31] : memref<327680xi32, #tpu.memory_space<hbm>> -> memref<5120xi32, #tpu.memory_space<hbm>>
      %dma_wait3A_117 = tpu.memref_slice %arg3[%add3A_31] : memref<327680xi32, #tpu.memory_space<hbm>> -> memref<5120xi32, #tpu.memory_space<hbm>>
      tpu.wait_dma2 semaphore(%run_scoped3A : memref<!tpu.dma_semaphore, #tpu.memory_space<semaphore_mem>>) src(%dma_wait3A_117 : memref<5120xi32, #tpu.memory_space<hbm>>) dst(%arg6 : memref<5120xi32, #tpu.memory_space<vmem>>)
      tpu.yield
    }) : () -> ()
    "tpu.region"() ({
      %run_scoped3A = tpu.sem_alloc : memref<!tpu.dma_semaphore, #tpu.memory_space<semaphore_mem>>
      %dma_start3A_114 = arith.constant 0 : i32
      %dma_start3A_115 = arith.constant 0 : i32
      %dma_start3A_116 = tpu.memref_slice %arg4[%add3A, %dma_start3A_114, %dma_start3A_115] : memref<32x160x64xi32, #tpu.memory_space<hbm>> -> memref<1x80x64xi32, #tpu.memory_space<hbm>>
      %dma_start3A_117 = tpu.memref_squeeze %dma_start3A_116 : memref<1x80x64xi32, #tpu.memory_space<hbm>> -> memref<80x64xi32, #tpu.memory_space<hbm>>
      %dma_start3A_118 = arith.constant 0 : i32
      %dma_start3A_119 = arith.constant 0 : i32
      %dma_start3A_120 = tpu.memref_slice %arg4[%add3A, %dma_start3A_118, %dma_start3A_119] : memref<32x160x64xi32, #tpu.memory_space<hbm>> -> memref<1x80x64xi32, #tpu.memory_space<hbm>>
      %dma_start3A_121 = tpu.memref_squeeze %dma_start3A_120 : memref<1x80x64xi32, #tpu.memory_space<hbm>> -> memref<80x64xi32, #tpu.memory_space<hbm>>
      tpu.enqueue_dma source(%dma_start3A_121 : memref<80x64xi32, #tpu.memory_space<hbm>>) target(%arg7 : memref<80x64xi32, #tpu.memory_space<vmem>>) target_semaphore(%run_scoped3A : memref<!tpu.dma_semaphore, #tpu.memory_space<semaphore_mem>>)
      %dma_wait3A_122 = arith.constant 0 : i32
      %dma_wait3A_123 = arith.constant 0 : i32
      %dma_wait3A_124 = tpu.memref_slice %arg4[%add3A, %dma_wait3A_122, %dma_wait3A_123] : memref<32x160x64xi32, #tpu.memory_space<hbm>> -> memref<1x80x64xi32, #tpu.memory_space<hbm>>
      %dma_wait3A_125 = tpu.memref_squeeze %dma_wait3A_124 : memref<1x80x64xi32, #tpu.memory_space<hbm>> -> memref<80x64xi32, #tpu.memory_space<hbm>>
      %dma_wait3A_126 = arith.constant 0 : i32
      %dma_wait3A_127 = arith.constant 0 : i32
      %dma_wait3A_128 = tpu.memref_slice %arg4[%add3A, %dma_wait3A_126, %dma_wait3A_127] : memref<32x160x64xi32, #tpu.memory_space<hbm>> -> memref<1x80x64xi32, #tpu.memory_space<hbm>>
      %dma_wait3A_129 = tpu.memref_squeeze %dma_wait3A_128 : memref<1x80x64xi32, #tpu.memory_space<hbm>> -> memref<80x64xi32, #tpu.memory_space<hbm>>
      tpu.wait_dma2 semaphore(%run_scoped3A : memref<!tpu.dma_semaphore, #tpu.memory_space<semaphore_mem>>) src(%dma_wait3A_129 : memref<80x64xi32, #tpu.memory_space<hbm>>) dst(%arg7 : memref<80x64xi32, #tpu.memory_space<vmem>>)
      tpu.yield
    }) : () -> ()
    %dma_start3A = arith.constant 0 : i32
    %dma_start3A_32 = tpu.memref_slice %arg6[%dma_start3A] : memref<5120xi32, #tpu.memory_space<vmem>> -> memref<64xi32, #tpu.memory_space<vmem>>
    %dma_start3A_33 = arith.constant 0 : i32
    %dma_start3A_34 = arith.constant 0 : i32
    %dma_start3A_35 = tpu.memref_slice %arg2[%dma_start3A_33, %dma_start3A_34] : memref<10000x128xf32, #tpu.memory_space<hbm>> -> memref<10000x128xf32, #tpu.memory_space<hbm>>
    tpu.enqueue_indirect_dma source(%dma_start3A_35 : memref<10000x128xf32, #tpu.memory_space<hbm>>) target(%arg8 : memref<64x128xf32, #tpu.memory_space<vmem>>) offsets(%dma_start3A_32 : memref<64xi32, #tpu.memory_space<vmem>>) semaphore(%arg13 : memref<!tpu.dma_semaphore, #tpu.memory_space<semaphore_mem>>)
    %dma_start3A_36 = arith.constant 64 : i32
    %dma_start3A_37 = tpu.memref_slice %arg6[%dma_start3A_36] : memref<5120xi32, #tpu.memory_space<vmem>> -> memref<64xi32, #tpu.memory_space<vmem>>
    %dma_start3A_38 = arith.constant 0 : i32
    %dma_start3A_39 = arith.constant 0 : i32
    %dma_start3A_40 = tpu.memref_slice %arg2[%dma_start3A_38, %dma_start3A_39] : memref<10000x128xf32, #tpu.memory_space<hbm>> -> memref<10000x128xf32, #tpu.memory_space<hbm>>
    tpu.enqueue_indirect_dma source(%dma_start3A_40 : memref<10000x128xf32, #tpu.memory_space<hbm>>) target(%arg9 : memref<64x128xf32, #tpu.memory_space<vmem>>) offsets(%dma_start3A_37 : memref<64xi32, #tpu.memory_space<vmem>>) semaphore(%arg14 : memref<!tpu.dma_semaphore, #tpu.memory_space<semaphore_mem>>)
    %dma_start3A_41 = arith.constant 128 : i32
    %dma_start3A_42 = tpu.memref_slice %arg6[%dma_start3A_41] : memref<5120xi32, #tpu.memory_space<vmem>> -> memref<64xi32, #tpu.memory_space<vmem>>
    %dma_start3A_43 = arith.constant 0 : i32
    %dma_start3A_44 = arith.constant 0 : i32
    %dma_start3A_45 = tpu.memref_slice %arg2[%dma_start3A_43, %dma_start3A_44] : memref<10000x128xf32, #tpu.memory_space<hbm>> -> memref<10000x128xf32, #tpu.memory_space<hbm>>
    tpu.enqueue_indirect_dma source(%dma_start3A_45 : memref<10000x128xf32, #tpu.memory_space<hbm>>) target(%arg10 : memref<64x128xf32, #tpu.memory_space<vmem>>) offsets(%dma_start3A_42 : memref<64xi32, #tpu.memory_space<vmem>>) semaphore(%arg15 : memref<!tpu.dma_semaphore, #tpu.memory_space<semaphore_mem>>)
    %scan3A_46 = arith.constant 0 : i32
    %scan3A_47 = arith.constant 0 : i32
    %scan3A_48 = arith.constant 20 : i32
    %scan3A_49 = arith.addi %scan3A_47, %scan3A_48 : i32
    %scan3A_50 = arith.constant 1 : i32
    scf.for %scan3A_114 = %scan3A_47 to %scan3A_49 step %scan3A_50  : i32 {
      %mul3A_115 = arith.constant 4 : i32
      %mul3A_116 = arith.muli %mul3A_115, %scan3A_114 : i32
      %add3A_117 = arith.constant 0 : i32
      %add3A_118 = arith.addi %mul3A_116, %add3A_117 : i32
      %mul3A_119 = arith.constant 64 : i32
      %mul3A_120 = arith.muli %add3A_118, %mul3A_119 : i32
      %dma_wait3A_121 = tpu.memref_slice %arg6[%mul3A_120] : memref<5120xi32, #tpu.memory_space<vmem>> -> memref<64xi32, #tpu.memory_space<vmem>>
      %dma_wait3A_122 = arith.constant 0 : i32
      %dma_wait3A_123 = arith.constant 0 : i32
      %dma_wait3A_124 = tpu.memref_slice %arg2[%dma_wait3A_122, %dma_wait3A_123] : memref<10000x128xf32, #tpu.memory_space<hbm>> -> memref<10000x128xf32, #tpu.memory_space<hbm>>
      tpu.wait_indirect_dma semaphore(%arg13 : memref<!tpu.dma_semaphore, #tpu.memory_space<semaphore_mem>>) src(%dma_wait3A_124 : memref<10000x128xf32, #tpu.memory_space<hbm>>) dst(%arg8 : memref<64x128xf32, #tpu.memory_space<vmem>>)
      %add3A_125 = arith.constant 4 : i32
      %add3A_126 = arith.addi %add3A_118, %add3A_125 : i32
      %sub3A = arith.constant 1 : i32
      %sub3A_127 = arith.subi %add3A_126, %sub3A : i32
      %min3A = arith.constant 79 : i32
      %min3A_128 = arith.minsi %sub3A_127, %min3A : i32
      %mul3A_129 = arith.constant 64 : i32
      %mul3A_130 = arith.muli %min3A_128, %mul3A_129 : i32
      %dma_start3A_131 = tpu.memref_slice %arg6[%mul3A_130] : memref<5120xi32, #tpu.memory_space<vmem>> -> memref<64xi32, #tpu.memory_space<vmem>>
      %dma_start3A_132 = arith.constant 0 : i32
      %dma_start3A_133 = arith.constant 0 : i32
      %dma_start3A_134 = tpu.memref_slice %arg2[%dma_start3A_132, %dma_start3A_133] : memref<10000x128xf32, #tpu.memory_space<hbm>> -> memref<10000x128xf32, #tpu.memory_space<hbm>>
      tpu.enqueue_indirect_dma source(%dma_start3A_134 : memref<10000x128xf32, #tpu.memory_space<hbm>>) target(%arg11 : memref<64x128xf32, #tpu.memory_space<vmem>>) offsets(%dma_start3A_131 : memref<64xi32, #tpu.memory_space<vmem>>) semaphore(%arg16 : memref<!tpu.dma_semaphore, #tpu.memory_space<semaphore_mem>>)
      "tpu.region"() ({
        %run_scoped3A = tpu.sem_alloc : memref<!tpu.dma_semaphore, #tpu.memory_space<semaphore_mem>>
        %dma_start3A_195 = arith.constant 0 : i32
        %dma_start3A_196 = tpu.memref_slice %arg7[%add3A_118, %dma_start3A_195] : memref<80x64xi32, #tpu.memory_space<vmem>> -> memref<1x64xi32, #tpu.memory_space<vmem>>
        %dma_start3A_197 = tpu.memref_squeeze %dma_start3A_196 : memref<1x64xi32, #tpu.memory_space<vmem>> -> memref<64xi32, #tpu.memory_space<vmem>>
        %dma_start3A_198 = arith.constant 0 : i32
        %dma_start3A_199 = arith.constant 0 : i32
        %dma_start3A_200 = tpu.memref_slice %arg12[%dma_start3A_198, %dma_start3A_199] : memref<10112x128xf32, #tpu.memory_space<vmem_shared>> -> memref<10112x128xf32, #tpu.memory_space<vmem_shared>>
        tpu.enqueue_indirect_dma source(%arg8 : memref<64x128xf32, #tpu.memory_space<vmem>>) target(%dma_start3A_200 : memref<10112x128xf32, #tpu.memory_space<vmem_shared>>) offsets(%dma_start3A_197 : memref<64xi32, #tpu.memory_space<vmem>>) semaphore(%run_scoped3A : memref<!tpu.dma_semaphore, #tpu.memory_space<semaphore_mem>>) {add = true}
        %dma_wait3A_201 = arith.constant 0 : i32
        %dma_wait3A_202 = tpu.memref_slice %arg7[%add3A_118, %dma_wait3A_201] : memref<80x64xi32, #tpu.memory_space<vmem>> -> memref<1x64xi32, #tpu.memory_space<vmem>>
        %dma_wait3A_203 = tpu.memref_squeeze %dma_wait3A_202 : memref<1x64xi32, #tpu.memory_space<vmem>> -> memref<64xi32, #tpu.memory_space<vmem>>
        %dma_wait3A_204 = arith.constant 0 : i32
        %dma_wait3A_205 = arith.constant 0 : i32
        %dma_wait3A_206 = tpu.memref_slice %arg12[%dma_wait3A_204, %dma_wait3A_205] : memref<10112x128xf32, #tpu.memory_space<vmem_shared>> -> memref<10112x128xf32, #tpu.memory_space<vmem_shared>>
        tpu.wait_indirect_dma semaphore(%run_scoped3A : memref<!tpu.dma_semaphore, #tpu.memory_space<semaphore_mem>>) src(%arg8 : memref<64x128xf32, #tpu.memory_space<vmem>>) dst(%dma_wait3A_206 : memref<10112x128xf32, #tpu.memory_space<vmem_shared>>)
        tpu.yield
      }) : () -> ()
      %add3A_135 = arith.constant 1 : i32
      %add3A_136 = arith.addi %mul3A_116, %add3A_135 : i32
      %mul3A_137 = arith.constant 64 : i32
      %mul3A_138 = arith.muli %add3A_136, %mul3A_137 : i32
      %dma_wait3A_139 = tpu.memref_slice %arg6[%mul3A_138] : memref<5120xi32, #tpu.memory_space<vmem>> -> memref<64xi32, #tpu.memory_space<vmem>>
      %dma_wait3A_140 = arith.constant 0 : i32
      %dma_wait3A_141 = arith.constant 0 : i32
      %dma_wait3A_142 = tpu.memref_slice %arg2[%dma_wait3A_140, %dma_wait3A_141] : memref<10000x128xf32, #tpu.memory_space<hbm>> -> memref<10000x128xf32, #tpu.memory_space<hbm>>
      tpu.wait_indirect_dma semaphore(%arg14 : memref<!tpu.dma_semaphore, #tpu.memory_space<semaphore_mem>>) src(%dma_wait3A_142 : memref<10000x128xf32, #tpu.memory_space<hbm>>) dst(%arg9 : memref<64x128xf32, #tpu.memory_space<vmem>>)
      %add3A_143 = arith.constant 4 : i32
      %add3A_144 = arith.addi %add3A_136, %add3A_143 : i32
      %sub3A_145 = arith.constant 1 : i32
      %sub3A_146 = arith.subi %add3A_144, %sub3A_145 : i32
      %min3A_147 = arith.constant 79 : i32
      %min3A_148 = arith.minsi %sub3A_146, %min3A_147 : i32
      %mul3A_149 = arith.constant 64 : i32
      %mul3A_150 = arith.muli %min3A_148, %mul3A_149 : i32
      %dma_start3A_151 = tpu.memref_slice %arg6[%mul3A_150] : memref<5120xi32, #tpu.memory_space<vmem>> -> memref<64xi32, #tpu.memory_space<vmem>>
      %dma_start3A_152 = arith.constant 0 : i32
      %dma_start3A_153 = arith.constant 0 : i32
      %dma_start3A_154 = tpu.memref_slice %arg2[%dma_start3A_152, %dma_start3A_153] : memref<10000x128xf32, #tpu.memory_space<hbm>> -> memref<10000x128xf32, #tpu.memory_space<hbm>>
      tpu.enqueue_indirect_dma source(%dma_start3A_154 : memref<10000x128xf32, #tpu.memory_space<hbm>>) target(%arg8 : memref<64x128xf32, #tpu.memory_space<vmem>>) offsets(%dma_start3A_151 : memref<64xi32, #tpu.memory_space<vmem>>) semaphore(%arg13 : memref<!tpu.dma_semaphore, #tpu.memory_space<semaphore_mem>>)
      "tpu.region"() ({
        %run_scoped3A = tpu.sem_alloc : memref<!tpu.dma_semaphore, #tpu.memory_space<semaphore_mem>>
        %dma_start3A_195 = arith.constant 0 : i32
        %dma_start3A_196 = tpu.memref_slice %arg7[%add3A_136, %dma_start3A_195] : memref<80x64xi32, #tpu.memory_space<vmem>> -> memref<1x64xi32, #tpu.memory_space<vmem>>
        %dma_start3A_197 = tpu.memref_squeeze %dma_start3A_196 : memref<1x64xi32, #tpu.memory_space<vmem>> -> memref<64xi32, #tpu.memory_space<vmem>>
        %dma_start3A_198 = arith.constant 0 : i32
        %dma_start3A_199 = arith.constant 0 : i32
        %dma_start3A_200 = tpu.memref_slice %arg12[%dma_start3A_198, %dma_start3A_199] : memref<10112x128xf32, #tpu.memory_space<vmem_shared>> -> memref<10112x128xf32, #tpu.memory_space<vmem_shared>>
        tpu.enqueue_indirect_dma source(%arg9 : memref<64x128xf32, #tpu.memory_space<vmem>>) target(%dma_start3A_200 : memref<10112x128xf32, #tpu.memory_space<vmem_shared>>) offsets(%dma_start3A_197 : memref<64xi32, #tpu.memory_space<vmem>>) semaphore(%run_scoped3A : memref<!tpu.dma_semaphore, #tpu.memory_space<semaphore_mem>>) {add = true}
        %dma_wait3A_201 = arith.constant 0 : i32
        %dma_wait3A_202 = tpu.memref_slice %arg7[%add3A_136, %dma_wait3A_201] : memref<80x64xi32, #tpu.memory_space<vmem>> -> memref<1x64xi32, #tpu.memory_space<vmem>>
        %dma_wait3A_203 = tpu.memref_squeeze %dma_wait3A_202 : memref<1x64xi32, #tpu.memory_space<vmem>> -> memref<64xi32, #tpu.memory_space<vmem>>
        %dma_wait3A_204 = arith.constant 0 : i32
        %dma_wait3A_205 = arith.constant 0 : i32
        %dma_wait3A_206 = tpu.memref_slice %arg12[%dma_wait3A_204, %dma_wait3A_205] : memref<10112x128xf32, #tpu.memory_space<vmem_shared>> -> memref<10112x128xf32, #tpu.memory_space<vmem_shared>>
        tpu.wait_indirect_dma semaphore(%run_scoped3A : memref<!tpu.dma_semaphore, #tpu.memory_space<semaphore_mem>>) src(%arg9 : memref<64x128xf32, #tpu.memory_space<vmem>>) dst(%dma_wait3A_206 : memref<10112x128xf32, #tpu.memory_space<vmem_shared>>)
        tpu.yield
      }) : () -> ()
      %add3A_155 = arith.constant 2 : i32
      %add3A_156 = arith.addi %mul3A_116, %add3A_155 : i32
      %mul3A_157 = arith.constant 64 : i32
      %mul3A_158 = arith.muli %add3A_156, %mul3A_157 : i32
      %dma_wait3A_159 = tpu.memref_slice %arg6[%mul3A_158] : memref<5120xi32, #tpu.memory_space<vmem>> -> memref<64xi32, #tpu.memory_space<vmem>>
      %dma_wait3A_160 = arith.constant 0 : i32
      %dma_wait3A_161 = arith.constant 0 : i32
      %dma_wait3A_162 = tpu.memref_slice %arg2[%dma_wait3A_160, %dma_wait3A_161] : memref<10000x128xf32, #tpu.memory_space<hbm>> -> memref<10000x128xf32, #tpu.memory_space<hbm>>
      tpu.wait_indirect_dma semaphore(%arg15 : memref<!tpu.dma_semaphore, #tpu.memory_space<semaphore_mem>>) src(%dma_wait3A_162 : memref<10000x128xf32, #tpu.memory_space<hbm>>) dst(%arg10 : memref<64x128xf32, #tpu.memory_space<vmem>>)
      %add3A_163 = arith.constant 4 : i32
      %add3A_164 = arith.addi %add3A_156, %add3A_163 : i32
      %sub3A_165 = arith.constant 1 : i32
      %sub3A_166 = arith.subi %add3A_164, %sub3A_165 : i32
      %min3A_167 = arith.constant 79 : i32
      %min3A_168 = arith.minsi %sub3A_166, %min3A_167 : i32
      %mul3A_169 = arith.constant 64 : i32
      %mul3A_170 = arith.muli %min3A_168, %mul3A_169 : i32
      %dma_start3A_171 = tpu.memref_slice %arg6[%mul3A_170] : memref<5120xi32, #tpu.memory_space<vmem>> -> memref<64xi32, #tpu.memory_space<vmem>>
      %dma_start3A_172 = arith.constant 0 : i32
      %dma_start3A_173 = arith.constant 0 : i32
      %dma_start3A_174 = tpu.memref_slice %arg2[%dma_start3A_172, %dma_start3A_173] : memref<10000x128xf32, #tpu.memory_space<hbm>> -> memref<10000x128xf32, #tpu.memory_space<hbm>>
      tpu.enqueue_indirect_dma source(%dma_start3A_174 : memref<10000x128xf32, #tpu.memory_space<hbm>>) target(%arg9 : memref<64x128xf32, #tpu.memory_space<vmem>>) offsets(%dma_start3A_171 : memref<64xi32, #tpu.memory_space<vmem>>) semaphore(%arg14 : memref<!tpu.dma_semaphore, #tpu.memory_space<semaphore_mem>>)
      "tpu.region"() ({
        %run_scoped3A = tpu.sem_alloc : memref<!tpu.dma_semaphore, #tpu.memory_space<semaphore_mem>>
        %dma_start3A_195 = arith.constant 0 : i32
        %dma_start3A_196 = tpu.memref_slice %arg7[%add3A_156, %dma_start3A_195] : memref<80x64xi32, #tpu.memory_space<vmem>> -> memref<1x64xi32, #tpu.memory_space<vmem>>
        %dma_start3A_197 = tpu.memref_squeeze %dma_start3A_196 : memref<1x64xi32, #tpu.memory_space<vmem>> -> memref<64xi32, #tpu.memory_space<vmem>>
        %dma_start3A_198 = arith.constant 0 : i32
        %dma_start3A_199 = arith.constant 0 : i32
        %dma_start3A_200 = tpu.memref_slice %arg12[%dma_start3A_198, %dma_start3A_199] : memref<10112x128xf32, #tpu.memory_space<vmem_shared>> -> memref<10112x128xf32, #tpu.memory_space<vmem_shared>>
        tpu.enqueue_indirect_dma source(%arg10 : memref<64x128xf32, #tpu.memory_space<vmem>>) target(%dma_start3A_200 : memref<10112x128xf32, #tpu.memory_space<vmem_shared>>) offsets(%dma_start3A_197 : memref<64xi32, #tpu.memory_space<vmem>>) semaphore(%run_scoped3A : memref<!tpu.dma_semaphore, #tpu.memory_space<semaphore_mem>>) {add = true}
        %dma_wait3A_201 = arith.constant 0 : i32
        %dma_wait3A_202 = tpu.memref_slice %arg7[%add3A_156, %dma_wait3A_201] : memref<80x64xi32, #tpu.memory_space<vmem>> -> memref<1x64xi32, #tpu.memory_space<vmem>>
        %dma_wait3A_203 = tpu.memref_squeeze %dma_wait3A_202 : memref<1x64xi32, #tpu.memory_space<vmem>> -> memref<64xi32, #tpu.memory_space<vmem>>
        %dma_wait3A_204 = arith.constant 0 : i32
        %dma_wait3A_205 = arith.constant 0 : i32
        %dma_wait3A_206 = tpu.memref_slice %arg12[%dma_wait3A_204, %dma_wait3A_205] : memref<10112x128xf32, #tpu.memory_space<vmem_shared>> -> memref<10112x128xf32, #tpu.memory_space<vmem_shared>>
        tpu.wait_indirect_dma semaphore(%run_scoped3A : memref<!tpu.dma_semaphore, #tpu.memory_space<semaphore_mem>>) src(%arg10 : memref<64x128xf32, #tpu.memory_space<vmem>>) dst(%dma_wait3A_206 : memref<10112x128xf32, #tpu.memory_space<vmem_shared>>)
        tpu.yield
      }) : () -> ()
      %add3A_175 = arith.constant 3 : i32
      %add3A_176 = arith.addi %mul3A_116, %add3A_175 : i32
      %mul3A_177 = arith.constant 64 : i32
      %mul3A_178 = arith.muli %add3A_176, %mul3A_177 : i32
      %dma_wait3A_179 = tpu.memref_slice %arg6[%mul3A_178] : memref<5120xi32, #tpu.memory_space<vmem>> -> memref<64xi32, #tpu.memory_space<vmem>>
      %dma_wait3A_180 = arith.constant 0 : i32
      %dma_wait3A_181 = arith.constant 0 : i32
      %dma_wait3A_182 = tpu.memref_slice %arg2[%dma_wait3A_180, %dma_wait3A_181] : memref<10000x128xf32, #tpu.memory_space<hbm>> -> memref<10000x128xf32, #tpu.memory_space<hbm>>
      tpu.wait_indirect_dma semaphore(%arg16 : memref<!tpu.dma_semaphore, #tpu.memory_space<semaphore_mem>>) src(%dma_wait3A_182 : memref<10000x128xf32, #tpu.memory_space<hbm>>) dst(%arg11 : memref<64x128xf32, #tpu.memory_space<vmem>>)
      %add3A_183 = arith.constant 4 : i32
      %add3A_184 = arith.addi %add3A_176, %add3A_183 : i32
      %sub3A_185 = arith.constant 1 : i32
      %sub3A_186 = arith.subi %add3A_184, %sub3A_185 : i32
      %min3A_187 = arith.constant 79 : i32
      %min3A_188 = arith.minsi %sub3A_186, %min3A_187 : i32
      %mul3A_189 = arith.constant 64 : i32
      %mul3A_190 = arith.muli %min3A_188, %mul3A_189 : i32
      %dma_start3A_191 = tpu.memref_slice %arg6[%mul3A_190] : memref<5120xi32, #tpu.memory_space<vmem>> -> memref<64xi32, #tpu.memory_space<vmem>>
      %dma_start3A_192 = arith.constant 0 : i32
      %dma_start3A_193 = arith.constant 0 : i32
      %dma_start3A_194 = tpu.memref_slice %arg2[%dma_start3A_192, %dma_start3A_193] : memref<10000x128xf32, #tpu.memory_space<hbm>> -> memref<10000x128xf32, #tpu.memory_space<hbm>>
      tpu.enqueue_indirect_dma source(%dma_start3A_194 : memref<10000x128xf32, #tpu.memory_space<hbm>>) target(%arg10 : memref<64x128xf32, #tpu.memory_space<vmem>>) offsets(%dma_start3A_191 : memref<64xi32, #tpu.memory_space<vmem>>) semaphore(%arg15 : memref<!tpu.dma_semaphore, #tpu.memory_space<semaphore_mem>>)
      "tpu.region"() ({
        %run_scoped3A = tpu.sem_alloc : memref<!tpu.dma_semaphore, #tpu.memory_space<semaphore_mem>>
        %dma_start3A_195 = arith.constant 0 : i32
        %dma_start3A_196 = tpu.memref_slice %arg7[%add3A_176, %dma_start3A_195] : memref<80x64xi32, #tpu.memory_space<vmem>> -> memref<1x64xi32, #tpu.memory_space<vmem>>
        %dma_start3A_197 = tpu.memref_squeeze %dma_start3A_196 : memref<1x64xi32, #tpu.memory_space<vmem>> -> memref<64xi32, #tpu.memory_space<vmem>>
        %dma_start3A_198 = arith.constant 0 : i32
        %dma_start3A_199 = arith.constant 0 : i32
        %dma_start3A_200 = tpu.memref_slice %arg12[%dma_start3A_198, %dma_start3A_199] : memref<10112x128xf32, #tpu.memory_space<vmem_shared>> -> memref<10112x128xf32, #tpu.memory_space<vmem_shared>>
        tpu.enqueue_indirect_dma source(%arg11 : memref<64x128xf32, #tpu.memory_space<vmem>>) target(%dma_start3A_200 : memref<10112x128xf32, #tpu.memory_space<vmem_shared>>) offsets(%dma_start3A_197 : memref<64xi32, #tpu.memory_space<vmem>>) semaphore(%run_scoped3A : memref<!tpu.dma_semaphore, #tpu.memory_space<semaphore_mem>>) {add = true}
        %dma_wait3A_201 = arith.constant 0 : i32
        %dma_wait3A_202 = tpu.memref_slice %arg7[%add3A_176, %dma_wait3A_201] : memref<80x64xi32, #tpu.memory_space<vmem>> -> memref<1x64xi32, #tpu.memory_space<vmem>>
        %dma_wait3A_203 = tpu.memref_squeeze %dma_wait3A_202 : memref<1x64xi32, #tpu.memory_space<vmem>> -> memref<64xi32, #tpu.memory_space<vmem>>
        %dma_wait3A_204 = arith.constant 0 : i32
        %dma_wait3A_205 = arith.constant 0 : i32
        %dma_wait3A_206 = tpu.memref_slice %arg12[%dma_wait3A_204, %dma_wait3A_205] : memref<10112x128xf32, #tpu.memory_space<vmem_shared>> -> memref<10112x128xf32, #tpu.memory_space<vmem_shared>>
        tpu.wait_indirect_dma semaphore(%run_scoped3A : memref<!tpu.dma_semaphore, #tpu.memory_space<semaphore_mem>>) src(%arg11 : memref<64x128xf32, #tpu.memory_space<vmem>>) dst(%dma_wait3A_206 : memref<10112x128xf32, #tpu.memory_space<vmem_shared>>)
        tpu.yield
      }) : () -> ()
    }
    %scan3A_51 = arith.constant 20 : i32
    %dma_wait3A = arith.constant 0 : i32
    %dma_wait3A_52 = tpu.memref_slice %arg6[%dma_wait3A] : memref<5120xi32, #tpu.memory_space<vmem>> -> memref<64xi32, #tpu.memory_space<vmem>>
    %dma_wait3A_53 = arith.constant 0 : i32
    %dma_wait3A_54 = arith.constant 0 : i32
    %dma_wait3A_55 = tpu.memref_slice %arg2[%dma_wait3A_53, %dma_wait3A_54] : memref<10000x128xf32, #tpu.memory_space<hbm>> -> memref<10000x128xf32, #tpu.memory_space<hbm>>
    tpu.wait_indirect_dma semaphore(%arg13 : memref<!tpu.dma_semaphore, #tpu.memory_space<semaphore_mem>>) src(%dma_wait3A_55 : memref<10000x128xf32, #tpu.memory_space<hbm>>) dst(%arg8 : memref<64x128xf32, #tpu.memory_space<vmem>>)
    %dma_wait3A_56 = arith.constant 0 : i32
    %dma_wait3A_57 = tpu.memref_slice %arg6[%dma_wait3A_56] : memref<5120xi32, #tpu.memory_space<vmem>> -> memref<64xi32, #tpu.memory_space<vmem>>
    %dma_wait3A_58 = arith.constant 0 : i32
    %dma_wait3A_59 = arith.constant 0 : i32
    %dma_wait3A_60 = tpu.memref_slice %arg2[%dma_wait3A_58, %dma_wait3A_59] : memref<10000x128xf32, #tpu.memory_space<hbm>> -> memref<10000x128xf32, #tpu.memory_space<hbm>>
    tpu.wait_indirect_dma semaphore(%arg14 : memref<!tpu.dma_semaphore, #tpu.memory_space<semaphore_mem>>) src(%dma_wait3A_60 : memref<10000x128xf32, #tpu.memory_space<hbm>>) dst(%arg9 : memref<64x128xf32, #tpu.memory_space<vmem>>)
    %dma_wait3A_61 = arith.constant 0 : i32
    %dma_wait3A_62 = tpu.memref_slice %arg6[%dma_wait3A_61] : memref<5120xi32, #tpu.memory_space<vmem>> -> memref<64xi32, #tpu.memory_space<vmem>>
    %dma_wait3A_63 = arith.constant 0 : i32
    %dma_wait3A_64 = arith.constant 0 : i32
    %dma_wait3A_65 = tpu.memref_slice %arg2[%dma_wait3A_63, %dma_wait3A_64] : memref<10000x128xf32, #tpu.memory_space<hbm>> -> memref<10000x128xf32, #tpu.memory_space<hbm>>
    tpu.wait_indirect_dma semaphore(%arg15 : memref<!tpu.dma_semaphore, #tpu.memory_space<semaphore_mem>>) src(%dma_wait3A_65 : memref<10000x128xf32, #tpu.memory_space<hbm>>) dst(%arg10 : memref<64x128xf32, #tpu.memory_space<vmem>>)
    %mul3A_66 = arith.constant 10240 : i32
    %mul3A_67 = arith.muli %add3A, %mul3A_66 : i32
    %add3A_68 = arith.constant 5120 : i32
    %add3A_69 = arith.addi %mul3A_67, %add3A_68 : i32
    "tpu.region"() ({
      %run_scoped3A = tpu.sem_alloc : memref<!tpu.dma_semaphore, #tpu.memory_space<semaphore_mem>>
      %dma_start3A_114 = tpu.memref_slice %arg3[%add3A_69] : memref<327680xi32, #tpu.memory_space<hbm>> -> memref<5120xi32, #tpu.memory_space<hbm>>
      %dma_start3A_115 = tpu.memref_slice %arg3[%add3A_69] : memref<327680xi32, #tpu.memory_space<hbm>> -> memref<5120xi32, #tpu.memory_space<hbm>>
      tpu.enqueue_dma source(%dma_start3A_115 : memref<5120xi32, #tpu.memory_space<hbm>>) target(%arg6 : memref<5120xi32, #tpu.memory_space<vmem>>) target_semaphore(%run_scoped3A : memref<!tpu.dma_semaphore, #tpu.memory_space<semaphore_mem>>)
      %dma_wait3A_116 = tpu.memref_slice %arg3[%add3A_69] : memref<327680xi32, #tpu.memory_space<hbm>> -> memref<5120xi32, #tpu.memory_space<hbm>>
      %dma_wait3A_117 = tpu.memref_slice %arg3[%add3A_69] : memref<327680xi32, #tpu.memory_space<hbm>> -> memref<5120xi32, #tpu.memory_space<hbm>>
      tpu.wait_dma2 semaphore(%run_scoped3A : memref<!tpu.dma_semaphore, #tpu.memory_space<semaphore_mem>>) src(%dma_wait3A_117 : memref<5120xi32, #tpu.memory_space<hbm>>) dst(%arg6 : memref<5120xi32, #tpu.memory_space<vmem>>)
      tpu.yield
    }) : () -> ()
    "tpu.region"() ({
      %run_scoped3A = tpu.sem_alloc : memref<!tpu.dma_semaphore, #tpu.memory_space<semaphore_mem>>
      %dma_start3A_114 = arith.constant 80 : i32
      %dma_start3A_115 = arith.constant 0 : i32
      %dma_start3A_116 = tpu.memref_slice %arg4[%add3A, %dma_start3A_114, %dma_start3A_115] : memref<32x160x64xi32, #tpu.memory_space<hbm>> -> memref<1x80x64xi32, #tpu.memory_space<hbm>>
      %dma_start3A_117 = tpu.memref_squeeze %dma_start3A_116 : memref<1x80x64xi32, #tpu.memory_space<hbm>> -> memref<80x64xi32, #tpu.memory_space<hbm>>
      %dma_start3A_118 = arith.constant 80 : i32
      %dma_start3A_119 = arith.constant 0 : i32
      %dma_start3A_120 = tpu.memref_slice %arg4[%add3A, %dma_start3A_118, %dma_start3A_119] : memref<32x160x64xi32, #tpu.memory_space<hbm>> -> memref<1x80x64xi32, #tpu.memory_space<hbm>>
      %dma_start3A_121 = tpu.memref_squeeze %dma_start3A_120 : memref<1x80x64xi32, #tpu.memory_space<hbm>> -> memref<80x64xi32, #tpu.memory_space<hbm>>
      tpu.enqueue_dma source(%dma_start3A_121 : memref<80x64xi32, #tpu.memory_space<hbm>>) target(%arg7 : memref<80x64xi32, #tpu.memory_space<vmem>>) target_semaphore(%run_scoped3A : memref<!tpu.dma_semaphore, #tpu.memory_space<semaphore_mem>>)
      %dma_wait3A_122 = arith.constant 80 : i32
      %dma_wait3A_123 = arith.constant 0 : i32
      %dma_wait3A_124 = tpu.memref_slice %arg4[%add3A, %dma_wait3A_122, %dma_wait3A_123] : memref<32x160x64xi32, #tpu.memory_space<hbm>> -> memref<1x80x64xi32, #tpu.memory_space<hbm>>
      %dma_wait3A_125 = tpu.memref_squeeze %dma_wait3A_124 : memref<1x80x64xi32, #tpu.memory_space<hbm>> -> memref<80x64xi32, #tpu.memory_space<hbm>>
      %dma_wait3A_126 = arith.constant 80 : i32
      %dma_wait3A_127 = arith.constant 0 : i32
      %dma_wait3A_128 = tpu.memref_slice %arg4[%add3A, %dma_wait3A_126, %dma_wait3A_127] : memref<32x160x64xi32, #tpu.memory_space<hbm>> -> memref<1x80x64xi32, #tpu.memory_space<hbm>>
      %dma_wait3A_129 = tpu.memref_squeeze %dma_wait3A_128 : memref<1x80x64xi32, #tpu.memory_space<hbm>> -> memref<80x64xi32, #tpu.memory_space<hbm>>
      tpu.wait_dma2 semaphore(%run_scoped3A : memref<!tpu.dma_semaphore, #tpu.memory_space<semaphore_mem>>) src(%dma_wait3A_129 : memref<80x64xi32, #tpu.memory_space<hbm>>) dst(%arg7 : memref<80x64xi32, #tpu.memory_space<vmem>>)
      tpu.yield
    }) : () -> ()
    %dma_start3A_70 = arith.constant 0 : i32
    %dma_start3A_71 = tpu.memref_slice %arg6[%dma_start3A_70] : memref<5120xi32, #tpu.memory_space<vmem>> -> memref<64xi32, #tpu.memory_space<vmem>>
    %dma_start3A_72 = arith.constant 0 : i32
    %dma_start3A_73 = arith.constant 0 : i32
    %dma_start3A_74 = tpu.memref_slice %arg2[%dma_start3A_72, %dma_start3A_73] : memref<10000x128xf32, #tpu.memory_space<hbm>> -> memref<10000x128xf32, #tpu.memory_space<hbm>>
    tpu.enqueue_indirect_dma source(%dma_start3A_74 : memref<10000x128xf32, #tpu.memory_space<hbm>>) target(%arg8 : memref<64x128xf32, #tpu.memory_space<vmem>>) offsets(%dma_start3A_71 : memref<64xi32, #tpu.memory_space<vmem>>) semaphore(%arg13 : memref<!tpu.dma_semaphore, #tpu.memory_space<semaphore_mem>>)
    %dma_start3A_75 = arith.constant 64 : i32
    %dma_start3A_76 = tpu.memref_slice %arg6[%dma_start3A_75] : memref<5120xi32, #tpu.memory_space<vmem>> -> memref<64xi32, #tpu.memory_space<vmem>>
    %dma_start3A_77 = arith.constant 0 : i32
    %dma_start3A_78 = arith.constant 0 : i32
    %dma_start3A_79 = tpu.memref_slice %arg2[%dma_start3A_77, %dma_start3A_78] : memref<10000x128xf32, #tpu.memory_space<hbm>> -> memref<10000x128xf32, #tpu.memory_space<hbm>>
    tpu.enqueue_indirect_dma source(%dma_start3A_79 : memref<10000x128xf32, #tpu.memory_space<hbm>>) target(%arg9 : memref<64x128xf32, #tpu.memory_space<vmem>>) offsets(%dma_start3A_76 : memref<64xi32, #tpu.memory_space<vmem>>) semaphore(%arg14 : memref<!tpu.dma_semaphore, #tpu.memory_space<semaphore_mem>>)
    %dma_start3A_80 = arith.constant 128 : i32
    %dma_start3A_81 = tpu.memref_slice %arg6[%dma_start3A_80] : memref<5120xi32, #tpu.memory_space<vmem>> -> memref<64xi32, #tpu.memory_space<vmem>>
    %dma_start3A_82 = arith.constant 0 : i32
    %dma_start3A_83 = arith.constant 0 : i32
    %dma_start3A_84 = tpu.memref_slice %arg2[%dma_start3A_82, %dma_start3A_83] : memref<10000x128xf32, #tpu.memory_space<hbm>> -> memref<10000x128xf32, #tpu.memory_space<hbm>>
    tpu.enqueue_indirect_dma source(%dma_start3A_84 : memref<10000x128xf32, #tpu.memory_space<hbm>>) target(%arg10 : memref<64x128xf32, #tpu.memory_space<vmem>>) offsets(%dma_start3A_81 : memref<64xi32, #tpu.memory_space<vmem>>) semaphore(%arg15 : memref<!tpu.dma_semaphore, #tpu.memory_space<semaphore_mem>>)
    %scan3A_85 = arith.constant 0 : i32
    %scan3A_86 = arith.constant 0 : i32
    %scan3A_87 = arith.constant 20 : i32
    %scan3A_88 = arith.addi %scan3A_86, %scan3A_87 : i32
    %scan3A_89 = arith.constant 1 : i32
    scf.for %scan3A_114 = %scan3A_86 to %scan3A_88 step %scan3A_89  : i32 {
      %mul3A_115 = arith.constant 4 : i32
      %mul3A_116 = arith.muli %mul3A_115, %scan3A_114 : i32
      %add3A_117 = arith.constant 0 : i32
      %add3A_118 = arith.addi %mul3A_116, %add3A_117 : i32
      %mul3A_119 = arith.constant 64 : i32
      %mul3A_120 = arith.muli %add3A_118, %mul3A_119 : i32
      %dma_wait3A_121 = tpu.memref_slice %arg6[%mul3A_120] : memref<5120xi32, #tpu.memory_space<vmem>> -> memref<64xi32, #tpu.memory_space<vmem>>
      %dma_wait3A_122 = arith.constant 0 : i32
      %dma_wait3A_123 = arith.constant 0 : i32
      %dma_wait3A_124 = tpu.memref_slice %arg2[%dma_wait3A_122, %dma_wait3A_123] : memref<10000x128xf32, #tpu.memory_space<hbm>> -> memref<10000x128xf32, #tpu.memory_space<hbm>>
      tpu.wait_indirect_dma semaphore(%arg13 : memref<!tpu.dma_semaphore, #tpu.memory_space<semaphore_mem>>) src(%dma_wait3A_124 : memref<10000x128xf32, #tpu.memory_space<hbm>>) dst(%arg8 : memref<64x128xf32, #tpu.memory_space<vmem>>)
      %add3A_125 = arith.constant 4 : i32
      %add3A_126 = arith.addi %add3A_118, %add3A_125 : i32
      %sub3A = arith.constant 1 : i32
      %sub3A_127 = arith.subi %add3A_126, %sub3A : i32
      %min3A = arith.constant 79 : i32
      %min3A_128 = arith.minsi %sub3A_127, %min3A : i32
      %mul3A_129 = arith.constant 64 : i32
      %mul3A_130 = arith.muli %min3A_128, %mul3A_129 : i32
      %dma_start3A_131 = tpu.memref_slice %arg6[%mul3A_130] : memref<5120xi32, #tpu.memory_space<vmem>> -> memref<64xi32, #tpu.memory_space<vmem>>
      %dma_start3A_132 = arith.constant 0 : i32
      %dma_start3A_133 = arith.constant 0 : i32
      %dma_start3A_134 = tpu.memref_slice %arg2[%dma_start3A_132, %dma_start3A_133] : memref<10000x128xf32, #tpu.memory_space<hbm>> -> memref<10000x128xf32, #tpu.memory_space<hbm>>
      tpu.enqueue_indirect_dma source(%dma_start3A_134 : memref<10000x128xf32, #tpu.memory_space<hbm>>) target(%arg11 : memref<64x128xf32, #tpu.memory_space<vmem>>) offsets(%dma_start3A_131 : memref<64xi32, #tpu.memory_space<vmem>>) semaphore(%arg16 : memref<!tpu.dma_semaphore, #tpu.memory_space<semaphore_mem>>)
      "tpu.region"() ({
        %run_scoped3A = tpu.sem_alloc : memref<!tpu.dma_semaphore, #tpu.memory_space<semaphore_mem>>
        %dma_start3A_195 = arith.constant 0 : i32
        %dma_start3A_196 = tpu.memref_slice %arg7[%add3A_118, %dma_start3A_195] : memref<80x64xi32, #tpu.memory_space<vmem>> -> memref<1x64xi32, #tpu.memory_space<vmem>>
        %dma_start3A_197 = tpu.memref_squeeze %dma_start3A_196 : memref<1x64xi32, #tpu.memory_space<vmem>> -> memref<64xi32, #tpu.memory_space<vmem>>
        %dma_start3A_198 = arith.constant 0 : i32
        %dma_start3A_199 = arith.constant 0 : i32
        %dma_start3A_200 = tpu.memref_slice %arg12[%dma_start3A_198, %dma_start3A_199] : memref<10112x128xf32, #tpu.memory_space<vmem_shared>> -> memref<10112x128xf32, #tpu.memory_space<vmem_shared>>
        tpu.enqueue_indirect_dma source(%arg8 : memref<64x128xf32, #tpu.memory_space<vmem>>) target(%dma_start3A_200 : memref<10112x128xf32, #tpu.memory_space<vmem_shared>>) offsets(%dma_start3A_197 : memref<64xi32, #tpu.memory_space<vmem>>) semaphore(%run_scoped3A : memref<!tpu.dma_semaphore, #tpu.memory_space<semaphore_mem>>) {add = true}
        %dma_wait3A_201 = arith.constant 0 : i32
        %dma_wait3A_202 = tpu.memref_slice %arg7[%add3A_118, %dma_wait3A_201] : memref<80x64xi32, #tpu.memory_space<vmem>> -> memref<1x64xi32, #tpu.memory_space<vmem>>
        %dma_wait3A_203 = tpu.memref_squeeze %dma_wait3A_202 : memref<1x64xi32, #tpu.memory_space<vmem>> -> memref<64xi32, #tpu.memory_space<vmem>>
        %dma_wait3A_204 = arith.constant 0 : i32
        %dma_wait3A_205 = arith.constant 0 : i32
        %dma_wait3A_206 = tpu.memref_slice %arg12[%dma_wait3A_204, %dma_wait3A_205] : memref<10112x128xf32, #tpu.memory_space<vmem_shared>> -> memref<10112x128xf32, #tpu.memory_space<vmem_shared>>
        tpu.wait_indirect_dma semaphore(%run_scoped3A : memref<!tpu.dma_semaphore, #tpu.memory_space<semaphore_mem>>) src(%arg8 : memref<64x128xf32, #tpu.memory_space<vmem>>) dst(%dma_wait3A_206 : memref<10112x128xf32, #tpu.memory_space<vmem_shared>>)
        tpu.yield
      }) : () -> ()
      %add3A_135 = arith.constant 1 : i32
      %add3A_136 = arith.addi %mul3A_116, %add3A_135 : i32
      %mul3A_137 = arith.constant 64 : i32
      %mul3A_138 = arith.muli %add3A_136, %mul3A_137 : i32
      %dma_wait3A_139 = tpu.memref_slice %arg6[%mul3A_138] : memref<5120xi32, #tpu.memory_space<vmem>> -> memref<64xi32, #tpu.memory_space<vmem>>
      %dma_wait3A_140 = arith.constant 0 : i32
      %dma_wait3A_141 = arith.constant 0 : i32
      %dma_wait3A_142 = tpu.memref_slice %arg2[%dma_wait3A_140, %dma_wait3A_141] : memref<10000x128xf32, #tpu.memory_space<hbm>> -> memref<10000x128xf32, #tpu.memory_space<hbm>>
      tpu.wait_indirect_dma semaphore(%arg14 : memref<!tpu.dma_semaphore, #tpu.memory_space<semaphore_mem>>) src(%dma_wait3A_142 : memref<10000x128xf32, #tpu.memory_space<hbm>>) dst(%arg9 : memref<64x128xf32, #tpu.memory_space<vmem>>)
      %add3A_143 = arith.constant 4 : i32
      %add3A_144 = arith.addi %add3A_136, %add3A_143 : i32
      %sub3A_145 = arith.constant 1 : i32
      %sub3A_146 = arith.subi %add3A_144, %sub3A_145 : i32
      %min3A_147 = arith.constant 79 : i32
      %min3A_148 = arith.minsi %sub3A_146, %min3A_147 : i32
      %mul3A_149 = arith.constant 64 : i32
      %mul3A_150 = arith.muli %min3A_148, %mul3A_149 : i32
      %dma_start3A_151 = tpu.memref_slice %arg6[%mul3A_150] : memref<5120xi32, #tpu.memory_space<vmem>> -> memref<64xi32, #tpu.memory_space<vmem>>
      %dma_start3A_152 = arith.constant 0 : i32
      %dma_start3A_153 = arith.constant 0 : i32
      %dma_start3A_154 = tpu.memref_slice %arg2[%dma_start3A_152, %dma_start3A_153] : memref<10000x128xf32, #tpu.memory_space<hbm>> -> memref<10000x128xf32, #tpu.memory_space<hbm>>
      tpu.enqueue_indirect_dma source(%dma_start3A_154 : memref<10000x128xf32, #tpu.memory_space<hbm>>) target(%arg8 : memref<64x128xf32, #tpu.memory_space<vmem>>) offsets(%dma_start3A_151 : memref<64xi32, #tpu.memory_space<vmem>>) semaphore(%arg13 : memref<!tpu.dma_semaphore, #tpu.memory_space<semaphore_mem>>)
      "tpu.region"() ({
        %run_scoped3A = tpu.sem_alloc : memref<!tpu.dma_semaphore, #tpu.memory_space<semaphore_mem>>
        %dma_start3A_195 = arith.constant 0 : i32
        %dma_start3A_196 = tpu.memref_slice %arg7[%add3A_136, %dma_start3A_195] : memref<80x64xi32, #tpu.memory_space<vmem>> -> memref<1x64xi32, #tpu.memory_space<vmem>>
        %dma_start3A_197 = tpu.memref_squeeze %dma_start3A_196 : memref<1x64xi32, #tpu.memory_space<vmem>> -> memref<64xi32, #tpu.memory_space<vmem>>
        %dma_start3A_198 = arith.constant 0 : i32
        %dma_start3A_199 = arith.constant 0 : i32
        %dma_start3A_200 = tpu.memref_slice %arg12[%dma_start3A_198, %dma_start3A_199] : memref<10112x128xf32, #tpu.memory_space<vmem_shared>> -> memref<10112x128xf32, #tpu.memory_space<vmem_shared>>
        tpu.enqueue_indirect_dma source(%arg9 : memref<64x128xf32, #tpu.memory_space<vmem>>) target(%dma_start3A_200 : memref<10112x128xf32, #tpu.memory_space<vmem_shared>>) offsets(%dma_start3A_197 : memref<64xi32, #tpu.memory_space<vmem>>) semaphore(%run_scoped3A : memref<!tpu.dma_semaphore, #tpu.memory_space<semaphore_mem>>) {add = true}
        %dma_wait3A_201 = arith.constant 0 : i32
        %dma_wait3A_202 = tpu.memref_slice %arg7[%add3A_136, %dma_wait3A_201] : memref<80x64xi32, #tpu.memory_space<vmem>> -> memref<1x64xi32, #tpu.memory_space<vmem>>
        %dma_wait3A_203 = tpu.memref_squeeze %dma_wait3A_202 : memref<1x64xi32, #tpu.memory_space<vmem>> -> memref<64xi32, #tpu.memory_space<vmem>>
        %dma_wait3A_204 = arith.constant 0 : i32
        %dma_wait3A_205 = arith.constant 0 : i32
        %dma_wait3A_206 = tpu.memref_slice %arg12[%dma_wait3A_204, %dma_wait3A_205] : memref<10112x128xf32, #tpu.memory_space<vmem_shared>> -> memref<10112x128xf32, #tpu.memory_space<vmem_shared>>
        tpu.wait_indirect_dma semaphore(%run_scoped3A : memref<!tpu.dma_semaphore, #tpu.memory_space<semaphore_mem>>) src(%arg9 : memref<64x128xf32, #tpu.memory_space<vmem>>) dst(%dma_wait3A_206 : memref<10112x128xf32, #tpu.memory_space<vmem_shared>>)
        tpu.yield
      }) : () -> ()
      %add3A_155 = arith.constant 2 : i32
      %add3A_156 = arith.addi %mul3A_116, %add3A_155 : i32
      %mul3A_157 = arith.constant 64 : i32
      %mul3A_158 = arith.muli %add3A_156, %mul3A_157 : i32
      %dma_wait3A_159 = tpu.memref_slice %arg6[%mul3A_158] : memref<5120xi32, #tpu.memory_space<vmem>> -> memref<64xi32, #tpu.memory_space<vmem>>
      %dma_wait3A_160 = arith.constant 0 : i32
      %dma_wait3A_161 = arith.constant 0 : i32
      %dma_wait3A_162 = tpu.memref_slice %arg2[%dma_wait3A_160, %dma_wait3A_161] : memref<10000x128xf32, #tpu.memory_space<hbm>> -> memref<10000x128xf32, #tpu.memory_space<hbm>>
      tpu.wait_indirect_dma semaphore(%arg15 : memref<!tpu.dma_semaphore, #tpu.memory_space<semaphore_mem>>) src(%dma_wait3A_162 : memref<10000x128xf32, #tpu.memory_space<hbm>>) dst(%arg10 : memref<64x128xf32, #tpu.memory_space<vmem>>)
      %add3A_163 = arith.constant 4 : i32
      %add3A_164 = arith.addi %add3A_156, %add3A_163 : i32
      %sub3A_165 = arith.constant 1 : i32
      %sub3A_166 = arith.subi %add3A_164, %sub3A_165 : i32
      %min3A_167 = arith.constant 79 : i32
      %min3A_168 = arith.minsi %sub3A_166, %min3A_167 : i32
      %mul3A_169 = arith.constant 64 : i32
      %mul3A_170 = arith.muli %min3A_168, %mul3A_169 : i32
      %dma_start3A_171 = tpu.memref_slice %arg6[%mul3A_170] : memref<5120xi32, #tpu.memory_space<vmem>> -> memref<64xi32, #tpu.memory_space<vmem>>
      %dma_start3A_172 = arith.constant 0 : i32
      %dma_start3A_173 = arith.constant 0 : i32
      %dma_start3A_174 = tpu.memref_slice %arg2[%dma_start3A_172, %dma_start3A_173] : memref<10000x128xf32, #tpu.memory_space<hbm>> -> memref<10000x128xf32, #tpu.memory_space<hbm>>
      tpu.enqueue_indirect_dma source(%dma_start3A_174 : memref<10000x128xf32, #tpu.memory_space<hbm>>) target(%arg9 : memref<64x128xf32, #tpu.memory_space<vmem>>) offsets(%dma_start3A_171 : memref<64xi32, #tpu.memory_space<vmem>>) semaphore(%arg14 : memref<!tpu.dma_semaphore, #tpu.memory_space<semaphore_mem>>)
      "tpu.region"() ({
        %run_scoped3A = tpu.sem_alloc : memref<!tpu.dma_semaphore, #tpu.memory_space<semaphore_mem>>
        %dma_start3A_195 = arith.constant 0 : i32
        %dma_start3A_196 = tpu.memref_slice %arg7[%add3A_156, %dma_start3A_195] : memref<80x64xi32, #tpu.memory_space<vmem>> -> memref<1x64xi32, #tpu.memory_space<vmem>>
        %dma_start3A_197 = tpu.memref_squeeze %dma_start3A_196 : memref<1x64xi32, #tpu.memory_space<vmem>> -> memref<64xi32, #tpu.memory_space<vmem>>
        %dma_start3A_198 = arith.constant 0 : i32
        %dma_start3A_199 = arith.constant 0 : i32
        %dma_start3A_200 = tpu.memref_slice %arg12[%dma_start3A_198, %dma_start3A_199] : memref<10112x128xf32, #tpu.memory_space<vmem_shared>> -> memref<10112x128xf32, #tpu.memory_space<vmem_shared>>
        tpu.enqueue_indirect_dma source(%arg10 : memref<64x128xf32, #tpu.memory_space<vmem>>) target(%dma_start3A_200 : memref<10112x128xf32, #tpu.memory_space<vmem_shared>>) offsets(%dma_start3A_197 : memref<64xi32, #tpu.memory_space<vmem>>) semaphore(%run_scoped3A : memref<!tpu.dma_semaphore, #tpu.memory_space<semaphore_mem>>) {add = true}
        %dma_wait3A_201 = arith.constant 0 : i32
        %dma_wait3A_202 = tpu.memref_slice %arg7[%add3A_156, %dma_wait3A_201] : memref<80x64xi32, #tpu.memory_space<vmem>> -> memref<1x64xi32, #tpu.memory_space<vmem>>
        %dma_wait3A_203 = tpu.memref_squeeze %dma_wait3A_202 : memref<1x64xi32, #tpu.memory_space<vmem>> -> memref<64xi32, #tpu.memory_space<vmem>>
        %dma_wait3A_204 = arith.constant 0 : i32
        %dma_wait3A_205 = arith.constant 0 : i32
        %dma_wait3A_206 = tpu.memref_slice %arg12[%dma_wait3A_204, %dma_wait3A_205] : memref<10112x128xf32, #tpu.memory_space<vmem_shared>> -> memref<10112x128xf32, #tpu.memory_space<vmem_shared>>
        tpu.wait_indirect_dma semaphore(%run_scoped3A : memref<!tpu.dma_semaphore, #tpu.memory_space<semaphore_mem>>) src(%arg10 : memref<64x128xf32, #tpu.memory_space<vmem>>) dst(%dma_wait3A_206 : memref<10112x128xf32, #tpu.memory_space<vmem_shared>>)
        tpu.yield
      }) : () -> ()
      %add3A_175 = arith.constant 3 : i32
      %add3A_176 = arith.addi %mul3A_116, %add3A_175 : i32
      %mul3A_177 = arith.constant 64 : i32
      %mul3A_178 = arith.muli %add3A_176, %mul3A_177 : i32
      %dma_wait3A_179 = tpu.memref_slice %arg6[%mul3A_178] : memref<5120xi32, #tpu.memory_space<vmem>> -> memref<64xi32, #tpu.memory_space<vmem>>
      %dma_wait3A_180 = arith.constant 0 : i32
      %dma_wait3A_181 = arith.constant 0 : i32
      %dma_wait3A_182 = tpu.memref_slice %arg2[%dma_wait3A_180, %dma_wait3A_181] : memref<10000x128xf32, #tpu.memory_space<hbm>> -> memref<10000x128xf32, #tpu.memory_space<hbm>>
      tpu.wait_indirect_dma semaphore(%arg16 : memref<!tpu.dma_semaphore, #tpu.memory_space<semaphore_mem>>) src(%dma_wait3A_182 : memref<10000x128xf32, #tpu.memory_space<hbm>>) dst(%arg11 : memref<64x128xf32, #tpu.memory_space<vmem>>)
      %add3A_183 = arith.constant 4 : i32
      %add3A_184 = arith.addi %add3A_176, %add3A_183 : i32
      %sub3A_185 = arith.constant 1 : i32
      %sub3A_186 = arith.subi %add3A_184, %sub3A_185 : i32
      %min3A_187 = arith.constant 79 : i32
      %min3A_188 = arith.minsi %sub3A_186, %min3A_187 : i32
      %mul3A_189 = arith.constant 64 : i32
      %mul3A_190 = arith.muli %min3A_188, %mul3A_189 : i32
      %dma_start3A_191 = tpu.memref_slice %arg6[%mul3A_190] : memref<5120xi32, #tpu.memory_space<vmem>> -> memref<64xi32, #tpu.memory_space<vmem>>
      %dma_start3A_192 = arith.constant 0 : i32
      %dma_start3A_193 = arith.constant 0 : i32
      %dma_start3A_194 = tpu.memref_slice %arg2[%dma_start3A_192, %dma_start3A_193] : memref<10000x128xf32, #tpu.memory_space<hbm>> -> memref<10000x128xf32, #tpu.memory_space<hbm>>
      tpu.enqueue_indirect_dma source(%dma_start3A_194 : memref<10000x128xf32, #tpu.memory_space<hbm>>) target(%arg10 : memref<64x128xf32, #tpu.memory_space<vmem>>) offsets(%dma_start3A_191 : memref<64xi32, #tpu.memory_space<vmem>>) semaphore(%arg15 : memref<!tpu.dma_semaphore, #tpu.memory_space<semaphore_mem>>)
      "tpu.region"() ({
        %run_scoped3A = tpu.sem_alloc : memref<!tpu.dma_semaphore, #tpu.memory_space<semaphore_mem>>
        %dma_start3A_195 = arith.constant 0 : i32
        %dma_start3A_196 = tpu.memref_slice %arg7[%add3A_176, %dma_start3A_195] : memref<80x64xi32, #tpu.memory_space<vmem>> -> memref<1x64xi32, #tpu.memory_space<vmem>>
        %dma_start3A_197 = tpu.memref_squeeze %dma_start3A_196 : memref<1x64xi32, #tpu.memory_space<vmem>> -> memref<64xi32, #tpu.memory_space<vmem>>
        %dma_start3A_198 = arith.constant 0 : i32
        %dma_start3A_199 = arith.constant 0 : i32
        %dma_start3A_200 = tpu.memref_slice %arg12[%dma_start3A_198, %dma_start3A_199] : memref<10112x128xf32, #tpu.memory_space<vmem_shared>> -> memref<10112x128xf32, #tpu.memory_space<vmem_shared>>
        tpu.enqueue_indirect_dma source(%arg11 : memref<64x128xf32, #tpu.memory_space<vmem>>) target(%dma_start3A_200 : memref<10112x128xf32, #tpu.memory_space<vmem_shared>>) offsets(%dma_start3A_197 : memref<64xi32, #tpu.memory_space<vmem>>) semaphore(%run_scoped3A : memref<!tpu.dma_semaphore, #tpu.memory_space<semaphore_mem>>) {add = true}
        %dma_wait3A_201 = arith.constant 0 : i32
        %dma_wait3A_202 = tpu.memref_slice %arg7[%add3A_176, %dma_wait3A_201] : memref<80x64xi32, #tpu.memory_space<vmem>> -> memref<1x64xi32, #tpu.memory_space<vmem>>
        %dma_wait3A_203 = tpu.memref_squeeze %dma_wait3A_202 : memref<1x64xi32, #tpu.memory_space<vmem>> -> memref<64xi32, #tpu.memory_space<vmem>>
        %dma_wait3A_204 = arith.constant 0 : i32
        %dma_wait3A_205 = arith.constant 0 : i32
        %dma_wait3A_206 = tpu.memref_slice %arg12[%dma_wait3A_204, %dma_wait3A_205] : memref<10112x128xf32, #tpu.memory_space<vmem_shared>> -> memref<10112x128xf32, #tpu.memory_space<vmem_shared>>
        tpu.wait_indirect_dma semaphore(%run_scoped3A : memref<!tpu.dma_semaphore, #tpu.memory_space<semaphore_mem>>) src(%arg11 : memref<64x128xf32, #tpu.memory_space<vmem>>) dst(%dma_wait3A_206 : memref<10112x128xf32, #tpu.memory_space<vmem_shared>>)
        tpu.yield
      }) : () -> ()
    }
    %scan3A_90 = arith.constant 20 : i32
    %dma_wait3A_91 = arith.constant 0 : i32
    %dma_wait3A_92 = tpu.memref_slice %arg6[%dma_wait3A_91] : memref<5120xi32, #tpu.memory_space<vmem>> -> memref<64xi32, #tpu.memory_space<vmem>>
    %dma_wait3A_93 = arith.constant 0 : i32
    %dma_wait3A_94 = arith.constant 0 : i32
    %dma_wait3A_95 = tpu.memref_slice %arg2[%dma_wait3A_93, %dma_wait3A_94] : memref<10000x128xf32, #tpu.memory_space<hbm>> -> memref<10000x128xf32, #tpu.memory_space<hbm>>
    tpu.wait_indirect_dma semaphore(%arg13 : memref<!tpu.dma_semaphore, #tpu.memory_space<semaphore_mem>>) src(%dma_wait3A_95 : memref<10000x128xf32, #tpu.memory_space<hbm>>) dst(%arg8 : memref<64x128xf32, #tpu.memory_space<vmem>>)
    %dma_wait3A_96 = arith.constant 0 : i32
    %dma_wait3A_97 = tpu.memref_slice %arg6[%dma_wait3A_96] : memref<5120xi32, #tpu.memory_space<vmem>> -> memref<64xi32, #tpu.memory_space<vmem>>
    %dma_wait3A_98 = arith.constant 0 : i32
    %dma_wait3A_99 = arith.constant 0 : i32
    %dma_wait3A_100 = tpu.memref_slice %arg2[%dma_wait3A_98, %dma_wait3A_99] : memref<10000x128xf32, #tpu.memory_space<hbm>> -> memref<10000x128xf32, #tpu.memory_space<hbm>>
    tpu.wait_indirect_dma semaphore(%arg14 : memref<!tpu.dma_semaphore, #tpu.memory_space<semaphore_mem>>) src(%dma_wait3A_100 : memref<10000x128xf32, #tpu.memory_space<hbm>>) dst(%arg9 : memref<64x128xf32, #tpu.memory_space<vmem>>)
    %dma_wait3A_101 = arith.constant 0 : i32
    %dma_wait3A_102 = tpu.memref_slice %arg6[%dma_wait3A_101] : memref<5120xi32, #tpu.memory_space<vmem>> -> memref<64xi32, #tpu.memory_space<vmem>>
    %dma_wait3A_103 = arith.constant 0 : i32
    %dma_wait3A_104 = arith.constant 0 : i32
    %dma_wait3A_105 = tpu.memref_slice %arg2[%dma_wait3A_103, %dma_wait3A_104] : memref<10000x128xf32, #tpu.memory_space<hbm>> -> memref<10000x128xf32, #tpu.memory_space<hbm>>
    tpu.wait_indirect_dma semaphore(%arg15 : memref<!tpu.dma_semaphore, #tpu.memory_space<semaphore_mem>>) src(%dma_wait3A_105 : memref<10000x128xf32, #tpu.memory_space<hbm>>) dst(%arg10 : memref<64x128xf32, #tpu.memory_space<vmem>>)
    %barrier3A_106 = arith.constant 0 : index
    tpu.barrier barrier_id(%barrier3A_106)
    %mul3A_107 = arith.constant 632 : i32
    %mul3A_108 = arith.muli %arg1, %mul3A_107 : i32
    %mul3A_109 = arith.constant 10112 : i32
    %mul3A_110 = arith.muli %arg0, %mul3A_109 : i32
    %mul3A_111 = arith.constant 632 : i32
    %mul3A_112 = arith.muli %arg1, %mul3A_111 : i32
    %add3A_113 = arith.addi %mul3A_110, %mul3A_112 : i32
    "tpu.region"() ({
      %run_scoped3A = tpu.sem_alloc : memref<!tpu.dma_semaphore, #tpu.memory_space<semaphore_mem>>
      %dma_start3A_114 = arith.constant 0 : i32
      %dma_start3A_115 = tpu.memref_slice %arg5[%add3A_113, %dma_start3A_114] : memref<20224x128xf32, #tpu.memory_space<hbm>> -> memref<632x128xf32, #tpu.memory_space<hbm>>
      %dma_start3A_116 = arith.constant 0 : i32
      %dma_start3A_117 = tpu.memref_slice %arg12[%mul3A_108, %dma_start3A_116] : memref<10112x128xf32, #tpu.memory_space<vmem_shared>> -> memref<632x128xf32, #tpu.memory_space<vmem_shared>>
      tpu.enqueue_dma source(%dma_start3A_117 : memref<632x128xf32, #tpu.memory_space<vmem_shared>>) target(%dma_start3A_115 : memref<632x128xf32, #tpu.memory_space<hbm>>) target_semaphore(%run_scoped3A : memref<!tpu.dma_semaphore, #tpu.memory_space<semaphore_mem>>)
      %dma_wait3A_118 = arith.constant 0 : i32
      %dma_wait3A_119 = tpu.memref_slice %arg5[%add3A_113, %dma_wait3A_118] : memref<20224x128xf32, #tpu.memory_space<hbm>> -> memref<632x128xf32, #tpu.memory_space<hbm>>
      %dma_wait3A_120 = arith.constant 0 : i32
      %dma_wait3A_121 = tpu.memref_slice %arg12[%mul3A_108, %dma_wait3A_120] : memref<10112x128xf32, #tpu.memory_space<vmem_shared>> -> memref<632x128xf32, #tpu.memory_space<vmem_shared>>
      tpu.wait_dma2 semaphore(%run_scoped3A : memref<!tpu.dma_semaphore, #tpu.memory_space<semaphore_mem>>) src(%dma_wait3A_121 : memref<632x128xf32, #tpu.memory_space<vmem_shared>>) dst(%dma_wait3A_119 : memref<632x128xf32, #tpu.memory_space<hbm>>)
      tpu.yield
    }) : () -> ()
    return
  }
}

module attributes {stable_mosaic.version = 14 : i64} {
  func.func @_tc1_body(%arg0: i32, %arg1: memref<2000x128xf32, #tpu.memory_space<vmem>>, %arg2: memref<128x128xf32, #tpu.memory_space<vmem>>, %arg3: memref<2000x16xf32, #tpu.memory_space<vmem>>, %arg4: memref<2000x16xf32, #tpu.memory_space<vmem>>, %arg5: memref<2000x128xf32, #tpu.memory_space<vmem>>) attributes {dimension_semantics = [#tpu.dimension_semantics<arbitrary>], iteration_bounds = array<i64: 5>, scalar_prefetch = 0 : i64, scratch_operands = 0 : i64, tpu.core_type = #tpu.core_type<tc>, window_params = [{transform_indices = @transform_0, window_bounds = array<i64: 2000, 128>}, {pipeline_mode = #tpu.pipeline_mode<synchronous>, transform_indices = @transform_1, window_bounds = array<i64: 128, 128>}, {transform_indices = @transform_2, window_bounds = array<i64: 2000, 16>}, {transform_indices = @transform_3, window_bounds = array<i64: 2000, 16>}, {transform_indices = @transform_4, window_bounds = array<i64: 2000, 128>}]} {
    %get3A = arith.constant 0 : index
    %get3A_0 = arith.constant 0 : index
    %get3A_1 = vector.load %arg3[%get3A, %get3A_0] : memref<2000x16xf32, #tpu.memory_space<vmem>>, vector<2000x1xf32>
    %get3A_2 = arith.constant 0 : index
    %get3A_3 = arith.constant 0 : index
    %get3A_4 = vector.load %arg4[%get3A_2, %get3A_3] : memref<2000x16xf32, #tpu.memory_space<vmem>>, vector<2000x1xf32>
    %add3A = arith.addf %get3A_1, %get3A_4 : vector<2000x1xf32>
    %add3A_5 = arith.constant 1.000000e+00 : f32
    %add3A_6 = vector.broadcast %add3A_5 : f32 to vector<2000x1xf32>
    %add3A_7 = arith.addf %add3A, %add3A_6 : vector<2000x1xf32>
    %rsqrt3A = math.rsqrt %add3A_7 : vector<2000x1xf32>
    %get3A_8 = arith.constant 0 : index
    %get3A_9 = arith.constant 0 : index
    %get3A_10 = vector.load %arg1[%get3A_8, %get3A_9] : memref<2000x128xf32, #tpu.memory_space<vmem>>, vector<2000x128xf32>
    %get3A_11 = arith.constant 0 : index
    %get3A_12 = arith.constant 0 : index
    %get3A_13 = vector.load %arg2[%get3A_11, %get3A_12] : memref<128x128xf32, #tpu.memory_space<vmem>>, vector<128x128xf32>
    %dot_general3A = arith.constant dense<0.000000e+00> : vector<2000x128xf32>
    %dot_general3A_14 = tpu.matmul %get3A_10, %get3A_13, %dot_general3A {dimension_numbers = #tpu.dot_dimension_numbers<[1], [0], [0], [1], [0, 0, 1, 1], [], []>, precision = #tpu.contract_precision<fp32>, transpose_lhs_hint = false} : vector<2000x128xf32>, vector<128x128xf32>, vector<2000x128xf32> -> vector<2000x128xf32>
    %mul3A = vector.broadcast %rsqrt3A : vector<2000x1xf32> to vector<2000x128xf32>
    %mul3A_15 = arith.mulf %mul3A, %dot_general3A_14 : vector<2000x128xf32>
    %swap3A = arith.constant 0 : index
    %swap3A_16 = arith.constant 0 : index
    %swap3A_17 = vector.load %arg5[%swap3A, %swap3A_16] : memref<2000x128xf32, #tpu.memory_space<vmem>>, vector<2000x128xf32>
    tpu.vector_store %arg5[%swap3A, %swap3A_16], %mul3A_15 {strides = array<i32>} : memref<2000x128xf32, #tpu.memory_space<vmem>>, vector<2000x128xf32>,
    return
  }
  func.func @transform_0(%arg0: i32) -> (i32, i32) {
    %c0_i32 = arith.constant 0 : i32
    %c0_i32_0 = arith.constant 0 : i32
    return %arg0, %c0_i32 : i32, i32
  }
  func.func @transform_1(%arg0: i32) -> (i32, i32) {
    %c0_i32 = arith.constant 0 : i32
    %c0_i32_0 = arith.constant 0 : i32
    %c0_i32_1 = arith.constant 0 : i32
    return %c0_i32, %c0_i32_0 : i32, i32
  }
  func.func @transform_2(%arg0: i32) -> (i32, i32) {
    %c0_i32 = arith.constant 0 : i32
    %c0_i32_0 = arith.constant 0 : i32
    return %arg0, %c0_i32 : i32, i32
  }
  func.func @transform_3(%arg0: i32) -> (i32, i32) {
    %c0_i32 = arith.constant 0 : i32
    %c0_i32_0 = arith.constant 0 : i32
    return %arg0, %c0_i32 : i32, i32
  }
  func.func @transform_4(%arg0: i32) -> (i32, i32) {
    %c0_i32 = arith.constant 0 : i32
    %c0_i32_0 = arith.constant 0 : i32
    return %arg0, %c0_i32 : i32, i32
  }
}

module attributes {stable_mosaic.version = 14 : i64} {
  func.func @_tc_mid_body(%arg0: i32, %arg1: memref<2000x128xf32, #tpu.memory_space<vmem>>, %arg2: memref<2000x128xf32, #tpu.memory_space<vmem>>, %arg3: memref<2000x128xf32, #tpu.memory_space<vmem>>, %arg4: memref<1x128xf32, #tpu.memory_space<vmem>>, %arg5: memref<128x128xf32, #tpu.memory_space<vmem>>, %arg6: memref<2000x16xf32, #tpu.memory_space<vmem>>, %arg7: memref<2000x16xf32, #tpu.memory_space<vmem>>, %arg8: memref<2000x128xf32, #tpu.memory_space<vmem>>) attributes {dimension_semantics = [#tpu.dimension_semantics<arbitrary>], iteration_bounds = array<i64: 5>, scalar_prefetch = 0 : i64, scratch_operands = 0 : i64, tpu.core_type = #tpu.core_type<tc>, window_params = [{transform_indices = @transform_0, window_bounds = array<i64: 2000, 128>}, {transform_indices = @transform_1, window_bounds = array<i64: 2000, 128>}, {transform_indices = @transform_2, window_bounds = array<i64: 2000, 128>}, {pipeline_mode = #tpu.pipeline_mode<synchronous>, transform_indices = @transform_3, window_bounds = array<i64: 1, 128>}, {pipeline_mode = #tpu.pipeline_mode<synchronous>, transform_indices = @transform_4, window_bounds = array<i64: 128, 128>}, {transform_indices = @transform_5, window_bounds = array<i64: 2000, 16>}, {transform_indices = @transform_6, window_bounds = array<i64: 2000, 16>}, {transform_indices = @transform_7, window_bounds = array<i64: 2000, 128>}]} {
    %get3A = arith.constant 0 : index
    %get3A_0 = arith.constant 0 : index
    %get3A_1 = vector.load %arg6[%get3A, %get3A_0] : memref<2000x16xf32, #tpu.memory_space<vmem>>, vector<2000x1xf32>
    %get3A_2 = arith.constant 0 : index
    %get3A_3 = arith.constant 0 : index
    %get3A_4 = vector.load %arg7[%get3A_2, %get3A_3] : memref<2000x16xf32, #tpu.memory_space<vmem>>, vector<2000x1xf32>
    %add3A = arith.addf %get3A_1, %get3A_4 : vector<2000x1xf32>
    %add3A_5 = arith.constant 1.000000e+00 : f32
    %add3A_6 = vector.broadcast %add3A_5 : f32 to vector<2000x1xf32>
    %add3A_7 = arith.addf %add3A, %add3A_6 : vector<2000x1xf32>
    %rsqrt3A = math.rsqrt %add3A_7 : vector<2000x1xf32>
    %get3A_8 = arith.constant 0 : index
    %get3A_9 = arith.constant 0 : index
    %get3A_10 = vector.load %arg1[%get3A_8, %get3A_9] : memref<2000x128xf32, #tpu.memory_space<vmem>>, vector<2000x128xf32>
    %get3A_11 = arith.constant 0 : index
    %get3A_12 = arith.constant 0 : index
    %get3A_13 = vector.load %arg2[%get3A_11, %get3A_12] : memref<2000x128xf32, #tpu.memory_space<vmem>>, vector<2000x128xf32>
    %add3A_14 = arith.addf %get3A_10, %get3A_13 : vector<2000x128xf32>
    %get3A_15 = arith.constant 0 : index
    %get3A_16 = arith.constant 0 : index
    %get3A_17 = vector.load %arg3[%get3A_15, %get3A_16] : memref<2000x128xf32, #tpu.memory_space<vmem>>, vector<2000x128xf32>
    %add3A_18 = arith.addf %add3A_14, %get3A_17 : vector<2000x128xf32>
    %mul3A = vector.broadcast %rsqrt3A : vector<2000x1xf32> to vector<2000x128xf32>
    %mul3A_19 = arith.mulf %mul3A, %add3A_18 : vector<2000x128xf32>
    %get3A_20 = arith.constant 0 : index
    %get3A_21 = arith.constant 0 : index
    %get3A_22 = vector.load %arg4[%get3A_20, %get3A_21] : memref<1x128xf32, #tpu.memory_space<vmem>>, vector<1x128xf32>
    %add3A_23 = vector.broadcast %get3A_22 : vector<1x128xf32> to vector<2000x128xf32>
    %add3A_24 = arith.addf %mul3A_19, %add3A_23 : vector<2000x128xf32>
    %max3A = arith.constant 0.000000e+00 : f32
    %max3A_25 = vector.broadcast %max3A : f32 to vector<2000x128xf32>
    %max3A_26 = arith.maximumf %add3A_24, %max3A_25 : vector<2000x128xf32>
    %get3A_27 = arith.constant 0 : index
    %get3A_28 = arith.constant 0 : index
    %get3A_29 = vector.load %arg5[%get3A_27, %get3A_28] : memref<128x128xf32, #tpu.memory_space<vmem>>, vector<128x128xf32>
    %dot_general3A = arith.constant dense<0.000000e+00> : vector<2000x128xf32>
    %dot_general3A_30 = tpu.matmul %max3A_26, %get3A_29, %dot_general3A {dimension_numbers = #tpu.dot_dimension_numbers<[1], [0], [0], [1], [0, 0, 1, 1], [], []>, precision = #tpu.contract_precision<fp32>, transpose_lhs_hint = false} : vector<2000x128xf32>, vector<128x128xf32>, vector<2000x128xf32> -> vector<2000x128xf32>
    %mul3A_31 = vector.broadcast %rsqrt3A : vector<2000x1xf32> to vector<2000x128xf32>
    %mul3A_32 = arith.mulf %mul3A_31, %dot_general3A_30 : vector<2000x128xf32>
    %swap3A = arith.constant 0 : index
    %swap3A_33 = arith.constant 0 : index
    %swap3A_34 = vector.load %arg8[%swap3A, %swap3A_33] : memref<2000x128xf32, #tpu.memory_space<vmem>>, vector<2000x128xf32>
    tpu.vector_store %arg8[%swap3A, %swap3A_33], %mul3A_32 {strides = array<i32>} : memref<2000x128xf32, #tpu.memory_space<vmem>>, vector<2000x128xf32>,
    return
  }
  func.func @transform_0(%arg0: i32) -> (i32, i32) {
    %c0_i32 = arith.constant 0 : i32
    %c0_i32_0 = arith.constant 0 : i32
    return %arg0, %c0_i32 : i32, i32
  }
  func.func @transform_1(%arg0: i32) -> (i32, i32) {
    %c0_i32 = arith.constant 0 : i32
    %c0_i32_0 = arith.constant 0 : i32
    return %arg0, %c0_i32 : i32, i32
  }
  func.func @transform_2(%arg0: i32) -> (i32, i32) {
    %c0_i32 = arith.constant 0 : i32
    %c0_i32_0 = arith.constant 0 : i32
    return %arg0, %c0_i32 : i32, i32
  }
  func.func @transform_3(%arg0: i32) -> (i32, i32) {
    %c0_i32 = arith.constant 0 : i32
    %c0_i32_0 = arith.constant 0 : i32
    %c0_i32_1 = arith.constant 0 : i32
    return %c0_i32, %c0_i32_0 : i32, i32
  }
  func.func @transform_4(%arg0: i32) -> (i32, i32) {
    %c0_i32 = arith.constant 0 : i32
    %c0_i32_0 = arith.constant 0 : i32
    %c0_i32_1 = arith.constant 0 : i32
    return %c0_i32, %c0_i32_0 : i32, i32
  }
  func.func @transform_5(%arg0: i32) -> (i32, i32) {
    %c0_i32 = arith.constant 0 : i32
    %c0_i32_0 = arith.constant 0 : i32
    return %arg0, %c0_i32 : i32, i32
  }
  func.func @transform_6(%arg0: i32) -> (i32, i32) {
    %c0_i32 = arith.constant 0 : i32
    %c0_i32_0 = arith.constant 0 : i32
    return %arg0, %c0_i32 : i32, i32
  }
  func.func @transform_7(%arg0: i32) -> (i32, i32) {
    %c0_i32 = arith.constant 0 : i32
    %c0_i32_0 = arith.constant 0 : i32
    return %arg0, %c0_i32 : i32, i32
  }
}

module attributes {stable_mosaic.version = 14 : i64} {
  func.func @_tc_fin_body(%arg0: i32, %arg1: memref<2000x128xf32, #tpu.memory_space<vmem>>, %arg2: memref<2000x128xf32, #tpu.memory_space<vmem>>, %arg3: memref<2000x128xf32, #tpu.memory_space<vmem>>, %arg4: memref<1x128xf32, #tpu.memory_space<vmem>>, %arg5: memref<2000x16xf32, #tpu.memory_space<vmem>>, %arg6: memref<2000x16xf32, #tpu.memory_space<vmem>>, %arg7: memref<2000x1xi32, #tpu.memory_space<vmem>>, %arg8: memref<128x10xf32, #tpu.memory_space<vmem>>, %arg9: memref<1x10xf32, #tpu.memory_space<vmem>>, %arg10: memref<64x10xf32, #tpu.memory_space<vmem>>, %arg11: memref<64x128xf32, #tpu.memory_space<vmem>>, %arg12: memref<64x128xf32, #tpu.memory_space<vmem>>) attributes {dimension_semantics = [#tpu.dimension_semantics<arbitrary>], iteration_bounds = array<i64: 5>, scalar_prefetch = 0 : i64, scratch_operands = 2 : i64, tpu.core_type = #tpu.core_type<tc>, window_params = [{transform_indices = @transform_0, window_bounds = array<i64: 2000, 128>}, {transform_indices = @transform_1, window_bounds = array<i64: 2000, 128>}, {transform_indices = @transform_2, window_bounds = array<i64: 2000, 128>}, {pipeline_mode = #tpu.pipeline_mode<synchronous>, transform_indices = @transform_3, window_bounds = array<i64: 1, 128>}, {transform_indices = @transform_4, window_bounds = array<i64: 2000, 16>}, {transform_indices = @transform_5, window_bounds = array<i64: 2000, 16>}, {transform_indices = @transform_6, window_bounds = array<i64: 2000, 1>}, {pipeline_mode = #tpu.pipeline_mode<synchronous>, transform_indices = @transform_7, window_bounds = array<i64: 128, 10>}, {pipeline_mode = #tpu.pipeline_mode<synchronous>, transform_indices = @transform_8, window_bounds = array<i64: 1, 10>}, {pipeline_mode = #tpu.pipeline_mode<synchronous>, transform_indices = @transform_9, window_bounds = array<i64: 64, 10>}]} {
    %get3A = arith.constant 0 : index
    %get3A_0 = arith.constant 0 : index
    %get3A_1 = vector.load %arg5[%get3A, %get3A_0] : memref<2000x16xf32, #tpu.memory_space<vmem>>, vector<2000x1xf32>
    %get3A_2 = arith.constant 0 : index
    %get3A_3 = arith.constant 0 : index
    %get3A_4 = vector.load %arg6[%get3A_2, %get3A_3] : memref<2000x16xf32, #tpu.memory_space<vmem>>, vector<2000x1xf32>
    %add3A = arith.addf %get3A_1, %get3A_4 : vector<2000x1xf32>
    %add3A_5 = arith.constant 1.000000e+00 : f32
    %add3A_6 = vector.broadcast %add3A_5 : f32 to vector<2000x1xf32>
    %add3A_7 = arith.addf %add3A, %add3A_6 : vector<2000x1xf32>
    %rsqrt3A = math.rsqrt %add3A_7 : vector<2000x1xf32>
    %get3A_8 = arith.constant 0 : index
    %get3A_9 = arith.constant 0 : index
    %get3A_10 = vector.load %arg1[%get3A_8, %get3A_9] : memref<2000x128xf32, #tpu.memory_space<vmem>>, vector<2000x128xf32>
    %get3A_11 = arith.constant 0 : index
    %get3A_12 = arith.constant 0 : index
    %get3A_13 = vector.load %arg2[%get3A_11, %get3A_12] : memref<2000x128xf32, #tpu.memory_space<vmem>>, vector<2000x128xf32>
    %add3A_14 = arith.addf %get3A_10, %get3A_13 : vector<2000x128xf32>
    %get3A_15 = arith.constant 0 : index
    %get3A_16 = arith.constant 0 : index
    %get3A_17 = vector.load %arg3[%get3A_15, %get3A_16] : memref<2000x128xf32, #tpu.memory_space<vmem>>, vector<2000x128xf32>
    %add3A_18 = arith.addf %add3A_14, %get3A_17 : vector<2000x128xf32>
    %mul3A = vector.broadcast %rsqrt3A : vector<2000x1xf32> to vector<2000x128xf32>
    %mul3A_19 = arith.mulf %mul3A, %add3A_18 : vector<2000x128xf32>
    %get3A_20 = arith.constant 0 : index
    %get3A_21 = arith.constant 0 : index
    %get3A_22 = vector.load %arg4[%get3A_20, %get3A_21] : memref<1x128xf32, #tpu.memory_space<vmem>>, vector<1x128xf32>
    %add3A_23 = vector.broadcast %get3A_22 : vector<1x128xf32> to vector<2000x128xf32>
    %add3A_24 = arith.addf %mul3A_19, %add3A_23 : vector<2000x128xf32>
    %max3A = arith.constant 0.000000e+00 : f32
    %max3A_25 = vector.broadcast %max3A : f32 to vector<2000x128xf32>
    %max3A_26 = arith.maximumf %add3A_24, %max3A_25 : vector<2000x128xf32>
    %iota3A = tpu.iota {dimensions = array<i32: 1>} : vector<2000x64xi32>
    %get3A_27 = arith.constant 0 : index
    %get3A_28 = arith.constant 0 : index
    %get3A_29 = vector.load %arg7[%get3A_27, %get3A_28] : memref<2000x1xi32, #tpu.memory_space<vmem>>, vector<2000x1xi32>
    %eq3A = vector.broadcast %get3A_29 : vector<2000x1xi32> to vector<2000x64xi32>
    %eq3A_30 = arith.cmpi eq, %iota3A, %eq3A : vector<2000x64xi32>
    %convert_element_type3A = arith.extui %eq3A_30 : vector<2000x64xi1> to vector<2000x64xi32>
    %convert_element_type3A_31 = arith.sitofp %convert_element_type3A : vector<2000x64xi32> to vector<2000x64xf32>
    %dot_general3A = arith.constant dense<0.000000e+00> : vector<64x128xf32>
    %dot_general3A_32 = tpu.matmul %convert_element_type3A_31, %max3A_26, %dot_general3A {dimension_numbers = #tpu.dot_dimension_numbers<[0], [0], [1], [1], [0, 1, 1, 1], [], []>, precision = #tpu.contract_precision<fp32>, transpose_lhs_hint = false} : vector<2000x64xf32>, vector<2000x128xf32>, vector<64x128xf32> -> vector<64x128xf32>
    %broadcast_in_dim3A = arith.constant 1.000000e+00 : f32
    %broadcast_in_dim3A_33 = vector.broadcast %broadcast_in_dim3A : f32 to vector<2000x128xf32>
    %dot_general3A_34 = arith.constant dense<0.000000e+00> : vector<64x128xf32>
    %dot_general3A_35 = tpu.matmul %convert_element_type3A_31, %broadcast_in_dim3A_33, %dot_general3A_34 {dimension_numbers = #tpu.dot_dimension_numbers<[0], [0], [1], [1], [0, 1, 1, 1], [], []>, precision = #tpu.contract_precision<fp32>, transpose_lhs_hint = false} : vector<2000x64xf32>, vector<2000x128xf32>, vector<64x128xf32> -> vector<64x128xf32>
    %eq3A_36 = arith.constant 0 : i32
    %eq3A_37 = arith.cmpi eq, %arg0, %eq3A_36 : i32
    %convert_element_type3A_38 = arith.extui %eq3A_37 : i1 to i32
    %cond3A = arith.constant 0 : i32
    %cond3A_39 = arith.cmpi ne, %convert_element_type3A_38, %cond3A : i32
    scf.if %cond3A_39 {
      %swap3A = arith.constant 0 : index
      %swap3A_49 = arith.constant 0 : index
      %swap3A_50 = vector.load %arg11[%swap3A, %swap3A_49] : memref<64x128xf32, #tpu.memory_space<vmem>>, vector<64x128xf32>
      tpu.vector_store %arg11[%swap3A, %swap3A_49], %dot_general3A_32 {strides = array<i32>} : memref<64x128xf32, #tpu.memory_space<vmem>>, vector<64x128xf32>,
      %swap3A_51 = arith.constant 0 : index
      %swap3A_52 = arith.constant 0 : index
      %swap3A_53 = vector.load %arg12[%swap3A_51, %swap3A_52] : memref<64x128xf32, #tpu.memory_space<vmem>>, vector<64x128xf32>
      tpu.vector_store %arg12[%swap3A_51, %swap3A_52], %dot_general3A_35 {strides = array<i32>} : memref<64x128xf32, #tpu.memory_space<vmem>>, vector<64x128xf32>,
    } else {
    }
    %gt3A = arith.constant 0 : i32
    %gt3A_40 = arith.cmpi sgt, %arg0, %gt3A : i32
    %convert_element_type3A_41 = arith.extui %gt3A_40 : i1 to i32
    %cond3A_42 = arith.constant 0 : i32
    %cond3A_43 = arith.cmpi ne, %convert_element_type3A_41, %cond3A_42 : i32
    scf.if %cond3A_43 {
      %get3A_49 = arith.constant 0 : index
      %get3A_50 = arith.constant 0 : index
      %get3A_51 = vector.load %arg11[%get3A_49, %get3A_50] : memref<64x128xf32, #tpu.memory_space<vmem>>, vector<64x128xf32>
      %add3A_52 = arith.addf %get3A_51, %dot_general3A_32 : vector<64x128xf32>
      %swap3A = arith.constant 0 : index
      %swap3A_53 = arith.constant 0 : index
      %swap3A_54 = vector.load %arg11[%swap3A, %swap3A_53] : memref<64x128xf32, #tpu.memory_space<vmem>>, vector<64x128xf32>
      tpu.vector_store %arg11[%swap3A, %swap3A_53], %add3A_52 {strides = array<i32>} : memref<64x128xf32, #tpu.memory_space<vmem>>, vector<64x128xf32>,
      %get3A_55 = arith.constant 0 : index
      %get3A_56 = arith.constant 0 : index
      %get3A_57 = vector.load %arg12[%get3A_55, %get3A_56] : memref<64x128xf32, #tpu.memory_space<vmem>>, vector<64x128xf32>
      %add3A_58 = arith.addf %get3A_57, %dot_general3A_35 : vector<64x128xf32>
      %swap3A_59 = arith.constant 0 : index
      %swap3A_60 = arith.constant 0 : index
      %swap3A_61 = vector.load %arg12[%swap3A_59, %swap3A_60] : memref<64x128xf32, #tpu.memory_space<vmem>>, vector<64x128xf32>
      tpu.vector_store %arg12[%swap3A_59, %swap3A_60], %add3A_58 {strides = array<i32>} : memref<64x128xf32, #tpu.memory_space<vmem>>, vector<64x128xf32>,
    } else {
    }
    %eq3A_44 = arith.constant 4 : i32
    %eq3A_45 = arith.cmpi eq, %arg0, %eq3A_44 : i32
    %convert_element_type3A_46 = arith.extui %eq3A_45 : i1 to i32
    %cond3A_47 = arith.constant 0 : i32
    %cond3A_48 = arith.cmpi ne, %convert_element_type3A_46, %cond3A_47 : i32
    scf.if %cond3A_48 {
      %get3A_49 = arith.constant 0 : index
      %get3A_50 = arith.constant 0 : index
      %get3A_51 = vector.load %arg11[%get3A_49, %get3A_50] : memref<64x128xf32, #tpu.memory_space<vmem>>, vector<64x128xf32>
      %get3A_52 = arith.constant 0 : index
      %get3A_53 = arith.constant 0 : index
      %get3A_54 = vector.load %arg12[%get3A_52, %get3A_53] : memref<64x128xf32, #tpu.memory_space<vmem>>, vector<64x128xf32>
      %max3A_55 = arith.constant 1.000000e+00 : f32
      %max3A_56 = vector.broadcast %max3A_55 : f32 to vector<64x128xf32>
      %max3A_57 = arith.maximumf %get3A_54, %max3A_56 : vector<64x128xf32>
      %div3A = arith.divf %get3A_51, %max3A_57 : vector<64x128xf32>
      %get3A_58 = arith.constant 0 : index
      %get3A_59 = arith.constant 0 : index
      %get3A_60 = vector.load %arg8[%get3A_58, %get3A_59] : memref<128x10xf32, #tpu.memory_space<vmem>>, vector<128x10xf32>
      %dot_general3A_61 = arith.constant dense<0.000000e+00> : vector<64x10xf32>
      %dot_general3A_62 = tpu.matmul %div3A, %get3A_60, %dot_general3A_61 {dimension_numbers = #tpu.dot_dimension_numbers<[1], [0], [0], [1], [0, 0, 1, 1], [], []>, precision = #tpu.contract_precision<fp32>, transpose_lhs_hint = false} : vector<64x128xf32>, vector<128x10xf32>, vector<64x10xf32> -> vector<64x10xf32>
      %get3A_63 = arith.constant 0 : index
      %get3A_64 = arith.constant 0 : index
      %get3A_65 = vector.load %arg9[%get3A_63, %get3A_64] : memref<1x10xf32, #tpu.memory_space<vmem>>, vector<1x10xf32>
      %add3A_66 = vector.broadcast %get3A_65 : vector<1x10xf32> to vector<64x10xf32>
      %add3A_67 = arith.addf %dot_general3A_62, %add3A_66 : vector<64x10xf32>
      %reduce_max3A = arith.constant dense<0xFF800000> : vector<64xf32>
      %reduce_max3A_68 = vector.multi_reduction <maximumf>, %add3A_67, %reduce_max3A [1] : vector<64x10xf32> to vector<64xf32>
      %broadcast_in_dim3A_69 = vector.shape_cast %reduce_max3A_68 : vector<64xf32> to vector<64x1xf32>
      %sub3A = vector.broadcast %broadcast_in_dim3A_69 : vector<64x1xf32> to vector<64x10xf32>
      %sub3A_70 = arith.subf %add3A_67, %sub3A : vector<64x10xf32>
      %exp3A = math.exp %sub3A_70 : vector<64x10xf32>
      %sub3A_71 = vector.broadcast %broadcast_in_dim3A_69 : vector<64x1xf32> to vector<64x10xf32>
      %sub3A_72 = arith.subf %add3A_67, %sub3A_71 : vector<64x10xf32>
      %reduce_sum3A = arith.constant dense<0.000000e+00> : vector<64xf32>
      %reduce_sum3A_73 = vector.multi_reduction <add>, %exp3A, %reduce_sum3A [1] : vector<64x10xf32> to vector<64xf32>
      %broadcast_in_dim3A_74 = vector.shape_cast %reduce_sum3A_73 : vector<64xf32> to vector<64x1xf32>
      %log3A = math.log %broadcast_in_dim3A_74 : vector<64x1xf32>
      %sub3A_75 = vector.broadcast %log3A : vector<64x1xf32> to vector<64x10xf32>
      %sub3A_76 = arith.subf %sub3A_72, %sub3A_75 : vector<64x10xf32>
      %swap3A = arith.constant 0 : index
      %swap3A_77 = arith.constant 0 : index
      %swap3A_78 = vector.load %arg10[%swap3A, %swap3A_77] : memref<64x10xf32, #tpu.memory_space<vmem>>, vector<64x10xf32>
      tpu.vector_store %arg10[%swap3A, %swap3A_77], %sub3A_76 {strides = array<i32>} : memref<64x10xf32, #tpu.memory_space<vmem>>, vector<64x10xf32>,
    } else {
    }
    return
  }
  func.func @transform_0(%arg0: i32) -> (i32, i32) {
    %c0_i32 = arith.constant 0 : i32
    %c0_i32_0 = arith.constant 0 : i32
    return %arg0, %c0_i32 : i32, i32
  }
  func.func @transform_1(%arg0: i32) -> (i32, i32) {
    %c0_i32 = arith.constant 0 : i32
    %c0_i32_0 = arith.constant 0 : i32
    return %arg0, %c0_i32 : i32, i32
  }
  func.func @transform_2(%arg0: i32) -> (i32, i32) {
    %c0_i32 = arith.constant 0 : i32
    %c0_i32_0 = arith.constant 0 : i32
    return %arg0, %c0_i32 : i32, i32
  }
  func.func @transform_3(%arg0: i32) -> (i32, i32) {
    %c0_i32 = arith.constant 0 : i32
    %c0_i32_0 = arith.constant 0 : i32
    %c0_i32_1 = arith.constant 0 : i32
    return %c0_i32, %c0_i32_0 : i32, i32
  }
  func.func @transform_4(%arg0: i32) -> (i32, i32) {
    %c0_i32 = arith.constant 0 : i32
    %c0_i32_0 = arith.constant 0 : i32
    return %arg0, %c0_i32 : i32, i32
  }
  func.func @transform_5(%arg0: i32) -> (i32, i32) {
    %c0_i32 = arith.constant 0 : i32
    %c0_i32_0 = arith.constant 0 : i32
    return %arg0, %c0_i32 : i32, i32
  }
  func.func @transform_6(%arg0: i32) -> (i32, i32) {
    %c0_i32 = arith.constant 0 : i32
    %c0_i32_0 = arith.constant 0 : i32
    return %arg0, %c0_i32 : i32, i32
  }
  func.func @transform_7(%arg0: i32) -> (i32, i32) {
    %c0_i32 = arith.constant 0 : i32
    %c0_i32_0 = arith.constant 0 : i32
    %c0_i32_1 = arith.constant 0 : i32
    return %c0_i32, %c0_i32_0 : i32, i32
  }
  func.func @transform_8(%arg0: i32) -> (i32, i32) {
    %c0_i32 = arith.constant 0 : i32
    %c0_i32_0 = arith.constant 0 : i32
    %c0_i32_1 = arith.constant 0 : i32
    return %c0_i32, %c0_i32_0 : i32, i32
  }
  func.func @transform_9(%arg0: i32) -> (i32, i32) {
    %c0_i32 = arith.constant 0 : i32
    %c0_i32_0 = arith.constant 0 : i32
    %c0_i32_1 = arith.constant 0 : i32
    return %c0_i32, %c0_i32_0 : i32, i32
  }
}

</mosaic_0001>

<sc_bundles>
// kernel: kernel.10.cloned.1.call-start
scs
__scs_entry_jumppad:
0x0: {  	(pc) =	sbr.rel $0x88, $3  }
0x1: {  	(tag) =	ssettag $0x0;
	lr =	simm.s32 $0x1  }
0x2: {  	[smem:$0x3F96] =	sst lr;
	_ =	strace $0xD0000000  }
0x3: {  	_ = 	snop  }
0x4: {  	_ = 	snop  }
0x5: {  	_ = 	snop  }
0x6: {  	_ = 	snop  }
0x7: {  	_ = 	snop  }
__scs_overlays_trampoline_lowered:
0x8: {  	[smem:$0x3FA5] =	sst s0  }
0x9: {  	[smem:$0x3FA6] =	sst s1  }
0xa: {  	[smem:$0x3FA7] =	sst s2  }
0xb: {  	[smem:$0x3FA8] =	sst s3  }
0xc: {  	[smem:$0x3FA9] =	sst s4  }
0xd: {  	[smem:$0x3FAA] =	sst s5  }
0xe: {  	[smem:$0x3FAB] =	sst s6  }
0xf: {  	[smem:$0x3FAC] =	sst s7  }
0x10: {  	[smem:$0x3FAD] =	sst s8  }
0x11: {  	[smem:$0x3FAE] =	sst s9;
	s0 =	simm.s32 @!p0 $0x0  }
0x12: {  	s1 =	sld [smem:$0x3F94];
	s0 =	simm.s32 @p0 $0x1  }
0x13: {  	[smem:$0x3FAF] =	sst s0;
	s0 =	simm.s32 @!p1 $0x0  }
0x14: {  	s2 =	sld [smem:$0x3F93];
	s0 =	simm.s32 @p1 $0x1  }
0x15: {  	[smem:$0x3FB0] =	sst s0;
	s0 =	simm.s32 @!p2 $0x0  }
0x16: {  	s3 =	sld [smem:$0x3FDB];
	s0 =	simm.s32 @p2 $0x1  }
0x17: {  	s4 =	simm.s32 $0x1BF5;
	[smem:$0x3FB2] =	sst s0  }
0x18: {  	s0 =	sld [smem:$0x3F95];
	_ =	swait.ge [sflag:s4], $0x0  }
0x19: {  	s7 =	sld [smem:$0x3F96]  }
0x1a: {  	s8 =	sadd.s32 $0xFFFFE003, lr  }
0x1b: {  	s9 =	sadd.s32 $0xFFFFFEF7, lr;
	s5 =	simm.s32 $0xFFFFFFFF;
	p2 =	slt.u32 s8, $0xFFFFF086  }
0x1c: {  	p1 =	slt.u32 s9, $0xF7A;
	s5 =	simm.s32 @!p2 $0x0  }
0x1d: {  	s5 =	simm.s32 @p1 $0x1;
	p0 =	seq.s32 s7, s2  }
0x1e: {  	s7 =	smul.u32 @!p0 $0xF7A, s2;
	p2 =	seq.s32 @!p0 s5, $0x0  }
0x1f: {  	s9 =	smul.u32 $0xF7A, s1;
	s8 =	simm.s32 @!p0 $0x1BF5;
	p2 =	por !p2, p0  }
0x20: {  	[sflag:s8] =	ssyncset.s32 @!p0 $0xFFFFF086;
	s6 =	sadd.s32 @!p0 s3, s7;
	s7 =	simm.s32 @!p0 $0x108  }
0x21: {  	s3 =	sadd.s32 s3, s9;
	s6 =	sadd.s32 @!p0 $0x88, s6;
	s7 =	simm.s32 @p2 $0x1082  }
0x22: {  	[simem:s7], [sflag:s8] =	dma.local @!p0 [hbm:s6], $0xF7A  }
0x23: {  	s9 =	sor.u32 $0xD0000000, s2;
	s6 =	simm.s32 $0x108;
	_ =	swait.ge @!p0 [sflag:s8], $0x0  }
0x24: {  	s3 =	sadd.s32 $0x88, s3;
	s6 =	simm.s32 @!p1 $0x1082;
	[sflag:s4] =	ssyncset.s32 $0xFFFFF086  }
0x25: {  	[simem:s6], [sflag:s4] =	dma.local [hbm:s3], $0xF7A  }
0x26: {  	[smem:$0x3F96] =	sst s1;
	(tag) =	ssettag s2;
	_ =	strace s9  }
0x27: {  	s1 =	sld [smem:$0x3FA6]  }
0x28: {  	s2 =	sld [smem:$0x3FA7]  }
0x29: {  	s4 =	sld [smem:$0x3FA9]  }
0x2a: {  	p0 =	seq.s32 s5, $0x0;
	s5 =	sld [smem:$0x3FAA]  }
0x2b: {  	s6 =	sld [smem:$0x3FAB]  }
0x2c: {  	s7 =	sld [smem:$0x3FAC]  }
0x2d: {  	s3 =	simm.s32 $0x108;
	s8 =	sld [smem:$0x3FAD]  }
0x2e: {  	s3 =	simm.s32 @!p0 $0x1082;
	s9 =	sld [smem:$0x3FAE]  }
0x2f: {  	lr =	sadd.s32 s0, s3;
	s0 =	sld [smem:$0x3FA5]  }
0x30: {  	s3 =	sld [smem:$0x3FA8]  }
0x31: {  	[smem:$0x3FB1] =	sst s10  }
0x32: {  	s10 =	sld [smem:$0x3FAF];
	_ =	sdelay $0x3  }
0x33: {  	p0 =	seq.s32 s10, $0x1;
	s10 =	sld [smem:$0x3FB1];
	_ =	sdelay $0x3  }
0x34: {  	[smem:$0x3FB1] =	sst s10  }
0x35: {  	s10 =	sld [smem:$0x3FB0];
	_ =	sdelay $0x3  }
0x36: {  	p1 =	seq.s32 s10, $0x1;
	s10 =	sld [smem:$0x3FB1];
	_ =	sdelay $0x3  }
0x37: {  	[smem:$0x3FB1] =	sst s10  }
0x38: {  	s10 =	sld [smem:$0x3FB2]  }
0x39: {  	_ = 	snop;
	(pc) =	sbr.ind lr, $3  }
0x3a: {  	_ = 	snop  }
0x3b: {  	_ = 	snop  }
0x3c: {  	p2 =	seq.s32 s10, $0x1;
	s10 =	sld [smem:$0x3FB1]  }
0x3d: {  	_ =	shalt  }
0x3e: {  	_ =	shalt  }
0x3f: {  	_ =	shalt  }
0x40: {  	_ =	shalt  }
0x41: {  	_ =	shalt  }
0x42: {  	_ =	shalt  }
0x43: {  	_ =	shalt  }
0x44: {  	_ =	shalt  }
0x45: {  	_ =	shalt  }
0x46: {  	_ =	shalt  }
0x47: {  	_ =	shalt  }
0x48: {  	_ =	shalt  }
0x49: {  	_ =	shalt  }
0x4a: {  	_ =	shalt  }
0x4b: {  	_ =	shalt  }
0x4c: {  	_ =	shalt  }
0x4d: {  	_ =	shalt  }
0x4e: {  	_ =	shalt  }
0x4f: {  	_ =	shalt  }
0x50: {  	_ =	shalt  }
0x51: {  	_ =	shalt  }
0x52: {  	_ =	shalt  }
0x53: {  	_ =	shalt  }
0x54: {  	_ =	shalt  }
0x55: {  	_ =	shalt  }
0x56: {  	_ =	shalt  }
0x57: {  	_ =	shalt  }
0x58: {  	_ =	shalt  }
0x59: {  	_ =	shalt  }
0x5a: {  	_ =	shalt  }
0x5b: {  	_ =	shalt  }
0x5c: {  	_ =	shalt  }
0x5d: {  	_ =	shalt  }
0x5e: {  	_ =	shalt  }
0x5f: {  	_ =	shalt  }
0x60: {  	_ =	shalt  }
0x61: {  	_ =	shalt  }
0x62: {  	_ =	shalt  }
0x63: {  	_ =	shalt  }
0x64: {  	_ =	shalt  }
0x65: {  	_ =	shalt  }
0x66: {  	_ =	shalt  }
0x67: {  	_ =	shalt  }
0x68: {  	_ =	shalt  }
0x69: {  	_ =	shalt  }
0x6a: {  	_ =	shalt  }
0x6b: {  	_ =	shalt  }
0x6c: {  	_ =	shalt  }
0x6d: {  	_ =	shalt  }
0x6e: {  	_ =	shalt  }
0x6f: {  	_ =	shalt  }
0x70: {  	_ =	shalt  }
0x71: {  	_ =	shalt  }
0x72: {  	_ =	shalt  }
0x73: {  	_ =	shalt  }
0x74: {  	_ =	shalt  }
0x75: {  	_ =	shalt  }
0x76: {  	_ =	shalt  }
0x77: {  	_ =	shalt  }
0x78: {  	_ =	shalt  }
0x79: {  	_ =	shalt  }
0x7a: {  	_ =	shalt  }
0x7b: {  	_ =	shalt  }
0x7c: {  	_ =	shalt  }
0x7d: {  	_ =	shalt  }
0x7e: {  	_ =	shalt  }
0x7f: {  	_ =	shalt  }
0x80: {  	_ =	shalt  }
0x81: {  	_ =	shalt  }
0x82: {  	_ =	shalt  }
0x83: {  	_ =	shalt  }
0x84: {  	_ =	shalt  }
0x85: {  	_ =	shalt  }
0x86: {  	_ =	shalt  }
0x87: {  	_ =	shalt  }
.Lfunc_end0:
.L_simem_size_0:
called_computation_lowered:
.L_overlay_start_0:
0x88: {  	s2 =	sld [smem:$0x3FD9]  }
0x89: {  	s3 =	sld [smem:$0x3FFE];
	_ =	sdelay $0x1  }
0x8a: {  	s1 =	srdreg.scid  }
0x8b: {  	s0 =	sand.u32 $0x1, s1  }
0x8c: {  	s16 =	sshll.u32 s0, $0xA;
	s2 =	sadd.s32 s3, s2  }
0x8d: {  	s2 =	sadd.s32 s2, s16  }
0x8e: {  	[smem:$0x3FBD] =	sst s2  }
0x8f: {  	_ = 	snop  }
0x90: {  	(tm) =	ssettm $0x1  }
0x91: {  	s17 =	sld [smem:$0x3FFB];
	_ =	sdelay $0x3  }
0x92: {  	_ =	strace s17  }
0x93: {  	s2 =	sld [smem:$0x3FFC];
	_ =	sdelay $0x3  }
0x94: {  	_ =	strace s2  }
0x95: {  	s2 =	sld [smem:$0x3FFD];
	_ =	sdelay $0x3  }
0x96: {  	_ =	strace s2  }
0x97: {  	_ =	strace $0x8FFFFFFF  }
0x98: {  	s18 =	sld [smem:$0x3FDB];
	_ =	sdelay $0x1  }
0x99: {  	s19 =	simm.s32 $_scs_section_size  }
0x9a: {  	s4 =	simm.s32 $_size__tile_overlayer_lowered;
	s5 =	simm.s32 $_tile_overlayer_lowered  }
0x9b: {  	s22 =	simm.s32 $0x1BFF;
	s21 =	sshll.u32 s5, $0x1;
	s2 =	sadd.s32 s19, s18  }
0x9c: {  	s6 =	simm.s32 $0x0;
	s20 =	sshll.u32 s4, $0x1;
	s4 =	sadd.s32 s21, s2  }
0x9d: {  	[timem:s6], [sflag:s22] =	dma.local [hbm:s4], s20  }
0x9e: {  	_ =	swait.ge [sflag:s22], s20  }
0x9f: {  	s3 =	ssub.s32 $0x0, s20;
	[sflag:s22] =	ssyncset.done $0x0  }
0xa0: {  	[sflag:s22] =	ssyncadd.s32 s3;
	_ =	sdelay $0x1  }
0xa1: {  	s23 =	simm.s32 $0x1B8B  }
0xa2: {  	_ =	swait.ge [sflag:s23], $0x1  }
0xa3: {  	[sflag:s23] =	ssyncset.done $0x0  }
0xa4: {  	s25 =	simm.s32 $0x1B8E;
	s24 =	sld [smem:$0x3FFE];
	[sflag:s23] =	ssyncadd.s32 $0xFFFFFFFF  }
0xa5: {  	s26 =	simm.s32 $execute0_lowered;
	[smem:$0x3FD2] =	sst s25  }
0xa6: {  	s4 =	sshll.u32 s26, $0x1;
	_ =	strace $0x80000046;
	[dreg:$0x1] =	wrdreg $0xFFFFFFFF  }
0xa7: {  	s28 =	simm.s32 $_size_execute0_lowered;
	s2 =	sadd.s32 s2, s4;
	[dreg:$0x0] =	wrdreg $0x0  }
0xa8: {  	s4 =	sshll.u32 s28, $0x1;
	[dreg:$0x2] =	wrdreg s2  }
0xa9: {  	[dreg:$0x3] =	wrdreg s4  }
0xaa: {  	[dreg:$0x4] =	wrdreg $0xC0  }
0xab: {  	_ =	task [dreg:s6], $0x5FFFF  }
0xac: {  	[dreg:$0x1] =	wrdreg $0xFFFFFFFF  }
0xad: {  	[dreg:$0x0] =	wrdreg $0x60  }
0xae: {  	[dreg:$0x2] =	wrdreg s24  }
0xaf: {  	[dreg:$0x3] =	wrdreg $0x68000  }
0xb0: {  	[dreg:$0x4] =	wrdreg $0x9  }
0xb1: {  	_ =	task.clear_ibuf [dreg:s6], $0x5FFFF;
	_ =	strace $0x90000046  }
0xb2: {  	s29 =	simm.s32 $0x9;
	_ =	strace $0x80000048  }
0xb3: {  	_ =	swait.ge [sflag:s29], $0x1  }
0xb4: {  	[sflag:s29] =	ssyncadd.s32 $0xFFFFFFFF  }
0xb5: {  	_ =	strace $0x90000048  }
0xb6: {  	_ =	sfence  }
0xb7: {  	s30 =	sld [smem:$0x0];
	_ =	sdelay $0x2  }
0xb8: {  	s31 =	sshll.u32 s1, $0xD;
	s1 =	sshrl.u32 s1, $0x2  }
0xb9: {  	s3 =	sand.u32 $0x4000, s31;
	s1 =	sadd.s32 s1, s30  }
0xba: {  	s0 =	sor.u32 s3, s0;
	s1 =	sshll.u32 s1, $0x11  }
0xbb: {  	s0 =	sor.u32 s1, s0  }
0xbc: {  	s0 =	sadd.s32 $0x8F2B, s0  }
0xbd: {  	[sflag:s0] =	ssyncadd.remote.s32 $0x1  }
0xbe: {  	_ =	sfence.sel $0xFFFF  }
0xbf: {  	[dreg:$0x0] =	wrdreg $0xFFFFFFFF;
	(pc) =	sbr.abs _section_cstart, $3  }
0xc0: {  	[dreg:$0x1] =	wrdreg $0xFFFFFFFF  }
0xc1: {  	_ =	task.clear_ibuf [dreg:s6], $0x2FFFF;
	_ =	strace $0x9FFFFFFF  }
0xc2: {  	(tm) =	ssettm $0x7FFFFFFF  }
0xc3: {  	_ =	shalt  }
tec
execute0_lowered:
.L_overlay_start_1:
0x0: {  	(tag) =	ssettag $0x1  }
0x1: {  	s0 =	srdreg.scid;
	s5 =	rddreg [dreg:$0x0]  }
0x2: {  	s2 =	rddreg [dreg:$0x1];
	s3 =	simm.s32 $0x0;
	s13 =	simm.s32 $0x3  }
0x3: {  	s14 =	simm.s32 $0x80;
	s4 =	sand.u32 $0x1, s0;
	s0 =	stileid.u32  }
0x4: {  	s15 =	simm.s32 $0x1;
	s16 =	simm.s32 $0x2;
	s7 =	smul.u32 $0x2780, s0  }
0x5: {  	[smem:$0x7FF] =	sst s3;
	s1 =	sshll.u32 s4, $0x4;
	s8 =	smul.u32 $0x27800, s4  }
0x6: {  	s9 =	smul.u32 $0x4F000, s0;
	s4 =	ssub.s32 $0x2, s4;
	s17 =	sshll.u32 s0, $0x6  }
0x7: {  	s1 =	sor.u32 s0, s1;
	s30 =	sshrl.u32 s4, $0x1;
	s17 =	sor.u32 $0x1C03, s17  }
0x8: {  	s6 =	smul.u32 $0x500, s1;
	s1 =	rddreg [dreg:$0x2];
	_ =	strace $0x80000047  }
0x9: {  	s29 =	sadd.s32 s7, s8;
	s31 =	sshrl.u32 s9, $0x2;
	s12 =	ssub.s32 s4, s30  }
0xa: {  	s11 =	sadd.s32 s29, s5;
	s4 =	sadd.s32 s31, s2;
	s10 =	sadd.s32 s6, s5  }
0xb: {  	s5 =	sadd.s32 $0x4000, s4;
	s6 =	sadd.s32 $0x8000, s4;
	s7 =	sadd.s32 $0xC000, s4  }
0xc: {  	s8 =	sadd.s32 $0x10000, s4;
	s18 =	sshrl.u32 s4, $0x3;
	s9 =	sadd.s32 $0x5000, s10  }
0xd: {  	v0 =	vimm.f32 $0.0e+00;
	v1 =	vimm.f32 $1.000000000e+00;
	s10 =	sadd.s32 $0x19000, s11;
	s11 =	smax.u32 s12, $0x1;
	s12 =	simm.s32 $0x2800  }
.LBB2_1:
0xe: {  	s19 =	simm.s32 $0x0;
	s20 =	simm.s32 $0x200  }
.LBB2_2:
0xf: {  	p0 =	sne.s32 s20, $0xFE00;
	[tilespmem:s19+$0x2870] =	vst v0  }
0x10: {  	[tilespmem:s19+$0x2800] =	vst v0  }
0x11: {  	[tilespmem:s19+$0x2810] =	vst v0  }
.Ltmp0:
0x12: {  	[tilespmem:s19+$0x2820] =	vst v0;
	(pc) =	sbr.rel @p0 .LBB2_2-.Ltmp0, $4  }
0x13: {  	[tilespmem:s19+$0x2830] =	vst v0  }
0x14: {  	[tilespmem:s19+$0x2840] =	vst v0  }
0x15: {  	[tilespmem:s19+$0x2850] =	vst v0  }
0x16: {  	[tilespmem:s19+$0x2860] =	vst v0;
	s19 =	sshra.s32 s20, $0x2;
	s20 =	sadd.s32 $0x200, s20  }
0x17: {  	[tilespmem:s19+$0x2870] =	vst v0  }
0x18: {  	[tilespmem:s19+$0x2800] =	vst v0  }
0x19: {  	[tilespmem:s19+$0x2810] =	vst v0  }
0x1a: {  	[tilespmem:s19+$0x2820] =	vst v0  }
0x1b: {  	[tilespmem:s19+$0x2830] =	vst v0  }
0x1c: {  	[tilespmem:s19+$0x2840] =	vst v0  }
0x1d: {  	[tilespmem:s19+$0x2850] =	vst v0  }
0x1e: {  	[tilespmem:s19+$0x2860] =	vst v0  }
0x1f: {  	[spmem:s4] =	stream.linear.scatter [tilespmem:s12], [sflag:$0x3], $0x4000, $0x38;
	[tilespmem:$0x1A400] =	vst v63  }
0x20: {  	_ =	swait.ge [sflag:s13], $0x4000  }
0x21: {  	[sflag:s13] =	ssyncset.done $0x0  }
0x22: {  	[sflag:s13] =	ssyncadd.s32 $0xFFFFC000  }
0x23: {  	[spmem:s5] =	stream.linear.scatter [tilespmem:s12], [sflag:$0x3], $0x4000, $0x38;
	[tilespmem:$0x1A400] =	vst v63  }
0x24: {  	_ =	swait.ge [sflag:s13], $0x4000  }
0x25: {  	[sflag:s13] =	ssyncset.done $0x0  }
0x26: {  	[sflag:s13] =	ssyncadd.s32 $0xFFFFC000  }
0x27: {  	[spmem:s6] =	stream.linear.scatter [tilespmem:s12], [sflag:$0x3], $0x4000, $0x38;
	[tilespmem:$0x1A400] =	vst v63  }
0x28: {  	_ =	swait.ge [sflag:s13], $0x4000  }
0x29: {  	[sflag:s13] =	ssyncset.done $0x0  }
0x2a: {  	[sflag:s13] =	ssyncadd.s32 $0xFFFFC000  }
0x2b: {  	[spmem:s7] =	stream.linear.scatter [tilespmem:s12], [sflag:$0x3], $0x4000, $0x38;
	[tilespmem:$0x1A400] =	vst v63  }
0x2c: {  	_ =	swait.ge [sflag:s13], $0x4000  }
0x2d: {  	[sflag:s13] =	ssyncset.done $0x0  }
0x2e: {  	[sflag:s13] =	ssyncadd.s32 $0xFFFFC000  }
0x2f: {  	[spmem:s8] =	stream.linear.scatter [tilespmem:s12], [sflag:$0x3], $0x3C00, $0x38;
	[tilespmem:$0x1A400] =	vst v63  }
0x30: {  	_ =	swait.ge [sflag:s13], $0x3C00  }
0x31: {  	[sflag:s13] =	ssyncset.done $0x0  }
0x32: {  	s19 =	simm.s32 $0x0;
	s20 =	simm.s32 $0x200;
	[sflag:s13] =	ssyncadd.s32 $0xFFFFC400  }
.LBB2_4:
0x33: {  	p0 =	sne.s32 s20, $0xFE00;
	[tilespmem:s19+$0x2870] =	vst v1  }
0x34: {  	[tilespmem:s19+$0x2800] =	vst v1  }
0x35: {  	[tilespmem:s19+$0x2810] =	vst v1  }
.Ltmp1:
0x36: {  	[tilespmem:s19+$0x2820] =	vst v1;
	(pc) =	sbr.rel @p0 .LBB2_4-.Ltmp1, $4  }
0x37: {  	[tilespmem:s19+$0x2830] =	vst v1  }
0x38: {  	[tilespmem:s19+$0x2840] =	vst v1  }
0x39: {  	[tilespmem:s19+$0x2850] =	vst v1  }
0x3a: {  	[tilespmem:s19+$0x2860] =	vst v1;
	s19 =	sshra.s32 s20, $0x2;
	s20 =	sadd.s32 $0x200, s20  }
0x3b: {  	[tilespmem:s19+$0x2870] =	vst v1  }
0x3c: {  	[tilespmem:s19+$0x2800] =	vst v1  }
0x3d: {  	[tilespmem:s19+$0x2810] =	vst v1  }
0x3e: {  	[tilespmem:s19+$0x2820] =	vst v1  }
0x3f: {  	[tilespmem:s19+$0x2830] =	vst v1  }
0x40: {  	[tilespmem:s19+$0x2840] =	vst v1  }
0x41: {  	[tilespmem:s19+$0x2850] =	vst v1  }
0x42: {  	[tilespmem:s19+$0x2860] =	vst v1;
	s29 =	simm.s32 $0x0  }
0x43: {  	[tilespmem:s29], [sflag:$0x3] =	stream.linear.gather [hbm4b:s9+s29], $0x2800, $0x38;
	[tilespmem:$0x1A400] =	vst v63  }
0x44: {  	_ =	swait.ge [sflag:s13], $0x2800  }
0x45: {  	[sflag:s13] =	ssyncset.done $0x0  }
0x46: {  	[sflag:s13] =	ssyncadd.s32 $0xFFFFD800  }
0x47: {  	s30 =	simm.s32 $0x0;
	[bflag:$0x0] =	sbarrier.arrive $0xFFFF  }
0x48: {  	[spmem:s2] =	stream.indirect.scatter.add.f32 [tilespmem:s12], [sflag:$0x1], $0x80, s30, s14, $0xb8;
	[tilespmem:$0x1A400] =	vst v63  }
0x49: {  	s31 =	simm.s32 $0x80  }
0x4a: {  	[spmem:s2] =	stream.indirect.scatter.add.f32 [tilespmem:s12], [sflag:$0x2], $0x80, s31, s14, $0xb8;
	[tilespmem:$0x1A400] =	vst v63  }
0x4b: {  	_ =	swait.ge [sflag:s15], $0x4000  }
0x4c: {  	[sflag:s15] =	ssyncset.done $0x0  }
0x4d: {  	[sflag:s15] =	ssyncadd.s32 $0xFFFFC000  }
0x4e: {  	_ =	swait.ge [sflag:s16], $0x4000  }
0x4f: {  	s19 =	simm.s32 $0x400;
	s20 =	simm.s32 $0x800;
	[sflag:s16] =	ssyncset.done $0x0  }
.LBB2_6:
0x50: {  	s21 =	sshra.s32 s19, $0x2  }
0x51: {  	[sflag:s16] =	ssyncadd.s32 $0xFFFFC000;
	s19 =	smov.u32 s20;
	s22 =	sadd.s32 $0x400, s20  }
0x52: {  	[spmem:s2] =	stream.indirect.scatter.add.f32 [tilespmem:s12], [sflag:$0x1], $0x80, s21, s14, $0xb8;
	[tilespmem:$0x1A400] =	vst v63  }
0x53: {  	p0 =	sne.s32 s20, $0x9C00;
	s20 =	sadd.s32 $0x80, s21  }
0x54: {  	[spmem:s2] =	stream.indirect.scatter.add.f32 [tilespmem:s12], [sflag:$0x2], $0x80, s20, s14, $0xb8;
	[tilespmem:$0x1A400] =	vst v63  }
.Ltmp2:
0x55: {  	_ =	swait.ge [sflag:s15], $0x4000;
	(pc) =	sbr.rel @p0 .LBB2_6-.Ltmp2, $4  }
0x56: {  	[sflag:s15] =	ssyncset.done $0x0  }
0x57: {  	[sflag:s15] =	ssyncadd.s32 $0xFFFFC000  }
0x58: {  	_ =	swait.ge [sflag:s16], $0x4000  }
0x59: {  	s20 =	smov.u32 s22;
	[sflag:s16] =	ssyncset.done $0x0  }
0x5a: {  	s19 =	sshra.s32 s19, $0x2;
	[sflag:s16] =	ssyncadd.s32 $0xFFFFC000  }
0x5b: {  	[spmem:s2] =	stream.indirect.scatter.add.f32 [tilespmem:s12], [sflag:$0x1], $0x80, s19, s14, $0xb8;
	[tilespmem:$0x1A400] =	vst v63  }
0x5c: {  	s19 =	sadd.s32 $0x80, s19  }
0x5d: {  	[spmem:s2] =	stream.indirect.scatter.add.f32 [tilespmem:s12], [sflag:$0x2], $0x80, s19, s14, $0xb8;
	[tilespmem:$0x1A400] =	vst v63  }
0x5e: {  	_ =	swait.ge [sflag:s15], $0x4000  }
0x5f: {  	[sflag:s15] =	ssyncset.done $0x0  }
0x60: {  	[sflag:s15] =	ssyncadd.s32 $0xFFFFC000  }
0x61: {  	_ =	swait.ge [sflag:s16], $0x4000  }
0x62: {  	s3 =	sadd.s32 $0x1, s3;
	[sflag:s16] =	ssyncset.done $0x0  }
0x63: {  	p0 =	sne.s32 s3, s11;
	[sflag:s16] =	ssyncadd.s32 $0xFFFFC000  }
.Ltmp3:
0x64: {  	[bflag:$0x0] =	sbarrier.arrive $0xFFFF;
	(pc) =	sbr.rel @p0 .LBB2_1-.Ltmp3, $4  }
0x65: {  	[hbm:s10], [sflag:s17] =	dma.local [spmem:s18], $0x2780  }
0x66: {  	_ =	swait.ge [sflag:s13], $0x2780  }
0x67: {  	[sflag:s13] =	ssyncset.done $0x0  }
0x68: {  	[sflag:s13] =	ssyncadd.s32 $0xFFFFD880  }
0x69: {  	_ =	sfence.sel $0x180000  }
0x6a: {  	[bflag:$0x0] =	sbarrier.arrive $0xFFFF  }
0x6b: {  	p0 =	sne.s32 s0, $0x0;
	_ =	strace $0x90000047  }
0x6c: {  	s0 =	sadd.s32 @!p0 $0x100000, s1;
	[bflag:$0x2] =	sbarrier.arrive $0xFFFF  }
0x6d: {  	[sflag:s0] =	ssyncadd.tile.s32 @!p0 $0x1;
	_ =	shalt  }
.Lfunc_end2:
_tile_overlayer_lowered:
.L_overlay_start_2:
0x6e: {  	(tag) =	ssettag $0x2  }
0x6f: {  	s0 =	rddreg [dreg:$0x0];
	s2 =	stileid.u32  }
0x70: {  	s1 =	rddreg [dreg:$0x1];
	p0 =	sne.s32 s2, $0x0  }
0x71: {  	s3 =	rddreg [dreg:$0x2];
	[bflag:$0x3] =	sbarrier.arrive $0xFFFF;
	s2 =	simm.s32 @!p0 $0x1C03  }
0x72: {  	[timem:s3], [sflag:s2] =	dma.local @!p0 [hbm:s0], s1  }
0x73: {  	s0 =	simm.s32 @!p0 $0x3  }
0x74: {  	_ =	swait.ge @!p0 [sflag:s0], s1  }
0x75: {  	s1 =	ssub.s32 @!p0 $0x0, s1;
	[sflag:s0] =	ssyncset.done @!p0 $0x0  }
0x76: {  	[sflag:s0] =	ssyncadd.s32 @!p0 s1  }
0x77: {  	[bflag:$0x3] =	sbarrier.arrive $0xFFFF  }
0x78: {  	_ =	shalt  }

// kernel: kernel.13.cloned.1.call-start
scs
__scs_entry_jumppad:
0x0: {  	(pc) =	sbr.rel $0x88, $3  }
0x1: {  	(tag) =	ssettag $0x0;
	lr =	simm.s32 $0x1  }
0x2: {  	[smem:$0x3F96] =	sst lr;
	_ =	strace $0xD0000000  }
0x3: {  	_ = 	snop  }
0x4: {  	_ = 	snop  }
0x5: {  	_ = 	snop  }
0x6: {  	_ = 	snop  }
0x7: {  	_ = 	snop  }
__scs_overlays_trampoline_lowered:
0x8: {  	[smem:$0x3FA5] =	sst s0  }
0x9: {  	[smem:$0x3FA6] =	sst s1  }
0xa: {  	[smem:$0x3FA7] =	sst s2  }
0xb: {  	[smem:$0x3FA8] =	sst s3  }
0xc: {  	[smem:$0x3FA9] =	sst s4  }
0xd: {  	[smem:$0x3FAA] =	sst s5  }
0xe: {  	[smem:$0x3FAB] =	sst s6  }
0xf: {  	[smem:$0x3FAC] =	sst s7  }
0x10: {  	[smem:$0x3FAD] =	sst s8  }
0x11: {  	[smem:$0x3FAE] =	sst s9;
	s0 =	simm.s32 @!p0 $0x0  }
0x12: {  	s1 =	sld [smem:$0x3F94];
	s0 =	simm.s32 @p0 $0x1  }
0x13: {  	[smem:$0x3FAF] =	sst s0;
	s0 =	simm.s32 @!p1 $0x0  }
0x14: {  	s2 =	sld [smem:$0x3F93];
	s0 =	simm.s32 @p1 $0x1  }
0x15: {  	[smem:$0x3FB0] =	sst s0;
	s0 =	simm.s32 @!p2 $0x0  }
0x16: {  	s3 =	sld [smem:$0x3FDB];
	s0 =	simm.s32 @p2 $0x1  }
0x17: {  	s4 =	simm.s32 $0x1BF5;
	[smem:$0x3FB2] =	sst s0  }
0x18: {  	s0 =	sld [smem:$0x3F95];
	_ =	swait.ge [sflag:s4], $0x0  }
0x19: {  	s7 =	sld [smem:$0x3F96]  }
0x1a: {  	s8 =	sadd.s32 $0xFFFFE003, lr  }
0x1b: {  	s9 =	sadd.s32 $0xFFFFFEF7, lr;
	s5 =	simm.s32 $0xFFFFFFFF;
	p2 =	slt.u32 s8, $0xFFFFF086  }
0x1c: {  	p1 =	slt.u32 s9, $0xF7A;
	s5 =	simm.s32 @!p2 $0x0  }
0x1d: {  	s5 =	simm.s32 @p1 $0x1;
	p0 =	seq.s32 s7, s2  }
0x1e: {  	s7 =	smul.u32 @!p0 $0xF7A, s2;
	p2 =	seq.s32 @!p0 s5, $0x0  }
0x1f: {  	s9 =	smul.u32 $0xF7A, s1;
	s8 =	simm.s32 @!p0 $0x1BF5;
	p2 =	por !p2, p0  }
0x20: {  	[sflag:s8] =	ssyncset.s32 @!p0 $0xFFFFF086;
	s6 =	sadd.s32 @!p0 s3, s7;
	s7 =	simm.s32 @!p0 $0x108  }
0x21: {  	s3 =	sadd.s32 s3, s9;
	s6 =	sadd.s32 @!p0 $0x88, s6;
	s7 =	simm.s32 @p2 $0x1082  }
0x22: {  	[simem:s7], [sflag:s8] =	dma.local @!p0 [hbm:s6], $0xF7A  }
0x23: {  	s9 =	sor.u32 $0xD0000000, s2;
	s6 =	simm.s32 $0x108;
	_ =	swait.ge @!p0 [sflag:s8], $0x0  }
0x24: {  	s3 =	sadd.s32 $0x88, s3;
	s6 =	simm.s32 @!p1 $0x1082;
	[sflag:s4] =	ssyncset.s32 $0xFFFFF086  }
0x25: {  	[simem:s6], [sflag:s4] =	dma.local [hbm:s3], $0xF7A  }
0x26: {  	[smem:$0x3F96] =	sst s1;
	(tag) =	ssettag s2;
	_ =	strace s9  }
0x27: {  	s1 =	sld [smem:$0x3FA6]  }
0x28: {  	s2 =	sld [smem:$0x3FA7]  }
0x29: {  	s4 =	sld [smem:$0x3FA9]  }
0x2a: {  	p0 =	seq.s32 s5, $0x0;
	s5 =	sld [smem:$0x3FAA]  }
0x2b: {  	s6 =	sld [smem:$0x3FAB]  }
0x2c: {  	s7 =	sld [smem:$0x3FAC]  }
0x2d: {  	s3 =	simm.s32 $0x108;
	s8 =	sld [smem:$0x3FAD]  }
0x2e: {  	s3 =	simm.s32 @!p0 $0x1082;
	s9 =	sld [smem:$0x3FAE]  }
0x2f: {  	lr =	sadd.s32 s0, s3;
	s0 =	sld [smem:$0x3FA5]  }
0x30: {  	s3 =	sld [smem:$0x3FA8]  }
0x31: {  	[smem:$0x3FB1] =	sst s10  }
0x32: {  	s10 =	sld [smem:$0x3FAF];
	_ =	sdelay $0x3  }
0x33: {  	p0 =	seq.s32 s10, $0x1;
	s10 =	sld [smem:$0x3FB1];
	_ =	sdelay $0x3  }
0x34: {  	[smem:$0x3FB1] =	sst s10  }
0x35: {  	s10 =	sld [smem:$0x3FB0];
	_ =	sdelay $0x3  }
0x36: {  	p1 =	seq.s32 s10, $0x1;
	s10 =	sld [smem:$0x3FB1];
	_ =	sdelay $0x3  }
0x37: {  	[smem:$0x3FB1] =	sst s10  }
0x38: {  	s10 =	sld [smem:$0x3FB2]  }
0x39: {  	_ = 	snop;
	(pc) =	sbr.ind lr, $3  }
0x3a: {  	_ = 	snop  }
0x3b: {  	_ = 	snop  }
0x3c: {  	p2 =	seq.s32 s10, $0x1;
	s10 =	sld [smem:$0x3FB1]  }
0x3d: {  	_ =	shalt  }
0x3e: {  	_ =	shalt  }
0x3f: {  	_ =	shalt  }
0x40: {  	_ =	shalt  }
0x41: {  	_ =	shalt  }
0x42: {  	_ =	shalt  }
0x43: {  	_ =	shalt  }
0x44: {  	_ =	shalt  }
0x45: {  	_ =	shalt  }
0x46: {  	_ =	shalt  }
0x47: {  	_ =	shalt  }
0x48: {  	_ =	shalt  }
0x49: {  	_ =	shalt  }
0x4a: {  	_ =	shalt  }
0x4b: {  	_ =	shalt  }
0x4c: {  	_ =	shalt  }
0x4d: {  	_ =	shalt  }
0x4e: {  	_ =	shalt  }
0x4f: {  	_ =	shalt  }
0x50: {  	_ =	shalt  }
0x51: {  	_ =	shalt  }
0x52: {  	_ =	shalt  }
0x53: {  	_ =	shalt  }
0x54: {  	_ =	shalt  }
0x55: {  	_ =	shalt  }
0x56: {  	_ =	shalt  }
0x57: {  	_ =	shalt  }
0x58: {  	_ =	shalt  }
0x59: {  	_ =	shalt  }
0x5a: {  	_ =	shalt  }
0x5b: {  	_ =	shalt  }
0x5c: {  	_ =	shalt  }
0x5d: {  	_ =	shalt  }
0x5e: {  	_ =	shalt  }
0x5f: {  	_ =	shalt  }
0x60: {  	_ =	shalt  }
0x61: {  	_ =	shalt  }
0x62: {  	_ =	shalt  }
0x63: {  	_ =	shalt  }
0x64: {  	_ =	shalt  }
0x65: {  	_ =	shalt  }
0x66: {  	_ =	shalt  }
0x67: {  	_ =	shalt  }
0x68: {  	_ =	shalt  }
0x69: {  	_ =	shalt  }
0x6a: {  	_ =	shalt  }
0x6b: {  	_ =	shalt  }
0x6c: {  	_ =	shalt  }
0x6d: {  	_ =	shalt  }
0x6e: {  	_ =	shalt  }
0x6f: {  	_ =	shalt  }
0x70: {  	_ =	shalt  }
0x71: {  	_ =	shalt  }
0x72: {  	_ =	shalt  }
0x73: {  	_ =	shalt  }
0x74: {  	_ =	shalt  }
0x75: {  	_ =	shalt  }
0x76: {  	_ =	shalt  }
0x77: {  	_ =	shalt  }
0x78: {  	_ =	shalt  }
0x79: {  	_ =	shalt  }
0x7a: {  	_ =	shalt  }
0x7b: {  	_ =	shalt  }
0x7c: {  	_ =	shalt  }
0x7d: {  	_ =	shalt  }
0x7e: {  	_ =	shalt  }
0x7f: {  	_ =	shalt  }
0x80: {  	_ =	shalt  }
0x81: {  	_ =	shalt  }
0x82: {  	_ =	shalt  }
0x83: {  	_ =	shalt  }
0x84: {  	_ =	shalt  }
0x85: {  	_ =	shalt  }
0x86: {  	_ =	shalt  }
0x87: {  	_ =	shalt  }
.Lfunc_end0:
.L_simem_size_0:
called_computation.1_lowered:
.L_overlay_start_0:
0x88: {  	s2 =	sld [smem:$0x3FD9]  }
0x89: {  	s3 =	sld [smem:$0x3FFE];
	_ =	sdelay $0x1  }
0x8a: {  	s1 =	srdreg.scid  }
0x8b: {  	s0 =	sand.u32 $0x1, s1  }
0x8c: {  	s16 =	sshll.u32 s0, $0xA;
	s2 =	sadd.s32 s3, s2  }
0x8d: {  	s2 =	sadd.s32 s2, s16  }
0x8e: {  	[smem:$0x3FBD] =	sst s2  }
0x8f: {  	_ = 	snop  }
0x90: {  	(tm) =	ssettm $0x1  }
0x91: {  	s17 =	sld [smem:$0x3FFB];
	_ =	sdelay $0x3  }
0x92: {  	_ =	strace s17  }
0x93: {  	s2 =	sld [smem:$0x3FFC];
	_ =	sdelay $0x3  }
0x94: {  	_ =	strace s2  }
0x95: {  	s2 =	sld [smem:$0x3FFD];
	_ =	sdelay $0x3  }
0x96: {  	_ =	strace s2  }
0x97: {  	_ =	strace $0x8FFFFFFF  }
0x98: {  	s18 =	sld [smem:$0x3FDB];
	_ =	sdelay $0x1  }
0x99: {  	s19 =	simm.s32 $_scs_section_size  }
0x9a: {  	s4 =	simm.s32 $_size__tile_overlayer_lowered;
	s5 =	simm.s32 $_tile_overlayer_lowered  }
0x9b: {  	s22 =	simm.s32 $0x1BFF;
	s21 =	sshll.u32 s5, $0x1;
	s2 =	sadd.s32 s19, s18  }
0x9c: {  	s6 =	simm.s32 $0x0;
	s20 =	sshll.u32 s4, $0x1;
	s4 =	sadd.s32 s21, s2  }
0x9d: {  	[timem:s6], [sflag:s22] =	dma.local [hbm:s4], s20  }
0x9e: {  	_ =	swait.ge [sflag:s22], s20  }
0x9f: {  	s3 =	ssub.s32 $0x0, s20;
	[sflag:s22] =	ssyncset.done $0x0  }
0xa0: {  	[sflag:s22] =	ssyncadd.s32 s3;
	_ =	sdelay $0x1  }
0xa1: {  	s23 =	simm.s32 $0x1B8B  }
0xa2: {  	_ =	swait.ge [sflag:s23], $0x1  }
0xa3: {  	[sflag:s23] =	ssyncset.done $0x0  }
0xa4: {  	s25 =	simm.s32 $0x1B8E;
	s24 =	sld [smem:$0x3FFE];
	[sflag:s23] =	ssyncadd.s32 $0xFFFFFFFF  }
0xa5: {  	s26 =	simm.s32 $execute0_lowered;
	[smem:$0x3FD2] =	sst s25  }
0xa6: {  	s4 =	sshll.u32 s26, $0x1;
	_ =	strace $0x80000049;
	[dreg:$0x1] =	wrdreg $0xFFFFFFFF  }
0xa7: {  	s28 =	simm.s32 $_size_execute0_lowered;
	s2 =	sadd.s32 s2, s4;
	[dreg:$0x0] =	wrdreg $0x0  }
0xa8: {  	s4 =	sshll.u32 s28, $0x1;
	[dreg:$0x2] =	wrdreg s2  }
0xa9: {  	[dreg:$0x3] =	wrdreg s4  }
0xaa: {  	[dreg:$0x4] =	wrdreg $0xC0  }
0xab: {  	_ =	task [dreg:s6], $0x5FFFF  }
0xac: {  	[dreg:$0x1] =	wrdreg $0xFFFFFFFF  }
0xad: {  	[dreg:$0x0] =	wrdreg $0x60  }
0xae: {  	[dreg:$0x2] =	wrdreg s24  }
0xaf: {  	[dreg:$0x3] =	wrdreg $0xBC000  }
0xb0: {  	[dreg:$0x4] =	wrdreg $0x9  }
0xb1: {  	_ =	task.clear_ibuf [dreg:s6], $0x5FFFF;
	_ =	strace $0x90000049  }
0xb2: {  	s29 =	simm.s32 $0x9;
	_ =	strace $0x8000004B  }
0xb3: {  	_ =	swait.ge [sflag:s29], $0x1  }
0xb4: {  	[sflag:s29] =	ssyncadd.s32 $0xFFFFFFFF  }
0xb5: {  	_ =	strace $0x9000004B  }
0xb6: {  	_ =	sfence  }
0xb7: {  	s30 =	sld [smem:$0x0];
	_ =	sdelay $0x2  }
0xb8: {  	s31 =	sshll.u32 s1, $0xD;
	s1 =	sshrl.u32 s1, $0x2  }
0xb9: {  	s3 =	sand.u32 $0x4000, s31;
	s1 =	sadd.s32 s1, s30  }
0xba: {  	s0 =	sor.u32 s3, s0;
	s1 =	sshll.u32 s1, $0x11  }
0xbb: {  	s0 =	sor.u32 s1, s0  }
0xbc: {  	s0 =	sadd.s32 $0x8F2B, s0  }
0xbd: {  	[sflag:s0] =	ssyncadd.remote.s32 $0x1  }
0xbe: {  	_ =	sfence.sel $0xFFFF  }
0xbf: {  	[dreg:$0x0] =	wrdreg $0xFFFFFFFF;
	(pc) =	sbr.abs _section_cstart, $3  }
0xc0: {  	[dreg:$0x1] =	wrdreg $0xFFFFFFFF  }
0xc1: {  	_ =	task.clear_ibuf [dreg:s6], $0x2FFFF;
	_ =	strace $0x9FFFFFFF  }
0xc2: {  	(tm) =	ssettm $0x7FFFFFFF  }
0xc3: {  	_ =	shalt  }
tec
execute0_lowered:
.L_overlay_start_1:
0x0: {  	(tag) =	ssettag $0x1  }
0x1: {  	s0 =	srdreg.scid;
	s5 =	rddreg [dreg:$0x0]  }
0x2: {  	s9 =	stileid.u32;
	s2 =	rddreg [dreg:$0x1];
	s3 =	simm.s32 $0x0  }
0x3: {  	s28 =	simm.s32 $0x7C00;
	s0 =	sand.u32 $0x1, s0;
	s6 =	smul.u32 $0x2780, s9  }
0x4: {  	s29 =	simm.s32 $0x1;
	s1 =	sshll.u32 s0, $0x4;
	s7 =	smul.u32 $0x27800, s0  }
0x5: {  	s30 =	simm.s32 $0x9C00;
	s1 =	sor.u32 s9, s1;
	s9 =	smul.u32 $0x4F000, s9  }
0x6: {  	s31 =	simm.s32 $0x2;
	s10 =	simm.s32 $0x3B80;
	s4 =	smul.u32 $0x2800, s1  }
0x7: {  	[smem:$0x7FF] =	sst s3;
	s1 =	smul.u32 $0x5000, s1;
	s6 =	sadd.s32 s6, s7  }
0x8: {  	s0 =	ssub.s32 $0x2, s0;
	s17 =	sshrl.u32 s9, $0x2;
	s6 =	sadd.s32 s6, s5  }
0x9: {  	s8 =	sshrl.u32 s4, $0x3;
	s1 =	sshrl.u32 s1, $0x3;
	s4 =	sadd.s32 $0x7C000, s5  }
0xa: {  	s8 =	sadd.s32 s8, s5;
	s1 =	sadd.s32 s1, s5;
	s5 =	sadd.s32 s17, s2  }
0xb: {  	_ =	strace $0x8000004A;
	s18 =	sshrl.u32 s0, $0x1;
	s7 =	sadd.s32 $0x2000, s5  }
0xc: {  	s0 =	ssub.s32 s0, s18;
	s19 =	sadd.s32 $0x4000, s5;
	[dreg:$0x3] =	wrdreg s7  }
0xd: {  	s9 =	simm.s32 $0x3B00;
	s20 =	sadd.s32 $0x6000, s5;
	[dreg:$0x4] =	wrdreg s19  }
0xe: {  	s21 =	sadd.s32 $0x8000, s5;
	s22 =	sadd.s32 $0xA000, s5;
	[dreg:$0x5] =	wrdreg s20  }
0xf: {  	s23 =	sadd.s32 $0xC000, s5;
	s24 =	sadd.s32 $0xE000, s5;
	[dreg:$0x6] =	wrdreg s21  }
0x10: {  	s25 =	sadd.s32 $0x10000, s5;
	s26 =	sadd.s32 $0x12000, s5;
	[dreg:$0x7] =	wrdreg s22  }
0x11: {  	s15 =	sadd.s32 $0xF000, s8;
	s16 =	sadd.s32 $0x68000, s1;
	[dreg:$0x8] =	wrdreg s23  }
0x12: {  	s17 =	sadd.s32 $0xF280, s8;
	s18 =	sadd.s32 $0x68500, s1;
	[dreg:$0x9] =	wrdreg s24  }
0x13: {  	s1 =	simm.s32 $0x3;
	s8 =	simm.s32 $0x3A80;
	[dreg:$0xa] =	wrdreg s25  }
0x14: {  	[dreg:$0xb] =	wrdreg s26;
	s19 =	sadd.s32 $0xA3200, s6;
	s20 =	smax.u32 s0, $0x1  }
0x15: {  	s21 =	simm.s32 $0x3C00;
	s22 =	simm.s32 $0x5;
	s23 =	simm.s32 $0x1400  }
0x16: {  	s24 =	simm.s32 $0x40;
	s25 =	simm.s32 $0x5C00;
	s26 =	simm.s32 $0x80  }
0x17: {  	v0 =	vimm.f32 $0.0e+00;
	s0 =	simm.s32 $0x4;
	s6 =	simm.s32 $0x13C0;
	s7 =	simm.s32 $0x3A00  }
.LBB2_1:
0x18: {  	s11 =	simm.s32 $0x0;
	s12 =	simm.s32 $0x200  }
.LBB2_2:
0x19: {  	p0 =	sne.s32 s12, $0x7E00;
	[tilespmem:s11+$0x3C70] =	vst v0  }
0x1a: {  	[tilespmem:s11+$0x3C00] =	vst v0  }
0x1b: {  	[tilespmem:s11+$0x3C10] =	vst v0  }
.Ltmp0:
0x1c: {  	[tilespmem:s11+$0x3C20] =	vst v0;
	(pc) =	sbr.rel @p0 .LBB2_2-.Ltmp0, $4  }
0x1d: {  	[tilespmem:s11+$0x3C30] =	vst v0  }
0x1e: {  	[tilespmem:s11+$0x3C40] =	vst v0  }
0x1f: {  	[tilespmem:s11+$0x3C50] =	vst v0  }
0x20: {  	[tilespmem:s11+$0x3C60] =	vst v0;
	s11 =	sshra.s32 s12, $0x2;
	s12 =	sadd.s32 $0x200, s12  }
0x21: {  	[tilespmem:s11+$0x3C70] =	vst v0  }
0x22: {  	[tilespmem:s11+$0x3C00] =	vst v0  }
0x23: {  	[tilespmem:s11+$0x3C10] =	vst v0  }
0x24: {  	[tilespmem:s11+$0x3C20] =	vst v0  }
0x25: {  	[tilespmem:s11+$0x3C30] =	vst v0  }
0x26: {  	[tilespmem:s11+$0x3C40] =	vst v0  }
0x27: {  	[tilespmem:s11+$0x3C50] =	vst v0  }
0x28: {  	[tilespmem:s11+$0x3C60] =	vst v0  }
0x29: {  	[spmem:s5] =	stream.linear.scatter [tilespmem:s21], [sflag:$0x5], $0x2000, $0x38;
	[tilespmem:$0x1F800] =	vst v63  }
0x2a: {  	_ =	swait.ge [sflag:s22], $0x2000  }
0x2b: {  	[sflag:s22] =	ssyncset.done $0x0  }
0x2c: {  	s14 =	rddreg [dreg:$0x3];
	[sflag:s22] =	ssyncadd.s32 $0xFFFFE000  }
0x2d: {  	[spmem:s14] =	stream.linear.scatter [tilespmem:s21], [sflag:$0x5], $0x2000, $0x38;
	[tilespmem:$0x1F800] =	vst v63  }
0x2e: {  	_ =	swait.ge [sflag:s22], $0x2000  }
0x2f: {  	[sflag:s22] =	ssyncset.done $0x0  }
0x30: {  	s12 =	rddreg [dreg:$0x4];
	[sflag:s22] =	ssyncadd.s32 $0xFFFFE000  }
0x31: {  	[spmem:s12] =	stream.linear.scatter [tilespmem:s21], [sflag:$0x5], $0x2000, $0x38;
	[tilespmem:$0x1F800] =	vst v63  }
0x32: {  	_ =	swait.ge [sflag:s22], $0x2000  }
0x33: {  	[sflag:s22] =	ssyncset.done $0x0  }
0x34: {  	s13 =	rddreg [dreg:$0x5];
	[sflag:s22] =	ssyncadd.s32 $0xFFFFE000  }
0x35: {  	[spmem:s13] =	stream.linear.scatter [tilespmem:s21], [sflag:$0x5], $0x2000, $0x38;
	[tilespmem:$0x1F800] =	vst v63  }
0x36: {  	_ =	swait.ge [sflag:s22], $0x2000  }
0x37: {  	[sflag:s22] =	ssyncset.done $0x0  }
0x38: {  	s14 =	rddreg [dreg:$0x6];
	[sflag:s22] =	ssyncadd.s32 $0xFFFFE000  }
0x39: {  	[spmem:s14] =	stream.linear.scatter [tilespmem:s21], [sflag:$0x5], $0x2000, $0x38;
	[tilespmem:$0x1F800] =	vst v63  }
0x3a: {  	_ =	swait.ge [sflag:s22], $0x2000  }
0x3b: {  	[sflag:s22] =	ssyncset.done $0x0  }
0x3c: {  	s12 =	rddreg [dreg:$0x7];
	[sflag:s22] =	ssyncadd.s32 $0xFFFFE000  }
0x3d: {  	[spmem:s12] =	stream.linear.scatter [tilespmem:s21], [sflag:$0x5], $0x2000, $0x38;
	[tilespmem:$0x1F800] =	vst v63  }
0x3e: {  	_ =	swait.ge [sflag:s22], $0x2000  }
0x3f: {  	[sflag:s22] =	ssyncset.done $0x0  }
0x40: {  	s13 =	rddreg [dreg:$0x8];
	[sflag:s22] =	ssyncadd.s32 $0xFFFFE000  }
0x41: {  	[spmem:s13] =	stream.linear.scatter [tilespmem:s21], [sflag:$0x5], $0x2000, $0x38;
	[tilespmem:$0x1F800] =	vst v63  }
0x42: {  	_ =	swait.ge [sflag:s22], $0x2000  }
0x43: {  	[sflag:s22] =	ssyncset.done $0x0  }
0x44: {  	s14 =	rddreg [dreg:$0x9];
	[sflag:s22] =	ssyncadd.s32 $0xFFFFE000  }
0x45: {  	[spmem:s14] =	stream.linear.scatter [tilespmem:s21], [sflag:$0x5], $0x2000, $0x38;
	[tilespmem:$0x1F800] =	vst v63  }
0x46: {  	_ =	swait.ge [sflag:s22], $0x2000  }
0x47: {  	[sflag:s22] =	ssyncset.done $0x0  }
0x48: {  	s12 =	rddreg [dreg:$0xa];
	[sflag:s22] =	ssyncadd.s32 $0xFFFFE000  }
0x49: {  	[spmem:s12] =	stream.linear.scatter [tilespmem:s21], [sflag:$0x5], $0x2000, $0x38;
	[tilespmem:$0x1F800] =	vst v63  }
0x4a: {  	_ =	swait.ge [sflag:s22], $0x2000  }
0x4b: {  	[sflag:s22] =	ssyncset.done $0x0  }
0x4c: {  	s13 =	rddreg [dreg:$0xb];
	[sflag:s22] =	ssyncadd.s32 $0xFFFFE000  }
0x4d: {  	[spmem:s13] =	stream.linear.scatter [tilespmem:s21], [sflag:$0x5], $0x1C00, $0x38;
	[tilespmem:$0x1F800] =	vst v63  }
0x4e: {  	_ =	swait.ge [sflag:s22], $0x1C00  }
0x4f: {  	[sflag:s22] =	ssyncset.done $0x0  }
0x50: {  	[sflag:s22] =	ssyncadd.s32 $0xFFFFE400  }
0x51: {  	s14 =	simm.s32 $0x0;
	[bflag:$0x0] =	sbarrier.arrive $0xFFFF  }
0x52: {  	[tilespmem:s14], [sflag:$0x5] =	stream.linear.gather [hbm4b:s15+s14], $0x1400, $0x38;
	[tilespmem:$0x1F800] =	vst v63  }
0x53: {  	_ =	swait.ge [sflag:s22], $0x1400  }
0x54: {  	[sflag:s22] =	ssyncset.done $0x0  }
0x55: {  	[sflag:s22] =	ssyncadd.s32 $0xFFFFEC00  }
0x56: {  	[tilespmem:s23], [sflag:$0x5] =	stream.linear.gather [hbm4b:s16+s14], $0x2800, $0x38;
	[tilespmem:$0x1F800] =	vst v63  }
0x57: {  	_ =	swait.ge [sflag:s22], $0x2800  }
0x58: {  	[sflag:s22] =	ssyncset.done $0x0  }
0x59: {  	[sflag:s22] =	ssyncadd.s32 $0xFFFFD800  }
0x5a: {  	[tilespmem:s21], [sflag:$0x1] =	stream.indirect.gather [hbm4b:s4+s24], $0x80, s14, s24, $0xb8;
	[tilespmem:$0x1F800] =	vst v63  }
0x5b: {  	_ = 	snop  }
0x5c: {  	[tilespmem:s25], [sflag:$0x2] =	stream.indirect.gather [hbm4b:s4+s24], $0x80, s24, s24, $0xb8;
	[tilespmem:$0x1F800] =	vst v63  }
0x5d: {  	_ = 	snop  }
0x5e: {  	[tilespmem:s28], [sflag:$0x3] =	stream.indirect.gather [hbm4b:s4+s24], $0x80, s26, s24, $0xb8;
	[tilespmem:$0x1F800] =	vst v63  }
0x5f: {  	_ =	swait.ge [sflag:s29], $0x2000  }
0x60: {  	[sflag:s29] =	ssyncset.done $0x0  }
0x61: {  	s12 =	simm.s32 $0xC0;
	[sflag:s29] =	ssyncadd.s32 $0xFFFFE000  }
0x62: {  	[tilespmem:s30], [sflag:$0x4] =	stream.indirect.gather [hbm4b:s4+s24], $0x80, s12, s24, $0xb8;
	[tilespmem:$0x1F800] =	vst v63  }
0x63: {  	s13 =	simm.s32 $0x1400  }
0x64: {  	[spmem:s2] =	stream.indirect.scatter.add.f32 [tilespmem:s21], [sflag:$0x5], $0x80, s13, s24, $0xb8;
	[tilespmem:$0x1F800] =	vst v63  }
0x65: {  	_ =	swait.ge [sflag:s22], $0x2000  }
0x66: {  	[sflag:s22] =	ssyncset.done $0x0  }
0x67: {  	[sflag:s22] =	ssyncadd.s32 $0xFFFFE000  }
0x68: {  	_ =	swait.ge [sflag:s31], $0x2000  }
0x69: {  	[sflag:s31] =	ssyncset.done $0x0  }
0x6a: {  	s14 =	simm.s32 $0x100;
	[sflag:s31] =	ssyncadd.s32 $0xFFFFE000  }
0x6b: {  	[tilespmem:s21], [sflag:$0x1] =	stream.indirect.gather [hbm4b:s4+s24], $0x80, s14, s24, $0xb8;
	[tilespmem:$0x1F800] =	vst v63  }
0x6c: {  	s12 =	simm.s32 $0x1480  }
0x6d: {  	[spmem:s2] =	stream.indirect.scatter.add.f32 [tilespmem:s25], [sflag:$0x5], $0x80, s12, s24, $0xb8;
	[tilespmem:$0x1F800] =	vst v63  }
0x6e: {  	_ =	swait.ge [sflag:s22], $0x2000  }
0x6f: {  	[sflag:s22] =	ssyncset.done $0x0  }
0x70: {  	[sflag:s22] =	ssyncadd.s32 $0xFFFFE000  }
0x71: {  	_ =	swait.ge [sflag:s1], $0x2000  }
0x72: {  	[sflag:s1] =	ssyncset.done $0x0  }
0x73: {  	s13 =	simm.s32 $0x140;
	[sflag:s1] =	ssyncadd.s32 $0xFFFFE000  }
0x74: {  	[tilespmem:s25], [sflag:$0x2] =	stream.indirect.gather [hbm4b:s4+s24], $0x80, s13, s24, $0xb8;
	[tilespmem:$0x1F800] =	vst v63  }
0x75: {  	s14 =	simm.s32 $0x1500  }
0x76: {  	[spmem:s2] =	stream.indirect.scatter.add.f32 [tilespmem:s28], [sflag:$0x5], $0x80, s14, s24, $0xb8;
	[tilespmem:$0x1F800] =	vst v63  }
0x77: {  	_ =	swait.ge [sflag:s22], $0x2000  }
0x78: {  	[sflag:s22] =	ssyncset.done $0x0  }
0x79: {  	[sflag:s22] =	ssyncadd.s32 $0xFFFFE000  }
0x7a: {  	_ =	swait.ge [sflag:s0], $0x2000  }
0x7b: {  	[sflag:s0] =	ssyncset.done $0x0  }
0x7c: {  	s11 =	simm.s32 $0x180;
	[sflag:s0] =	ssyncadd.s32 $0xFFFFE000  }
0x7d: {  	[tilespmem:s28], [sflag:$0x3] =	stream.indirect.gather [hbm4b:s4+s24], $0x80, s11, s24, $0xb8;
	[tilespmem:$0x1F800] =	vst v63  }
0x7e: {  	s12 =	simm.s32 $0x1580  }
0x7f: {  	[spmem:s2] =	stream.indirect.scatter.add.f32 [tilespmem:s30], [sflag:$0x5], $0x80, s12, s24, $0xb8;
	[tilespmem:$0x1F800] =	vst v63  }
0x80: {  	_ =	swait.ge [sflag:s22], $0x2000  }
0x81: {  	s12 =	simm.s32 $0x800;
	[sflag:s22] =	ssyncset.done $0x0  }
.LBB2_4:
0x82: {  	p0 =	sne.s32 s12, $0x9000;
	[sflag:s22] =	ssyncadd.s32 $0xFFFFE000;
	s11 =	sadd.s32 $0x100, s11  }
0x83: {  	s13 =	smov.u32 s12;
	s12 =	sadd.s32 $0x800, s12  }
0x84: {  	_ =	swait.ge [sflag:s29], $0x2000  }
0x85: {  	[sflag:s29] =	ssyncset.done $0x0  }
0x86: {  	s14 =	sadd.s32 $0xFFFFFF40, s11;
	s13 =	sshra.s32 s13, $0x2;
	[sflag:s29] =	ssyncadd.s32 $0xFFFFE000  }
0x87: {  	[tilespmem:s30], [sflag:$0x4] =	stream.indirect.gather [hbm4b:s4+s24], $0x80, s14, s24, $0xb8;
	[tilespmem:$0x1F800] =	vst v63  }
0x88: {  	s14 =	sadd.s32 $0x1400, s13  }
0x89: {  	[spmem:s2] =	stream.indirect.scatter.add.f32 [tilespmem:s21], [sflag:$0x5], $0x80, s14, s24, $0xb8;
	[tilespmem:$0x1F800] =	vst v63  }
0x8a: {  	_ =	swait.ge [sflag:s22], $0x2000  }
0x8b: {  	[sflag:s22] =	ssyncset.done $0x0  }
0x8c: {  	[sflag:s22] =	ssyncadd.s32 $0xFFFFE000  }
0x8d: {  	_ =	swait.ge [sflag:s31], $0x2000  }
0x8e: {  	[sflag:s31] =	ssyncset.done $0x0  }
0x8f: {  	s14 =	sadd.s32 $0xFFFFFF80, s11;
	[sflag:s31] =	ssyncadd.s32 $0xFFFFE000  }
0x90: {  	[tilespmem:s21], [sflag:$0x1] =	stream.indirect.gather [hbm4b:s4+s24], $0x80, s14, s24, $0xb8;
	[tilespmem:$0x1F800] =	vst v63  }
0x91: {  	s14 =	sadd.s32 $0x1480, s13  }
0x92: {  	[spmem:s2] =	stream.indirect.scatter.add.f32 [tilespmem:s25], [sflag:$0x5], $0x80, s14, s24, $0xb8;
	[tilespmem:$0x1F800] =	vst v63  }
0x93: {  	_ =	swait.ge [sflag:s22], $0x2000  }
0x94: {  	[sflag:s22] =	ssyncset.done $0x0  }
0x95: {  	[sflag:s22] =	ssyncadd.s32 $0xFFFFE000  }
0x96: {  	_ =	swait.ge [sflag:s1], $0x2000  }
0x97: {  	[sflag:s1] =	ssyncset.done $0x0  }
0x98: {  	s14 =	sadd.s32 $0xFFFFFFC0, s11;
	[sflag:s1] =	ssyncadd.s32 $0xFFFFE000  }
0x99: {  	[tilespmem:s25], [sflag:$0x2] =	stream.indirect.gather [hbm4b:s4+s24], $0x80, s14, s24, $0xb8;
	[tilespmem:$0x1F800] =	vst v63  }
0x9a: {  	s14 =	sadd.s32 $0x1500, s13  }
0x9b: {  	[spmem:s2] =	stream.indirect.scatter.add.f32 [tilespmem:s28], [sflag:$0x5], $0x80, s14, s24, $0xb8;
	[tilespmem:$0x1F800] =	vst v63  }
0x9c: {  	_ =	swait.ge [sflag:s22], $0x2000  }
0x9d: {  	[sflag:s22] =	ssyncset.done $0x0  }
0x9e: {  	[sflag:s22] =	ssyncadd.s32 $0xFFFFE000  }
0x9f: {  	_ =	swait.ge [sflag:s0], $0x2000  }
0xa0: {  	[sflag:s0] =	ssyncset.done $0x0  }
0xa1: {  	[sflag:s0] =	ssyncadd.s32 $0xFFFFE000  }
0xa2: {  	[tilespmem:s28], [sflag:$0x3] =	stream.indirect.gather [hbm4b:s4+s24], $0x80, s11, s24, $0xb8;
	[tilespmem:$0x1F800] =	vst v63  }
.Ltmp1:
0xa3: {  	_ = 	snop;
	(pc) =	sbr.rel @p0 .LBB2_4-.Ltmp1, $4  }
0xa4: {  	s13 =	sadd.s32 $0x1580, s13  }
0xa5: {  	[spmem:s2] =	stream.indirect.scatter.add.f32 [tilespmem:s30], [sflag:$0x5], $0x80, s13, s24, $0xb8;
	[tilespmem:$0x1F800] =	vst v63  }
0xa6: {  	_ =	swait.ge [sflag:s22], $0x2000  }
0xa7: {  	[sflag:s22] =	ssyncset.done $0x0  }
0xa8: {  	[sflag:s22] =	ssyncadd.s32 $0xFFFFE000  }
0xa9: {  	_ =	swait.ge [sflag:s29], $0x2000  }
0xaa: {  	[sflag:s29] =	ssyncset.done $0x0  }
0xab: {  	[sflag:s29] =	ssyncadd.s32 $0xFFFFE000  }
0xac: {  	[tilespmem:s30], [sflag:$0x4] =	stream.indirect.gather [hbm4b:s4+s24], $0x80, s6, s24, $0xb8;
	[tilespmem:$0x1F800] =	vst v63  }
0xad: {  	_ = 	snop  }
0xae: {  	[spmem:s2] =	stream.indirect.scatter.add.f32 [tilespmem:s21], [sflag:$0x5], $0x80, s7, s24, $0xb8;
	[tilespmem:$0x1F800] =	vst v63  }
0xaf: {  	_ =	swait.ge [sflag:s22], $0x2000  }
0xb0: {  	[sflag:s22] =	ssyncset.done $0x0  }
0xb1: {  	[sflag:s22] =	ssyncadd.s32 $0xFFFFE000  }
0xb2: {  	_ =	swait.ge [sflag:s31], $0x2000  }
0xb3: {  	[sflag:s31] =	ssyncset.done $0x0  }
0xb4: {  	[sflag:s31] =	ssyncadd.s32 $0xFFFFE000  }
0xb5: {  	[tilespmem:s21], [sflag:$0x1] =	stream.indirect.gather [hbm4b:s4+s24], $0x80, s6, s24, $0xb8;
	[tilespmem:$0x1F800] =	vst v63  }
0xb6: {  	_ = 	snop  }
0xb7: {  	[spmem:s2] =	stream.indirect.scatter.add.f32 [tilespmem:s25], [sflag:$0x5], $0x80, s8, s24, $0xb8;
	[tilespmem:$0x1F800] =	vst v63  }
0xb8: {  	_ =	swait.ge [sflag:s22], $0x2000  }
0xb9: {  	[sflag:s22] =	ssyncset.done $0x0  }
0xba: {  	[sflag:s22] =	ssyncadd.s32 $0xFFFFE000  }
0xbb: {  	_ =	swait.ge [sflag:s1], $0x2000  }
0xbc: {  	[sflag:s1] =	ssyncset.done $0x0  }
0xbd: {  	[sflag:s1] =	ssyncadd.s32 $0xFFFFE000  }
0xbe: {  	[tilespmem:s25], [sflag:$0x2] =	stream.indirect.gather [hbm4b:s4+s24], $0x80, s6, s24, $0xb8;
	[tilespmem:$0x1F800] =	vst v63  }
0xbf: {  	_ = 	snop  }
0xc0: {  	[spmem:s2] =	stream.indirect.scatter.add.f32 [tilespmem:s28], [sflag:$0x5], $0x80, s9, s24, $0xb8;
	[tilespmem:$0x1F800] =	vst v63  }
0xc1: {  	_ =	swait.ge [sflag:s22], $0x2000  }
0xc2: {  	[sflag:s22] =	ssyncset.done $0x0  }
0xc3: {  	[sflag:s22] =	ssyncadd.s32 $0xFFFFE000  }
0xc4: {  	_ =	swait.ge [sflag:s0], $0x2000  }
0xc5: {  	[sflag:s0] =	ssyncset.done $0x0  }
0xc6: {  	[sflag:s0] =	ssyncadd.s32 $0xFFFFE000  }
0xc7: {  	[tilespmem:s28], [sflag:$0x3] =	stream.indirect.gather [hbm4b:s4+s24], $0x80, s6, s24, $0xb8;
	[tilespmem:$0x1F800] =	vst v63  }
0xc8: {  	_ = 	snop  }
0xc9: {  	[spmem:s2] =	stream.indirect.scatter.add.f32 [tilespmem:s30], [sflag:$0x5], $0x80, s10, s24, $0xb8;
	[tilespmem:$0x1F800] =	vst v63  }
0xca: {  	_ =	swait.ge [sflag:s22], $0x2000  }
0xcb: {  	[sflag:s22] =	ssyncset.done $0x0  }
0xcc: {  	[sflag:s22] =	ssyncadd.s32 $0xFFFFE000  }
0xcd: {  	_ =	swait.ge [sflag:s29], $0x2000  }
0xce: {  	[sflag:s29] =	ssyncset.done $0x0  }
0xcf: {  	[sflag:s29] =	ssyncadd.s32 $0xFFFFE000  }
0xd0: {  	_ =	swait.ge [sflag:s31], $0x2000  }
0xd1: {  	[sflag:s31] =	ssyncset.done $0x0  }
0xd2: {  	[sflag:s31] =	ssyncadd.s32 $0xFFFFE000  }
0xd3: {  	_ =	swait.ge [sflag:s1], $0x2000  }
0xd4: {  	[sflag:s1] =	ssyncset.done $0x0  }
0xd5: {  	s11 =	simm.s32 $0x0;
	[sflag:s1] =	ssyncadd.s32 $0xFFFFE000  }
0xd6: {  	[tilespmem:s11], [sflag:$0x5] =	stream.linear.gather [hbm4b:s17+s11], $0x1400, $0x38;
	[tilespmem:$0x1F800] =	vst v63  }
0xd7: {  	_ =	swait.ge [sflag:s22], $0x1400  }
0xd8: {  	[sflag:s22] =	ssyncset.done $0x0  }
0xd9: {  	[sflag:s22] =	ssyncadd.s32 $0xFFFFEC00  }
0xda: {  	[tilespmem:s23], [sflag:$0x5] =	stream.linear.gather [hbm4b:s18+s11], $0x2800, $0x38;
	[tilespmem:$0x1F800] =	vst v63  }
0xdb: {  	_ =	swait.ge [sflag:s22], $0x2800  }
0xdc: {  	[sflag:s22] =	ssyncset.done $0x0  }
0xdd: {  	[sflag:s22] =	ssyncadd.s32 $0xFFFFD800  }
0xde: {  	[tilespmem:s21], [sflag:$0x1] =	stream.indirect.gather [hbm4b:s4+s24], $0x80, s11, s24, $0xb8;
	[tilespmem:$0x1F800] =	vst v63  }
0xdf: {  	_ = 	snop  }
0xe0: {  	[tilespmem:s25], [sflag:$0x2] =	stream.indirect.gather [hbm4b:s4+s24], $0x80, s24, s24, $0xb8;
	[tilespmem:$0x1F800] =	vst v63  }
0xe1: {  	_ = 	snop  }
0xe2: {  	[tilespmem:s28], [sflag:$0x3] =	stream.indirect.gather [hbm4b:s4+s24], $0x80, s26, s24, $0xb8;
	[tilespmem:$0x1F800] =	vst v63  }
0xe3: {  	_ =	swait.ge [sflag:s29], $0x2000  }
0xe4: {  	[sflag:s29] =	ssyncset.done $0x0  }
0xe5: {  	s12 =	simm.s32 $0xC0;
	[sflag:s29] =	ssyncadd.s32 $0xFFFFE000  }
0xe6: {  	[tilespmem:s30], [sflag:$0x4] =	stream.indirect.gather [hbm4b:s4+s24], $0x80, s12, s24, $0xb8;
	[tilespmem:$0x1F800] =	vst v63  }
0xe7: {  	s13 =	simm.s32 $0x1400  }
0xe8: {  	[spmem:s2] =	stream.indirect.scatter.add.f32 [tilespmem:s21], [sflag:$0x5], $0x80, s13, s24, $0xb8;
	[tilespmem:$0x1F800] =	vst v63  }
0xe9: {  	_ =	swait.ge [sflag:s22], $0x2000  }
0xea: {  	[sflag:s22] =	ssyncset.done $0x0  }
0xeb: {  	[sflag:s22] =	ssyncadd.s32 $0xFFFFE000  }
0xec: {  	_ =	swait.ge [sflag:s31], $0x2000  }
0xed: {  	[sflag:s31] =	ssyncset.done $0x0  }
0xee: {  	s14 =	simm.s32 $0x100;
	[sflag:s31] =	ssyncadd.s32 $0xFFFFE000  }
0xef: {  	[tilespmem:s21], [sflag:$0x1] =	stream.indirect.gather [hbm4b:s4+s24], $0x80, s14, s24, $0xb8;
	[tilespmem:$0x1F800] =	vst v63  }
0xf0: {  	s12 =	simm.s32 $0x1480  }
0xf1: {  	[spmem:s2] =	stream.indirect.scatter.add.f32 [tilespmem:s25], [sflag:$0x5], $0x80, s12, s24, $0xb8;
	[tilespmem:$0x1F800] =	vst v63  }
0xf2: {  	_ =	swait.ge [sflag:s22], $0x2000  }
0xf3: {  	[sflag:s22] =	ssyncset.done $0x0  }
0xf4: {  	[sflag:s22] =	ssyncadd.s32 $0xFFFFE000  }
0xf5: {  	_ =	swait.ge [sflag:s1], $0x2000  }
0xf6: {  	[sflag:s1] =	ssyncset.done $0x0  }
0xf7: {  	s13 =	simm.s32 $0x140;
	[sflag:s1] =	ssyncadd.s32 $0xFFFFE000  }
0xf8: {  	[tilespmem:s25], [sflag:$0x2] =	stream.indirect.gather [hbm4b:s4+s24], $0x80, s13, s24, $0xb8;
	[tilespmem:$0x1F800] =	vst v63  }
0xf9: {  	s14 =	simm.s32 $0x1500  }
0xfa: {  	[spmem:s2] =	stream.indirect.scatter.add.f32 [tilespmem:s28], [sflag:$0x5], $0x80, s14, s24, $0xb8;
	[tilespmem:$0x1F800] =	vst v63  }
0xfb: {  	_ =	swait.ge [sflag:s22], $0x2000  }
0xfc: {  	[sflag:s22] =	ssyncset.done $0x0  }
0xfd: {  	[sflag:s22] =	ssyncadd.s32 $0xFFFFE000  }
0xfe: {  	_ =	swait.ge [sflag:s0], $0x2000  }
0xff: {  	[sflag:s0] =	ssyncset.done $0x0  }
0x100: {  	s11 =	simm.s32 $0x180;
	[sflag:s0] =	ssyncadd.s32 $0xFFFFE000  }
0x101: {  	[tilespmem:s28], [sflag:$0x3] =	stream.indirect.gather [hbm4b:s4+s24], $0x80, s11, s24, $0xb8;
	[tilespmem:$0x1F800] =	vst v63  }
0x102: {  	s12 =	simm.s32 $0x1580  }
0x103: {  	[spmem:s2] =	stream.indirect.scatter.add.f32 [tilespmem:s30], [sflag:$0x5], $0x80, s12, s24, $0xb8;
	[tilespmem:$0x1F800] =	vst v63  }
0x104: {  	_ =	swait.ge [sflag:s22], $0x2000  }
0x105: {  	s12 =	simm.s32 $0x800;
	[sflag:s22] =	ssyncset.done $0x0  }
.LBB2_6:
0x106: {  	p0 =	sne.s32 s12, $0x9000;
	[sflag:s22] =	ssyncadd.s32 $0xFFFFE000;
	s11 =	sadd.s32 $0x100, s11  }
0x107: {  	s13 =	smov.u32 s12;
	s12 =	sadd.s32 $0x800, s12  }
0x108: {  	_ =	swait.ge [sflag:s29], $0x2000  }
0x109: {  	[sflag:s29] =	ssyncset.done $0x0  }
0x10a: {  	s14 =	sadd.s32 $0xFFFFFF40, s11;
	s13 =	sshra.s32 s13, $0x2;
	[sflag:s29] =	ssyncadd.s32 $0xFFFFE000  }
0x10b: {  	[tilespmem:s30], [sflag:$0x4] =	stream.indirect.gather [hbm4b:s4+s24], $0x80, s14, s24, $0xb8;
	[tilespmem:$0x1F800] =	vst v63  }
0x10c: {  	s14 =	sadd.s32 $0x1400, s13  }
0x10d: {  	[spmem:s2] =	stream.indirect.scatter.add.f32 [tilespmem:s21], [sflag:$0x5], $0x80, s14, s24, $0xb8;
	[tilespmem:$0x1F800] =	vst v63  }
0x10e: {  	_ =	swait.ge [sflag:s22], $0x2000  }
0x10f: {  	[sflag:s22] =	ssyncset.done $0x0  }
0x110: {  	[sflag:s22] =	ssyncadd.s32 $0xFFFFE000  }
0x111: {  	_ =	swait.ge [sflag:s31], $0x2000  }
0x112: {  	[sflag:s31] =	ssyncset.done $0x0  }
0x113: {  	s14 =	sadd.s32 $0xFFFFFF80, s11;
	[sflag:s31] =	ssyncadd.s32 $0xFFFFE000  }
0x114: {  	[tilespmem:s21], [sflag:$0x1] =	stream.indirect.gather [hbm4b:s4+s24], $0x80, s14, s24, $0xb8;
	[tilespmem:$0x1F800] =	vst v63  }
0x115: {  	s14 =	sadd.s32 $0x1480, s13  }
0x116: {  	[spmem:s2] =	stream.indirect.scatter.add.f32 [tilespmem:s25], [sflag:$0x5], $0x80, s14, s24, $0xb8;
	[tilespmem:$0x1F800] =	vst v63  }
0x117: {  	_ =	swait.ge [sflag:s22], $0x2000  }
0x118: {  	[sflag:s22] =	ssyncset.done $0x0  }
0x119: {  	[sflag:s22] =	ssyncadd.s32 $0xFFFFE000  }
0x11a: {  	_ =	swait.ge [sflag:s1], $0x2000  }
0x11b: {  	[sflag:s1] =	ssyncset.done $0x0  }
0x11c: {  	s14 =	sadd.s32 $0xFFFFFFC0, s11;
	[sflag:s1] =	ssyncadd.s32 $0xFFFFE000  }
0x11d: {  	[tilespmem:s25], [sflag:$0x2] =	stream.indirect.gather [hbm4b:s4+s24], $0x80, s14, s24, $0xb8;
	[tilespmem:$0x1F800] =	vst v63  }
0x11e: {  	s14 =	sadd.s32 $0x1500, s13  }
0x11f: {  	[spmem:s2] =	stream.indirect.scatter.add.f32 [tilespmem:s28], [sflag:$0x5], $0x80, s14, s24, $0xb8;
	[tilespmem:$0x1F800] =	vst v63  }
0x120: {  	_ =	swait.ge [sflag:s22], $0x2000  }
0x121: {  	[sflag:s22] =	ssyncset.done $0x0  }
0x122: {  	[sflag:s22] =	ssyncadd.s32 $0xFFFFE000  }
0x123: {  	_ =	swait.ge [sflag:s0], $0x2000  }
0x124: {  	[sflag:s0] =	ssyncset.done $0x0  }
0x125: {  	[sflag:s0] =	ssyncadd.s32 $0xFFFFE000  }
0x126: {  	[tilespmem:s28], [sflag:$0x3] =	stream.indirect.gather [hbm4b:s4+s24], $0x80, s11, s24, $0xb8;
	[tilespmem:$0x1F800] =	vst v63  }
.Ltmp2:
0x127: {  	_ = 	snop;
	(pc) =	sbr.rel @p0 .LBB2_6-.Ltmp2, $4  }
0x128: {  	s13 =	sadd.s32 $0x1580, s13  }
0x129: {  	[spmem:s2] =	stream.indirect.scatter.add.f32 [tilespmem:s30], [sflag:$0x5], $0x80, s13, s24, $0xb8;
	[tilespmem:$0x1F800] =	vst v63  }
0x12a: {  	_ =	swait.ge [sflag:s22], $0x2000  }
0x12b: {  	[sflag:s22] =	ssyncset.done $0x0  }
0x12c: {  	[sflag:s22] =	ssyncadd.s32 $0xFFFFE000  }
0x12d: {  	_ =	swait.ge [sflag:s29], $0x2000  }
0x12e: {  	[sflag:s29] =	ssyncset.done $0x0  }
0x12f: {  	[sflag:s29] =	ssyncadd.s32 $0xFFFFE000  }
0x130: {  	[tilespmem:s30], [sflag:$0x4] =	stream.indirect.gather [hbm4b:s4+s24], $0x80, s6, s24, $0xb8;
	[tilespmem:$0x1F800] =	vst v63  }
0x131: {  	_ = 	snop  }
0x132: {  	[spmem:s2] =	stream.indirect.scatter.add.f32 [tilespmem:s21], [sflag:$0x5], $0x80, s7, s24, $0xb8;
	[tilespmem:$0x1F800] =	vst v63  }
0x133: {  	_ =	swait.ge [sflag:s22], $0x2000  }
0x134: {  	[sflag:s22] =	ssyncset.done $0x0  }
0x135: {  	[sflag:s22] =	ssyncadd.s32 $0xFFFFE000  }
0x136: {  	_ =	swait.ge [sflag:s31], $0x2000  }
0x137: {  	[sflag:s31] =	ssyncset.done $0x0  }
0x138: {  	[sflag:s31] =	ssyncadd.s32 $0xFFFFE000  }
0x139: {  	[tilespmem:s21], [sflag:$0x1] =	stream.indirect.gather [hbm4b:s4+s24], $0x80, s6, s24, $0xb8;
	[tilespmem:$0x1F800] =	vst v63  }
0x13a: {  	_ = 	snop  }
0x13b: {  	[spmem:s2] =	stream.indirect.scatter.add.f32 [tilespmem:s25], [sflag:$0x5], $0x80, s8, s24, $0xb8;
	[tilespmem:$0x1F800] =	vst v63  }
0x13c: {  	_ =	swait.ge [sflag:s22], $0x2000  }
0x13d: {  	[sflag:s22] =	ssyncset.done $0x0  }
0x13e: {  	[sflag:s22] =	ssyncadd.s32 $0xFFFFE000  }
0x13f: {  	_ =	swait.ge [sflag:s1], $0x2000  }
0x140: {  	[sflag:s1] =	ssyncset.done $0x0  }
0x141: {  	[sflag:s1] =	ssyncadd.s32 $0xFFFFE000  }
0x142: {  	[tilespmem:s25], [sflag:$0x2] =	stream.indirect.gather [hbm4b:s4+s24], $0x80, s6, s24, $0xb8;
	[tilespmem:$0x1F800] =	vst v63  }
0x143: {  	_ = 	snop  }
0x144: {  	[spmem:s2] =	stream.indirect.scatter.add.f32 [tilespmem:s28], [sflag:$0x5], $0x80, s9, s24, $0xb8;
	[tilespmem:$0x1F800] =	vst v63  }
0x145: {  	_ =	swait.ge [sflag:s22], $0x2000  }
0x146: {  	[sflag:s22] =	ssyncset.done $0x0  }
0x147: {  	[sflag:s22] =	ssyncadd.s32 $0xFFFFE000  }
0x148: {  	_ =	swait.ge [sflag:s0], $0x2000  }
0x149: {  	[sflag:s0] =	ssyncset.done $0x0  }
0x14a: {  	[sflag:s0] =	ssyncadd.s32 $0xFFFFE000  }
0x14b: {  	[tilespmem:s28], [sflag:$0x3] =	stream.indirect.gather [hbm4b:s4+s24], $0x80, s6, s24, $0xb8;
	[tilespmem:$0x1F800] =	vst v63  }
0x14c: {  	_ = 	snop  }
0x14d: {  	[spmem:s2] =	stream.indirect.scatter.add.f32 [tilespmem:s30], [sflag:$0x5], $0x80, s10, s24, $0xb8;
	[tilespmem:$0x1F800] =	vst v63  }
0x14e: {  	_ =	swait.ge [sflag:s22], $0x2000  }
0x14f: {  	[sflag:s22] =	ssyncset.done $0x0  }
0x150: {  	[sflag:s22] =	ssyncadd.s32 $0xFFFFE000  }
0x151: {  	_ =	swait.ge [sflag:s29], $0x2000  }
0x152: {  	[sflag:s29] =	ssyncset.done $0x0  }
0x153: {  	[sflag:s29] =	ssyncadd.s32 $0xFFFFE000  }
0x154: {  	_ =	swait.ge [sflag:s31], $0x2000  }
0x155: {  	[sflag:s31] =	ssyncset.done $0x0  }
0x156: {  	[sflag:s31] =	ssyncadd.s32 $0xFFFFE000  }
0x157: {  	s11 =	stileid.u32;
	_ =	swait.ge [sflag:s1], $0x2000  }
0x158: {  	s12 =	sshrl.u32 s5, $0x3;
	s3 =	sadd.s32 $0x1, s3;
	[sflag:s1] =	ssyncset.done $0x0  }
0x159: {  	s11 =	sshll.u32 s11, $0x6;
	p0 =	sne.s32 s3, s20;
	[sflag:s1] =	ssyncadd.s32 $0xFFFFE000  }
.Ltmp3:
0x15a: {  	s11 =	sor.u32 $0x1C05, s11;
	[bflag:$0x0] =	sbarrier.arrive $0xFFFF;
	(pc) =	sbr.rel @p0 .LBB2_1-.Ltmp3, $4  }
0x15b: {  	[hbm:s19], [sflag:s11] =	dma.local [spmem:s12], $0x2780  }
0x15c: {  	_ =	swait.ge [sflag:s22], $0x2780  }
0x15d: {  	[sflag:s22] =	ssyncset.done $0x0  }
0x15e: {  	[sflag:s22] =	ssyncadd.s32 $0xFFFFD880  }
0x15f: {  	_ =	sfence.sel $0x180000  }
0x160: {  	[bflag:$0x0] =	sbarrier.arrive $0xFFFF  }
0x161: {  	_ =	strace $0x9000004A  }
0x162: {  	s0 =	stileid.u32;
	[bflag:$0x2] =	sbarrier.arrive $0xFFFF  }
0x163: {  	p0 =	sne.s32 s0, $0x0;
	s0 =	rddreg [dreg:$0x2]  }
0x164: {  	s0 =	sadd.s32 @!p0 $0x100000, s0  }
0x165: {  	[sflag:s0] =	ssyncadd.tile.s32 @!p0 $0x1;
	_ =	shalt  }
.Lfunc_end2:
_tile_overlayer_lowered:
.L_overlay_start_2:
0x166: {  	(tag) =	ssettag $0x2  }
0x167: {  	s0 =	rddreg [dreg:$0x0];
	s2 =	stileid.u32  }
0x168: {  	s1 =	rddreg [dreg:$0x1];
	p0 =	sne.s32 s2, $0x0  }
0x169: {  	s3 =	rddreg [dreg:$0x2];
	[bflag:$0x3] =	sbarrier.arrive $0xFFFF;
	s2 =	simm.s32 @!p0 $0x1C05  }
0x16a: {  	[timem:s3], [sflag:s2] =	dma.local @!p0 [hbm:s0], s1  }
0x16b: {  	s0 =	simm.s32 @!p0 $0x5  }
0x16c: {  	_ =	swait.ge @!p0 [sflag:s0], s1  }
0x16d: {  	s1 =	ssub.s32 @!p0 $0x0, s1;
	[sflag:s0] =	ssyncset.done @!p0 $0x0  }
0x16e: {  	[sflag:s0] =	ssyncadd.s32 @!p0 s1  }
0x16f: {  	[bflag:$0x3] =	sbarrier.arrive $0xFFFF  }
0x170: {  	_ =	shalt  }

// kernel: kernel.16.cloned.1.call-start
scs
__scs_entry_jumppad:
0x0: {  	(pc) =	sbr.rel $0x88, $3  }
0x1: {  	(tag) =	ssettag $0x0;
	lr =	simm.s32 $0x1  }
0x2: {  	[smem:$0x3F96] =	sst lr;
	_ =	strace $0xD0000000  }
0x3: {  	_ = 	snop  }
0x4: {  	_ = 	snop  }
0x5: {  	_ = 	snop  }
0x6: {  	_ = 	snop  }
0x7: {  	_ = 	snop  }
__scs_overlays_trampoline_lowered:
0x8: {  	[smem:$0x3FA5] =	sst s0  }
0x9: {  	[smem:$0x3FA6] =	sst s1  }
0xa: {  	[smem:$0x3FA7] =	sst s2  }
0xb: {  	[smem:$0x3FA8] =	sst s3  }
0xc: {  	[smem:$0x3FA9] =	sst s4  }
0xd: {  	[smem:$0x3FAA] =	sst s5  }
0xe: {  	[smem:$0x3FAB] =	sst s6  }
0xf: {  	[smem:$0x3FAC] =	sst s7  }
0x10: {  	[smem:$0x3FAD] =	sst s8  }
0x11: {  	[smem:$0x3FAE] =	sst s9;
	s0 =	simm.s32 @!p0 $0x0  }
0x12: {  	s1 =	sld [smem:$0x3F94];
	s0 =	simm.s32 @p0 $0x1  }
0x13: {  	[smem:$0x3FAF] =	sst s0;
	s0 =	simm.s32 @!p1 $0x0  }
0x14: {  	s2 =	sld [smem:$0x3F93];
	s0 =	simm.s32 @p1 $0x1  }
0x15: {  	[smem:$0x3FB0] =	sst s0;
	s0 =	simm.s32 @!p2 $0x0  }
0x16: {  	s3 =	sld [smem:$0x3FDB];
	s0 =	simm.s32 @p2 $0x1  }
0x17: {  	s4 =	simm.s32 $0x1BF5;
	[smem:$0x3FB2] =	sst s0  }
0x18: {  	s0 =	sld [smem:$0x3F95];
	_ =	swait.ge [sflag:s4], $0x0  }
0x19: {  	s7 =	sld [smem:$0x3F96]  }
0x1a: {  	s8 =	sadd.s32 $0xFFFFE003, lr  }
0x1b: {  	s9 =	sadd.s32 $0xFFFFFEF7, lr;
	s5 =	simm.s32 $0xFFFFFFFF;
	p2 =	slt.u32 s8, $0xFFFFF086  }
0x1c: {  	p1 =	slt.u32 s9, $0xF7A;
	s5 =	simm.s32 @!p2 $0x0  }
0x1d: {  	s5 =	simm.s32 @p1 $0x1;
	p0 =	seq.s32 s7, s2  }
0x1e: {  	s7 =	smul.u32 @!p0 $0xF7A, s2;
	p2 =	seq.s32 @!p0 s5, $0x0  }
0x1f: {  	s9 =	smul.u32 $0xF7A, s1;
	s8 =	simm.s32 @!p0 $0x1BF5;
	p2 =	por !p2, p0  }
0x20: {  	[sflag:s8] =	ssyncset.s32 @!p0 $0xFFFFF086;
	s6 =	sadd.s32 @!p0 s3, s7;
	s7 =	simm.s32 @!p0 $0x108  }
0x21: {  	s3 =	sadd.s32 s3, s9;
	s6 =	sadd.s32 @!p0 $0x88, s6;
	s7 =	simm.s32 @p2 $0x1082  }
0x22: {  	[simem:s7], [sflag:s8] =	dma.local @!p0 [hbm:s6], $0xF7A  }
0x23: {  	s9 =	sor.u32 $0xD0000000, s2;
	s6 =	simm.s32 $0x108;
	_ =	swait.ge @!p0 [sflag:s8], $0x0  }
0x24: {  	s3 =	sadd.s32 $0x88, s3;
	s6 =	simm.s32 @!p1 $0x1082;
	[sflag:s4] =	ssyncset.s32 $0xFFFFF086  }
0x25: {  	[simem:s6], [sflag:s4] =	dma.local [hbm:s3], $0xF7A  }
0x26: {  	[smem:$0x3F96] =	sst s1;
	(tag) =	ssettag s2;
	_ =	strace s9  }
0x27: {  	s1 =	sld [smem:$0x3FA6]  }
0x28: {  	s2 =	sld [smem:$0x3FA7]  }
0x29: {  	s4 =	sld [smem:$0x3FA9]  }
0x2a: {  	p0 =	seq.s32 s5, $0x0;
	s5 =	sld [smem:$0x3FAA]  }
0x2b: {  	s6 =	sld [smem:$0x3FAB]  }
0x2c: {  	s7 =	sld [smem:$0x3FAC]  }
0x2d: {  	s3 =	simm.s32 $0x108;
	s8 =	sld [smem:$0x3FAD]  }
0x2e: {  	s3 =	simm.s32 @!p0 $0x1082;
	s9 =	sld [smem:$0x3FAE]  }
0x2f: {  	lr =	sadd.s32 s0, s3;
	s0 =	sld [smem:$0x3FA5]  }
0x30: {  	s3 =	sld [smem:$0x3FA8]  }
0x31: {  	[smem:$0x3FB1] =	sst s10  }
0x32: {  	s10 =	sld [smem:$0x3FAF];
	_ =	sdelay $0x3  }
0x33: {  	p0 =	seq.s32 s10, $0x1;
	s10 =	sld [smem:$0x3FB1];
	_ =	sdelay $0x3  }
0x34: {  	[smem:$0x3FB1] =	sst s10  }
0x35: {  	s10 =	sld [smem:$0x3FB0];
	_ =	sdelay $0x3  }
0x36: {  	p1 =	seq.s32 s10, $0x1;
	s10 =	sld [smem:$0x3FB1];
	_ =	sdelay $0x3  }
0x37: {  	[smem:$0x3FB1] =	sst s10  }
0x38: {  	s10 =	sld [smem:$0x3FB2]  }
0x39: {  	_ = 	snop;
	(pc) =	sbr.ind lr, $3  }
0x3a: {  	_ = 	snop  }
0x3b: {  	_ = 	snop  }
0x3c: {  	p2 =	seq.s32 s10, $0x1;
	s10 =	sld [smem:$0x3FB1]  }
0x3d: {  	_ =	shalt  }
0x3e: {  	_ =	shalt  }
0x3f: {  	_ =	shalt  }
0x40: {  	_ =	shalt  }
0x41: {  	_ =	shalt  }
0x42: {  	_ =	shalt  }
0x43: {  	_ =	shalt  }
0x44: {  	_ =	shalt  }
0x45: {  	_ =	shalt  }
0x46: {  	_ =	shalt  }
0x47: {  	_ =	shalt  }
0x48: {  	_ =	shalt  }
0x49: {  	_ =	shalt  }
0x4a: {  	_ =	shalt  }
0x4b: {  	_ =	shalt  }
0x4c: {  	_ =	shalt  }
0x4d: {  	_ =	shalt  }
0x4e: {  	_ =	shalt  }
0x4f: {  	_ =	shalt  }
0x50: {  	_ =	shalt  }
0x51: {  	_ =	shalt  }
0x52: {  	_ =	shalt  }
0x53: {  	_ =	shalt  }
0x54: {  	_ =	shalt  }
0x55: {  	_ =	shalt  }
0x56: {  	_ =	shalt  }
0x57: {  	_ =	shalt  }
0x58: {  	_ =	shalt  }
0x59: {  	_ =	shalt  }
0x5a: {  	_ =	shalt  }
0x5b: {  	_ =	shalt  }
0x5c: {  	_ =	shalt  }
0x5d: {  	_ =	shalt  }
0x5e: {  	_ =	shalt  }
0x5f: {  	_ =	shalt  }
0x60: {  	_ =	shalt  }
0x61: {  	_ =	shalt  }
0x62: {  	_ =	shalt  }
0x63: {  	_ =	shalt  }
0x64: {  	_ =	shalt  }
0x65: {  	_ =	shalt  }
0x66: {  	_ =	shalt  }
0x67: {  	_ =	shalt  }
0x68: {  	_ =	shalt  }
0x69: {  	_ =	shalt  }
0x6a: {  	_ =	shalt  }
0x6b: {  	_ =	shalt  }
0x6c: {  	_ =	shalt  }
0x6d: {  	_ =	shalt  }
0x6e: {  	_ =	shalt  }
0x6f: {  	_ =	shalt  }
0x70: {  	_ =	shalt  }
0x71: {  	_ =	shalt  }
0x72: {  	_ =	shalt  }
0x73: {  	_ =	shalt  }
0x74: {  	_ =	shalt  }
0x75: {  	_ =	shalt  }
0x76: {  	_ =	shalt  }
0x77: {  	_ =	shalt  }
0x78: {  	_ =	shalt  }
0x79: {  	_ =	shalt  }
0x7a: {  	_ =	shalt  }
0x7b: {  	_ =	shalt  }
0x7c: {  	_ =	shalt  }
0x7d: {  	_ =	shalt  }
0x7e: {  	_ =	shalt  }
0x7f: {  	_ =	shalt  }
0x80: {  	_ =	shalt  }
0x81: {  	_ =	shalt  }
0x82: {  	_ =	shalt  }
0x83: {  	_ =	shalt  }
0x84: {  	_ =	shalt  }
0x85: {  	_ =	shalt  }
0x86: {  	_ =	shalt  }
0x87: {  	_ =	shalt  }
.Lfunc_end0:
.L_simem_size_0:
called_computation.2_lowered:
.L_overlay_start_0:
0x88: {  	s2 =	sld [smem:$0x3FD9]  }
0x89: {  	s3 =	sld [smem:$0x3FFE];
	_ =	sdelay $0x1  }
0x8a: {  	s1 =	srdreg.scid  }
0x8b: {  	s0 =	sand.u32 $0x1, s1  }
0x8c: {  	s16 =	sshll.u32 s0, $0xA;
	s2 =	sadd.s32 s3, s2  }
0x8d: {  	s2 =	sadd.s32 s2, s16  }
0x8e: {  	[smem:$0x3FBD] =	sst s2  }
0x8f: {  	_ = 	snop  }
0x90: {  	(tm) =	ssettm $0x1  }
0x91: {  	s17 =	sld [smem:$0x3FFB];
	_ =	sdelay $0x3  }
0x92: {  	_ =	strace s17  }
0x93: {  	s2 =	sld [smem:$0x3FFC];
	_ =	sdelay $0x3  }
0x94: {  	_ =	strace s2  }
0x95: {  	s2 =	sld [smem:$0x3FFD];
	_ =	sdelay $0x3  }
0x96: {  	_ =	strace s2  }
0x97: {  	_ =	strace $0x8FFFFFFF  }
0x98: {  	s18 =	sld [smem:$0x3FDB];
	_ =	sdelay $0x1  }
0x99: {  	s19 =	simm.s32 $_scs_section_size  }
0x9a: {  	s4 =	simm.s32 $_size__tile_overlayer_lowered;
	s5 =	simm.s32 $_tile_overlayer_lowered  }
0x9b: {  	s22 =	simm.s32 $0x1BFF;
	s21 =	sshll.u32 s5, $0x1;
	s2 =	sadd.s32 s19, s18  }
0x9c: {  	s6 =	simm.s32 $0x0;
	s20 =	sshll.u32 s4, $0x1;
	s4 =	sadd.s32 s21, s2  }
0x9d: {  	[timem:s6], [sflag:s22] =	dma.local [hbm:s4], s20  }
0x9e: {  	_ =	swait.ge [sflag:s22], s20  }
0x9f: {  	s3 =	ssub.s32 $0x0, s20;
	[sflag:s22] =	ssyncset.done $0x0  }
0xa0: {  	[sflag:s22] =	ssyncadd.s32 s3;
	_ =	sdelay $0x1  }
0xa1: {  	s23 =	simm.s32 $0x1B8B  }
0xa2: {  	_ =	swait.ge [sflag:s23], $0x1  }
0xa3: {  	[sflag:s23] =	ssyncset.done $0x0  }
0xa4: {  	s25 =	simm.s32 $0x1B8E;
	s24 =	sld [smem:$0x3FFE];
	[sflag:s23] =	ssyncadd.s32 $0xFFFFFFFF  }
0xa5: {  	s26 =	simm.s32 $execute0_lowered;
	[smem:$0x3FD2] =	sst s25  }
0xa6: {  	s4 =	sshll.u32 s26, $0x1;
	_ =	strace $0x8000004C;
	[dreg:$0x1] =	wrdreg $0xFFFFFFFF  }
0xa7: {  	s28 =	simm.s32 $_size_execute0_lowered;
	s2 =	sadd.s32 s2, s4;
	[dreg:$0x0] =	wrdreg $0x0  }
0xa8: {  	s4 =	sshll.u32 s28, $0x1;
	[dreg:$0x2] =	wrdreg s2  }
0xa9: {  	[dreg:$0x3] =	wrdreg s4  }
0xaa: {  	[dreg:$0x4] =	wrdreg $0xC0  }
0xab: {  	_ =	task [dreg:s6], $0x5FFFF  }
0xac: {  	[dreg:$0x1] =	wrdreg $0xFFFFFFFF  }
0xad: {  	[dreg:$0x0] =	wrdreg $0x60  }
0xae: {  	[dreg:$0x2] =	wrdreg s24  }
0xaf: {  	[dreg:$0x3] =	wrdreg $0xBC000  }
0xb0: {  	[dreg:$0x4] =	wrdreg $0x9  }
0xb1: {  	_ =	task.clear_ibuf [dreg:s6], $0x5FFFF;
	_ =	strace $0x9000004C  }
0xb2: {  	s29 =	simm.s32 $0x9;
	_ =	strace $0x8000004E  }
0xb3: {  	_ =	swait.ge [sflag:s29], $0x1  }
0xb4: {  	[sflag:s29] =	ssyncadd.s32 $0xFFFFFFFF  }
0xb5: {  	_ =	strace $0x9000004E  }
0xb6: {  	_ =	sfence  }
0xb7: {  	s30 =	sld [smem:$0x0];
	_ =	sdelay $0x2  }
0xb8: {  	s31 =	sshll.u32 s1, $0xD;
	s1 =	sshrl.u32 s1, $0x2  }
0xb9: {  	s3 =	sand.u32 $0x4000, s31;
	s1 =	sadd.s32 s1, s30  }
0xba: {  	s0 =	sor.u32 s3, s0;
	s1 =	sshll.u32 s1, $0x11  }
0xbb: {  	s0 =	sor.u32 s1, s0  }
0xbc: {  	s0 =	sadd.s32 $0x8F2B, s0  }
0xbd: {  	[sflag:s0] =	ssyncadd.remote.s32 $0x1  }
0xbe: {  	_ =	sfence.sel $0xFFFF  }
0xbf: {  	[dreg:$0x0] =	wrdreg $0xFFFFFFFF;
	(pc) =	sbr.abs _section_cstart, $3  }
0xc0: {  	[dreg:$0x1] =	wrdreg $0xFFFFFFFF  }
0xc1: {  	_ =	task.clear_ibuf [dreg:s6], $0x2FFFF;
	_ =	strace $0x9FFFFFFF  }
0xc2: {  	(tm) =	ssettm $0x7FFFFFFF  }
0xc3: {  	_ =	shalt  }
tec
execute0_lowered:
.L_overlay_start_1:
0x0: {  	(tag) =	ssettag $0x1  }
0x1: {  	s0 =	srdreg.scid;
	s5 =	rddreg [dreg:$0x0]  }
0x2: {  	s9 =	stileid.u32;
	s2 =	rddreg [dreg:$0x1];
	s3 =	simm.s32 $0x0  }
0x3: {  	s28 =	simm.s32 $0x7C00;
	s0 =	sand.u32 $0x1, s0;
	s6 =	smul.u32 $0x2780, s9  }
0x4: {  	s29 =	simm.s32 $0x1;
	s1 =	sshll.u32 s0, $0x4;
	s7 =	smul.u32 $0x27800, s0  }
0x5: {  	s30 =	simm.s32 $0x9C00;
	s1 =	sor.u32 s9, s1;
	s9 =	smul.u32 $0x4F000, s9  }
0x6: {  	s31 =	simm.s32 $0x2;
	s10 =	simm.s32 $0x3B80;
	s4 =	smul.u32 $0x2800, s1  }
0x7: {  	[smem:$0x7FF] =	sst s3;
	s1 =	smul.u32 $0x5000, s1;
	s6 =	sadd.s32 s6, s7  }
0x8: {  	s0 =	ssub.s32 $0x2, s0;
	s17 =	sshrl.u32 s9, $0x2;
	s6 =	sadd.s32 s6, s5  }
0x9: {  	s8 =	sshrl.u32 s4, $0x3;
	s1 =	sshrl.u32 s1, $0x3;
	s4 =	sadd.s32 $0x7C000, s5  }
0xa: {  	s8 =	sadd.s32 s8, s5;
	s1 =	sadd.s32 s1, s5;
	s5 =	sadd.s32 s17, s2  }
0xb: {  	_ =	strace $0x8000004D;
	s18 =	sshrl.u32 s0, $0x1;
	s7 =	sadd.s32 $0x2000, s5  }
0xc: {  	s0 =	ssub.s32 s0, s18;
	s19 =	sadd.s32 $0x4000, s5;
	[dreg:$0x3] =	wrdreg s7  }
0xd: {  	s9 =	simm.s32 $0x3B00;
	s20 =	sadd.s32 $0x6000, s5;
	[dreg:$0x4] =	wrdreg s19  }
0xe: {  	s21 =	sadd.s32 $0x8000, s5;
	s22 =	sadd.s32 $0xA000, s5;
	[dreg:$0x5] =	wrdreg s20  }
0xf: {  	s23 =	sadd.s32 $0xC000, s5;
	s24 =	sadd.s32 $0xE000, s5;
	[dreg:$0x6] =	wrdreg s21  }
0x10: {  	s25 =	sadd.s32 $0x10000, s5;
	s26 =	sadd.s32 $0x12000, s5;
	[dreg:$0x7] =	wrdreg s22  }
0x11: {  	s15 =	sadd.s32 $0xF000, s8;
	s16 =	sadd.s32 $0x68000, s1;
	[dreg:$0x8] =	wrdreg s23  }
0x12: {  	s17 =	sadd.s32 $0xF280, s8;
	s18 =	sadd.s32 $0x68500, s1;
	[dreg:$0x9] =	wrdreg s24  }
0x13: {  	s1 =	simm.s32 $0x3;
	s8 =	simm.s32 $0x3A80;
	[dreg:$0xa] =	wrdreg s25  }
0x14: {  	[dreg:$0xb] =	wrdreg s26;
	s19 =	sadd.s32 $0xA3200, s6;
	s20 =	smax.u32 s0, $0x1  }
0x15: {  	s21 =	simm.s32 $0x3C00;
	s22 =	simm.s32 $0x5;
	s23 =	simm.s32 $0x1400  }
0x16: {  	s24 =	simm.s32 $0x40;
	s25 =	simm.s32 $0x5C00;
	s26 =	simm.s32 $0x80  }
0x17: {  	v0 =	vimm.f32 $0.0e+00;
	s0 =	simm.s32 $0x4;
	s6 =	simm.s32 $0x13C0;
	s7 =	simm.s32 $0x3A00  }
.LBB2_1:
0x18: {  	s11 =	simm.s32 $0x0;
	s12 =	simm.s32 $0x200  }
.LBB2_2:
0x19: {  	p0 =	sne.s32 s12, $0x7E00;
	[tilespmem:s11+$0x3C70] =	vst v0  }
0x1a: {  	[tilespmem:s11+$0x3C00] =	vst v0  }
0x1b: {  	[tilespmem:s11+$0x3C10] =	vst v0  }
.Ltmp0:
0x1c: {  	[tilespmem:s11+$0x3C20] =	vst v0;
	(pc) =	sbr.rel @p0 .LBB2_2-.Ltmp0, $4  }
0x1d: {  	[tilespmem:s11+$0x3C30] =	vst v0  }
0x1e: {  	[tilespmem:s11+$0x3C40] =	vst v0  }
0x1f: {  	[tilespmem:s11+$0x3C50] =	vst v0  }
0x20: {  	[tilespmem:s11+$0x3C60] =	vst v0;
	s11 =	sshra.s32 s12, $0x2;
	s12 =	sadd.s32 $0x200, s12  }
0x21: {  	[tilespmem:s11+$0x3C70] =	vst v0  }
0x22: {  	[tilespmem:s11+$0x3C00] =	vst v0  }
0x23: {  	[tilespmem:s11+$0x3C10] =	vst v0  }
0x24: {  	[tilespmem:s11+$0x3C20] =	vst v0  }
0x25: {  	[tilespmem:s11+$0x3C30] =	vst v0  }
0x26: {  	[tilespmem:s11+$0x3C40] =	vst v0  }
0x27: {  	[tilespmem:s11+$0x3C50] =	vst v0  }
0x28: {  	[tilespmem:s11+$0x3C60] =	vst v0  }
0x29: {  	[spmem:s5] =	stream.linear.scatter [tilespmem:s21], [sflag:$0x5], $0x2000, $0x38;
	[tilespmem:$0x1F800] =	vst v63  }
0x2a: {  	_ =	swait.ge [sflag:s22], $0x2000  }
0x2b: {  	[sflag:s22] =	ssyncset.done $0x0  }
0x2c: {  	s14 =	rddreg [dreg:$0x3];
	[sflag:s22] =	ssyncadd.s32 $0xFFFFE000  }
0x2d: {  	[spmem:s14] =	stream.linear.scatter [tilespmem:s21], [sflag:$0x5], $0x2000, $0x38;
	[tilespmem:$0x1F800] =	vst v63  }
0x2e: {  	_ =	swait.ge [sflag:s22], $0x2000  }
0x2f: {  	[sflag:s22] =	ssyncset.done $0x0  }
0x30: {  	s12 =	rddreg [dreg:$0x4];
	[sflag:s22] =	ssyncadd.s32 $0xFFFFE000  }
0x31: {  	[spmem:s12] =	stream.linear.scatter [tilespmem:s21], [sflag:$0x5], $0x2000, $0x38;
	[tilespmem:$0x1F800] =	vst v63  }
0x32: {  	_ =	swait.ge [sflag:s22], $0x2000  }
0x33: {  	[sflag:s22] =	ssyncset.done $0x0  }
0x34: {  	s13 =	rddreg [dreg:$0x5];
	[sflag:s22] =	ssyncadd.s32 $0xFFFFE000  }
0x35: {  	[spmem:s13] =	stream.linear.scatter [tilespmem:s21], [sflag:$0x5], $0x2000, $0x38;
	[tilespmem:$0x1F800] =	vst v63  }
0x36: {  	_ =	swait.ge [sflag:s22], $0x2000  }
0x37: {  	[sflag:s22] =	ssyncset.done $0x0  }
0x38: {  	s14 =	rddreg [dreg:$0x6];
	[sflag:s22] =	ssyncadd.s32 $0xFFFFE000  }
0x39: {  	[spmem:s14] =	stream.linear.scatter [tilespmem:s21], [sflag:$0x5], $0x2000, $0x38;
	[tilespmem:$0x1F800] =	vst v63  }
0x3a: {  	_ =	swait.ge [sflag:s22], $0x2000  }
0x3b: {  	[sflag:s22] =	ssyncset.done $0x0  }
0x3c: {  	s12 =	rddreg [dreg:$0x7];
	[sflag:s22] =	ssyncadd.s32 $0xFFFFE000  }
0x3d: {  	[spmem:s12] =	stream.linear.scatter [tilespmem:s21], [sflag:$0x5], $0x2000, $0x38;
	[tilespmem:$0x1F800] =	vst v63  }
0x3e: {  	_ =	swait.ge [sflag:s22], $0x2000  }
0x3f: {  	[sflag:s22] =	ssyncset.done $0x0  }
0x40: {  	s13 =	rddreg [dreg:$0x8];
	[sflag:s22] =	ssyncadd.s32 $0xFFFFE000  }
0x41: {  	[spmem:s13] =	stream.linear.scatter [tilespmem:s21], [sflag:$0x5], $0x2000, $0x38;
	[tilespmem:$0x1F800] =	vst v63  }
0x42: {  	_ =	swait.ge [sflag:s22], $0x2000  }
0x43: {  	[sflag:s22] =	ssyncset.done $0x0  }
0x44: {  	s14 =	rddreg [dreg:$0x9];
	[sflag:s22] =	ssyncadd.s32 $0xFFFFE000  }
0x45: {  	[spmem:s14] =	stream.linear.scatter [tilespmem:s21], [sflag:$0x5], $0x2000, $0x38;
	[tilespmem:$0x1F800] =	vst v63  }
0x46: {  	_ =	swait.ge [sflag:s22], $0x2000  }
0x47: {  	[sflag:s22] =	ssyncset.done $0x0  }
0x48: {  	s12 =	rddreg [dreg:$0xa];
	[sflag:s22] =	ssyncadd.s32 $0xFFFFE000  }
0x49: {  	[spmem:s12] =	stream.linear.scatter [tilespmem:s21], [sflag:$0x5], $0x2000, $0x38;
	[tilespmem:$0x1F800] =	vst v63  }
0x4a: {  	_ =	swait.ge [sflag:s22], $0x2000  }
0x4b: {  	[sflag:s22] =	ssyncset.done $0x0  }
0x4c: {  	s13 =	rddreg [dreg:$0xb];
	[sflag:s22] =	ssyncadd.s32 $0xFFFFE000  }
0x4d: {  	[spmem:s13] =	stream.linear.scatter [tilespmem:s21], [sflag:$0x5], $0x1C00, $0x38;
	[tilespmem:$0x1F800] =	vst v63  }
0x4e: {  	_ =	swait.ge [sflag:s22], $0x1C00  }
0x4f: {  	[sflag:s22] =	ssyncset.done $0x0  }
0x50: {  	[sflag:s22] =	ssyncadd.s32 $0xFFFFE400  }
0x51: {  	s14 =	simm.s32 $0x0;
	[bflag:$0x0] =	sbarrier.arrive $0xFFFF  }
0x52: {  	[tilespmem:s14], [sflag:$0x5] =	stream.linear.gather [hbm4b:s15+s14], $0x1400, $0x38;
	[tilespmem:$0x1F800] =	vst v63  }
0x53: {  	_ =	swait.ge [sflag:s22], $0x1400  }
0x54: {  	[sflag:s22] =	ssyncset.done $0x0  }
0x55: {  	[sflag:s22] =	ssyncadd.s32 $0xFFFFEC00  }
0x56: {  	[tilespmem:s23], [sflag:$0x5] =	stream.linear.gather [hbm4b:s16+s14], $0x2800, $0x38;
	[tilespmem:$0x1F800] =	vst v63  }
0x57: {  	_ =	swait.ge [sflag:s22], $0x2800  }
0x58: {  	[sflag:s22] =	ssyncset.done $0x0  }
0x59: {  	[sflag:s22] =	ssyncadd.s32 $0xFFFFD800  }
0x5a: {  	[tilespmem:s21], [sflag:$0x1] =	stream.indirect.gather [hbm4b:s4+s24], $0x80, s14, s24, $0xb8;
	[tilespmem:$0x1F800] =	vst v63  }
0x5b: {  	_ = 	snop  }
0x5c: {  	[tilespmem:s25], [sflag:$0x2] =	stream.indirect.gather [hbm4b:s4+s24], $0x80, s24, s24, $0xb8;
	[tilespmem:$0x1F800] =	vst v63  }
0x5d: {  	_ = 	snop  }
0x5e: {  	[tilespmem:s28], [sflag:$0x3] =	stream.indirect.gather [hbm4b:s4+s24], $0x80, s26, s24, $0xb8;
	[tilespmem:$0x1F800] =	vst v63  }
0x5f: {  	_ =	swait.ge [sflag:s29], $0x2000  }
0x60: {  	[sflag:s29] =	ssyncset.done $0x0  }
0x61: {  	s12 =	simm.s32 $0xC0;
	[sflag:s29] =	ssyncadd.s32 $0xFFFFE000  }
0x62: {  	[tilespmem:s30], [sflag:$0x4] =	stream.indirect.gather [hbm4b:s4+s24], $0x80, s12, s24, $0xb8;
	[tilespmem:$0x1F800] =	vst v63  }
0x63: {  	s13 =	simm.s32 $0x1400  }
0x64: {  	[spmem:s2] =	stream.indirect.scatter.add.f32 [tilespmem:s21], [sflag:$0x5], $0x80, s13, s24, $0xb8;
	[tilespmem:$0x1F800] =	vst v63  }
0x65: {  	_ =	swait.ge [sflag:s22], $0x2000  }
0x66: {  	[sflag:s22] =	ssyncset.done $0x0  }
0x67: {  	[sflag:s22] =	ssyncadd.s32 $0xFFFFE000  }
0x68: {  	_ =	swait.ge [sflag:s31], $0x2000  }
0x69: {  	[sflag:s31] =	ssyncset.done $0x0  }
0x6a: {  	s14 =	simm.s32 $0x100;
	[sflag:s31] =	ssyncadd.s32 $0xFFFFE000  }
0x6b: {  	[tilespmem:s21], [sflag:$0x1] =	stream.indirect.gather [hbm4b:s4+s24], $0x80, s14, s24, $0xb8;
	[tilespmem:$0x1F800] =	vst v63  }
0x6c: {  	s12 =	simm.s32 $0x1480  }
0x6d: {  	[spmem:s2] =	stream.indirect.scatter.add.f32 [tilespmem:s25], [sflag:$0x5], $0x80, s12, s24, $0xb8;
	[tilespmem:$0x1F800] =	vst v63  }
0x6e: {  	_ =	swait.ge [sflag:s22], $0x2000  }
0x6f: {  	[sflag:s22] =	ssyncset.done $0x0  }
0x70: {  	[sflag:s22] =	ssyncadd.s32 $0xFFFFE000  }
0x71: {  	_ =	swait.ge [sflag:s1], $0x2000  }
0x72: {  	[sflag:s1] =	ssyncset.done $0x0  }
0x73: {  	s13 =	simm.s32 $0x140;
	[sflag:s1] =	ssyncadd.s32 $0xFFFFE000  }
0x74: {  	[tilespmem:s25], [sflag:$0x2] =	stream.indirect.gather [hbm4b:s4+s24], $0x80, s13, s24, $0xb8;
	[tilespmem:$0x1F800] =	vst v63  }
0x75: {  	s14 =	simm.s32 $0x1500  }
0x76: {  	[spmem:s2] =	stream.indirect.scatter.add.f32 [tilespmem:s28], [sflag:$0x5], $0x80, s14, s24, $0xb8;
	[tilespmem:$0x1F800] =	vst v63  }
0x77: {  	_ =	swait.ge [sflag:s22], $0x2000  }
0x78: {  	[sflag:s22] =	ssyncset.done $0x0  }
0x79: {  	[sflag:s22] =	ssyncadd.s32 $0xFFFFE000  }
0x7a: {  	_ =	swait.ge [sflag:s0], $0x2000  }
0x7b: {  	[sflag:s0] =	ssyncset.done $0x0  }
0x7c: {  	s11 =	simm.s32 $0x180;
	[sflag:s0] =	ssyncadd.s32 $0xFFFFE000  }
0x7d: {  	[tilespmem:s28], [sflag:$0x3] =	stream.indirect.gather [hbm4b:s4+s24], $0x80, s11, s24, $0xb8;
	[tilespmem:$0x1F800] =	vst v63  }
0x7e: {  	s12 =	simm.s32 $0x1580  }
0x7f: {  	[spmem:s2] =	stream.indirect.scatter.add.f32 [tilespmem:s30], [sflag:$0x5], $0x80, s12, s24, $0xb8;
	[tilespmem:$0x1F800] =	vst v63  }
0x80: {  	_ =	swait.ge [sflag:s22], $0x2000  }
0x81: {  	s12 =	simm.s32 $0x800;
	[sflag:s22] =	ssyncset.done $0x0  }
.LBB2_4:
0x82: {  	p0 =	sne.s32 s12, $0x9000;
	[sflag:s22] =	ssyncadd.s32 $0xFFFFE000;
	s11 =	sadd.s32 $0x100, s11  }
0x83: {  	s13 =	smov.u32 s12;
	s12 =	sadd.s32 $0x800, s12  }
0x84: {  	_ =	swait.ge [sflag:s29], $0x2000  }
0x85: {  	[sflag:s29] =	ssyncset.done $0x0  }
0x86: {  	s14 =	sadd.s32 $0xFFFFFF40, s11;
	s13 =	sshra.s32 s13, $0x2;
	[sflag:s29] =	ssyncadd.s32 $0xFFFFE000  }
0x87: {  	[tilespmem:s30], [sflag:$0x4] =	stream.indirect.gather [hbm4b:s4+s24], $0x80, s14, s24, $0xb8;
	[tilespmem:$0x1F800] =	vst v63  }
0x88: {  	s14 =	sadd.s32 $0x1400, s13  }
0x89: {  	[spmem:s2] =	stream.indirect.scatter.add.f32 [tilespmem:s21], [sflag:$0x5], $0x80, s14, s24, $0xb8;
	[tilespmem:$0x1F800] =	vst v63  }
0x8a: {  	_ =	swait.ge [sflag:s22], $0x2000  }
0x8b: {  	[sflag:s22] =	ssyncset.done $0x0  }
0x8c: {  	[sflag:s22] =	ssyncadd.s32 $0xFFFFE000  }
0x8d: {  	_ =	swait.ge [sflag:s31], $0x2000  }
0x8e: {  	[sflag:s31] =	ssyncset.done $0x0  }
0x8f: {  	s14 =	sadd.s32 $0xFFFFFF80, s11;
	[sflag:s31] =	ssyncadd.s32 $0xFFFFE000  }
0x90: {  	[tilespmem:s21], [sflag:$0x1] =	stream.indirect.gather [hbm4b:s4+s24], $0x80, s14, s24, $0xb8;
	[tilespmem:$0x1F800] =	vst v63  }
0x91: {  	s14 =	sadd.s32 $0x1480, s13  }
0x92: {  	[spmem:s2] =	stream.indirect.scatter.add.f32 [tilespmem:s25], [sflag:$0x5], $0x80, s14, s24, $0xb8;
	[tilespmem:$0x1F800] =	vst v63  }
0x93: {  	_ =	swait.ge [sflag:s22], $0x2000  }
0x94: {  	[sflag:s22] =	ssyncset.done $0x0  }
0x95: {  	[sflag:s22] =	ssyncadd.s32 $0xFFFFE000  }
0x96: {  	_ =	swait.ge [sflag:s1], $0x2000  }
0x97: {  	[sflag:s1] =	ssyncset.done $0x0  }
0x98: {  	s14 =	sadd.s32 $0xFFFFFFC0, s11;
	[sflag:s1] =	ssyncadd.s32 $0xFFFFE000  }
0x99: {  	[tilespmem:s25], [sflag:$0x2] =	stream.indirect.gather [hbm4b:s4+s24], $0x80, s14, s24, $0xb8;
	[tilespmem:$0x1F800] =	vst v63  }
0x9a: {  	s14 =	sadd.s32 $0x1500, s13  }
0x9b: {  	[spmem:s2] =	stream.indirect.scatter.add.f32 [tilespmem:s28], [sflag:$0x5], $0x80, s14, s24, $0xb8;
	[tilespmem:$0x1F800] =	vst v63  }
0x9c: {  	_ =	swait.ge [sflag:s22], $0x2000  }
0x9d: {  	[sflag:s22] =	ssyncset.done $0x0  }
0x9e: {  	[sflag:s22] =	ssyncadd.s32 $0xFFFFE000  }
0x9f: {  	_ =	swait.ge [sflag:s0], $0x2000  }
0xa0: {  	[sflag:s0] =	ssyncset.done $0x0  }
0xa1: {  	[sflag:s0] =	ssyncadd.s32 $0xFFFFE000  }
0xa2: {  	[tilespmem:s28], [sflag:$0x3] =	stream.indirect.gather [hbm4b:s4+s24], $0x80, s11, s24, $0xb8;
	[tilespmem:$0x1F800] =	vst v63  }
.Ltmp1:
0xa3: {  	_ = 	snop;
	(pc) =	sbr.rel @p0 .LBB2_4-.Ltmp1, $4  }
0xa4: {  	s13 =	sadd.s32 $0x1580, s13  }
0xa5: {  	[spmem:s2] =	stream.indirect.scatter.add.f32 [tilespmem:s30], [sflag:$0x5], $0x80, s13, s24, $0xb8;
	[tilespmem:$0x1F800] =	vst v63  }
0xa6: {  	_ =	swait.ge [sflag:s22], $0x2000  }
0xa7: {  	[sflag:s22] =	ssyncset.done $0x0  }
0xa8: {  	[sflag:s22] =	ssyncadd.s32 $0xFFFFE000  }
0xa9: {  	_ =	swait.ge [sflag:s29], $0x2000  }
0xaa: {  	[sflag:s29] =	ssyncset.done $0x0  }
0xab: {  	[sflag:s29] =	ssyncadd.s32 $0xFFFFE000  }
0xac: {  	[tilespmem:s30], [sflag:$0x4] =	stream.indirect.gather [hbm4b:s4+s24], $0x80, s6, s24, $0xb8;
	[tilespmem:$0x1F800] =	vst v63  }
0xad: {  	_ = 	snop  }
0xae: {  	[spmem:s2] =	stream.indirect.scatter.add.f32 [tilespmem:s21], [sflag:$0x5], $0x80, s7, s24, $0xb8;
	[tilespmem:$0x1F800] =	vst v63  }
0xaf: {  	_ =	swait.ge [sflag:s22], $0x2000  }
0xb0: {  	[sflag:s22] =	ssyncset.done $0x0  }
0xb1: {  	[sflag:s22] =	ssyncadd.s32 $0xFFFFE000  }
0xb2: {  	_ =	swait.ge [sflag:s31], $0x2000  }
0xb3: {  	[sflag:s31] =	ssyncset.done $0x0  }
0xb4: {  	[sflag:s31] =	ssyncadd.s32 $0xFFFFE000  }
0xb5: {  	[tilespmem:s21], [sflag:$0x1] =	stream.indirect.gather [hbm4b:s4+s24], $0x80, s6, s24, $0xb8;
	[tilespmem:$0x1F800] =	vst v63  }
0xb6: {  	_ = 	snop  }
0xb7: {  	[spmem:s2] =	stream.indirect.scatter.add.f32 [tilespmem:s25], [sflag:$0x5], $0x80, s8, s24, $0xb8;
	[tilespmem:$0x1F800] =	vst v63  }
0xb8: {  	_ =	swait.ge [sflag:s22], $0x2000  }
0xb9: {  	[sflag:s22] =	ssyncset.done $0x0  }
0xba: {  	[sflag:s22] =	ssyncadd.s32 $0xFFFFE000  }
0xbb: {  	_ =	swait.ge [sflag:s1], $0x2000  }
0xbc: {  	[sflag:s1] =	ssyncset.done $0x0  }
0xbd: {  	[sflag:s1] =	ssyncadd.s32 $0xFFFFE000  }
0xbe: {  	[tilespmem:s25], [sflag:$0x2] =	stream.indirect.gather [hbm4b:s4+s24], $0x80, s6, s24, $0xb8;
	[tilespmem:$0x1F800] =	vst v63  }
0xbf: {  	_ = 	snop  }
0xc0: {  	[spmem:s2] =	stream.indirect.scatter.add.f32 [tilespmem:s28], [sflag:$0x5], $0x80, s9, s24, $0xb8;
	[tilespmem:$0x1F800] =	vst v63  }
0xc1: {  	_ =	swait.ge [sflag:s22], $0x2000  }
0xc2: {  	[sflag:s22] =	ssyncset.done $0x0  }
0xc3: {  	[sflag:s22] =	ssyncadd.s32 $0xFFFFE000  }
0xc4: {  	_ =	swait.ge [sflag:s0], $0x2000  }
0xc5: {  	[sflag:s0] =	ssyncset.done $0x0  }
0xc6: {  	[sflag:s0] =	ssyncadd.s32 $0xFFFFE000  }
0xc7: {  	[tilespmem:s28], [sflag:$0x3] =	stream.indirect.gather [hbm4b:s4+s24], $0x80, s6, s24, $0xb8;
	[tilespmem:$0x1F800] =	vst v63  }
0xc8: {  	_ = 	snop  }
0xc9: {  	[spmem:s2] =	stream.indirect.scatter.add.f32 [tilespmem:s30], [sflag:$0x5], $0x80, s10, s24, $0xb8;
	[tilespmem:$0x1F800] =	vst v63  }
0xca: {  	_ =	swait.ge [sflag:s22], $0x2000  }
0xcb: {  	[sflag:s22] =	ssyncset.done $0x0  }
0xcc: {  	[sflag:s22] =	ssyncadd.s32 $0xFFFFE000  }
0xcd: {  	_ =	swait.ge [sflag:s29], $0x2000  }
0xce: {  	[sflag:s29] =	ssyncset.done $0x0  }
0xcf: {  	[sflag:s29] =	ssyncadd.s32 $0xFFFFE000  }
0xd0: {  	_ =	swait.ge [sflag:s31], $0x2000  }
0xd1: {  	[sflag:s31] =	ssyncset.done $0x0  }
0xd2: {  	[sflag:s31] =	ssyncadd.s32 $0xFFFFE000  }
0xd3: {  	_ =	swait.ge [sflag:s1], $0x2000  }
0xd4: {  	[sflag:s1] =	ssyncset.done $0x0  }
0xd5: {  	s11 =	simm.s32 $0x0;
	[sflag:s1] =	ssyncadd.s32 $0xFFFFE000  }
0xd6: {  	[tilespmem:s11], [sflag:$0x5] =	stream.linear.gather [hbm4b:s17+s11], $0x1400, $0x38;
	[tilespmem:$0x1F800] =	vst v63  }
0xd7: {  	_ =	swait.ge [sflag:s22], $0x1400  }
0xd8: {  	[sflag:s22] =	ssyncset.done $0x0  }
0xd9: {  	[sflag:s22] =	ssyncadd.s32 $0xFFFFEC00  }
0xda: {  	[tilespmem:s23], [sflag:$0x5] =	stream.linear.gather [hbm4b:s18+s11], $0x2800, $0x38;
	[tilespmem:$0x1F800] =	vst v63  }
0xdb: {  	_ =	swait.ge [sflag:s22], $0x2800  }
0xdc: {  	[sflag:s22] =	ssyncset.done $0x0  }
0xdd: {  	[sflag:s22] =	ssyncadd.s32 $0xFFFFD800  }
0xde: {  	[tilespmem:s21], [sflag:$0x1] =	stream.indirect.gather [hbm4b:s4+s24], $0x80, s11, s24, $0xb8;
	[tilespmem:$0x1F800] =	vst v63  }
0xdf: {  	_ = 	snop  }
0xe0: {  	[tilespmem:s25], [sflag:$0x2] =	stream.indirect.gather [hbm4b:s4+s24], $0x80, s24, s24, $0xb8;
	[tilespmem:$0x1F800] =	vst v63  }
0xe1: {  	_ = 	snop  }
0xe2: {  	[tilespmem:s28], [sflag:$0x3] =	stream.indirect.gather [hbm4b:s4+s24], $0x80, s26, s24, $0xb8;
	[tilespmem:$0x1F800] =	vst v63  }
0xe3: {  	_ =	swait.ge [sflag:s29], $0x2000  }
0xe4: {  	[sflag:s29] =	ssyncset.done $0x0  }
0xe5: {  	s12 =	simm.s32 $0xC0;
	[sflag:s29] =	ssyncadd.s32 $0xFFFFE000  }
0xe6: {  	[tilespmem:s30], [sflag:$0x4] =	stream.indirect.gather [hbm4b:s4+s24], $0x80, s12, s24, $0xb8;
	[tilespmem:$0x1F800] =	vst v63  }
0xe7: {  	s13 =	simm.s32 $0x1400  }
0xe8: {  	[spmem:s2] =	stream.indirect.scatter.add.f32 [tilespmem:s21], [sflag:$0x5], $0x80, s13, s24, $0xb8;
	[tilespmem:$0x1F800] =	vst v63  }
0xe9: {  	_ =	swait.ge [sflag:s22], $0x2000  }
0xea: {  	[sflag:s22] =	ssyncset.done $0x0  }
0xeb: {  	[sflag:s22] =	ssyncadd.s32 $0xFFFFE000  }
0xec: {  	_ =	swait.ge [sflag:s31], $0x2000  }
0xed: {  	[sflag:s31] =	ssyncset.done $0x0  }
0xee: {  	s14 =	simm.s32 $0x100;
	[sflag:s31] =	ssyncadd.s32 $0xFFFFE000  }
0xef: {  	[tilespmem:s21], [sflag:$0x1] =	stream.indirect.gather [hbm4b:s4+s24], $0x80, s14, s24, $0xb8;
	[tilespmem:$0x1F800] =	vst v63  }
0xf0: {  	s12 =	simm.s32 $0x1480  }
0xf1: {  	[spmem:s2] =	stream.indirect.scatter.add.f32 [tilespmem:s25], [sflag:$0x5], $0x80, s12, s24, $0xb8;
	[tilespmem:$0x1F800] =	vst v63  }
0xf2: {  	_ =	swait.ge [sflag:s22], $0x2000  }
0xf3: {  	[sflag:s22] =	ssyncset.done $0x0  }
0xf4: {  	[sflag:s22] =	ssyncadd.s32 $0xFFFFE000  }
0xf5: {  	_ =	swait.ge [sflag:s1], $0x2000  }
0xf6: {  	[sflag:s1] =	ssyncset.done $0x0  }
0xf7: {  	s13 =	simm.s32 $0x140;
	[sflag:s1] =	ssyncadd.s32 $0xFFFFE000  }
0xf8: {  	[tilespmem:s25], [sflag:$0x2] =	stream.indirect.gather [hbm4b:s4+s24], $0x80, s13, s24, $0xb8;
	[tilespmem:$0x1F800] =	vst v63  }
0xf9: {  	s14 =	simm.s32 $0x1500  }
0xfa: {  	[spmem:s2] =	stream.indirect.scatter.add.f32 [tilespmem:s28], [sflag:$0x5], $0x80, s14, s24, $0xb8;
	[tilespmem:$0x1F800] =	vst v63  }
0xfb: {  	_ =	swait.ge [sflag:s22], $0x2000  }
0xfc: {  	[sflag:s22] =	ssyncset.done $0x0  }
0xfd: {  	[sflag:s22] =	ssyncadd.s32 $0xFFFFE000  }
0xfe: {  	_ =	swait.ge [sflag:s0], $0x2000  }
0xff: {  	[sflag:s0] =	ssyncset.done $0x0  }
0x100: {  	s11 =	simm.s32 $0x180;
	[sflag:s0] =	ssyncadd.s32 $0xFFFFE000  }
0x101: {  	[tilespmem:s28], [sflag:$0x3] =	stream.indirect.gather [hbm4b:s4+s24], $0x80, s11, s24, $0xb8;
	[tilespmem:$0x1F800] =	vst v63  }
0x102: {  	s12 =	simm.s32 $0x1580  }
0x103: {  	[spmem:s2] =	stream.indirect.scatter.add.f32 [tilespmem:s30], [sflag:$0x5], $0x80, s12, s24, $0xb8;
	[tilespmem:$0x1F800] =	vst v63  }
0x104: {  	_ =	swait.ge [sflag:s22], $0x2000  }
0x105: {  	s12 =	simm.s32 $0x800;
	[sflag:s22] =	ssyncset.done $0x0  }
.LBB2_6:
0x106: {  	p0 =	sne.s32 s12, $0x9000;
	[sflag:s22] =	ssyncadd.s32 $0xFFFFE000;
	s11 =	sadd.s32 $0x100, s11  }
0x107: {  	s13 =	smov.u32 s12;
	s12 =	sadd.s32 $0x800, s12  }
0x108: {  	_ =	swait.ge [sflag:s29], $0x2000  }
0x109: {  	[sflag:s29] =	ssyncset.done $0x0  }
0x10a: {  	s14 =	sadd.s32 $0xFFFFFF40, s11;
	s13 =	sshra.s32 s13, $0x2;
	[sflag:s29] =	ssyncadd.s32 $0xFFFFE000  }
0x10b: {  	[tilespmem:s30], [sflag:$0x4] =	stream.indirect.gather [hbm4b:s4+s24], $0x80, s14, s24, $0xb8;
	[tilespmem:$0x1F800] =	vst v63  }
0x10c: {  	s14 =	sadd.s32 $0x1400, s13  }
0x10d: {  	[spmem:s2] =	stream.indirect.scatter.add.f32 [tilespmem:s21], [sflag:$0x5], $0x80, s14, s24, $0xb8;
	[tilespmem:$0x1F800] =	vst v63  }
0x10e: {  	_ =	swait.ge [sflag:s22], $0x2000  }
0x10f: {  	[sflag:s22] =	ssyncset.done $0x0  }
0x110: {  	[sflag:s22] =	ssyncadd.s32 $0xFFFFE000  }
0x111: {  	_ =	swait.ge [sflag:s31], $0x2000  }
0x112: {  	[sflag:s31] =	ssyncset.done $0x0  }
0x113: {  	s14 =	sadd.s32 $0xFFFFFF80, s11;
	[sflag:s31] =	ssyncadd.s32 $0xFFFFE000  }
0x114: {  	[tilespmem:s21], [sflag:$0x1] =	stream.indirect.gather [hbm4b:s4+s24], $0x80, s14, s24, $0xb8;
	[tilespmem:$0x1F800] =	vst v63  }
0x115: {  	s14 =	sadd.s32 $0x1480, s13  }
0x116: {  	[spmem:s2] =	stream.indirect.scatter.add.f32 [tilespmem:s25], [sflag:$0x5], $0x80, s14, s24, $0xb8;
	[tilespmem:$0x1F800] =	vst v63  }
0x117: {  	_ =	swait.ge [sflag:s22], $0x2000  }
0x118: {  	[sflag:s22] =	ssyncset.done $0x0  }
0x119: {  	[sflag:s22] =	ssyncadd.s32 $0xFFFFE000  }
0x11a: {  	_ =	swait.ge [sflag:s1], $0x2000  }
0x11b: {  	[sflag:s1] =	ssyncset.done $0x0  }
0x11c: {  	s14 =	sadd.s32 $0xFFFFFFC0, s11;
	[sflag:s1] =	ssyncadd.s32 $0xFFFFE000  }
0x11d: {  	[tilespmem:s25], [sflag:$0x2] =	stream.indirect.gather [hbm4b:s4+s24], $0x80, s14, s24, $0xb8;
	[tilespmem:$0x1F800] =	vst v63  }
0x11e: {  	s14 =	sadd.s32 $0x1500, s13  }
0x11f: {  	[spmem:s2] =	stream.indirect.scatter.add.f32 [tilespmem:s28], [sflag:$0x5], $0x80, s14, s24, $0xb8;
	[tilespmem:$0x1F800] =	vst v63  }
0x120: {  	_ =	swait.ge [sflag:s22], $0x2000  }
0x121: {  	[sflag:s22] =	ssyncset.done $0x0  }
0x122: {  	[sflag:s22] =	ssyncadd.s32 $0xFFFFE000  }
0x123: {  	_ =	swait.ge [sflag:s0], $0x2000  }
0x124: {  	[sflag:s0] =	ssyncset.done $0x0  }
0x125: {  	[sflag:s0] =	ssyncadd.s32 $0xFFFFE000  }
0x126: {  	[tilespmem:s28], [sflag:$0x3] =	stream.indirect.gather [hbm4b:s4+s24], $0x80, s11, s24, $0xb8;
	[tilespmem:$0x1F800] =	vst v63  }
.Ltmp2:
0x127: {  	_ = 	snop;
	(pc) =	sbr.rel @p0 .LBB2_6-.Ltmp2, $4  }
0x128: {  	s13 =	sadd.s32 $0x1580, s13  }
0x129: {  	[spmem:s2] =	stream.indirect.scatter.add.f32 [tilespmem:s30], [sflag:$0x5], $0x80, s13, s24, $0xb8;
	[tilespmem:$0x1F800] =	vst v63  }
0x12a: {  	_ =	swait.ge [sflag:s22], $0x2000  }
0x12b: {  	[sflag:s22] =	ssyncset.done $0x0  }
0x12c: {  	[sflag:s22] =	ssyncadd.s32 $0xFFFFE000  }
0x12d: {  	_ =	swait.ge [sflag:s29], $0x2000  }
0x12e: {  	[sflag:s29] =	ssyncset.done $0x0  }
0x12f: {  	[sflag:s29] =	ssyncadd.s32 $0xFFFFE000  }
0x130: {  	[tilespmem:s30], [sflag:$0x4] =	stream.indirect.gather [hbm4b:s4+s24], $0x80, s6, s24, $0xb8;
	[tilespmem:$0x1F800] =	vst v63  }
0x131: {  	_ = 	snop  }
0x132: {  	[spmem:s2] =	stream.indirect.scatter.add.f32 [tilespmem:s21], [sflag:$0x5], $0x80, s7, s24, $0xb8;
	[tilespmem:$0x1F800] =	vst v63  }
0x133: {  	_ =	swait.ge [sflag:s22], $0x2000  }
0x134: {  	[sflag:s22] =	ssyncset.done $0x0  }
0x135: {  	[sflag:s22] =	ssyncadd.s32 $0xFFFFE000  }
0x136: {  	_ =	swait.ge [sflag:s31], $0x2000  }
0x137: {  	[sflag:s31] =	ssyncset.done $0x0  }
0x138: {  	[sflag:s31] =	ssyncadd.s32 $0xFFFFE000  }
0x139: {  	[tilespmem:s21], [sflag:$0x1] =	stream.indirect.gather [hbm4b:s4+s24], $0x80, s6, s24, $0xb8;
	[tilespmem:$0x1F800] =	vst v63  }
0x13a: {  	_ = 	snop  }
0x13b: {  	[spmem:s2] =	stream.indirect.scatter.add.f32 [tilespmem:s25], [sflag:$0x5], $0x80, s8, s24, $0xb8;
	[tilespmem:$0x1F800] =	vst v63  }
0x13c: {  	_ =	swait.ge [sflag:s22], $0x2000  }
0x13d: {  	[sflag:s22] =	ssyncset.done $0x0  }
0x13e: {  	[sflag:s22] =	ssyncadd.s32 $0xFFFFE000  }
0x13f: {  	_ =	swait.ge [sflag:s1], $0x2000  }
0x140: {  	[sflag:s1] =	ssyncset.done $0x0  }
0x141: {  	[sflag:s1] =	ssyncadd.s32 $0xFFFFE000  }
0x142: {  	[tilespmem:s25], [sflag:$0x2] =	stream.indirect.gather [hbm4b:s4+s24], $0x80, s6, s24, $0xb8;
	[tilespmem:$0x1F800] =	vst v63  }
0x143: {  	_ = 	snop  }
0x144: {  	[spmem:s2] =	stream.indirect.scatter.add.f32 [tilespmem:s28], [sflag:$0x5], $0x80, s9, s24, $0xb8;
	[tilespmem:$0x1F800] =	vst v63  }
0x145: {  	_ =	swait.ge [sflag:s22], $0x2000  }
0x146: {  	[sflag:s22] =	ssyncset.done $0x0  }
0x147: {  	[sflag:s22] =	ssyncadd.s32 $0xFFFFE000  }
0x148: {  	_ =	swait.ge [sflag:s0], $0x2000  }
0x149: {  	[sflag:s0] =	ssyncset.done $0x0  }
0x14a: {  	[sflag:s0] =	ssyncadd.s32 $0xFFFFE000  }
0x14b: {  	[tilespmem:s28], [sflag:$0x3] =	stream.indirect.gather [hbm4b:s4+s24], $0x80, s6, s24, $0xb8;
	[tilespmem:$0x1F800] =	vst v63  }
0x14c: {  	_ = 	snop  }
0x14d: {  	[spmem:s2] =	stream.indirect.scatter.add.f32 [tilespmem:s30], [sflag:$0x5], $0x80, s10, s24, $0xb8;
	[tilespmem:$0x1F800] =	vst v63  }
0x14e: {  	_ =	swait.ge [sflag:s22], $0x2000  }
0x14f: {  	[sflag:s22] =	ssyncset.done $0x0  }
0x150: {  	[sflag:s22] =	ssyncadd.s32 $0xFFFFE000  }
0x151: {  	_ =	swait.ge [sflag:s29], $0x2000  }
0x152: {  	[sflag:s29] =	ssyncset.done $0x0  }
0x153: {  	[sflag:s29] =	ssyncadd.s32 $0xFFFFE000  }
0x154: {  	_ =	swait.ge [sflag:s31], $0x2000  }
0x155: {  	[sflag:s31] =	ssyncset.done $0x0  }
0x156: {  	[sflag:s31] =	ssyncadd.s32 $0xFFFFE000  }
0x157: {  	s11 =	stileid.u32;
	_ =	swait.ge [sflag:s1], $0x2000  }
0x158: {  	s12 =	sshrl.u32 s5, $0x3;
	s3 =	sadd.s32 $0x1, s3;
	[sflag:s1] =	ssyncset.done $0x0  }
0x159: {  	s11 =	sshll.u32 s11, $0x6;
	p0 =	sne.s32 s3, s20;
	[sflag:s1] =	ssyncadd.s32 $0xFFFFE000  }
.Ltmp3:
0x15a: {  	s11 =	sor.u32 $0x1C05, s11;
	[bflag:$0x0] =	sbarrier.arrive $0xFFFF;
	(pc) =	sbr.rel @p0 .LBB2_1-.Ltmp3, $4  }
0x15b: {  	[hbm:s19], [sflag:s11] =	dma.local [spmem:s12], $0x2780  }
0x15c: {  	_ =	swait.ge [sflag:s22], $0x2780  }
0x15d: {  	[sflag:s22] =	ssyncset.done $0x0  }
0x15e: {  	[sflag:s22] =	ssyncadd.s32 $0xFFFFD880  }
0x15f: {  	_ =	sfence.sel $0x180000  }
0x160: {  	[bflag:$0x0] =	sbarrier.arrive $0xFFFF  }
0x161: {  	_ =	strace $0x9000004D  }
0x162: {  	s0 =	stileid.u32;
	[bflag:$0x2] =	sbarrier.arrive $0xFFFF  }
0x163: {  	p0 =	sne.s32 s0, $0x0;
	s0 =	rddreg [dreg:$0x2]  }
0x164: {  	s0 =	sadd.s32 @!p0 $0x100000, s0  }
0x165: {  	[sflag:s0] =	ssyncadd.tile.s32 @!p0 $0x1;
	_ =	shalt  }
.Lfunc_end2:
_tile_overlayer_lowered:
.L_overlay_start_2:
0x166: {  	(tag) =	ssettag $0x2  }
0x167: {  	s0 =	rddreg [dreg:$0x0];
	s2 =	stileid.u32  }
0x168: {  	s1 =	rddreg [dreg:$0x1];
	p0 =	sne.s32 s2, $0x0  }
0x169: {  	s3 =	rddreg [dreg:$0x2];
	[bflag:$0x3] =	sbarrier.arrive $0xFFFF;
	s2 =	simm.s32 @!p0 $0x1C05  }
0x16a: {  	[timem:s3], [sflag:s2] =	dma.local @!p0 [hbm:s0], s1  }
0x16b: {  	s0 =	simm.s32 @!p0 $0x5  }
0x16c: {  	_ =	swait.ge @!p0 [sflag:s0], s1  }
0x16d: {  	s1 =	ssub.s32 @!p0 $0x0, s1;
	[sflag:s0] =	ssyncset.done @!p0 $0x0  }
0x16e: {  	[sflag:s0] =	ssyncadd.s32 @!p0 s1  }
0x16f: {  	[bflag:$0x3] =	sbarrier.arrive $0xFFFF  }
0x170: {  	_ =	shalt  }

// kernel: kernel.19.cloned.1.call-start
scs
__scs_entry_jumppad:
0x0: {  	(pc) =	sbr.rel $0x88, $3  }
0x1: {  	(tag) =	ssettag $0x0;
	lr =	simm.s32 $0x1  }
0x2: {  	[smem:$0x3F96] =	sst lr;
	_ =	strace $0xD0000000  }
0x3: {  	_ = 	snop  }
0x4: {  	_ = 	snop  }
0x5: {  	_ = 	snop  }
0x6: {  	_ = 	snop  }
0x7: {  	_ = 	snop  }
__scs_overlays_trampoline_lowered:
0x8: {  	[smem:$0x3FA5] =	sst s0  }
0x9: {  	[smem:$0x3FA6] =	sst s1  }
0xa: {  	[smem:$0x3FA7] =	sst s2  }
0xb: {  	[smem:$0x3FA8] =	sst s3  }
0xc: {  	[smem:$0x3FA9] =	sst s4  }
0xd: {  	[smem:$0x3FAA] =	sst s5  }
0xe: {  	[smem:$0x3FAB] =	sst s6  }
0xf: {  	[smem:$0x3FAC] =	sst s7  }
0x10: {  	[smem:$0x3FAD] =	sst s8  }
0x11: {  	[smem:$0x3FAE] =	sst s9;
	s0 =	simm.s32 @!p0 $0x0  }
0x12: {  	s1 =	sld [smem:$0x3F94];
	s0 =	simm.s32 @p0 $0x1  }
0x13: {  	[smem:$0x3FAF] =	sst s0;
	s0 =	simm.s32 @!p1 $0x0  }
0x14: {  	s2 =	sld [smem:$0x3F93];
	s0 =	simm.s32 @p1 $0x1  }
0x15: {  	[smem:$0x3FB0] =	sst s0;
	s0 =	simm.s32 @!p2 $0x0  }
0x16: {  	s3 =	sld [smem:$0x3FDB];
	s0 =	simm.s32 @p2 $0x1  }
0x17: {  	s4 =	simm.s32 $0x1BF5;
	[smem:$0x3FB2] =	sst s0  }
0x18: {  	s0 =	sld [smem:$0x3F95];
	_ =	swait.ge [sflag:s4], $0x0  }
0x19: {  	s7 =	sld [smem:$0x3F96]  }
0x1a: {  	s8 =	sadd.s32 $0xFFFFE003, lr  }
0x1b: {  	s9 =	sadd.s32 $0xFFFFFEF7, lr;
	s5 =	simm.s32 $0xFFFFFFFF;
	p2 =	slt.u32 s8, $0xFFFFF086  }
0x1c: {  	p1 =	slt.u32 s9, $0xF7A;
	s5 =	simm.s32 @!p2 $0x0  }
0x1d: {  	s5 =	simm.s32 @p1 $0x1;
	p0 =	seq.s32 s7, s2  }
0x1e: {  	s7 =	smul.u32 @!p0 $0xF7A, s2;
	p2 =	seq.s32 @!p0 s5, $0x0  }
0x1f: {  	s9 =	smul.u32 $0xF7A, s1;
	s8 =	simm.s32 @!p0 $0x1BF5;
	p2 =	por !p2, p0  }
0x20: {  	[sflag:s8] =	ssyncset.s32 @!p0 $0xFFFFF086;
	s6 =	sadd.s32 @!p0 s3, s7;
	s7 =	simm.s32 @!p0 $0x108  }
0x21: {  	s3 =	sadd.s32 s3, s9;
	s6 =	sadd.s32 @!p0 $0x88, s6;
	s7 =	simm.s32 @p2 $0x1082  }
0x22: {  	[simem:s7], [sflag:s8] =	dma.local @!p0 [hbm:s6], $0xF7A  }
0x23: {  	s9 =	sor.u32 $0xD0000000, s2;
	s6 =	simm.s32 $0x108;
	_ =	swait.ge @!p0 [sflag:s8], $0x0  }
0x24: {  	s3 =	sadd.s32 $0x88, s3;
	s6 =	simm.s32 @!p1 $0x1082;
	[sflag:s4] =	ssyncset.s32 $0xFFFFF086  }
0x25: {  	[simem:s6], [sflag:s4] =	dma.local [hbm:s3], $0xF7A  }
0x26: {  	[smem:$0x3F96] =	sst s1;
	(tag) =	ssettag s2;
	_ =	strace s9  }
0x27: {  	s1 =	sld [smem:$0x3FA6]  }
0x28: {  	s2 =	sld [smem:$0x3FA7]  }
0x29: {  	s4 =	sld [smem:$0x3FA9]  }
0x2a: {  	p0 =	seq.s32 s5, $0x0;
	s5 =	sld [smem:$0x3FAA]  }
0x2b: {  	s6 =	sld [smem:$0x3FAB]  }
0x2c: {  	s7 =	sld [smem:$0x3FAC]  }
0x2d: {  	s3 =	simm.s32 $0x108;
	s8 =	sld [smem:$0x3FAD]  }
0x2e: {  	s3 =	simm.s32 @!p0 $0x1082;
	s9 =	sld [smem:$0x3FAE]  }
0x2f: {  	lr =	sadd.s32 s0, s3;
	s0 =	sld [smem:$0x3FA5]  }
0x30: {  	s3 =	sld [smem:$0x3FA8]  }
0x31: {  	[smem:$0x3FB1] =	sst s10  }
0x32: {  	s10 =	sld [smem:$0x3FAF];
	_ =	sdelay $0x3  }
0x33: {  	p0 =	seq.s32 s10, $0x1;
	s10 =	sld [smem:$0x3FB1];
	_ =	sdelay $0x3  }
0x34: {  	[smem:$0x3FB1] =	sst s10  }
0x35: {  	s10 =	sld [smem:$0x3FB0];
	_ =	sdelay $0x3  }
0x36: {  	p1 =	seq.s32 s10, $0x1;
	s10 =	sld [smem:$0x3FB1];
	_ =	sdelay $0x3  }
0x37: {  	[smem:$0x3FB1] =	sst s10  }
0x38: {  	s10 =	sld [smem:$0x3FB2]  }
0x39: {  	_ = 	snop;
	(pc) =	sbr.ind lr, $3  }
0x3a: {  	_ = 	snop  }
0x3b: {  	_ = 	snop  }
0x3c: {  	p2 =	seq.s32 s10, $0x1;
	s10 =	sld [smem:$0x3FB1]  }
0x3d: {  	_ =	shalt  }
0x3e: {  	_ =	shalt  }
0x3f: {  	_ =	shalt  }
0x40: {  	_ =	shalt  }
0x41: {  	_ =	shalt  }
0x42: {  	_ =	shalt  }
0x43: {  	_ =	shalt  }
0x44: {  	_ =	shalt  }
0x45: {  	_ =	shalt  }
0x46: {  	_ =	shalt  }
0x47: {  	_ =	shalt  }
0x48: {  	_ =	shalt  }
0x49: {  	_ =	shalt  }
0x4a: {  	_ =	shalt  }
0x4b: {  	_ =	shalt  }
0x4c: {  	_ =	shalt  }
0x4d: {  	_ =	shalt  }
0x4e: {  	_ =	shalt  }
0x4f: {  	_ =	shalt  }
0x50: {  	_ =	shalt  }
0x51: {  	_ =	shalt  }
0x52: {  	_ =	shalt  }
0x53: {  	_ =	shalt  }
0x54: {  	_ =	shalt  }
0x55: {  	_ =	shalt  }
0x56: {  	_ =	shalt  }
0x57: {  	_ =	shalt  }
0x58: {  	_ =	shalt  }
0x59: {  	_ =	shalt  }
0x5a: {  	_ =	shalt  }
0x5b: {  	_ =	shalt  }
0x5c: {  	_ =	shalt  }
0x5d: {  	_ =	shalt  }
0x5e: {  	_ =	shalt  }
0x5f: {  	_ =	shalt  }
0x60: {  	_ =	shalt  }
0x61: {  	_ =	shalt  }
0x62: {  	_ =	shalt  }
0x63: {  	_ =	shalt  }
0x64: {  	_ =	shalt  }
0x65: {  	_ =	shalt  }
0x66: {  	_ =	shalt  }
0x67: {  	_ =	shalt  }
0x68: {  	_ =	shalt  }
0x69: {  	_ =	shalt  }
0x6a: {  	_ =	shalt  }
0x6b: {  	_ =	shalt  }
0x6c: {  	_ =	shalt  }
0x6d: {  	_ =	shalt  }
0x6e: {  	_ =	shalt  }
0x6f: {  	_ =	shalt  }
0x70: {  	_ =	shalt  }
0x71: {  	_ =	shalt  }
0x72: {  	_ =	shalt  }
0x73: {  	_ =	shalt  }
0x74: {  	_ =	shalt  }
0x75: {  	_ =	shalt  }
0x76: {  	_ =	shalt  }
0x77: {  	_ =	shalt  }
0x78: {  	_ =	shalt  }
0x79: {  	_ =	shalt  }
0x7a: {  	_ =	shalt  }
0x7b: {  	_ =	shalt  }
0x7c: {  	_ =	shalt  }
0x7d: {  	_ =	shalt  }
0x7e: {  	_ =	shalt  }
0x7f: {  	_ =	shalt  }
0x80: {  	_ =	shalt  }
0x81: {  	_ =	shalt  }
0x82: {  	_ =	shalt  }
0x83: {  	_ =	shalt  }
0x84: {  	_ =	shalt  }
0x85: {  	_ =	shalt  }
0x86: {  	_ =	shalt  }
0x87: {  	_ =	shalt  }
.Lfunc_end0:
.L_simem_size_0:
called_computation.3_lowered:
.L_overlay_start_0:
0x88: {  	s2 =	sld [smem:$0x3FD9]  }
0x89: {  	s3 =	sld [smem:$0x3FFE];
	_ =	sdelay $0x1  }
0x8a: {  	s1 =	srdreg.scid  }
0x8b: {  	s0 =	sand.u32 $0x1, s1  }
0x8c: {  	s16 =	sshll.u32 s0, $0xA;
	s2 =	sadd.s32 s3, s2  }
0x8d: {  	s2 =	sadd.s32 s2, s16  }
0x8e: {  	[smem:$0x3FBD] =	sst s2  }
0x8f: {  	_ = 	snop  }
0x90: {  	(tm) =	ssettm $0x1  }
0x91: {  	s17 =	sld [smem:$0x3FFB];
	_ =	sdelay $0x3  }
0x92: {  	_ =	strace s17  }
0x93: {  	s2 =	sld [smem:$0x3FFC];
	_ =	sdelay $0x3  }
0x94: {  	_ =	strace s2  }
0x95: {  	s2 =	sld [smem:$0x3FFD];
	_ =	sdelay $0x3  }
0x96: {  	_ =	strace s2  }
0x97: {  	_ =	strace $0x8FFFFFFF  }
0x98: {  	s18 =	sld [smem:$0x3FDB];
	_ =	sdelay $0x1  }
0x99: {  	s19 =	simm.s32 $_scs_section_size  }
0x9a: {  	s4 =	simm.s32 $_size__tile_overlayer_lowered;
	s5 =	simm.s32 $_tile_overlayer_lowered  }
0x9b: {  	s22 =	simm.s32 $0x1BFF;
	s21 =	sshll.u32 s5, $0x1;
	s2 =	sadd.s32 s19, s18  }
0x9c: {  	s6 =	simm.s32 $0x0;
	s20 =	sshll.u32 s4, $0x1;
	s4 =	sadd.s32 s21, s2  }
0x9d: {  	[timem:s6], [sflag:s22] =	dma.local [hbm:s4], s20  }
0x9e: {  	_ =	swait.ge [sflag:s22], s20  }
0x9f: {  	s3 =	ssub.s32 $0x0, s20;
	[sflag:s22] =	ssyncset.done $0x0  }
0xa0: {  	[sflag:s22] =	ssyncadd.s32 s3;
	_ =	sdelay $0x1  }
0xa1: {  	s23 =	simm.s32 $0x1B8B  }
0xa2: {  	_ =	swait.ge [sflag:s23], $0x1  }
0xa3: {  	[sflag:s23] =	ssyncset.done $0x0  }
0xa4: {  	s25 =	simm.s32 $0x1B8E;
	s24 =	sld [smem:$0x3FFE];
	[sflag:s23] =	ssyncadd.s32 $0xFFFFFFFF  }
0xa5: {  	s26 =	simm.s32 $execute0_lowered;
	[smem:$0x3FD2] =	sst s25  }
0xa6: {  	s4 =	sshll.u32 s26, $0x1;
	_ =	strace $0x8000004F;
	[dreg:$0x1] =	wrdreg $0xFFFFFFFF  }
0xa7: {  	s28 =	simm.s32 $_size_execute0_lowered;
	s2 =	sadd.s32 s2, s4;
	[dreg:$0x0] =	wrdreg $0x0  }
0xa8: {  	s4 =	sshll.u32 s28, $0x1;
	[dreg:$0x2] =	wrdreg s2  }
0xa9: {  	[dreg:$0x3] =	wrdreg s4  }
0xaa: {  	[dreg:$0x4] =	wrdreg $0xC0  }
0xab: {  	_ =	task [dreg:s6], $0x5FFFF  }
0xac: {  	[dreg:$0x1] =	wrdreg $0xFFFFFFFF  }
0xad: {  	[dreg:$0x0] =	wrdreg $0x60  }
0xae: {  	[dreg:$0x2] =	wrdreg s24  }
0xaf: {  	[dreg:$0x3] =	wrdreg $0xBC000  }
0xb0: {  	[dreg:$0x4] =	wrdreg $0x9  }
0xb1: {  	_ =	task.clear_ibuf [dreg:s6], $0x5FFFF;
	_ =	strace $0x9000004F  }
0xb2: {  	s29 =	simm.s32 $0x9;
	_ =	strace $0x80000051  }
0xb3: {  	_ =	swait.ge [sflag:s29], $0x1  }
0xb4: {  	[sflag:s29] =	ssyncadd.s32 $0xFFFFFFFF  }
0xb5: {  	_ =	strace $0x90000051  }
0xb6: {  	_ =	sfence  }
0xb7: {  	s30 =	sld [smem:$0x0];
	_ =	sdelay $0x2  }
0xb8: {  	s31 =	sshll.u32 s1, $0xD;
	s1 =	sshrl.u32 s1, $0x2  }
0xb9: {  	s3 =	sand.u32 $0x4000, s31;
	s1 =	sadd.s32 s1, s30  }
0xba: {  	s0 =	sor.u32 s3, s0;
	s1 =	sshll.u32 s1, $0x11  }
0xbb: {  	s0 =	sor.u32 s1, s0  }
0xbc: {  	s0 =	sadd.s32 $0x8F2B, s0  }
0xbd: {  	[sflag:s0] =	ssyncadd.remote.s32 $0x1  }
0xbe: {  	_ =	sfence.sel $0xFFFF  }
0xbf: {  	[dreg:$0x0] =	wrdreg $0xFFFFFFFF;
	(pc) =	sbr.abs _section_cstart, $3  }
0xc0: {  	[dreg:$0x1] =	wrdreg $0xFFFFFFFF  }
0xc1: {  	_ =	task.clear_ibuf [dreg:s6], $0x2FFFF;
	_ =	strace $0x9FFFFFFF  }
0xc2: {  	(tm) =	ssettm $0x7FFFFFFF  }
0xc3: {  	_ =	shalt  }
tec
execute0_lowered:
.L_overlay_start_1:
0x0: {  	(tag) =	ssettag $0x1  }
0x1: {  	s0 =	srdreg.scid;
	s5 =	rddreg [dreg:$0x0]  }
0x2: {  	s9 =	stileid.u32;
	s2 =	rddreg [dreg:$0x1];
	s3 =	simm.s32 $0x0  }
0x3: {  	s28 =	simm.s32 $0x7C00;
	s0 =	sand.u32 $0x1, s0;
	s6 =	smul.u32 $0x2780, s9  }
0x4: {  	s29 =	simm.s32 $0x1;
	s1 =	sshll.u32 s0, $0x4;
	s7 =	smul.u32 $0x27800, s0  }
0x5: {  	s30 =	simm.s32 $0x9C00;
	s1 =	sor.u32 s9, s1;
	s9 =	smul.u32 $0x4F000, s9  }
0x6: {  	s31 =	simm.s32 $0x2;
	s10 =	simm.s32 $0x3B80;
	s4 =	smul.u32 $0x2800, s1  }
0x7: {  	[smem:$0x7FF] =	sst s3;
	s1 =	smul.u32 $0x5000, s1;
	s6 =	sadd.s32 s6, s7  }
0x8: {  	s0 =	ssub.s32 $0x2, s0;
	s17 =	sshrl.u32 s9, $0x2;
	s6 =	sadd.s32 s6, s5  }
0x9: {  	s8 =	sshrl.u32 s4, $0x3;
	s1 =	sshrl.u32 s1, $0x3;
	s4 =	sadd.s32 $0x7C000, s5  }
0xa: {  	s8 =	sadd.s32 s8, s5;
	s1 =	sadd.s32 s1, s5;
	s5 =	sadd.s32 s17, s2  }
0xb: {  	_ =	strace $0x80000050;
	s18 =	sshrl.u32 s0, $0x1;
	s7 =	sadd.s32 $0x2000, s5  }
0xc: {  	s0 =	ssub.s32 s0, s18;
	s19 =	sadd.s32 $0x4000, s5;
	[dreg:$0x3] =	wrdreg s7  }
0xd: {  	s9 =	simm.s32 $0x3B00;
	s20 =	sadd.s32 $0x6000, s5;
	[dreg:$0x4] =	wrdreg s19  }
0xe: {  	s21 =	sadd.s32 $0x8000, s5;
	s22 =	sadd.s32 $0xA000, s5;
	[dreg:$0x5] =	wrdreg s20  }
0xf: {  	s23 =	sadd.s32 $0xC000, s5;
	s24 =	sadd.s32 $0xE000, s5;
	[dreg:$0x6] =	wrdreg s21  }
0x10: {  	s25 =	sadd.s32 $0x10000, s5;
	s26 =	sadd.s32 $0x12000, s5;
	[dreg:$0x7] =	wrdreg s22  }
0x11: {  	s15 =	sadd.s32 $0xF000, s8;
	s16 =	sadd.s32 $0x68000, s1;
	[dreg:$0x8] =	wrdreg s23  }
0x12: {  	s17 =	sadd.s32 $0xF280, s8;
	s18 =	sadd.s32 $0x68500, s1;
	[dreg:$0x9] =	wrdreg s24  }
0x13: {  	s1 =	simm.s32 $0x3;
	s8 =	simm.s32 $0x3A80;
	[dreg:$0xa] =	wrdreg s25  }
0x14: {  	[dreg:$0xb] =	wrdreg s26;
	s19 =	sadd.s32 $0xA3200, s6;
	s20 =	smax.u32 s0, $0x1  }
0x15: {  	s21 =	simm.s32 $0x3C00;
	s22 =	simm.s32 $0x5;
	s23 =	simm.s32 $0x1400  }
0x16: {  	s24 =	simm.s32 $0x40;
	s25 =	simm.s32 $0x5C00;
	s26 =	simm.s32 $0x80  }
0x17: {  	v0 =	vimm.f32 $0.0e+00;
	s0 =	simm.s32 $0x4;
	s6 =	simm.s32 $0x13C0;
	s7 =	simm.s32 $0x3A00  }
.LBB2_1:
0x18: {  	s11 =	simm.s32 $0x0;
	s12 =	simm.s32 $0x200  }
.LBB2_2:
0x19: {  	p0 =	sne.s32 s12, $0x7E00;
	[tilespmem:s11+$0x3C70] =	vst v0  }
0x1a: {  	[tilespmem:s11+$0x3C00] =	vst v0  }
0x1b: {  	[tilespmem:s11+$0x3C10] =	vst v0  }
.Ltmp0:
0x1c: {  	[tilespmem:s11+$0x3C20] =	vst v0;
	(pc) =	sbr.rel @p0 .LBB2_2-.Ltmp0, $4  }
0x1d: {  	[tilespmem:s11+$0x3C30] =	vst v0  }
0x1e: {  	[tilespmem:s11+$0x3C40] =	vst v0  }
0x1f: {  	[tilespmem:s11+$0x3C50] =	vst v0  }
0x20: {  	[tilespmem:s11+$0x3C60] =	vst v0;
	s11 =	sshra.s32 s12, $0x2;
	s12 =	sadd.s32 $0x200, s12  }
0x21: {  	[tilespmem:s11+$0x3C70] =	vst v0  }
0x22: {  	[tilespmem:s11+$0x3C00] =	vst v0  }
0x23: {  	[tilespmem:s11+$0x3C10] =	vst v0  }
0x24: {  	[tilespmem:s11+$0x3C20] =	vst v0  }
0x25: {  	[tilespmem:s11+$0x3C30] =	vst v0  }
0x26: {  	[tilespmem:s11+$0x3C40] =	vst v0  }
0x27: {  	[tilespmem:s11+$0x3C50] =	vst v0  }
0x28: {  	[tilespmem:s11+$0x3C60] =	vst v0  }
0x29: {  	[spmem:s5] =	stream.linear.scatter [tilespmem:s21], [sflag:$0x5], $0x2000, $0x38;
	[tilespmem:$0x1F800] =	vst v63  }
0x2a: {  	_ =	swait.ge [sflag:s22], $0x2000  }
0x2b: {  	[sflag:s22] =	ssyncset.done $0x0  }
0x2c: {  	s14 =	rddreg [dreg:$0x3];
	[sflag:s22] =	ssyncadd.s32 $0xFFFFE000  }
0x2d: {  	[spmem:s14] =	stream.linear.scatter [tilespmem:s21], [sflag:$0x5], $0x2000, $0x38;
	[tilespmem:$0x1F800] =	vst v63  }
0x2e: {  	_ =	swait.ge [sflag:s22], $0x2000  }
0x2f: {  	[sflag:s22] =	ssyncset.done $0x0  }
0x30: {  	s12 =	rddreg [dreg:$0x4];
	[sflag:s22] =	ssyncadd.s32 $0xFFFFE000  }
0x31: {  	[spmem:s12] =	stream.linear.scatter [tilespmem:s21], [sflag:$0x5], $0x2000, $0x38;
	[tilespmem:$0x1F800] =	vst v63  }
0x32: {  	_ =	swait.ge [sflag:s22], $0x2000  }
0x33: {  	[sflag:s22] =	ssyncset.done $0x0  }
0x34: {  	s13 =	rddreg [dreg:$0x5];
	[sflag:s22] =	ssyncadd.s32 $0xFFFFE000  }
0x35: {  	[spmem:s13] =	stream.linear.scatter [tilespmem:s21], [sflag:$0x5], $0x2000, $0x38;
	[tilespmem:$0x1F800] =	vst v63  }
0x36: {  	_ =	swait.ge [sflag:s22], $0x2000  }
0x37: {  	[sflag:s22] =	ssyncset.done $0x0  }
0x38: {  	s14 =	rddreg [dreg:$0x6];
	[sflag:s22] =	ssyncadd.s32 $0xFFFFE000  }
0x39: {  	[spmem:s14] =	stream.linear.scatter [tilespmem:s21], [sflag:$0x5], $0x2000, $0x38;
	[tilespmem:$0x1F800] =	vst v63  }
0x3a: {  	_ =	swait.ge [sflag:s22], $0x2000  }
0x3b: {  	[sflag:s22] =	ssyncset.done $0x0  }
0x3c: {  	s12 =	rddreg [dreg:$0x7];
	[sflag:s22] =	ssyncadd.s32 $0xFFFFE000  }
0x3d: {  	[spmem:s12] =	stream.linear.scatter [tilespmem:s21], [sflag:$0x5], $0x2000, $0x38;
	[tilespmem:$0x1F800] =	vst v63  }
0x3e: {  	_ =	swait.ge [sflag:s22], $0x2000  }
0x3f: {  	[sflag:s22] =	ssyncset.done $0x0  }
0x40: {  	s13 =	rddreg [dreg:$0x8];
	[sflag:s22] =	ssyncadd.s32 $0xFFFFE000  }
0x41: {  	[spmem:s13] =	stream.linear.scatter [tilespmem:s21], [sflag:$0x5], $0x2000, $0x38;
	[tilespmem:$0x1F800] =	vst v63  }
0x42: {  	_ =	swait.ge [sflag:s22], $0x2000  }
0x43: {  	[sflag:s22] =	ssyncset.done $0x0  }
0x44: {  	s14 =	rddreg [dreg:$0x9];
	[sflag:s22] =	ssyncadd.s32 $0xFFFFE000  }
0x45: {  	[spmem:s14] =	stream.linear.scatter [tilespmem:s21], [sflag:$0x5], $0x2000, $0x38;
	[tilespmem:$0x1F800] =	vst v63  }
0x46: {  	_ =	swait.ge [sflag:s22], $0x2000  }
0x47: {  	[sflag:s22] =	ssyncset.done $0x0  }
0x48: {  	s12 =	rddreg [dreg:$0xa];
	[sflag:s22] =	ssyncadd.s32 $0xFFFFE000  }
0x49: {  	[spmem:s12] =	stream.linear.scatter [tilespmem:s21], [sflag:$0x5], $0x2000, $0x38;
	[tilespmem:$0x1F800] =	vst v63  }
0x4a: {  	_ =	swait.ge [sflag:s22], $0x2000  }
0x4b: {  	[sflag:s22] =	ssyncset.done $0x0  }
0x4c: {  	s13 =	rddreg [dreg:$0xb];
	[sflag:s22] =	ssyncadd.s32 $0xFFFFE000  }
0x4d: {  	[spmem:s13] =	stream.linear.scatter [tilespmem:s21], [sflag:$0x5], $0x1C00, $0x38;
	[tilespmem:$0x1F800] =	vst v63  }
0x4e: {  	_ =	swait.ge [sflag:s22], $0x1C00  }
0x4f: {  	[sflag:s22] =	ssyncset.done $0x0  }
0x50: {  	[sflag:s22] =	ssyncadd.s32 $0xFFFFE400  }
0x51: {  	s14 =	simm.s32 $0x0;
	[bflag:$0x0] =	sbarrier.arrive $0xFFFF  }
0x52: {  	[tilespmem:s14], [sflag:$0x5] =	stream.linear.gather [hbm4b:s15+s14], $0x1400, $0x38;
	[tilespmem:$0x1F800] =	vst v63  }
0x53: {  	_ =	swait.ge [sflag:s22], $0x1400  }
0x54: {  	[sflag:s22] =	ssyncset.done $0x0  }
0x55: {  	[sflag:s22] =	ssyncadd.s32 $0xFFFFEC00  }
0x56: {  	[tilespmem:s23], [sflag:$0x5] =	stream.linear.gather [hbm4b:s16+s14], $0x2800, $0x38;
	[tilespmem:$0x1F800] =	vst v63  }
0x57: {  	_ =	swait.ge [sflag:s22], $0x2800  }
0x58: {  	[sflag:s22] =	ssyncset.done $0x0  }
0x59: {  	[sflag:s22] =	ssyncadd.s32 $0xFFFFD800  }
0x5a: {  	[tilespmem:s21], [sflag:$0x1] =	stream.indirect.gather [hbm4b:s4+s24], $0x80, s14, s24, $0xb8;
	[tilespmem:$0x1F800] =	vst v63  }
0x5b: {  	_ = 	snop  }
0x5c: {  	[tilespmem:s25], [sflag:$0x2] =	stream.indirect.gather [hbm4b:s4+s24], $0x80, s24, s24, $0xb8;
	[tilespmem:$0x1F800] =	vst v63  }
0x5d: {  	_ = 	snop  }
0x5e: {  	[tilespmem:s28], [sflag:$0x3] =	stream.indirect.gather [hbm4b:s4+s24], $0x80, s26, s24, $0xb8;
	[tilespmem:$0x1F800] =	vst v63  }
0x5f: {  	_ =	swait.ge [sflag:s29], $0x2000  }
0x60: {  	[sflag:s29] =	ssyncset.done $0x0  }
0x61: {  	s12 =	simm.s32 $0xC0;
	[sflag:s29] =	ssyncadd.s32 $0xFFFFE000  }
0x62: {  	[tilespmem:s30], [sflag:$0x4] =	stream.indirect.gather [hbm4b:s4+s24], $0x80, s12, s24, $0xb8;
	[tilespmem:$0x1F800] =	vst v63  }
0x63: {  	s13 =	simm.s32 $0x1400  }
0x64: {  	[spmem:s2] =	stream.indirect.scatter.add.f32 [tilespmem:s21], [sflag:$0x5], $0x80, s13, s24, $0xb8;
	[tilespmem:$0x1F800] =	vst v63  }
0x65: {  	_ =	swait.ge [sflag:s22], $0x2000  }
0x66: {  	[sflag:s22] =	ssyncset.done $0x0  }
0x67: {  	[sflag:s22] =	ssyncadd.s32 $0xFFFFE000  }
0x68: {  	_ =	swait.ge [sflag:s31], $0x2000  }
0x69: {  	[sflag:s31] =	ssyncset.done $0x0  }
0x6a: {  	s14 =	simm.s32 $0x100;
	[sflag:s31] =	ssyncadd.s32 $0xFFFFE000  }
0x6b: {  	[tilespmem:s21], [sflag:$0x1] =	stream.indirect.gather [hbm4b:s4+s24], $0x80, s14, s24, $0xb8;
	[tilespmem:$0x1F800] =	vst v63  }
0x6c: {  	s12 =	simm.s32 $0x1480  }
0x6d: {  	[spmem:s2] =	stream.indirect.scatter.add.f32 [tilespmem:s25], [sflag:$0x5], $0x80, s12, s24, $0xb8;
	[tilespmem:$0x1F800] =	vst v63  }
0x6e: {  	_ =	swait.ge [sflag:s22], $0x2000  }
0x6f: {  	[sflag:s22] =	ssyncset.done $0x0  }
0x70: {  	[sflag:s22] =	ssyncadd.s32 $0xFFFFE000  }
0x71: {  	_ =	swait.ge [sflag:s1], $0x2000  }
0x72: {  	[sflag:s1] =	ssyncset.done $0x0  }
0x73: {  	s13 =	simm.s32 $0x140;
	[sflag:s1] =	ssyncadd.s32 $0xFFFFE000  }
0x74: {  	[tilespmem:s25], [sflag:$0x2] =	stream.indirect.gather [hbm4b:s4+s24], $0x80, s13, s24, $0xb8;
	[tilespmem:$0x1F800] =	vst v63  }
0x75: {  	s14 =	simm.s32 $0x1500  }
0x76: {  	[spmem:s2] =	stream.indirect.scatter.add.f32 [tilespmem:s28], [sflag:$0x5], $0x80, s14, s24, $0xb8;
	[tilespmem:$0x1F800] =	vst v63  }
0x77: {  	_ =	swait.ge [sflag:s22], $0x2000  }
0x78: {  	[sflag:s22] =	ssyncset.done $0x0  }
0x79: {  	[sflag:s22] =	ssyncadd.s32 $0xFFFFE000  }
0x7a: {  	_ =	swait.ge [sflag:s0], $0x2000  }
0x7b: {  	[sflag:s0] =	ssyncset.done $0x0  }
0x7c: {  	s11 =	simm.s32 $0x180;
	[sflag:s0] =	ssyncadd.s32 $0xFFFFE000  }
0x7d: {  	[tilespmem:s28], [sflag:$0x3] =	stream.indirect.gather [hbm4b:s4+s24], $0x80, s11, s24, $0xb8;
	[tilespmem:$0x1F800] =	vst v63  }
0x7e: {  	s12 =	simm.s32 $0x1580  }
0x7f: {  	[spmem:s2] =	stream.indirect.scatter.add.f32 [tilespmem:s30], [sflag:$0x5], $0x80, s12, s24, $0xb8;
	[tilespmem:$0x1F800] =	vst v63  }
0x80: {  	_ =	swait.ge [sflag:s22], $0x2000  }
0x81: {  	s12 =	simm.s32 $0x800;
	[sflag:s22] =	ssyncset.done $0x0  }
.LBB2_4:
0x82: {  	p0 =	sne.s32 s12, $0x9000;
	[sflag:s22] =	ssyncadd.s32 $0xFFFFE000;
	s11 =	sadd.s32 $0x100, s11  }
0x83: {  	s13 =	smov.u32 s12;
	s12 =	sadd.s32 $0x800, s12  }
0x84: {  	_ =	swait.ge [sflag:s29], $0x2000  }
0x85: {  	[sflag:s29] =	ssyncset.done $0x0  }
0x86: {  	s14 =	sadd.s32 $0xFFFFFF40, s11;
	s13 =	sshra.s32 s13, $0x2;
	[sflag:s29] =	ssyncadd.s32 $0xFFFFE000  }
0x87: {  	[tilespmem:s30], [sflag:$0x4] =	stream.indirect.gather [hbm4b:s4+s24], $0x80, s14, s24, $0xb8;
	[tilespmem:$0x1F800] =	vst v63  }
0x88: {  	s14 =	sadd.s32 $0x1400, s13  }
0x89: {  	[spmem:s2] =	stream.indirect.scatter.add.f32 [tilespmem:s21], [sflag:$0x5], $0x80, s14, s24, $0xb8;
	[tilespmem:$0x1F800] =	vst v63  }
0x8a: {  	_ =	swait.ge [sflag:s22], $0x2000  }
0x8b: {  	[sflag:s22] =	ssyncset.done $0x0  }
0x8c: {  	[sflag:s22] =	ssyncadd.s32 $0xFFFFE000  }
0x8d: {  	_ =	swait.ge [sflag:s31], $0x2000  }
0x8e: {  	[sflag:s31] =	ssyncset.done $0x0  }
0x8f: {  	s14 =	sadd.s32 $0xFFFFFF80, s11;
	[sflag:s31] =	ssyncadd.s32 $0xFFFFE000  }
0x90: {  	[tilespmem:s21], [sflag:$0x1] =	stream.indirect.gather [hbm4b:s4+s24], $0x80, s14, s24, $0xb8;
	[tilespmem:$0x1F800] =	vst v63  }
0x91: {  	s14 =	sadd.s32 $0x1480, s13  }
0x92: {  	[spmem:s2] =	stream.indirect.scatter.add.f32 [tilespmem:s25], [sflag:$0x5], $0x80, s14, s24, $0xb8;
	[tilespmem:$0x1F800] =	vst v63  }
0x93: {  	_ =	swait.ge [sflag:s22], $0x2000  }
0x94: {  	[sflag:s22] =	ssyncset.done $0x0  }
0x95: {  	[sflag:s22] =	ssyncadd.s32 $0xFFFFE000  }
0x96: {  	_ =	swait.ge [sflag:s1], $0x2000  }
0x97: {  	[sflag:s1] =	ssyncset.done $0x0  }
0x98: {  	s14 =	sadd.s32 $0xFFFFFFC0, s11;
	[sflag:s1] =	ssyncadd.s32 $0xFFFFE000  }
0x99: {  	[tilespmem:s25], [sflag:$0x2] =	stream.indirect.gather [hbm4b:s4+s24], $0x80, s14, s24, $0xb8;
	[tilespmem:$0x1F800] =	vst v63  }
0x9a: {  	s14 =	sadd.s32 $0x1500, s13  }
0x9b: {  	[spmem:s2] =	stream.indirect.scatter.add.f32 [tilespmem:s28], [sflag:$0x5], $0x80, s14, s24, $0xb8;
	[tilespmem:$0x1F800] =	vst v63  }
0x9c: {  	_ =	swait.ge [sflag:s22], $0x2000  }
0x9d: {  	[sflag:s22] =	ssyncset.done $0x0  }
0x9e: {  	[sflag:s22] =	ssyncadd.s32 $0xFFFFE000  }
0x9f: {  	_ =	swait.ge [sflag:s0], $0x2000  }
0xa0: {  	[sflag:s0] =	ssyncset.done $0x0  }
0xa1: {  	[sflag:s0] =	ssyncadd.s32 $0xFFFFE000  }
0xa2: {  	[tilespmem:s28], [sflag:$0x3] =	stream.indirect.gather [hbm4b:s4+s24], $0x80, s11, s24, $0xb8;
	[tilespmem:$0x1F800] =	vst v63  }
.Ltmp1:
0xa3: {  	_ = 	snop;
	(pc) =	sbr.rel @p0 .LBB2_4-.Ltmp1, $4  }
0xa4: {  	s13 =	sadd.s32 $0x1580, s13  }
0xa5: {  	[spmem:s2] =	stream.indirect.scatter.add.f32 [tilespmem:s30], [sflag:$0x5], $0x80, s13, s24, $0xb8;
	[tilespmem:$0x1F800] =	vst v63  }
0xa6: {  	_ =	swait.ge [sflag:s22], $0x2000  }
0xa7: {  	[sflag:s22] =	ssyncset.done $0x0  }
0xa8: {  	[sflag:s22] =	ssyncadd.s32 $0xFFFFE000  }
0xa9: {  	_ =	swait.ge [sflag:s29], $0x2000  }
0xaa: {  	[sflag:s29] =	ssyncset.done $0x0  }
0xab: {  	[sflag:s29] =	ssyncadd.s32 $0xFFFFE000  }
0xac: {  	[tilespmem:s30], [sflag:$0x4] =	stream.indirect.gather [hbm4b:s4+s24], $0x80, s6, s24, $0xb8;
	[tilespmem:$0x1F800] =	vst v63  }
0xad: {  	_ = 	snop  }
0xae: {  	[spmem:s2] =	stream.indirect.scatter.add.f32 [tilespmem:s21], [sflag:$0x5], $0x80, s7, s24, $0xb8;
	[tilespmem:$0x1F800] =	vst v63  }
0xaf: {  	_ =	swait.ge [sflag:s22], $0x2000  }
0xb0: {  	[sflag:s22] =	ssyncset.done $0x0  }
0xb1: {  	[sflag:s22] =	ssyncadd.s32 $0xFFFFE000  }
0xb2: {  	_ =	swait.ge [sflag:s31], $0x2000  }
0xb3: {  	[sflag:s31] =	ssyncset.done $0x0  }
0xb4: {  	[sflag:s31] =	ssyncadd.s32 $0xFFFFE000  }
0xb5: {  	[tilespmem:s21], [sflag:$0x1] =	stream.indirect.gather [hbm4b:s4+s24], $0x80, s6, s24, $0xb8;
	[tilespmem:$0x1F800] =	vst v63  }
0xb6: {  	_ = 	snop  }
0xb7: {  	[spmem:s2] =	stream.indirect.scatter.add.f32 [tilespmem:s25], [sflag:$0x5], $0x80, s8, s24, $0xb8;
	[tilespmem:$0x1F800] =	vst v63  }
0xb8: {  	_ =	swait.ge [sflag:s22], $0x2000  }
0xb9: {  	[sflag:s22] =	ssyncset.done $0x0  }
0xba: {  	[sflag:s22] =	ssyncadd.s32 $0xFFFFE000  }
0xbb: {  	_ =	swait.ge [sflag:s1], $0x2000  }
0xbc: {  	[sflag:s1] =	ssyncset.done $0x0  }
0xbd: {  	[sflag:s1] =	ssyncadd.s32 $0xFFFFE000  }
0xbe: {  	[tilespmem:s25], [sflag:$0x2] =	stream.indirect.gather [hbm4b:s4+s24], $0x80, s6, s24, $0xb8;
	[tilespmem:$0x1F800] =	vst v63  }
0xbf: {  	_ = 	snop  }
0xc0: {  	[spmem:s2] =	stream.indirect.scatter.add.f32 [tilespmem:s28], [sflag:$0x5], $0x80, s9, s24, $0xb8;
	[tilespmem:$0x1F800] =	vst v63  }
0xc1: {  	_ =	swait.ge [sflag:s22], $0x2000  }
0xc2: {  	[sflag:s22] =	ssyncset.done $0x0  }
0xc3: {  	[sflag:s22] =	ssyncadd.s32 $0xFFFFE000  }
0xc4: {  	_ =	swait.ge [sflag:s0], $0x2000  }
0xc5: {  	[sflag:s0] =	ssyncset.done $0x0  }
0xc6: {  	[sflag:s0] =	ssyncadd.s32 $0xFFFFE000  }
0xc7: {  	[tilespmem:s28], [sflag:$0x3] =	stream.indirect.gather [hbm4b:s4+s24], $0x80, s6, s24, $0xb8;
	[tilespmem:$0x1F800] =	vst v63  }
0xc8: {  	_ = 	snop  }
0xc9: {  	[spmem:s2] =	stream.indirect.scatter.add.f32 [tilespmem:s30], [sflag:$0x5], $0x80, s10, s24, $0xb8;
	[tilespmem:$0x1F800] =	vst v63  }
0xca: {  	_ =	swait.ge [sflag:s22], $0x2000  }
0xcb: {  	[sflag:s22] =	ssyncset.done $0x0  }
0xcc: {  	[sflag:s22] =	ssyncadd.s32 $0xFFFFE000  }
0xcd: {  	_ =	swait.ge [sflag:s29], $0x2000  }
0xce: {  	[sflag:s29] =	ssyncset.done $0x0  }
0xcf: {  	[sflag:s29] =	ssyncadd.s32 $0xFFFFE000  }
0xd0: {  	_ =	swait.ge [sflag:s31], $0x2000  }
0xd1: {  	[sflag:s31] =	ssyncset.done $0x0  }
0xd2: {  	[sflag:s31] =	ssyncadd.s32 $0xFFFFE000  }
0xd3: {  	_ =	swait.ge [sflag:s1], $0x2000  }
0xd4: {  	[sflag:s1] =	ssyncset.done $0x0  }
0xd5: {  	s11 =	simm.s32 $0x0;
	[sflag:s1] =	ssyncadd.s32 $0xFFFFE000  }
0xd6: {  	[tilespmem:s11], [sflag:$0x5] =	stream.linear.gather [hbm4b:s17+s11], $0x1400, $0x38;
	[tilespmem:$0x1F800] =	vst v63  }
0xd7: {  	_ =	swait.ge [sflag:s22], $0x1400  }
0xd8: {  	[sflag:s22] =	ssyncset.done $0x0  }
0xd9: {  	[sflag:s22] =	ssyncadd.s32 $0xFFFFEC00  }
0xda: {  	[tilespmem:s23], [sflag:$0x5] =	stream.linear.gather [hbm4b:s18+s11], $0x2800, $0x38;
	[tilespmem:$0x1F800] =	vst v63  }
0xdb: {  	_ =	swait.ge [sflag:s22], $0x2800  }
0xdc: {  	[sflag:s22] =	ssyncset.done $0x0  }
0xdd: {  	[sflag:s22] =	ssyncadd.s32 $0xFFFFD800  }
0xde: {  	[tilespmem:s21], [sflag:$0x1] =	stream.indirect.gather [hbm4b:s4+s24], $0x80, s11, s24, $0xb8;
	[tilespmem:$0x1F800] =	vst v63  }
0xdf: {  	_ = 	snop  }
0xe0: {  	[tilespmem:s25], [sflag:$0x2] =	stream.indirect.gather [hbm4b:s4+s24], $0x80, s24, s24, $0xb8;
	[tilespmem:$0x1F800] =	vst v63  }
0xe1: {  	_ = 	snop  }
0xe2: {  	[tilespmem:s28], [sflag:$0x3] =	stream.indirect.gather [hbm4b:s4+s24], $0x80, s26, s24, $0xb8;
	[tilespmem:$0x1F800] =	vst v63  }
0xe3: {  	_ =	swait.ge [sflag:s29], $0x2000  }
0xe4: {  	[sflag:s29] =	ssyncset.done $0x0  }
0xe5: {  	s12 =	simm.s32 $0xC0;
	[sflag:s29] =	ssyncadd.s32 $0xFFFFE000  }
0xe6: {  	[tilespmem:s30], [sflag:$0x4] =	stream.indirect.gather [hbm4b:s4+s24], $0x80, s12, s24, $0xb8;
	[tilespmem:$0x1F800] =	vst v63  }
0xe7: {  	s13 =	simm.s32 $0x1400  }
0xe8: {  	[spmem:s2] =	stream.indirect.scatter.add.f32 [tilespmem:s21], [sflag:$0x5], $0x80, s13, s24, $0xb8;
	[tilespmem:$0x1F800] =	vst v63  }
0xe9: {  	_ =	swait.ge [sflag:s22], $0x2000  }
0xea: {  	[sflag:s22] =	ssyncset.done $0x0  }
0xeb: {  	[sflag:s22] =	ssyncadd.s32 $0xFFFFE000  }
0xec: {  	_ =	swait.ge [sflag:s31], $0x2000  }
0xed: {  	[sflag:s31] =	ssyncset.done $0x0  }
0xee: {  	s14 =	simm.s32 $0x100;
	[sflag:s31] =	ssyncadd.s32 $0xFFFFE000  }
0xef: {  	[tilespmem:s21], [sflag:$0x1] =	stream.indirect.gather [hbm4b:s4+s24], $0x80, s14, s24, $0xb8;
	[tilespmem:$0x1F800] =	vst v63  }
0xf0: {  	s12 =	simm.s32 $0x1480  }
0xf1: {  	[spmem:s2] =	stream.indirect.scatter.add.f32 [tilespmem:s25], [sflag:$0x5], $0x80, s12, s24, $0xb8;
	[tilespmem:$0x1F800] =	vst v63  }
0xf2: {  	_ =	swait.ge [sflag:s22], $0x2000  }
0xf3: {  	[sflag:s22] =	ssyncset.done $0x0  }
0xf4: {  	[sflag:s22] =	ssyncadd.s32 $0xFFFFE000  }
0xf5: {  	_ =	swait.ge [sflag:s1], $0x2000  }
0xf6: {  	[sflag:s1] =	ssyncset.done $0x0  }
0xf7: {  	s13 =	simm.s32 $0x140;
	[sflag:s1] =	ssyncadd.s32 $0xFFFFE000  }
0xf8: {  	[tilespmem:s25], [sflag:$0x2] =	stream.indirect.gather [hbm4b:s4+s24], $0x80, s13, s24, $0xb8;
	[tilespmem:$0x1F800] =	vst v63  }
0xf9: {  	s14 =	simm.s32 $0x1500  }
0xfa: {  	[spmem:s2] =	stream.indirect.scatter.add.f32 [tilespmem:s28], [sflag:$0x5], $0x80, s14, s24, $0xb8;
	[tilespmem:$0x1F800] =	vst v63  }
0xfb: {  	_ =	swait.ge [sflag:s22], $0x2000  }
0xfc: {  	[sflag:s22] =	ssyncset.done $0x0  }
0xfd: {  	[sflag:s22] =	ssyncadd.s32 $0xFFFFE000  }
0xfe: {  	_ =	swait.ge [sflag:s0], $0x2000  }
0xff: {  	[sflag:s0] =	ssyncset.done $0x0  }
0x100: {  	s11 =	simm.s32 $0x180;
	[sflag:s0] =	ssyncadd.s32 $0xFFFFE000  }
0x101: {  	[tilespmem:s28], [sflag:$0x3] =	stream.indirect.gather [hbm4b:s4+s24], $0x80, s11, s24, $0xb8;
	[tilespmem:$0x1F800] =	vst v63  }
0x102: {  	s12 =	simm.s32 $0x1580  }
0x103: {  	[spmem:s2] =	stream.indirect.scatter.add.f32 [tilespmem:s30], [sflag:$0x5], $0x80, s12, s24, $0xb8;
	[tilespmem:$0x1F800] =	vst v63  }
0x104: {  	_ =	swait.ge [sflag:s22], $0x2000  }
0x105: {  	s12 =	simm.s32 $0x800;
	[sflag:s22] =	ssyncset.done $0x0  }
.LBB2_6:
0x106: {  	p0 =	sne.s32 s12, $0x9000;
	[sflag:s22] =	ssyncadd.s32 $0xFFFFE000;
	s11 =	sadd.s32 $0x100, s11  }
0x107: {  	s13 =	smov.u32 s12;
	s12 =	sadd.s32 $0x800, s12  }
0x108: {  	_ =	swait.ge [sflag:s29], $0x2000  }
0x109: {  	[sflag:s29] =	ssyncset.done $0x0  }
0x10a: {  	s14 =	sadd.s32 $0xFFFFFF40, s11;
	s13 =	sshra.s32 s13, $0x2;
	[sflag:s29] =	ssyncadd.s32 $0xFFFFE000  }
0x10b: {  	[tilespmem:s30], [sflag:$0x4] =	stream.indirect.gather [hbm4b:s4+s24], $0x80, s14, s24, $0xb8;
	[tilespmem:$0x1F800] =	vst v63  }
0x10c: {  	s14 =	sadd.s32 $0x1400, s13  }
0x10d: {  	[spmem:s2] =	stream.indirect.scatter.add.f32 [tilespmem:s21], [sflag:$0x5], $0x80, s14, s24, $0xb8;
	[tilespmem:$0x1F800] =	vst v63  }
0x10e: {  	_ =	swait.ge [sflag:s22], $0x2000  }
0x10f: {  	[sflag:s22] =	ssyncset.done $0x0  }
0x110: {  	[sflag:s22] =	ssyncadd.s32 $0xFFFFE000  }
0x111: {  	_ =	swait.ge [sflag:s31], $0x2000  }
0x112: {  	[sflag:s31] =	ssyncset.done $0x0  }
0x113: {  	s14 =	sadd.s32 $0xFFFFFF80, s11;
	[sflag:s31] =	ssyncadd.s32 $0xFFFFE000  }
0x114: {  	[tilespmem:s21], [sflag:$0x1] =	stream.indirect.gather [hbm4b:s4+s24], $0x80, s14, s24, $0xb8;
	[tilespmem:$0x1F800] =	vst v63  }
0x115: {  	s14 =	sadd.s32 $0x1480, s13  }
0x116: {  	[spmem:s2] =	stream.indirect.scatter.add.f32 [tilespmem:s25], [sflag:$0x5], $0x80, s14, s24, $0xb8;
	[tilespmem:$0x1F800] =	vst v63  }
0x117: {  	_ =	swait.ge [sflag:s22], $0x2000  }
0x118: {  	[sflag:s22] =	ssyncset.done $0x0  }
0x119: {  	[sflag:s22] =	ssyncadd.s32 $0xFFFFE000  }
0x11a: {  	_ =	swait.ge [sflag:s1], $0x2000  }
0x11b: {  	[sflag:s1] =	ssyncset.done $0x0  }
0x11c: {  	s14 =	sadd.s32 $0xFFFFFFC0, s11;
	[sflag:s1] =	ssyncadd.s32 $0xFFFFE000  }
0x11d: {  	[tilespmem:s25], [sflag:$0x2] =	stream.indirect.gather [hbm4b:s4+s24], $0x80, s14, s24, $0xb8;
	[tilespmem:$0x1F800] =	vst v63  }
0x11e: {  	s14 =	sadd.s32 $0x1500, s13  }
0x11f: {  	[spmem:s2] =	stream.indirect.scatter.add.f32 [tilespmem:s28], [sflag:$0x5], $0x80, s14, s24, $0xb8;
	[tilespmem:$0x1F800] =	vst v63  }
0x120: {  	_ =	swait.ge [sflag:s22], $0x2000  }
0x121: {  	[sflag:s22] =	ssyncset.done $0x0  }
0x122: {  	[sflag:s22] =	ssyncadd.s32 $0xFFFFE000  }
0x123: {  	_ =	swait.ge [sflag:s0], $0x2000  }
0x124: {  	[sflag:s0] =	ssyncset.done $0x0  }
0x125: {  	[sflag:s0] =	ssyncadd.s32 $0xFFFFE000  }
0x126: {  	[tilespmem:s28], [sflag:$0x3] =	stream.indirect.gather [hbm4b:s4+s24], $0x80, s11, s24, $0xb8;
	[tilespmem:$0x1F800] =	vst v63  }
.Ltmp2:
0x127: {  	_ = 	snop;
	(pc) =	sbr.rel @p0 .LBB2_6-.Ltmp2, $4  }
0x128: {  	s13 =	sadd.s32 $0x1580, s13  }
0x129: {  	[spmem:s2] =	stream.indirect.scatter.add.f32 [tilespmem:s30], [sflag:$0x5], $0x80, s13, s24, $0xb8;
	[tilespmem:$0x1F800] =	vst v63  }
0x12a: {  	_ =	swait.ge [sflag:s22], $0x2000  }
0x12b: {  	[sflag:s22] =	ssyncset.done $0x0  }
0x12c: {  	[sflag:s22] =	ssyncadd.s32 $0xFFFFE000  }
0x12d: {  	_ =	swait.ge [sflag:s29], $0x2000  }
0x12e: {  	[sflag:s29] =	ssyncset.done $0x0  }
0x12f: {  	[sflag:s29] =	ssyncadd.s32 $0xFFFFE000  }
0x130: {  	[tilespmem:s30], [sflag:$0x4] =	stream.indirect.gather [hbm4b:s4+s24], $0x80, s6, s24, $0xb8;
	[tilespmem:$0x1F800] =	vst v63  }
0x131: {  	_ = 	snop  }
0x132: {  	[spmem:s2] =	stream.indirect.scatter.add.f32 [tilespmem:s21], [sflag:$0x5], $0x80, s7, s24, $0xb8;
	[tilespmem:$0x1F800] =	vst v63  }
0x133: {  	_ =	swait.ge [sflag:s22], $0x2000  }
0x134: {  	[sflag:s22] =	ssyncset.done $0x0  }
0x135: {  	[sflag:s22] =	ssyncadd.s32 $0xFFFFE000  }
0x136: {  	_ =	swait.ge [sflag:s31], $0x2000  }
0x137: {  	[sflag:s31] =	ssyncset.done $0x0  }
0x138: {  	[sflag:s31] =	ssyncadd.s32 $0xFFFFE000  }
0x139: {  	[tilespmem:s21], [sflag:$0x1] =	stream.indirect.gather [hbm4b:s4+s24], $0x80, s6, s24, $0xb8;
	[tilespmem:$0x1F800] =	vst v63  }
0x13a: {  	_ = 	snop  }
0x13b: {  	[spmem:s2] =	stream.indirect.scatter.add.f32 [tilespmem:s25], [sflag:$0x5], $0x80, s8, s24, $0xb8;
	[tilespmem:$0x1F800] =	vst v63  }
0x13c: {  	_ =	swait.ge [sflag:s22], $0x2000  }
0x13d: {  	[sflag:s22] =	ssyncset.done $0x0  }
0x13e: {  	[sflag:s22] =	ssyncadd.s32 $0xFFFFE000  }
0x13f: {  	_ =	swait.ge [sflag:s1], $0x2000  }
0x140: {  	[sflag:s1] =	ssyncset.done $0x0  }
0x141: {  	[sflag:s1] =	ssyncadd.s32 $0xFFFFE000  }
0x142: {  	[tilespmem:s25], [sflag:$0x2] =	stream.indirect.gather [hbm4b:s4+s24], $0x80, s6, s24, $0xb8;
	[tilespmem:$0x1F800] =	vst v63  }
0x143: {  	_ = 	snop  }
0x144: {  	[spmem:s2] =	stream.indirect.scatter.add.f32 [tilespmem:s28], [sflag:$0x5], $0x80, s9, s24, $0xb8;
	[tilespmem:$0x1F800] =	vst v63  }
0x145: {  	_ =	swait.ge [sflag:s22], $0x2000  }
0x146: {  	[sflag:s22] =	ssyncset.done $0x0  }
0x147: {  	[sflag:s22] =	ssyncadd.s32 $0xFFFFE000  }
0x148: {  	_ =	swait.ge [sflag:s0], $0x2000  }
0x149: {  	[sflag:s0] =	ssyncset.done $0x0  }
0x14a: {  	[sflag:s0] =	ssyncadd.s32 $0xFFFFE000  }
0x14b: {  	[tilespmem:s28], [sflag:$0x3] =	stream.indirect.gather [hbm4b:s4+s24], $0x80, s6, s24, $0xb8;
	[tilespmem:$0x1F800] =	vst v63  }
0x14c: {  	_ = 	snop  }
0x14d: {  	[spmem:s2] =	stream.indirect.scatter.add.f32 [tilespmem:s30], [sflag:$0x5], $0x80, s10, s24, $0xb8;
	[tilespmem:$0x1F800] =	vst v63  }
0x14e: {  	_ =	swait.ge [sflag:s22], $0x2000  }
0x14f: {  	[sflag:s22] =	ssyncset.done $0x0  }
0x150: {  	[sflag:s22] =	ssyncadd.s32 $0xFFFFE000  }
0x151: {  	_ =	swait.ge [sflag:s29], $0x2000  }
0x152: {  	[sflag:s29] =	ssyncset.done $0x0  }
0x153: {  	[sflag:s29] =	ssyncadd.s32 $0xFFFFE000  }
0x154: {  	_ =	swait.ge [sflag:s31], $0x2000  }
0x155: {  	[sflag:s31] =	ssyncset.done $0x0  }
0x156: {  	[sflag:s31] =	ssyncadd.s32 $0xFFFFE000  }
0x157: {  	s11 =	stileid.u32;
	_ =	swait.ge [sflag:s1], $0x2000  }
0x158: {  	s12 =	sshrl.u32 s5, $0x3;
	s3 =	sadd.s32 $0x1, s3;
	[sflag:s1] =	ssyncset.done $0x0  }
0x159: {  	s11 =	sshll.u32 s11, $0x6;
	p0 =	sne.s32 s3, s20;
	[sflag:s1] =	ssyncadd.s32 $0xFFFFE000  }
.Ltmp3:
0x15a: {  	s11 =	sor.u32 $0x1C05, s11;
	[bflag:$0x0] =	sbarrier.arrive $0xFFFF;
	(pc) =	sbr.rel @p0 .LBB2_1-.Ltmp3, $4  }
0x15b: {  	[hbm:s19], [sflag:s11] =	dma.local [spmem:s12], $0x2780  }
0x15c: {  	_ =	swait.ge [sflag:s22], $0x2780  }
0x15d: {  	[sflag:s22] =	ssyncset.done $0x0  }
0x15e: {  	[sflag:s22] =	ssyncadd.s32 $0xFFFFD880  }
0x15f: {  	_ =	sfence.sel $0x180000  }
0x160: {  	[bflag:$0x0] =	sbarrier.arrive $0xFFFF  }
0x161: {  	_ =	strace $0x90000050  }
0x162: {  	s0 =	stileid.u32;
	[bflag:$0x2] =	sbarrier.arrive $0xFFFF  }
0x163: {  	p0 =	sne.s32 s0, $0x0;
	s0 =	rddreg [dreg:$0x2]  }
0x164: {  	s0 =	sadd.s32 @!p0 $0x100000, s0  }
0x165: {  	[sflag:s0] =	ssyncadd.tile.s32 @!p0 $0x1;
	_ =	shalt  }
.Lfunc_end2:
_tile_overlayer_lowered:
.L_overlay_start_2:
0x166: {  	(tag) =	ssettag $0x2  }
0x167: {  	s0 =	rddreg [dreg:$0x0];
	s2 =	stileid.u32  }
0x168: {  	s1 =	rddreg [dreg:$0x1];
	p0 =	sne.s32 s2, $0x0  }
0x169: {  	s3 =	rddreg [dreg:$0x2];
	[bflag:$0x3] =	sbarrier.arrive $0xFFFF;
	s2 =	simm.s32 @!p0 $0x1C05  }
0x16a: {  	[timem:s3], [sflag:s2] =	dma.local @!p0 [hbm:s0], s1  }
0x16b: {  	s0 =	simm.s32 @!p0 $0x5  }
0x16c: {  	_ =	swait.ge @!p0 [sflag:s0], s1  }
0x16d: {  	s1 =	ssub.s32 @!p0 $0x0, s1;
	[sflag:s0] =	ssyncset.done @!p0 $0x0  }
0x16e: {  	[sflag:s0] =	ssyncadd.s32 @!p0 s1  }
0x16f: {  	[bflag:$0x3] =	sbarrier.arrive $0xFFFF  }
0x170: {  	_ =	shalt  }

</sc_bundles>
